<compile_context>
chip_gen: v7x
topology: tpu7x:2x2x1
jax: 0.10.2.dev20260603
libtpu: 0.0.44.dev20260713+nightly
codegen_flags: <defaults>
</compile_context>

<pallas_src>
import functools

import jax
import jax.numpy as jnp
from jax import lax
from jax.experimental import pallas as pl
from jax.experimental.pallas import tpu as pltpu
from jax.experimental.pallas import tpu_sc as plsc

_N = 10000
_E = 160000
_DF = 128
_DE = 16
_H = 16
_G = 64
_EPS = 1e-5

_NC = 2
_NS = 16
_NW = _NC * _NS
_EPT = _E // _NW
_CH = 125
_NCHUNK = _EPT // _CH
_NPT = _N // _NS

_E8 = _E // 8



def _node_embed_body(x_ref, w_ref, b_ref, g_ref, be_ref, out_ref):
    z = jax.nn.relu(jnp.dot(x_ref[...], w_ref[...],
                            preferred_element_type=jnp.float32) + b_ref[...])
    m = jnp.mean(z, axis=0, keepdims=True)
    d = z - m
    v = jnp.mean(d * d, axis=0, keepdims=True)
    out_ref[...] = g_ref[...] * d * jax.lax.rsqrt(v + _EPS) + be_ref[...]


def _edge_embed_body(eaf_ref, w_ref, b_ref, g_ref, be_ref, zf_ref, ec_ref,
                     acc_ref):
    i = pl.program_id(0)
    nb = pl.num_programs(0)
    w16 = w_ref[...]
    wrow = jnp.concatenate([w16] * 8, axis=0)
    wbd_t = jnp.concatenate([w16.T] * 8, axis=0)
    wtile = jnp.concatenate([jnp.concatenate([w16] * 8, axis=1)] * 8, axis=0)
    rg = lax.broadcasted_iota(jnp.int32, (128, 128), 0) // 16
    cg = lax.broadcasted_iota(jnp.int32, (128, 128), 1) // 16
    wbd = jnp.where(rg == cg, wtile, 0.0)
    b128 = jnp.concatenate([b_ref[...]] * 8, axis=0)
    z = jax.nn.relu(jnp.dot(eaf_ref[...], wbd,
                            preferred_element_type=jnp.float32) + b128)
    zf_ref[...] = z

    @pl.when(i == 0)
    def _init():
        acc_ref[...] = jnp.zeros_like(acc_ref)

    s1 = jnp.sum(z, axis=0)
    s2 = jnp.sum(z * z, axis=0)
    acc_ref[...] = acc_ref[...] + jnp.stack([s1, s2], axis=0)

    @pl.when(i == nb - 1)
    def _fin():
        tot = acc_ref[...]
        m16 = jnp.zeros((16,), jnp.float32)
        q16 = jnp.zeros((16,), jnp.float32)
        for gidx in range(8):
            m16 = m16 + tot[0, gidx * 16:(gidx + 1) * 16]
            q16 = q16 + tot[1, gidx * 16:(gidx + 1) * 16]
        m = m16 / _E
        v = q16 / _E - m * m
        a = g_ref[...] * jax.lax.rsqrt(v + _EPS)
        c = be_ref[...] - m * a
        ec_ref[...] = jnp.stack([a, c], axis=0)


def _msg_body(act_tanh, zf_ref, xjf_ref, ec_ref, wn_ref, bn_ref, out_ref):
    a = ec_ref[0, :]
    c = ec_ref[1, :]
    wn_eff = a[:, None] * wn_ref[...]
    bn_eff = bn_ref[...] + jnp.dot(c[None, :], wn_ref[...],
                                   preferred_element_type=jnp.float32)[0]
    si = lax.broadcasted_iota(jnp.int32, (256, 16), 0)
    sj = lax.broadcasted_iota(jnp.int32, (256, 16), 1)
    smat = (si // 16 == sj).astype(jnp.float32)
    ri = lax.broadcasted_iota(jnp.int32, (16, 256), 0)
    rj = lax.broadcasted_iota(jnp.int32, (16, 256), 1)
    rmat = (rj % 16 == ri).astype(jnp.float32)
    slots = []
    for gidx in range(8):
        eg = zf_ref[:, gidx * 16:(gidx + 1) * 16]
        xg = xjf_ref[:, gidx * 16:(gidx + 1) * 16]
        t = jnp.dot(eg, wn_eff, preferred_element_type=jnp.float32) + bn_eff
        t = jnp.tanh(t) if act_tanh else jax.nn.relu(t)
        xr = jnp.dot(xg, rmat, preferred_element_type=jnp.float32)
        slots.append(jnp.dot(t * xr, smat, preferred_element_type=jnp.float32))
    out_ref[...] = jnp.concatenate(slots, axis=1)


def _update_body(h_ref, sp_ref, cp_ref, root_ref, bias_ref, g_ref, bb_ref,
                 out_ref):
    s = sp_ref[0] + sp_ref[1]
    cnt = cp_ref[0, :, 0:1] + cp_ref[1, :, 0:1]
    agg = s / jnp.maximum(cnt, 1.0)
    u = jnp.dot(h_ref[...], root_ref[...],
                preferred_element_type=jnp.float32) + agg + bias_ref[...]
    m = jnp.mean(u, axis=0, keepdims=True)
    d = u - m
    v = jnp.mean(d * d, axis=0, keepdims=True)
    out_ref[...] = g_ref[...] * d * jax.lax.rsqrt(v + _EPS) + bb_ref[...]


def _final_body(hf_ref, spf_ref, cpf_ref, bf_ref, root_ref, bias_ref, g_ref,
                bb_ref, wp1_ref, bp1_ref, wp2_ref, bp2_ref, out_ref):
    root = root_ref[...]
    rtile = jnp.concatenate([jnp.concatenate([root] * 8, axis=1)] * 8, axis=0)
    rg = lax.broadcasted_iota(jnp.int32, (128, 128), 0) // 16
    cg = lax.broadcasted_iota(jnp.int32, (128, 128), 1) // 16
    rbd = jnp.where(rg == cg, rtile, 0.0)
    sf = spf_ref[0] + spf_ref[1]
    cntf = cpf_ref[0] + cpf_ref[1]
    aggf = sf / jnp.maximum(cntf, 1.0)
    bias128 = jnp.concatenate([bias_ref[...]] * 8, axis=0)
    uf = jnp.dot(hf_ref[...], rbd,
                 preferred_element_type=jnp.float32) + aggf + bias128
    s128 = jnp.sum(uf, axis=0)
    m16 = jnp.zeros((16,), jnp.float32)
    for k in range(8):
        m16 = m16 + s128[k * 16:(k + 1) * 16]
    m16 = m16 / _N
    m128 = jnp.concatenate([m16] * 8, axis=0)
    df = uf - m128
    q128 = jnp.sum(df * df, axis=0)
    q16 = jnp.zeros((16,), jnp.float32)
    for k in range(8):
        q16 = q16 + q128[k * 16:(k + 1) * 16]
    v16 = q16 / _N
    a16 = g_ref[...] * jax.lax.rsqrt(v16 + _EPS)
    a128 = jnp.concatenate([a16] * 8, axis=0)
    bb128 = jnp.concatenate([bb_ref[...]] * 8, axis=0)
    h2f = df * a128 + bb128

    bf = bf_ref[...]
    nr = _N // 8
    gids = lax.broadcasted_iota(jnp.int32, (nr, _G), 1)
    ssum = jnp.zeros((_G, _H), jnp.float32)
    cnt_b = jnp.zeros((_G, 1), jnp.float32)
    for k in range(8):
        bk = bf[:, k * 16:k * 16 + 1]
        ohk = (bk == gids).astype(jnp.float32)
        hk = h2f[:, k * 16:(k + 1) * 16]
        ssum = ssum + jax.lax.dot_general(
            ohk, hk, (((0,), (0,)), ((), ())),
            preferred_element_type=jnp.float32)
        cnt_b = cnt_b + jnp.sum(ohk, axis=0)[:, None]
    mean_pool = ssum / jnp.maximum(cnt_b, 1.0)
    rows = []
    for gidx in range(_G):
        masked = jnp.where(bf == gidx, h2f, -jnp.inf)
        m128 = jnp.max(masked, axis=0)
        r16 = m128[0:16]
        for k in range(1, 8):
            r16 = jnp.maximum(r16, m128[k * 16:(k + 1) * 16])
        rows.append(r16)
    max_pool = jnp.stack(rows, axis=0)
    pooled = jnp.concatenate([mean_pool, max_pool], axis=1)
    z1 = jax.nn.relu(jnp.dot(pooled, wp1_ref[...],
                             preferred_element_type=jnp.float32) + bp1_ref[...])
    z2 = jax.nn.relu(jnp.dot(z1, wp2_ref[...],
                             preferred_element_type=jnp.float32) + bp2_ref[...])
    out_ref[...] = z2




def _sc_gather(table, idx3):
    mesh = plsc.VectorSubcoreMesh(core_axis_name="c", subcore_axis_name="s")

    @functools.partial(
        pl.kernel,
        out_type=jax.ShapeDtypeStruct((_E, 16), jnp.float32),
        mesh=mesh,
        compiler_params=pltpu.CompilerParams(use_tc_tiling_on_sc=False),
        scratch_types=[
            pltpu.VMEM((_NCHUNK, _CH), jnp.int32),
            pltpu.VMEM((_EPT, 16), jnp.float32),
            pltpu.SemaphoreType.DMA,
        ],
    )
    def k(table_hbm, idx_hbm, out_hbm, idx_v, rows_v, sem):
        w = lax.axis_index("s") * _NC + lax.axis_index("c")
        pltpu.sync_copy(idx_hbm.at[w], idx_v)

        def body(j, _):
            pltpu.async_copy(table_hbm.at[idx_v.at[j]],
                             rows_v.at[pl.ds(j * _CH, _CH)], sem)
            return ()

        lax.fori_loop(0, _NCHUNK, body, ())
        pltpu.make_async_copy(out_hbm.at[pl.ds(w * _EPT, _EPT)], rows_v,
                              sem).wait()
        pltpu.sync_copy(rows_v, out_hbm.at[pl.ds(w * _EPT, _EPT)])

    return k(table, idx3)


def _sc_scatter(msg, idx3, zeros_blk, ones_blk, with_cnt):
    mesh = plsc.VectorSubcoreMesh(core_axis_name="c", subcore_axis_name="s")
    n_out = 2 if with_cnt else 1
    out_type = [jax.ShapeDtypeStruct((_NC, _N, 16), jnp.float32)] * n_out
    scratch = [
        pltpu.VMEM((_NCHUNK, _CH), jnp.int32),
        pltpu.VMEM((_EPT, 16), jnp.float32),
        pltpu.VMEM((_CH, 16), jnp.float32),
        pltpu.VMEM_SHARED((_N, 16), jnp.float32),
        pltpu.VMEM_SHARED((_N, 16), jnp.float32),
        pltpu.SemaphoreType.DMA,
        pltpu.SemaphoreType.DMA,
    ]

    @functools.partial(pl.kernel, out_type=out_type, mesh=mesh,
                       compiler_params=pltpu.CompilerParams(
                           use_tc_tiling_on_sc=False),
                       scratch_types=scratch)
    def k(msg_hbm, idx_hbm, zeros_hbm, ones_hbm, *refs):
        outs = refs[:n_out]
        idx_v, rows_v, ones_v, acc, cacc, sem, sem2 = refs[n_out:]
        cidx = lax.axis_index("c")
        sid = lax.axis_index("s")
        w = sid * _NC + cidx
        pltpu.sync_copy(zeros_hbm, acc.at[pl.ds(sid * _NPT, _NPT)])
        if with_cnt:
            pltpu.sync_copy(zeros_hbm, cacc.at[pl.ds(sid * _NPT, _NPT)])
        pltpu.sync_copy(idx_hbm.at[w], idx_v)
        pltpu.sync_copy(msg_hbm.at[pl.ds(w * _EPT, _EPT)], rows_v)
        if with_cnt:
            pltpu.sync_copy(ones_hbm, ones_v)
        plsc.subcore_barrier()

        def body(j, _):
            pltpu.async_copy(rows_v.at[pl.ds(j * _CH, _CH)],
                             acc.at[idx_v.at[j]], sem, add=True)
            if with_cnt:
                pltpu.async_copy(ones_v, cacc.at[idx_v.at[j]], sem2, add=True)
            return ()

        lax.fori_loop(0, _NCHUNK, body, ())
        pltpu.make_async_copy(msg_hbm.at[pl.ds(w * _EPT, _EPT)], rows_v,
                              sem).wait()
        if with_cnt:
            pltpu.make_async_copy(msg_hbm.at[pl.ds(w * _EPT, _EPT)], rows_v,
                                  sem2).wait()
        plsc.subcore_barrier()
        pltpu.sync_copy(acc.at[pl.ds(sid * _NPT, _NPT)],
                        outs[0].at[cidx].at[pl.ds(sid * _NPT, _NPT)])
        if with_cnt:
            pltpu.sync_copy(cacc.at[pl.ds(sid * _NPT, _NPT)],
                            outs[1].at[cidx].at[pl.ds(sid * _NPT, _NPT)])

    return k(msg, idx3, zeros_blk, ones_blk)




def _node_embed(x, w, b, g, be):
    return pl.pallas_call(
        _node_embed_body,
        out_shape=jax.ShapeDtypeStruct((_N, _H), jnp.float32),
    )(x, w, b, g, be)


def _edge_embed(eaf, w, b, g, be):
    nb = 10
    rows = _E8 // nb
    return pl.pallas_call(
        _edge_embed_body,
        grid=(nb,),
        in_specs=[
            pl.BlockSpec((rows, 128), lambda i: (i, 0)),
            pl.BlockSpec((_DE, _DE), lambda i: (0, 0)),
            pl.BlockSpec((_DE,), lambda i: (0,)),
            pl.BlockSpec((_DE,), lambda i: (0,)),
            pl.BlockSpec((_DE,), lambda i: (0,)),
        ],
        out_specs=[
            pl.BlockSpec((rows, 128), lambda i: (i, 0)),
            pl.BlockSpec((2, 16), lambda i: (0, 0)),
        ],
        out_shape=[
            jax.ShapeDtypeStruct((_E8, 128), jnp.float32),
            jax.ShapeDtypeStruct((2, 16), jnp.float32),
        ],
        scratch_shapes=[pltpu.VMEM((2, 128), jnp.float32)],
    )(eaf, w, b, g, be)


def _msg(zf, xjf, ec, wnp, bnp, act_tanh):
    nb = 10
    rows = _E8 // nb
    return pl.pallas_call(
        functools.partial(_msg_body, act_tanh),
        grid=(nb,),
        in_specs=[
            pl.BlockSpec((rows, 128), lambda i: (i, 0)),
            pl.BlockSpec((rows, 128), lambda i: (i, 0)),
            pl.BlockSpec((2, 16), lambda i: (0, 0)),
            pl.BlockSpec((16, 256), lambda i: (0, 0)),
            pl.BlockSpec((256,), lambda i: (0,)),
        ],
        out_specs=pl.BlockSpec((rows, 128), lambda i: (i, 0)),
        out_shape=jax.ShapeDtypeStruct((_E8, 128), jnp.float32),
    )(zf, xjf, ec, wnp, bnp)


def _update(h, sp, cp, root, bias, g, bb):
    return pl.pallas_call(
        _update_body,
        out_shape=jax.ShapeDtypeStruct((_N, _H), jnp.float32),
    )(h, sp, cp, root, bias, g, bb)


def _final(hf, spf, cpf, bf, root, bias, g, bb, wp1, bp1, wp2, bp2):
    return pl.pallas_call(
        _final_body,
        out_shape=jax.ShapeDtypeStruct((_G, 1), jnp.float32),
    )(hf, spf, cpf, bf, root, bias, g, bb, wp1, bp1, wp2, bp2)




def kernel(x, edge_index, edge_attr, batch, W_node, b_node, g_node, be_node,
           W_edge, b_edge, g_edge, be_edge, Wn1, bn1, root1, bias1, g1, bb1,
           Wn2, bn2, root2, bias2, g2, bb2, Wp1, bp1, Wp2, bp2):
    src3 = jnp.reshape(edge_index[0], (_NW, _NCHUNK, _CH))
    dst3 = jnp.reshape(edge_index[1], (_NW, _NCHUNK, _CH))
    eaf = jnp.reshape(edge_attr, (_E8, 128))
    zeros_blk = jnp.zeros((_NPT, 16), jnp.float32)
    ones_blk = jnp.ones((_CH, 16), jnp.float32)
    batch_f = jnp.reshape(jnp.repeat(batch, _H), (_N // 8, 128))
    wn1p = jnp.reshape(jnp.transpose(jnp.reshape(Wn1, (_H, _H, _H)),
                                     (0, 2, 1)), (_H, _H * _H))
    bn1p = jnp.reshape(jnp.transpose(jnp.reshape(bn1, (_H, _H))), (-1,))
    wn2p = jnp.reshape(jnp.transpose(jnp.reshape(Wn2, (_H, _H, _H)),
                                     (0, 2, 1)), (_H, _H * _H))
    bn2p = jnp.reshape(jnp.transpose(jnp.reshape(bn2, (_H, _H))), (-1,))

    h0 = _node_embed(x, W_node, b_node, g_node, be_node)
    zf, ec = _edge_embed(eaf, W_edge, b_edge, g_edge, be_edge)

    xjf1 = jnp.reshape(_sc_gather(h0, src3), (_E8, 128))
    msg1 = jnp.reshape(_msg(zf, xjf1, ec, wn1p, bn1p, True), (_E, 16))
    s1p, cp = _sc_scatter(msg1, dst3, zeros_blk, ones_blk, True)
    h1 = _update(h0, s1p, cp, root1, bias1, g1, bb1)

    xjf2 = jnp.reshape(_sc_gather(h1, src3), (_E8, 128))
    msg2 = jnp.reshape(_msg(zf, xjf2, ec, wn2p, bn2p, False), (_E, 16))
    (s2p,) = _sc_scatter(msg2, dst3, zeros_blk, ones_blk, False)

    h1f = jnp.reshape(h1, (_N // 8, 128))
    s2pf = jnp.reshape(s2p, (2, _N // 8, 128))
    cpf = jnp.reshape(cp, (2, _N // 8, 128))
    return _final(h1f, s2pf, cpf, batch_f, root2, bias2, g2, bb2,
                  Wp1, bp1, Wp2, bp2)

# --- scband reference (transcript-rebuilt; emitter-appended) ---
"""Pipeline reference for scband-base-gnn-57148834840710 (READ-ONLY COPY).

The authoritative reference and input builder live on the scoring server;
editing this copy changes nothing except your own understanding.
"""

import jax, jax.numpy as jnp
import numpy as np

N = 10000
E = 160000
DF = 128
DE = 16
H = 16
HE = 16
G = 64


def _bn(x, g, b):
    m = jnp.mean(x, axis=0, keepdims=True)
    v = jnp.var(x, axis=0, keepdims=True)
    return g * (x - m) / jnp.sqrt(v + 1e-5) + b


def _nnconv(x, src, dst, edge_feat, Wnn, bnn, act, root, bias, n_nodes):
    # NNConv (PyG): per-edge weight matrix generated from edge features, mean aggregation
    w = act(edge_feat @ Wnn + bnn).reshape(-1, x.shape[1], root.shape[1])
    xj = x[src]
    msg = jnp.einsum('ei,eio->eo', xj, w)
    s = jax.ops.segment_sum(msg, dst, num_segments=n_nodes)
    cnt = jax.ops.segment_sum(jnp.ones((src.shape[0],), dtype=x.dtype), dst, num_segments=n_nodes)
    agg = s / jnp.maximum(cnt, 1.0)[:, None]
    return x @ root + agg + bias


def setup_inputs(seed: int = 0) -> dict:
    key = jax.random.key(seed)
    ks = jax.random.split(key, 32)
    s = 0.1
    inp = {}
    inp['x'] = jax.random.normal(ks[0], (N, DF), dtype=jnp.float32)
    inp['edge_index'] = jax.random.randint(ks[1], (2, E), 0, N, dtype=jnp.int32)
    inp['edge_attr'] = jax.random.normal(ks[2], (E, DE), dtype=jnp.float32)
    inp['batch'] = jnp.sort(jax.random.randint(ks[3], (N,), 0, G, dtype=jnp.int32))
    # node / edge embedding MLPs + batchnorm affine params
    inp['W_node'] = jax.random.normal(ks[4], (DF, H)) * s
    inp['b_node'] = jnp.zeros((H,))
    inp['g_node'] = jnp.ones((H,))
    inp['be_node'] = jnp.zeros((H,))
    inp['W_edge'] = jax.random.normal(ks[5], (DE, HE)) * s
    inp['b_edge'] = jnp.zeros((HE,))
    inp['g_edge'] = jnp.ones((HE,))
    inp['be_edge'] = jnp.zeros((HE,))
    # conv1 (tanh edge-nn)
    inp['Wn1'] = jax.random.normal(ks[6], (HE, H * H)) * s
    inp['bn1'] = jnp.zeros((H * H,))
    inp['root1'] = jax.random.normal(ks[7], (H, H)) * s
    inp['bias1'] = jnp.zeros((H,))
    inp['g1'] = jnp.ones((H,))
    inp['bb1'] = jnp.zeros((H,))
    # conv2 (relu edge-nn)
    inp['Wn2'] = jax.random.normal(ks[8], (HE, H * H)) * s
    inp['bn2'] = jnp.zeros((H * H,))
    inp['root2'] = jax.random.normal(ks[9], (H, H)) * s
    inp['bias2'] = jnp.zeros((H,))
    inp['g2'] = jnp.ones((H,))
    inp['bb2'] = jnp.zeros((H,))
    # predictor (adapted to 2*H pooled features)
    inp['Wp1'] = jax.random.normal(ks[10], (2 * H, 3)) * s
    inp['bp1'] = jnp.full((3,), 0.01)
    inp['Wp2'] = jax.random.normal(ks[11], (3, 1)) * s
    inp['bp2'] = jnp.full((1,), 0.01)
    return inp


def reference(x, edge_index, edge_attr, batch, W_node, b_node, g_node, be_node, W_edge, b_edge, g_edge, be_edge, Wn1, bn1, root1, bias1, g1, bb1, Wn2, bn2, root2, bias2, g2, bb2, Wp1, bp1, Wp2, bp2):
    src = edge_index[0]
    dst = edge_index[1]
    h = _bn(jax.nn.relu(x @ W_node + b_node), g_node, be_node)
    e = _bn(jax.nn.relu(edge_attr @ W_edge + b_edge), g_edge, be_edge)
    h = _bn(_nnconv(h, src, dst, e, Wn1, bn1, jnp.tanh, root1, bias1, N), g1, bb1)
    h = _bn(_nnconv(h, src, dst, e, Wn2, bn2, jax.nn.relu, root2, bias2, N), g2, bb2)
    ssum = jax.ops.segment_sum(h, batch, num_segments=G)
    cnt = jax.ops.segment_sum(jnp.ones((h.shape[0],), dtype=h.dtype), batch, num_segments=G)
    mean_pool = ssum / jnp.maximum(cnt, 1.0)[:, None]
    max_pool = jax.ops.segment_max(h, batch, num_segments=G)
    pooled = jnp.concatenate([mean_pool, max_pool], axis=1)
    out = jax.nn.relu(jax.nn.relu(pooled @ Wp1 + bp1) @ Wp2 + bp2)
    return out

if __name__ == "__main__":
    import jax
    _d = setup_inputs()
    print(jax.jit(kernel)(*tuple(_d.values())))

</pallas_src>

<mosaic_0001>
#map = affine_map<(d0, d1) -> (0, 0)>
#map1 = affine_map<(d0, d1) -> (0, 0, 0)>
module attributes {stable_mosaic.version = 14 : i64} {
  func.func @k(%arg0: i32, %arg1: i32, %arg2: memref<10000x16xf32, #tpu.memory_space<hbm>>, %arg3: memref<32x40x125xi32, #tpu.memory_space<hbm>>, %arg4: memref<160000x16xf32, #tpu.memory_space<hbm>>, %arg5: memref<40x125xi32, #tpu.memory_space<vmem>>, %arg6: memref<5000x16xf32, #tpu.memory_space<vmem>>, %arg7: memref<!tpu.dma_semaphore, #tpu.memory_space<semaphore_mem>>) attributes {dimension_semantics = [#tpu.dimension_semantics<core_parallel>, #tpu.dimension_semantics<subcore_parallel>], iteration_bounds = array<i64: 2, 16>, scalar_prefetch = 0 : i64, scratch_operands = 3 : i64, tpu.core_type = #tpu.core_type<sc_vector_subcore>, window_params = [{transform_indices = #map}, {transform_indices = #map1}, {transform_indices = #map}]} {
    %mul3A = arith.constant 2 : i32
    %mul3A_0 = arith.muli %arg1, %mul3A : i32
    %add3A = arith.addi %mul3A_0, %arg0 : i32
    "tpu.region"() ({
      %run_scoped3A = tpu.sem_alloc : memref<!tpu.dma_semaphore, #tpu.memory_space<semaphore_mem>>
      %dma_start3A = arith.constant 0 : i32
      %dma_start3A_12 = arith.constant 0 : i32
      %dma_start3A_13 = tpu.memref_slice %arg3[%add3A, %dma_start3A, %dma_start3A_12] : memref<32x40x125xi32, #tpu.memory_space<hbm>> -> memref<1x40x125xi32, #tpu.memory_space<hbm>>
      %dma_start3A_14 = tpu.memref_squeeze %dma_start3A_13 : memref<1x40x125xi32, #tpu.memory_space<hbm>> -> memref<40x125xi32, #tpu.memory_space<hbm>>
      %dma_start3A_15 = arith.constant 0 : i32
      %dma_start3A_16 = arith.constant 0 : i32
      %dma_start3A_17 = tpu.memref_slice %arg3[%add3A, %dma_start3A_15, %dma_start3A_16] : memref<32x40x125xi32, #tpu.memory_space<hbm>> -> memref<1x40x125xi32, #tpu.memory_space<hbm>>
      %dma_start3A_18 = tpu.memref_squeeze %dma_start3A_17 : memref<1x40x125xi32, #tpu.memory_space<hbm>> -> memref<40x125xi32, #tpu.memory_space<hbm>>
      tpu.enqueue_dma source(%dma_start3A_18 : memref<40x125xi32, #tpu.memory_space<hbm>>) target(%arg5 : memref<40x125xi32, #tpu.memory_space<vmem>>) target_semaphore(%run_scoped3A : memref<!tpu.dma_semaphore, #tpu.memory_space<semaphore_mem>>)
      %dma_wait3A_19 = arith.constant 0 : i32
      %dma_wait3A_20 = arith.constant 0 : i32
      %dma_wait3A_21 = tpu.memref_slice %arg3[%add3A, %dma_wait3A_19, %dma_wait3A_20] : memref<32x40x125xi32, #tpu.memory_space<hbm>> -> memref<1x40x125xi32, #tpu.memory_space<hbm>>
      %dma_wait3A_22 = tpu.memref_squeeze %dma_wait3A_21 : memref<1x40x125xi32, #tpu.memory_space<hbm>> -> memref<40x125xi32, #tpu.memory_space<hbm>>
      %dma_wait3A_23 = arith.constant 0 : i32
      %dma_wait3A_24 = arith.constant 0 : i32
      %dma_wait3A_25 = tpu.memref_slice %arg3[%add3A, %dma_wait3A_23, %dma_wait3A_24] : memref<32x40x125xi32, #tpu.memory_space<hbm>> -> memref<1x40x125xi32, #tpu.memory_space<hbm>>
      %dma_wait3A_26 = tpu.memref_squeeze %dma_wait3A_25 : memref<1x40x125xi32, #tpu.memory_space<hbm>> -> memref<40x125xi32, #tpu.memory_space<hbm>>
      tpu.wait_dma2 semaphore(%run_scoped3A : memref<!tpu.dma_semaphore, #tpu.memory_space<semaphore_mem>>) src(%dma_wait3A_26 : memref<40x125xi32, #tpu.memory_space<hbm>>) dst(%arg5 : memref<40x125xi32, #tpu.memory_space<vmem>>)
      tpu.yield
    }) : () -> ()
    %scan3A = arith.constant 0 : i32
    %scan3A_1 = arith.constant 40 : i32
    %scan3A_2 = arith.addi %scan3A, %scan3A_1 : i32
    %scan3A_3 = arith.constant 1 : i32
    scf.for %scan3A_12 = %scan3A to %scan3A_2 step %scan3A_3  : i32 {
      %mul3A_13 = arith.constant 125 : i32
      %mul3A_14 = arith.muli %scan3A_12, %mul3A_13 : i32
      %dma_start3A = arith.constant 0 : i32
      %dma_start3A_15 = tpu.memref_slice %arg6[%mul3A_14, %dma_start3A] : memref<5000x16xf32, #tpu.memory_space<vmem>> -> memref<125x16xf32, #tpu.memory_space<vmem>>
      %dma_start3A_16 = arith.constant 0 : i32
      %dma_start3A_17 = tpu.memref_slice %arg5[%scan3A_12, %dma_start3A_16] : memref<40x125xi32, #tpu.memory_space<vmem>> -> memref<1x125xi32, #tpu.memory_space<vmem>>
      %dma_start3A_18 = tpu.memref_squeeze %dma_start3A_17 : memref<1x125xi32, #tpu.memory_space<vmem>> -> memref<125xi32, #tpu.memory_space<vmem>>
      %dma_start3A_19 = arith.constant 0 : i32
      %dma_start3A_20 = arith.constant 0 : i32
      %dma_start3A_21 = tpu.memref_slice %arg2[%dma_start3A_19, %dma_start3A_20] : memref<10000x16xf32, #tpu.memory_space<hbm>> -> memref<10000x16xf32, #tpu.memory_space<hbm>>
      tpu.enqueue_indirect_dma source(%dma_start3A_21 : memref<10000x16xf32, #tpu.memory_space<hbm>>) target(%dma_start3A_15 : memref<125x16xf32, #tpu.memory_space<vmem>>) offsets(%dma_start3A_18 : memref<125xi32, #tpu.memory_space<vmem>>) semaphore(%arg7 : memref<!tpu.dma_semaphore, #tpu.memory_space<semaphore_mem>>)
    }
    %scan3A_4 = arith.constant 40 : i32
    %mul3A_5 = arith.constant 5000 : i32
    %mul3A_6 = arith.muli %add3A, %mul3A_5 : i32
    %dma_wait3A = arith.constant 0 : i32
    %dma_wait3A_7 = tpu.memref_slice %arg4[%mul3A_6, %dma_wait3A] : memref<160000x16xf32, #tpu.memory_space<hbm>> -> memref<5000x16xf32, #tpu.memory_space<hbm>>
    %dma_wait3A_8 = arith.constant 0 : i32
    %dma_wait3A_9 = tpu.memref_slice %arg4[%mul3A_6, %dma_wait3A_8] : memref<160000x16xf32, #tpu.memory_space<hbm>> -> memref<5000x16xf32, #tpu.memory_space<hbm>>
    tpu.wait_dma2 semaphore(%arg7 : memref<!tpu.dma_semaphore, #tpu.memory_space<semaphore_mem>>) src(%dma_wait3A_9 : memref<5000x16xf32, #tpu.memory_space<hbm>>) dst(%arg6 : memref<5000x16xf32, #tpu.memory_space<vmem>>)
    %mul3A_10 = arith.constant 5000 : i32
    %mul3A_11 = arith.muli %add3A, %mul3A_10 : i32
    "tpu.region"() ({
      %run_scoped3A = tpu.sem_alloc : memref<!tpu.dma_semaphore, #tpu.memory_space<semaphore_mem>>
      %dma_start3A = arith.constant 0 : i32
      %dma_start3A_12 = tpu.memref_slice %arg4[%mul3A_11, %dma_start3A] : memref<160000x16xf32, #tpu.memory_space<hbm>> -> memref<5000x16xf32, #tpu.memory_space<hbm>>
      %dma_start3A_13 = arith.constant 0 : i32
      %dma_start3A_14 = tpu.memref_slice %arg4[%mul3A_11, %dma_start3A_13] : memref<160000x16xf32, #tpu.memory_space<hbm>> -> memref<5000x16xf32, #tpu.memory_space<hbm>>
      tpu.enqueue_dma source(%arg6 : memref<5000x16xf32, #tpu.memory_space<vmem>>) target(%dma_start3A_14 : memref<5000x16xf32, #tpu.memory_space<hbm>>) target_semaphore(%run_scoped3A : memref<!tpu.dma_semaphore, #tpu.memory_space<semaphore_mem>>)
      %dma_wait3A_15 = arith.constant 0 : i32
      %dma_wait3A_16 = tpu.memref_slice %arg4[%mul3A_11, %dma_wait3A_15] : memref<160000x16xf32, #tpu.memory_space<hbm>> -> memref<5000x16xf32, #tpu.memory_space<hbm>>
      %dma_wait3A_17 = arith.constant 0 : i32
      %dma_wait3A_18 = tpu.memref_slice %arg4[%mul3A_11, %dma_wait3A_17] : memref<160000x16xf32, #tpu.memory_space<hbm>> -> memref<5000x16xf32, #tpu.memory_space<hbm>>
      tpu.wait_dma2 semaphore(%run_scoped3A : memref<!tpu.dma_semaphore, #tpu.memory_space<semaphore_mem>>) src(%arg6 : memref<5000x16xf32, #tpu.memory_space<vmem>>) dst(%dma_wait3A_18 : memref<5000x16xf32, #tpu.memory_space<hbm>>)
      tpu.yield
    }) : () -> ()
    return
  }
}

#map = affine_map<(d0, d1) -> (0, 0)>
#map1 = affine_map<(d0, d1) -> (0, 0, 0)>
module attributes {stable_mosaic.version = 14 : i64} {
  func.func @k(%arg0: i32, %arg1: i32, %arg2: memref<10000x16xf32, #tpu.memory_space<hbm>>, %arg3: memref<32x40x125xi32, #tpu.memory_space<hbm>>, %arg4: memref<160000x16xf32, #tpu.memory_space<hbm>>, %arg5: memref<40x125xi32, #tpu.memory_space<vmem>>, %arg6: memref<5000x16xf32, #tpu.memory_space<vmem>>, %arg7: memref<!tpu.dma_semaphore, #tpu.memory_space<semaphore_mem>>) attributes {dimension_semantics = [#tpu.dimension_semantics<core_parallel>, #tpu.dimension_semantics<subcore_parallel>], iteration_bounds = array<i64: 2, 16>, scalar_prefetch = 0 : i64, scratch_operands = 3 : i64, tpu.core_type = #tpu.core_type<sc_vector_subcore>, window_params = [{transform_indices = #map}, {transform_indices = #map1}, {transform_indices = #map}]} {
    %mul3A = arith.constant 2 : i32
    %mul3A_0 = arith.muli %arg1, %mul3A : i32
    %add3A = arith.addi %mul3A_0, %arg0 : i32
    "tpu.region"() ({
      %run_scoped3A = tpu.sem_alloc : memref<!tpu.dma_semaphore, #tpu.memory_space<semaphore_mem>>
      %dma_start3A = arith.constant 0 : i32
      %dma_start3A_12 = arith.constant 0 : i32
      %dma_start3A_13 = tpu.memref_slice %arg3[%add3A, %dma_start3A, %dma_start3A_12] : memref<32x40x125xi32, #tpu.memory_space<hbm>> -> memref<1x40x125xi32, #tpu.memory_space<hbm>>
      %dma_start3A_14 = tpu.memref_squeeze %dma_start3A_13 : memref<1x40x125xi32, #tpu.memory_space<hbm>> -> memref<40x125xi32, #tpu.memory_space<hbm>>
      %dma_start3A_15 = arith.constant 0 : i32
      %dma_start3A_16 = arith.constant 0 : i32
      %dma_start3A_17 = tpu.memref_slice %arg3[%add3A, %dma_start3A_15, %dma_start3A_16] : memref<32x40x125xi32, #tpu.memory_space<hbm>> -> memref<1x40x125xi32, #tpu.memory_space<hbm>>
      %dma_start3A_18 = tpu.memref_squeeze %dma_start3A_17 : memref<1x40x125xi32, #tpu.memory_space<hbm>> -> memref<40x125xi32, #tpu.memory_space<hbm>>
      tpu.enqueue_dma source(%dma_start3A_18 : memref<40x125xi32, #tpu.memory_space<hbm>>) target(%arg5 : memref<40x125xi32, #tpu.memory_space<vmem>>) target_semaphore(%run_scoped3A : memref<!tpu.dma_semaphore, #tpu.memory_space<semaphore_mem>>)
      %dma_wait3A_19 = arith.constant 0 : i32
      %dma_wait3A_20 = arith.constant 0 : i32
      %dma_wait3A_21 = tpu.memref_slice %arg3[%add3A, %dma_wait3A_19, %dma_wait3A_20] : memref<32x40x125xi32, #tpu.memory_space<hbm>> -> memref<1x40x125xi32, #tpu.memory_space<hbm>>
      %dma_wait3A_22 = tpu.memref_squeeze %dma_wait3A_21 : memref<1x40x125xi32, #tpu.memory_space<hbm>> -> memref<40x125xi32, #tpu.memory_space<hbm>>
      %dma_wait3A_23 = arith.constant 0 : i32
      %dma_wait3A_24 = arith.constant 0 : i32
      %dma_wait3A_25 = tpu.memref_slice %arg3[%add3A, %dma_wait3A_23, %dma_wait3A_24] : memref<32x40x125xi32, #tpu.memory_space<hbm>> -> memref<1x40x125xi32, #tpu.memory_space<hbm>>
      %dma_wait3A_26 = tpu.memref_squeeze %dma_wait3A_25 : memref<1x40x125xi32, #tpu.memory_space<hbm>> -> memref<40x125xi32, #tpu.memory_space<hbm>>
      tpu.wait_dma2 semaphore(%run_scoped3A : memref<!tpu.dma_semaphore, #tpu.memory_space<semaphore_mem>>) src(%dma_wait3A_26 : memref<40x125xi32, #tpu.memory_space<hbm>>) dst(%arg5 : memref<40x125xi32, #tpu.memory_space<vmem>>)
      tpu.yield
    }) : () -> ()
    %scan3A = arith.constant 0 : i32
    %scan3A_1 = arith.constant 40 : i32
    %scan3A_2 = arith.addi %scan3A, %scan3A_1 : i32
    %scan3A_3 = arith.constant 1 : i32
    scf.for %scan3A_12 = %scan3A to %scan3A_2 step %scan3A_3  : i32 {
      %mul3A_13 = arith.constant 125 : i32
      %mul3A_14 = arith.muli %scan3A_12, %mul3A_13 : i32
      %dma_start3A = arith.constant 0 : i32
      %dma_start3A_15 = tpu.memref_slice %arg6[%mul3A_14, %dma_start3A] : memref<5000x16xf32, #tpu.memory_space<vmem>> -> memref<125x16xf32, #tpu.memory_space<vmem>>
      %dma_start3A_16 = arith.constant 0 : i32
      %dma_start3A_17 = tpu.memref_slice %arg5[%scan3A_12, %dma_start3A_16] : memref<40x125xi32, #tpu.memory_space<vmem>> -> memref<1x125xi32, #tpu.memory_space<vmem>>
      %dma_start3A_18 = tpu.memref_squeeze %dma_start3A_17 : memref<1x125xi32, #tpu.memory_space<vmem>> -> memref<125xi32, #tpu.memory_space<vmem>>
      %dma_start3A_19 = arith.constant 0 : i32
      %dma_start3A_20 = arith.constant 0 : i32
      %dma_start3A_21 = tpu.memref_slice %arg2[%dma_start3A_19, %dma_start3A_20] : memref<10000x16xf32, #tpu.memory_space<hbm>> -> memref<10000x16xf32, #tpu.memory_space<hbm>>
      tpu.enqueue_indirect_dma source(%dma_start3A_21 : memref<10000x16xf32, #tpu.memory_space<hbm>>) target(%dma_start3A_15 : memref<125x16xf32, #tpu.memory_space<vmem>>) offsets(%dma_start3A_18 : memref<125xi32, #tpu.memory_space<vmem>>) semaphore(%arg7 : memref<!tpu.dma_semaphore, #tpu.memory_space<semaphore_mem>>)
    }
    %scan3A_4 = arith.constant 40 : i32
    %mul3A_5 = arith.constant 5000 : i32
    %mul3A_6 = arith.muli %add3A, %mul3A_5 : i32
    %dma_wait3A = arith.constant 0 : i32
    %dma_wait3A_7 = tpu.memref_slice %arg4[%mul3A_6, %dma_wait3A] : memref<160000x16xf32, #tpu.memory_space<hbm>> -> memref<5000x16xf32, #tpu.memory_space<hbm>>
    %dma_wait3A_8 = arith.constant 0 : i32
    %dma_wait3A_9 = tpu.memref_slice %arg4[%mul3A_6, %dma_wait3A_8] : memref<160000x16xf32, #tpu.memory_space<hbm>> -> memref<5000x16xf32, #tpu.memory_space<hbm>>
    tpu.wait_dma2 semaphore(%arg7 : memref<!tpu.dma_semaphore, #tpu.memory_space<semaphore_mem>>) src(%dma_wait3A_9 : memref<5000x16xf32, #tpu.memory_space<hbm>>) dst(%arg6 : memref<5000x16xf32, #tpu.memory_space<vmem>>)
    %mul3A_10 = arith.constant 5000 : i32
    %mul3A_11 = arith.muli %add3A, %mul3A_10 : i32
    "tpu.region"() ({
      %run_scoped3A = tpu.sem_alloc : memref<!tpu.dma_semaphore, #tpu.memory_space<semaphore_mem>>
      %dma_start3A = arith.constant 0 : i32
      %dma_start3A_12 = tpu.memref_slice %arg4[%mul3A_11, %dma_start3A] : memref<160000x16xf32, #tpu.memory_space<hbm>> -> memref<5000x16xf32, #tpu.memory_space<hbm>>
      %dma_start3A_13 = arith.constant 0 : i32
      %dma_start3A_14 = tpu.memref_slice %arg4[%mul3A_11, %dma_start3A_13] : memref<160000x16xf32, #tpu.memory_space<hbm>> -> memref<5000x16xf32, #tpu.memory_space<hbm>>
      tpu.enqueue_dma source(%arg6 : memref<5000x16xf32, #tpu.memory_space<vmem>>) target(%dma_start3A_14 : memref<5000x16xf32, #tpu.memory_space<hbm>>) target_semaphore(%run_scoped3A : memref<!tpu.dma_semaphore, #tpu.memory_space<semaphore_mem>>)
      %dma_wait3A_15 = arith.constant 0 : i32
      %dma_wait3A_16 = tpu.memref_slice %arg4[%mul3A_11, %dma_wait3A_15] : memref<160000x16xf32, #tpu.memory_space<hbm>> -> memref<5000x16xf32, #tpu.memory_space<hbm>>
      %dma_wait3A_17 = arith.constant 0 : i32
      %dma_wait3A_18 = tpu.memref_slice %arg4[%mul3A_11, %dma_wait3A_17] : memref<160000x16xf32, #tpu.memory_space<hbm>> -> memref<5000x16xf32, #tpu.memory_space<hbm>>
      tpu.wait_dma2 semaphore(%run_scoped3A : memref<!tpu.dma_semaphore, #tpu.memory_space<semaphore_mem>>) src(%arg6 : memref<5000x16xf32, #tpu.memory_space<vmem>>) dst(%dma_wait3A_18 : memref<5000x16xf32, #tpu.memory_space<hbm>>)
      tpu.yield
    }) : () -> ()
    return
  }
}

#map = affine_map<(d0, d1) -> (0, 0)>
#map1 = affine_map<(d0, d1) -> (0, 0, 0)>
module attributes {stable_mosaic.version = 14 : i64} {
  func.func @k(%arg0: i32, %arg1: i32, %arg2: memref<160000x16xf32, #tpu.memory_space<hbm>>, %arg3: memref<32x40x125xi32, #tpu.memory_space<hbm>>, %arg4: memref<625x16xf32, #tpu.memory_space<hbm>>, %arg5: memref<125x16xf32, #tpu.memory_space<hbm>>, %arg6: memref<2x10000x16xf32, #tpu.memory_space<hbm>>, %arg7: memref<40x125xi32, #tpu.memory_space<vmem>>, %arg8: memref<5000x16xf32, #tpu.memory_space<vmem>>, %arg9: memref<125x16xf32, #tpu.memory_space<vmem>>, %arg10: memref<10000x16xf32, #tpu.memory_space<vmem_shared>>, %arg11: memref<10000x16xf32, #tpu.memory_space<vmem_shared>>, %arg12: memref<!tpu.dma_semaphore, #tpu.memory_space<semaphore_mem>>, %arg13: memref<!tpu.dma_semaphore, #tpu.memory_space<semaphore_mem>>) attributes {dimension_semantics = [#tpu.dimension_semantics<core_parallel>, #tpu.dimension_semantics<subcore_parallel>], iteration_bounds = array<i64: 2, 16>, scalar_prefetch = 0 : i64, scratch_operands = 7 : i64, tpu.core_type = #tpu.core_type<sc_vector_subcore>, window_params = [{transform_indices = #map}, {transform_indices = #map1}, {transform_indices = #map}, {transform_indices = #map}, {transform_indices = #map1}]} {
    %mul3A = arith.constant 2 : i32
    %mul3A_0 = arith.muli %arg1, %mul3A : i32
    %add3A = arith.addi %mul3A_0, %arg0 : i32
    %mul3A_1 = arith.constant 625 : i32
    %mul3A_2 = arith.muli %arg1, %mul3A_1 : i32
    "tpu.region"() ({
      %run_scoped3A = tpu.sem_alloc : memref<!tpu.dma_semaphore, #tpu.memory_space<semaphore_mem>>
      %dma_start3A = arith.constant 0 : i32
      %dma_start3A_19 = tpu.memref_slice %arg10[%mul3A_2, %dma_start3A] : memref<10000x16xf32, #tpu.memory_space<vmem_shared>> -> memref<625x16xf32, #tpu.memory_space<vmem_shared>>
      tpu.enqueue_dma source(%arg4 : memref<625x16xf32, #tpu.memory_space<hbm>>) target(%dma_start3A_19 : memref<625x16xf32, #tpu.memory_space<vmem_shared>>) target_semaphore(%run_scoped3A : memref<!tpu.dma_semaphore, #tpu.memory_space<semaphore_mem>>)
      %dma_wait3A_20 = arith.constant 0 : i32
      %dma_wait3A_21 = tpu.memref_slice %arg10[%mul3A_2, %dma_wait3A_20] : memref<10000x16xf32, #tpu.memory_space<vmem_shared>> -> memref<625x16xf32, #tpu.memory_space<vmem_shared>>
      tpu.wait_dma2 semaphore(%run_scoped3A : memref<!tpu.dma_semaphore, #tpu.memory_space<semaphore_mem>>) src(%arg4 : memref<625x16xf32, #tpu.memory_space<hbm>>) dst(%dma_wait3A_21 : memref<625x16xf32, #tpu.memory_space<vmem_shared>>)
      tpu.yield
    }) : () -> ()
    "tpu.region"() ({
      %run_scoped3A = tpu.sem_alloc : memref<!tpu.dma_semaphore, #tpu.memory_space<semaphore_mem>>
      %dma_start3A = arith.constant 0 : i32
      %dma_start3A_19 = arith.constant 0 : i32
      %dma_start3A_20 = tpu.memref_slice %arg3[%add3A, %dma_start3A, %dma_start3A_19] : memref<32x40x125xi32, #tpu.memory_space<hbm>> -> memref<1x40x125xi32, #tpu.memory_space<hbm>>
      %dma_start3A_21 = tpu.memref_squeeze %dma_start3A_20 : memref<1x40x125xi32, #tpu.memory_space<hbm>> -> memref<40x125xi32, #tpu.memory_space<hbm>>
      %dma_start3A_22 = arith.constant 0 : i32
      %dma_start3A_23 = arith.constant 0 : i32
      %dma_start3A_24 = tpu.memref_slice %arg3[%add3A, %dma_start3A_22, %dma_start3A_23] : memref<32x40x125xi32, #tpu.memory_space<hbm>> -> memref<1x40x125xi32, #tpu.memory_space<hbm>>
      %dma_start3A_25 = tpu.memref_squeeze %dma_start3A_24 : memref<1x40x125xi32, #tpu.memory_space<hbm>> -> memref<40x125xi32, #tpu.memory_space<hbm>>
      tpu.enqueue_dma source(%dma_start3A_25 : memref<40x125xi32, #tpu.memory_space<hbm>>) target(%arg7 : memref<40x125xi32, #tpu.memory_space<vmem>>) target_semaphore(%run_scoped3A : memref<!tpu.dma_semaphore, #tpu.memory_space<semaphore_mem>>)
      %dma_wait3A_26 = arith.constant 0 : i32
      %dma_wait3A_27 = arith.constant 0 : i32
      %dma_wait3A_28 = tpu.memref_slice %arg3[%add3A, %dma_wait3A_26, %dma_wait3A_27] : memref<32x40x125xi32, #tpu.memory_space<hbm>> -> memref<1x40x125xi32, #tpu.memory_space<hbm>>
      %dma_wait3A_29 = tpu.memref_squeeze %dma_wait3A_28 : memref<1x40x125xi32, #tpu.memory_space<hbm>> -> memref<40x125xi32, #tpu.memory_space<hbm>>
      %dma_wait3A_30 = arith.constant 0 : i32
      %dma_wait3A_31 = arith.constant 0 : i32
      %dma_wait3A_32 = tpu.memref_slice %arg3[%add3A, %dma_wait3A_30, %dma_wait3A_31] : memref<32x40x125xi32, #tpu.memory_space<hbm>> -> memref<1x40x125xi32, #tpu.memory_space<hbm>>
      %dma_wait3A_33 = tpu.memref_squeeze %dma_wait3A_32 : memref<1x40x125xi32, #tpu.memory_space<hbm>> -> memref<40x125xi32, #tpu.memory_space<hbm>>
      tpu.wait_dma2 semaphore(%run_scoped3A : memref<!tpu.dma_semaphore, #tpu.memory_space<semaphore_mem>>) src(%dma_wait3A_33 : memref<40x125xi32, #tpu.memory_space<hbm>>) dst(%arg7 : memref<40x125xi32, #tpu.memory_space<vmem>>)
      tpu.yield
    }) : () -> ()
    %mul3A_3 = arith.constant 5000 : i32
    %mul3A_4 = arith.muli %add3A, %mul3A_3 : i32
    "tpu.region"() ({
      %run_scoped3A = tpu.sem_alloc : memref<!tpu.dma_semaphore, #tpu.memory_space<semaphore_mem>>
      %dma_start3A = arith.constant 0 : i32
      %dma_start3A_19 = tpu.memref_slice %arg2[%mul3A_4, %dma_start3A] : memref<160000x16xf32, #tpu.memory_space<hbm>> -> memref<5000x16xf32, #tpu.memory_space<hbm>>
      %dma_start3A_20 = arith.constant 0 : i32
      %dma_start3A_21 = tpu.memref_slice %arg2[%mul3A_4, %dma_start3A_20] : memref<160000x16xf32, #tpu.memory_space<hbm>> -> memref<5000x16xf32, #tpu.memory_space<hbm>>
      tpu.enqueue_dma source(%dma_start3A_21 : memref<5000x16xf32, #tpu.memory_space<hbm>>) target(%arg8 : memref<5000x16xf32, #tpu.memory_space<vmem>>) target_semaphore(%run_scoped3A : memref<!tpu.dma_semaphore, #tpu.memory_space<semaphore_mem>>)
      %dma_wait3A_22 = arith.constant 0 : i32
      %dma_wait3A_23 = tpu.memref_slice %arg2[%mul3A_4, %dma_wait3A_22] : memref<160000x16xf32, #tpu.memory_space<hbm>> -> memref<5000x16xf32, #tpu.memory_space<hbm>>
      %dma_wait3A_24 = arith.constant 0 : i32
      %dma_wait3A_25 = tpu.memref_slice %arg2[%mul3A_4, %dma_wait3A_24] : memref<160000x16xf32, #tpu.memory_space<hbm>> -> memref<5000x16xf32, #tpu.memory_space<hbm>>
      tpu.wait_dma2 semaphore(%run_scoped3A : memref<!tpu.dma_semaphore, #tpu.memory_space<semaphore_mem>>) src(%dma_wait3A_25 : memref<5000x16xf32, #tpu.memory_space<hbm>>) dst(%arg8 : memref<5000x16xf32, #tpu.memory_space<vmem>>)
      tpu.yield
    }) : () -> ()
    %barrier3A = arith.constant 0 : index
    tpu.barrier barrier_id(%barrier3A)
    %scan3A = arith.constant 0 : i32
    %scan3A_5 = arith.constant 40 : i32
    %scan3A_6 = arith.addi %scan3A, %scan3A_5 : i32
    %scan3A_7 = arith.constant 1 : i32
    scf.for %scan3A_19 = %scan3A to %scan3A_6 step %scan3A_7  : i32 {
      %mul3A_20 = arith.constant 125 : i32
      %mul3A_21 = arith.muli %scan3A_19, %mul3A_20 : i32
      %dma_start3A = arith.constant 0 : i32
      %dma_start3A_22 = tpu.memref_slice %arg8[%mul3A_21, %dma_start3A] : memref<5000x16xf32, #tpu.memory_space<vmem>> -> memref<125x16xf32, #tpu.memory_space<vmem>>
      %dma_start3A_23 = arith.constant 0 : i32
      %dma_start3A_24 = tpu.memref_slice %arg7[%scan3A_19, %dma_start3A_23] : memref<40x125xi32, #tpu.memory_space<vmem>> -> memref<1x125xi32, #tpu.memory_space<vmem>>
      %dma_start3A_25 = tpu.memref_squeeze %dma_start3A_24 : memref<1x125xi32, #tpu.memory_space<vmem>> -> memref<125xi32, #tpu.memory_space<vmem>>
      %dma_start3A_26 = arith.constant 0 : i32
      %dma_start3A_27 = arith.constant 0 : i32
      %dma_start3A_28 = tpu.memref_slice %arg10[%dma_start3A_26, %dma_start3A_27] : memref<10000x16xf32, #tpu.memory_space<vmem_shared>> -> memref<10000x16xf32, #tpu.memory_space<vmem_shared>>
      tpu.enqueue_indirect_dma source(%dma_start3A_22 : memref<125x16xf32, #tpu.memory_space<vmem>>) target(%dma_start3A_28 : memref<10000x16xf32, #tpu.memory_space<vmem_shared>>) offsets(%dma_start3A_25 : memref<125xi32, #tpu.memory_space<vmem>>) semaphore(%arg12 : memref<!tpu.dma_semaphore, #tpu.memory_space<semaphore_mem>>) {add = true}
    }
    %scan3A_8 = arith.constant 40 : i32
    %mul3A_9 = arith.constant 5000 : i32
    %mul3A_10 = arith.muli %add3A, %mul3A_9 : i32
    %dma_wait3A = arith.constant 0 : i32
    %dma_wait3A_11 = tpu.memref_slice %arg2[%mul3A_10, %dma_wait3A] : memref<160000x16xf32, #tpu.memory_space<hbm>> -> memref<5000x16xf32, #tpu.memory_space<hbm>>
    %dma_wait3A_12 = arith.constant 0 : i32
    %dma_wait3A_13 = tpu.memref_slice %arg2[%mul3A_10, %dma_wait3A_12] : memref<160000x16xf32, #tpu.memory_space<hbm>> -> memref<5000x16xf32, #tpu.memory_space<hbm>>
    tpu.wait_dma2 semaphore(%arg12 : memref<!tpu.dma_semaphore, #tpu.memory_space<semaphore_mem>>) src(%dma_wait3A_13 : memref<5000x16xf32, #tpu.memory_space<hbm>>) dst(%arg8 : memref<5000x16xf32, #tpu.memory_space<vmem>>)
    %barrier3A_14 = arith.constant 0 : index
    tpu.barrier barrier_id(%barrier3A_14)
    %mul3A_15 = arith.constant 625 : i32
    %mul3A_16 = arith.muli %arg1, %mul3A_15 : i32
    %mul3A_17 = arith.constant 625 : i32
    %mul3A_18 = arith.muli %arg1, %mul3A_17 : i32
    "tpu.region"() ({
      %run_scoped3A = tpu.sem_alloc : memref<!tpu.dma_semaphore, #tpu.memory_space<semaphore_mem>>
      %dma_start3A = arith.constant 0 : i32
      %dma_start3A_19 = arith.constant 0 : i32
      %dma_start3A_20 = tpu.memref_slice %arg6[%arg0, %dma_start3A, %dma_start3A_19] : memref<2x10000x16xf32, #tpu.memory_space<hbm>> -> memref<1x10000x16xf32, #tpu.memory_space<hbm>>
      %dma_start3A_21 = tpu.memref_squeeze %dma_start3A_20 : memref<1x10000x16xf32, #tpu.memory_space<hbm>> -> memref<10000x16xf32, #tpu.memory_space<hbm>>
      %dma_start3A_22 = arith.constant 0 : i32
      %dma_start3A_23 = tpu.memref_slice %dma_start3A_21[%mul3A_18, %dma_start3A_22] : memref<10000x16xf32, #tpu.memory_space<hbm>> -> memref<625x16xf32, #tpu.memory_space<hbm>>
      %dma_start3A_24 = arith.constant 0 : i32
      %dma_start3A_25 = tpu.memref_slice %arg10[%mul3A_16, %dma_start3A_24] : memref<10000x16xf32, #tpu.memory_space<vmem_shared>> -> memref<625x16xf32, #tpu.memory_space<vmem_shared>>
      tpu.enqueue_dma source(%dma_start3A_25 : memref<625x16xf32, #tpu.memory_space<vmem_shared>>) target(%dma_start3A_23 : memref<625x16xf32, #tpu.memory_space<hbm>>) target_semaphore(%run_scoped3A : memref<!tpu.dma_semaphore, #tpu.memory_space<semaphore_mem>>)
      %dma_wait3A_26 = arith.constant 0 : i32
      %dma_wait3A_27 = arith.constant 0 : i32
      %dma_wait3A_28 = tpu.memref_slice %arg6[%arg0, %dma_wait3A_26, %dma_wait3A_27] : memref<2x10000x16xf32, #tpu.memory_space<hbm>> -> memref<1x10000x16xf32, #tpu.memory_space<hbm>>
      %dma_wait3A_29 = tpu.memref_squeeze %dma_wait3A_28 : memref<1x10000x16xf32, #tpu.memory_space<hbm>> -> memref<10000x16xf32, #tpu.memory_space<hbm>>
      %dma_wait3A_30 = arith.constant 0 : i32
      %dma_wait3A_31 = tpu.memref_slice %dma_wait3A_29[%mul3A_18, %dma_wait3A_30] : memref<10000x16xf32, #tpu.memory_space<hbm>> -> memref<625x16xf32, #tpu.memory_space<hbm>>
      %dma_wait3A_32 = arith.constant 0 : i32
      %dma_wait3A_33 = tpu.memref_slice %arg10[%mul3A_16, %dma_wait3A_32] : memref<10000x16xf32, #tpu.memory_space<vmem_shared>> -> memref<625x16xf32, #tpu.memory_space<vmem_shared>>
      tpu.wait_dma2 semaphore(%run_scoped3A : memref<!tpu.dma_semaphore, #tpu.memory_space<semaphore_mem>>) src(%dma_wait3A_33 : memref<625x16xf32, #tpu.memory_space<vmem_shared>>) dst(%dma_wait3A_31 : memref<625x16xf32, #tpu.memory_space<hbm>>)
      tpu.yield
    }) : () -> ()
    return
  }
}

#map = affine_map<(d0, d1) -> (0, 0)>
#map1 = affine_map<(d0, d1) -> (0, 0, 0)>
module attributes {stable_mosaic.version = 14 : i64} {
  func.func @k(%arg0: i32, %arg1: i32, %arg2: memref<160000x16xf32, #tpu.memory_space<hbm>>, %arg3: memref<32x40x125xi32, #tpu.memory_space<hbm>>, %arg4: memref<625x16xf32, #tpu.memory_space<hbm>>, %arg5: memref<125x16xf32, #tpu.memory_space<hbm>>, %arg6: memref<2x10000x16xf32, #tpu.memory_space<hbm>>, %arg7: memref<2x10000x16xf32, #tpu.memory_space<hbm>>, %arg8: memref<40x125xi32, #tpu.memory_space<vmem>>, %arg9: memref<5000x16xf32, #tpu.memory_space<vmem>>, %arg10: memref<125x16xf32, #tpu.memory_space<vmem>>, %arg11: memref<10000x16xf32, #tpu.memory_space<vmem_shared>>, %arg12: memref<10000x16xf32, #tpu.memory_space<vmem_shared>>, %arg13: memref<!tpu.dma_semaphore, #tpu.memory_space<semaphore_mem>>, %arg14: memref<!tpu.dma_semaphore, #tpu.memory_space<semaphore_mem>>) attributes {dimension_semantics = [#tpu.dimension_semantics<core_parallel>, #tpu.dimension_semantics<subcore_parallel>], iteration_bounds = array<i64: 2, 16>, scalar_prefetch = 0 : i64, scratch_operands = 7 : i64, tpu.core_type = #tpu.core_type<sc_vector_subcore>, window_params = [{transform_indices = #map}, {transform_indices = #map1}, {transform_indices = #map}, {transform_indices = #map}, {transform_indices = #map1}, {transform_indices = #map1}]} {
    %mul3A = arith.constant 2 : i32
    %mul3A_0 = arith.muli %arg1, %mul3A : i32
    %add3A = arith.addi %mul3A_0, %arg0 : i32
    %mul3A_1 = arith.constant 625 : i32
    %mul3A_2 = arith.muli %arg1, %mul3A_1 : i32
    "tpu.region"() ({
      %run_scoped3A = tpu.sem_alloc : memref<!tpu.dma_semaphore, #tpu.memory_space<semaphore_mem>>
      %dma_start3A = arith.constant 0 : i32
      %dma_start3A_31 = tpu.memref_slice %arg11[%mul3A_2, %dma_start3A] : memref<10000x16xf32, #tpu.memory_space<vmem_shared>> -> memref<625x16xf32, #tpu.memory_space<vmem_shared>>
      tpu.enqueue_dma source(%arg4 : memref<625x16xf32, #tpu.memory_space<hbm>>) target(%dma_start3A_31 : memref<625x16xf32, #tpu.memory_space<vmem_shared>>) target_semaphore(%run_scoped3A : memref<!tpu.dma_semaphore, #tpu.memory_space<semaphore_mem>>)
      %dma_wait3A_32 = arith.constant 0 : i32
      %dma_wait3A_33 = tpu.memref_slice %arg11[%mul3A_2, %dma_wait3A_32] : memref<10000x16xf32, #tpu.memory_space<vmem_shared>> -> memref<625x16xf32, #tpu.memory_space<vmem_shared>>
      tpu.wait_dma2 semaphore(%run_scoped3A : memref<!tpu.dma_semaphore, #tpu.memory_space<semaphore_mem>>) src(%arg4 : memref<625x16xf32, #tpu.memory_space<hbm>>) dst(%dma_wait3A_33 : memref<625x16xf32, #tpu.memory_space<vmem_shared>>)
      tpu.yield
    }) : () -> ()
    %mul3A_3 = arith.constant 625 : i32
    %mul3A_4 = arith.muli %arg1, %mul3A_3 : i32
    "tpu.region"() ({
      %run_scoped3A = tpu.sem_alloc : memref<!tpu.dma_semaphore, #tpu.memory_space<semaphore_mem>>
      %dma_start3A = arith.constant 0 : i32
      %dma_start3A_31 = tpu.memref_slice %arg12[%mul3A_4, %dma_start3A] : memref<10000x16xf32, #tpu.memory_space<vmem_shared>> -> memref<625x16xf32, #tpu.memory_space<vmem_shared>>
      tpu.enqueue_dma source(%arg4 : memref<625x16xf32, #tpu.memory_space<hbm>>) target(%dma_start3A_31 : memref<625x16xf32, #tpu.memory_space<vmem_shared>>) target_semaphore(%run_scoped3A : memref<!tpu.dma_semaphore, #tpu.memory_space<semaphore_mem>>)
      %dma_wait3A_32 = arith.constant 0 : i32
      %dma_wait3A_33 = tpu.memref_slice %arg12[%mul3A_4, %dma_wait3A_32] : memref<10000x16xf32, #tpu.memory_space<vmem_shared>> -> memref<625x16xf32, #tpu.memory_space<vmem_shared>>
      tpu.wait_dma2 semaphore(%run_scoped3A : memref<!tpu.dma_semaphore, #tpu.memory_space<semaphore_mem>>) src(%arg4 : memref<625x16xf32, #tpu.memory_space<hbm>>) dst(%dma_wait3A_33 : memref<625x16xf32, #tpu.memory_space<vmem_shared>>)
      tpu.yield
    }) : () -> ()
    "tpu.region"() ({
      %run_scoped3A = tpu.sem_alloc : memref<!tpu.dma_semaphore, #tpu.memory_space<semaphore_mem>>
      %dma_start3A = arith.constant 0 : i32
      %dma_start3A_31 = arith.constant 0 : i32
      %dma_start3A_32 = tpu.memref_slice %arg3[%add3A, %dma_start3A, %dma_start3A_31] : memref<32x40x125xi32, #tpu.memory_space<hbm>> -> memref<1x40x125xi32, #tpu.memory_space<hbm>>
      %dma_start3A_33 = tpu.memref_squeeze %dma_start3A_32 : memref<1x40x125xi32, #tpu.memory_space<hbm>> -> memref<40x125xi32, #tpu.memory_space<hbm>>
      %dma_start3A_34 = arith.constant 0 : i32
      %dma_start3A_35 = arith.constant 0 : i32
      %dma_start3A_36 = tpu.memref_slice %arg3[%add3A, %dma_start3A_34, %dma_start3A_35] : memref<32x40x125xi32, #tpu.memory_space<hbm>> -> memref<1x40x125xi32, #tpu.memory_space<hbm>>
      %dma_start3A_37 = tpu.memref_squeeze %dma_start3A_36 : memref<1x40x125xi32, #tpu.memory_space<hbm>> -> memref<40x125xi32, #tpu.memory_space<hbm>>
      tpu.enqueue_dma source(%dma_start3A_37 : memref<40x125xi32, #tpu.memory_space<hbm>>) target(%arg8 : memref<40x125xi32, #tpu.memory_space<vmem>>) target_semaphore(%run_scoped3A : memref<!tpu.dma_semaphore, #tpu.memory_space<semaphore_mem>>)
      %dma_wait3A_38 = arith.constant 0 : i32
      %dma_wait3A_39 = arith.constant 0 : i32
      %dma_wait3A_40 = tpu.memref_slice %arg3[%add3A, %dma_wait3A_38, %dma_wait3A_39] : memref<32x40x125xi32, #tpu.memory_space<hbm>> -> memref<1x40x125xi32, #tpu.memory_space<hbm>>
      %dma_wait3A_41 = tpu.memref_squeeze %dma_wait3A_40 : memref<1x40x125xi32, #tpu.memory_space<hbm>> -> memref<40x125xi32, #tpu.memory_space<hbm>>
      %dma_wait3A_42 = arith.constant 0 : i32
      %dma_wait3A_43 = arith.constant 0 : i32
      %dma_wait3A_44 = tpu.memref_slice %arg3[%add3A, %dma_wait3A_42, %dma_wait3A_43] : memref<32x40x125xi32, #tpu.memory_space<hbm>> -> memref<1x40x125xi32, #tpu.memory_space<hbm>>
      %dma_wait3A_45 = tpu.memref_squeeze %dma_wait3A_44 : memref<1x40x125xi32, #tpu.memory_space<hbm>> -> memref<40x125xi32, #tpu.memory_space<hbm>>
      tpu.wait_dma2 semaphore(%run_scoped3A : memref<!tpu.dma_semaphore, #tpu.memory_space<semaphore_mem>>) src(%dma_wait3A_45 : memref<40x125xi32, #tpu.memory_space<hbm>>) dst(%arg8 : memref<40x125xi32, #tpu.memory_space<vmem>>)
      tpu.yield
    }) : () -> ()
    %mul3A_5 = arith.constant 5000 : i32
    %mul3A_6 = arith.muli %add3A, %mul3A_5 : i32
    "tpu.region"() ({
      %run_scoped3A = tpu.sem_alloc : memref<!tpu.dma_semaphore, #tpu.memory_space<semaphore_mem>>
      %dma_start3A = arith.constant 0 : i32
      %dma_start3A_31 = tpu.memref_slice %arg2[%mul3A_6, %dma_start3A] : memref<160000x16xf32, #tpu.memory_space<hbm>> -> memref<5000x16xf32, #tpu.memory_space<hbm>>
      %dma_start3A_32 = arith.constant 0 : i32
      %dma_start3A_33 = tpu.memref_slice %arg2[%mul3A_6, %dma_start3A_32] : memref<160000x16xf32, #tpu.memory_space<hbm>> -> memref<5000x16xf32, #tpu.memory_space<hbm>>
      tpu.enqueue_dma source(%dma_start3A_33 : memref<5000x16xf32, #tpu.memory_space<hbm>>) target(%arg9 : memref<5000x16xf32, #tpu.memory_space<vmem>>) target_semaphore(%run_scoped3A : memref<!tpu.dma_semaphore, #tpu.memory_space<semaphore_mem>>)
      %dma_wait3A_34 = arith.constant 0 : i32
      %dma_wait3A_35 = tpu.memref_slice %arg2[%mul3A_6, %dma_wait3A_34] : memref<160000x16xf32, #tpu.memory_space<hbm>> -> memref<5000x16xf32, #tpu.memory_space<hbm>>
      %dma_wait3A_36 = arith.constant 0 : i32
      %dma_wait3A_37 = tpu.memref_slice %arg2[%mul3A_6, %dma_wait3A_36] : memref<160000x16xf32, #tpu.memory_space<hbm>> -> memref<5000x16xf32, #tpu.memory_space<hbm>>
      tpu.wait_dma2 semaphore(%run_scoped3A : memref<!tpu.dma_semaphore, #tpu.memory_space<semaphore_mem>>) src(%dma_wait3A_37 : memref<5000x16xf32, #tpu.memory_space<hbm>>) dst(%arg9 : memref<5000x16xf32, #tpu.memory_space<vmem>>)
      tpu.yield
    }) : () -> ()
    "tpu.region"() ({
      %run_scoped3A = tpu.sem_alloc : memref<!tpu.dma_semaphore, #tpu.memory_space<semaphore_mem>>
      tpu.enqueue_dma source(%arg5 : memref<125x16xf32, #tpu.memory_space<hbm>>) target(%arg10 : memref<125x16xf32, #tpu.memory_space<vmem>>) target_semaphore(%run_scoped3A : memref<!tpu.dma_semaphore, #tpu.memory_space<semaphore_mem>>)
      tpu.wait_dma2 semaphore(%run_scoped3A : memref<!tpu.dma_semaphore, #tpu.memory_space<semaphore_mem>>) src(%arg5 : memref<125x16xf32, #tpu.memory_space<hbm>>) dst(%arg10 : memref<125x16xf32, #tpu.memory_space<vmem>>)
      tpu.yield
    }) : () -> ()
    %barrier3A = arith.constant 0 : index
    tpu.barrier barrier_id(%barrier3A)
    %scan3A = arith.constant 0 : i32
    %scan3A_7 = arith.constant 40 : i32
    %scan3A_8 = arith.addi %scan3A, %scan3A_7 : i32
    %scan3A_9 = arith.constant 1 : i32
    scf.for %scan3A_31 = %scan3A to %scan3A_8 step %scan3A_9  : i32 {
      %mul3A_32 = arith.constant 125 : i32
      %mul3A_33 = arith.muli %scan3A_31, %mul3A_32 : i32
      %dma_start3A = arith.constant 0 : i32
      %dma_start3A_34 = tpu.memref_slice %arg9[%mul3A_33, %dma_start3A] : memref<5000x16xf32, #tpu.memory_space<vmem>> -> memref<125x16xf32, #tpu.memory_space<vmem>>
      %dma_start3A_35 = arith.constant 0 : i32
      %dma_start3A_36 = tpu.memref_slice %arg8[%scan3A_31, %dma_start3A_35] : memref<40x125xi32, #tpu.memory_space<vmem>> -> memref<1x125xi32, #tpu.memory_space<vmem>>
      %dma_start3A_37 = tpu.memref_squeeze %dma_start3A_36 : memref<1x125xi32, #tpu.memory_space<vmem>> -> memref<125xi32, #tpu.memory_space<vmem>>
      %dma_start3A_38 = arith.constant 0 : i32
      %dma_start3A_39 = arith.constant 0 : i32
      %dma_start3A_40 = tpu.memref_slice %arg11[%dma_start3A_38, %dma_start3A_39] : memref<10000x16xf32, #tpu.memory_space<vmem_shared>> -> memref<10000x16xf32, #tpu.memory_space<vmem_shared>>
      tpu.enqueue_indirect_dma source(%dma_start3A_34 : memref<125x16xf32, #tpu.memory_space<vmem>>) target(%dma_start3A_40 : memref<10000x16xf32, #tpu.memory_space<vmem_shared>>) offsets(%dma_start3A_37 : memref<125xi32, #tpu.memory_space<vmem>>) semaphore(%arg13 : memref<!tpu.dma_semaphore, #tpu.memory_space<semaphore_mem>>) {add = true}
      %dma_start3A_41 = arith.constant 0 : i32
      %dma_start3A_42 = tpu.memref_slice %arg8[%scan3A_31, %dma_start3A_41] : memref<40x125xi32, #tpu.memory_space<vmem>> -> memref<1x125xi32, #tpu.memory_space<vmem>>
      %dma_start3A_43 = tpu.memref_squeeze %dma_start3A_42 : memref<1x125xi32, #tpu.memory_space<vmem>> -> memref<125xi32, #tpu.memory_space<vmem>>
      %dma_start3A_44 = arith.constant 0 : i32
      %dma_start3A_45 = arith.constant 0 : i32
      %dma_start3A_46 = tpu.memref_slice %arg12[%dma_start3A_44, %dma_start3A_45] : memref<10000x16xf32, #tpu.memory_space<vmem_shared>> -> memref<10000x16xf32, #tpu.memory_space<vmem_shared>>
      tpu.enqueue_indirect_dma source(%arg10 : memref<125x16xf32, #tpu.memory_space<vmem>>) target(%dma_start3A_46 : memref<10000x16xf32, #tpu.memory_space<vmem_shared>>) offsets(%dma_start3A_43 : memref<125xi32, #tpu.memory_space<vmem>>) semaphore(%arg14 : memref<!tpu.dma_semaphore, #tpu.memory_space<semaphore_mem>>) {add = true}
    }
    %scan3A_10 = arith.constant 40 : i32
    %mul3A_11 = arith.constant 5000 : i32
    %mul3A_12 = arith.muli %add3A, %mul3A_11 : i32
    %dma_wait3A = arith.constant 0 : i32
    %dma_wait3A_13 = tpu.memref_slice %arg2[%mul3A_12, %dma_wait3A] : memref<160000x16xf32, #tpu.memory_space<hbm>> -> memref<5000x16xf32, #tpu.memory_space<hbm>>
    %dma_wait3A_14 = arith.constant 0 : i32
    %dma_wait3A_15 = tpu.memref_slice %arg2[%mul3A_12, %dma_wait3A_14] : memref<160000x16xf32, #tpu.memory_space<hbm>> -> memref<5000x16xf32, #tpu.memory_space<hbm>>
    tpu.wait_dma2 semaphore(%arg13 : memref<!tpu.dma_semaphore, #tpu.memory_space<semaphore_mem>>) src(%dma_wait3A_15 : memref<5000x16xf32, #tpu.memory_space<hbm>>) dst(%arg9 : memref<5000x16xf32, #tpu.memory_space<vmem>>)
    %mul3A_16 = arith.constant 5000 : i32
    %mul3A_17 = arith.muli %add3A, %mul3A_16 : i32
    %dma_wait3A_18 = arith.constant 0 : i32
    %dma_wait3A_19 = tpu.memref_slice %arg2[%mul3A_17, %dma_wait3A_18] : memref<160000x16xf32, #tpu.memory_space<hbm>> -> memref<5000x16xf32, #tpu.memory_space<hbm>>
    %dma_wait3A_20 = arith.constant 0 : i32
    %dma_wait3A_21 = tpu.memref_slice %arg2[%mul3A_17, %dma_wait3A_20] : memref<160000x16xf32, #tpu.memory_space<hbm>> -> memref<5000x16xf32, #tpu.memory_space<hbm>>
    tpu.wait_dma2 semaphore(%arg14 : memref<!tpu.dma_semaphore, #tpu.memory_space<semaphore_mem>>) src(%dma_wait3A_21 : memref<5000x16xf32, #tpu.memory_space<hbm>>) dst(%arg9 : memref<5000x16xf32, #tpu.memory_space<vmem>>)
    %barrier3A_22 = arith.constant 0 : index
    tpu.barrier barrier_id(%barrier3A_22)
    %mul3A_23 = arith.constant 625 : i32
    %mul3A_24 = arith.muli %arg1, %mul3A_23 : i32
    %mul3A_25 = arith.constant 625 : i32
    %mul3A_26 = arith.muli %arg1, %mul3A_25 : i32
    "tpu.region"() ({
      %run_scoped3A = tpu.sem_alloc : memref<!tpu.dma_semaphore, #tpu.memory_space<semaphore_mem>>
      %dma_start3A = arith.constant 0 : i32
      %dma_start3A_31 = arith.constant 0 : i32
      %dma_start3A_32 = tpu.memref_slice %arg6[%arg0, %dma_start3A, %dma_start3A_31] : memref<2x10000x16xf32, #tpu.memory_space<hbm>> -> memref<1x10000x16xf32, #tpu.memory_space<hbm>>
      %dma_start3A_33 = tpu.memref_squeeze %dma_start3A_32 : memref<1x10000x16xf32, #tpu.memory_space<hbm>> -> memref<10000x16xf32, #tpu.memory_space<hbm>>
      %dma_start3A_34 = arith.constant 0 : i32
      %dma_start3A_35 = tpu.memref_slice %dma_start3A_33[%mul3A_26, %dma_start3A_34] : memref<10000x16xf32, #tpu.memory_space<hbm>> -> memref<625x16xf32, #tpu.memory_space<hbm>>
      %dma_start3A_36 = arith.constant 0 : i32
      %dma_start3A_37 = tpu.memref_slice %arg11[%mul3A_24, %dma_start3A_36] : memref<10000x16xf32, #tpu.memory_space<vmem_shared>> -> memref<625x16xf32, #tpu.memory_space<vmem_shared>>
      tpu.enqueue_dma source(%dma_start3A_37 : memref<625x16xf32, #tpu.memory_space<vmem_shared>>) target(%dma_start3A_35 : memref<625x16xf32, #tpu.memory_space<hbm>>) target_semaphore(%run_scoped3A : memref<!tpu.dma_semaphore, #tpu.memory_space<semaphore_mem>>)
      %dma_wait3A_38 = arith.constant 0 : i32
      %dma_wait3A_39 = arith.constant 0 : i32
      %dma_wait3A_40 = tpu.memref_slice %arg6[%arg0, %dma_wait3A_38, %dma_wait3A_39] : memref<2x10000x16xf32, #tpu.memory_space<hbm>> -> memref<1x10000x16xf32, #tpu.memory_space<hbm>>
      %dma_wait3A_41 = tpu.memref_squeeze %dma_wait3A_40 : memref<1x10000x16xf32, #tpu.memory_space<hbm>> -> memref<10000x16xf32, #tpu.memory_space<hbm>>
      %dma_wait3A_42 = arith.constant 0 : i32
      %dma_wait3A_43 = tpu.memref_slice %dma_wait3A_41[%mul3A_26, %dma_wait3A_42] : memref<10000x16xf32, #tpu.memory_space<hbm>> -> memref<625x16xf32, #tpu.memory_space<hbm>>
      %dma_wait3A_44 = arith.constant 0 : i32
      %dma_wait3A_45 = tpu.memref_slice %arg11[%mul3A_24, %dma_wait3A_44] : memref<10000x16xf32, #tpu.memory_space<vmem_shared>> -> memref<625x16xf32, #tpu.memory_space<vmem_shared>>
      tpu.wait_dma2 semaphore(%run_scoped3A : memref<!tpu.dma_semaphore, #tpu.memory_space<semaphore_mem>>) src(%dma_wait3A_45 : memref<625x16xf32, #tpu.memory_space<vmem_shared>>) dst(%dma_wait3A_43 : memref<625x16xf32, #tpu.memory_space<hbm>>)
      tpu.yield
    }) : () -> ()
    %mul3A_27 = arith.constant 625 : i32
    %mul3A_28 = arith.muli %arg1, %mul3A_27 : i32
    %mul3A_29 = arith.constant 625 : i32
    %mul3A_30 = arith.muli %arg1, %mul3A_29 : i32
    "tpu.region"() ({
      %run_scoped3A = tpu.sem_alloc : memref<!tpu.dma_semaphore, #tpu.memory_space<semaphore_mem>>
      %dma_start3A = arith.constant 0 : i32
      %dma_start3A_31 = arith.constant 0 : i32
      %dma_start3A_32 = tpu.memref_slice %arg7[%arg0, %dma_start3A, %dma_start3A_31] : memref<2x10000x16xf32, #tpu.memory_space<hbm>> -> memref<1x10000x16xf32, #tpu.memory_space<hbm>>
      %dma_start3A_33 = tpu.memref_squeeze %dma_start3A_32 : memref<1x10000x16xf32, #tpu.memory_space<hbm>> -> memref<10000x16xf32, #tpu.memory_space<hbm>>
      %dma_start3A_34 = arith.constant 0 : i32
      %dma_start3A_35 = tpu.memref_slice %dma_start3A_33[%mul3A_30, %dma_start3A_34] : memref<10000x16xf32, #tpu.memory_space<hbm>> -> memref<625x16xf32, #tpu.memory_space<hbm>>
      %dma_start3A_36 = arith.constant 0 : i32
      %dma_start3A_37 = tpu.memref_slice %arg12[%mul3A_28, %dma_start3A_36] : memref<10000x16xf32, #tpu.memory_space<vmem_shared>> -> memref<625x16xf32, #tpu.memory_space<vmem_shared>>
      tpu.enqueue_dma source(%dma_start3A_37 : memref<625x16xf32, #tpu.memory_space<vmem_shared>>) target(%dma_start3A_35 : memref<625x16xf32, #tpu.memory_space<hbm>>) target_semaphore(%run_scoped3A : memref<!tpu.dma_semaphore, #tpu.memory_space<semaphore_mem>>)
      %dma_wait3A_38 = arith.constant 0 : i32
      %dma_wait3A_39 = arith.constant 0 : i32
      %dma_wait3A_40 = tpu.memref_slice %arg7[%arg0, %dma_wait3A_38, %dma_wait3A_39] : memref<2x10000x16xf32, #tpu.memory_space<hbm>> -> memref<1x10000x16xf32, #tpu.memory_space<hbm>>
      %dma_wait3A_41 = tpu.memref_squeeze %dma_wait3A_40 : memref<1x10000x16xf32, #tpu.memory_space<hbm>> -> memref<10000x16xf32, #tpu.memory_space<hbm>>
      %dma_wait3A_42 = arith.constant 0 : i32
      %dma_wait3A_43 = tpu.memref_slice %dma_wait3A_41[%mul3A_30, %dma_wait3A_42] : memref<10000x16xf32, #tpu.memory_space<hbm>> -> memref<625x16xf32, #tpu.memory_space<hbm>>
      %dma_wait3A_44 = arith.constant 0 : i32
      %dma_wait3A_45 = tpu.memref_slice %arg12[%mul3A_28, %dma_wait3A_44] : memref<10000x16xf32, #tpu.memory_space<vmem_shared>> -> memref<625x16xf32, #tpu.memory_space<vmem_shared>>
      tpu.wait_dma2 semaphore(%run_scoped3A : memref<!tpu.dma_semaphore, #tpu.memory_space<semaphore_mem>>) src(%dma_wait3A_45 : memref<625x16xf32, #tpu.memory_space<vmem_shared>>) dst(%dma_wait3A_43 : memref<625x16xf32, #tpu.memory_space<hbm>>)
      tpu.yield
    }) : () -> ()
    return
  }
}

module attributes {stable_mosaic.version = 14 : i64} {
  func.func @_node_embed_body(%arg0: memref<10000x128xf32, #tpu.memory_space<vmem>>, %arg1: memref<128x16xf32, #tpu.memory_space<vmem>>, %arg2: memref<16xf32, #tpu.memory_space<vmem>>, %arg3: memref<16xf32, #tpu.memory_space<vmem>>, %arg4: memref<16xf32, #tpu.memory_space<vmem>>, %arg5: memref<10000x16xf32, #tpu.memory_space<vmem>>) attributes {dimension_semantics = [], scalar_prefetch = 0 : i64, scratch_operands = 0 : i64, tpu.core_type = #tpu.core_type<tc>} {
    %get3A = arith.constant 0 : index
    %get3A_0 = arith.constant 0 : index
    %get3A_1 = vector.load %arg0[%get3A, %get3A_0] : memref<10000x128xf32, #tpu.memory_space<vmem>>, vector<10000x128xf32>
    %get3A_2 = arith.constant 0 : index
    %get3A_3 = arith.constant 0 : index
    %get3A_4 = vector.load %arg1[%get3A_2, %get3A_3] : memref<128x16xf32, #tpu.memory_space<vmem>>, vector<128x16xf32>
    %dot_general3A = arith.constant dense<0.000000e+00> : vector<10000x16xf32>
    %dot_general3A_5 = tpu.matmul %get3A_1, %get3A_4, %dot_general3A {dimension_numbers = #tpu.dot_dimension_numbers<[1], [0], [0], [1], [0, 0, 1, 1], [], []>, transpose_lhs_hint = false} : vector<10000x128xf32>, vector<128x16xf32>, vector<10000x16xf32> -> vector<10000x16xf32>
    %get3A_6 = arith.constant 0 : index
    %get3A_7 = vector.load %arg2[%get3A_6] : memref<16xf32, #tpu.memory_space<vmem>>, vector<16xf32>
    %broadcast_in_dim3A = vector.shape_cast %get3A_7 : vector<16xf32> to vector<1x16xf32>
    %add3A = vector.broadcast %broadcast_in_dim3A : vector<1x16xf32> to vector<10000x16xf32>
    %add3A_8 = arith.addf %dot_general3A_5, %add3A : vector<10000x16xf32>
    %max3A = arith.constant 0.000000e+00 : f32
    %max3A_9 = vector.broadcast %max3A : f32 to vector<10000x16xf32>
    %max3A_10 = arith.maximumf %add3A_8, %max3A_9 : vector<10000x16xf32>
    %reduce_sum3A = arith.constant dense<0.000000e+00> : vector<16xf32>
    %reduce_sum3A_11 = vector.multi_reduction <add>, %max3A_10, %reduce_sum3A [0] : vector<10000x16xf32> to vector<16xf32>
    %broadcast_in_dim3A_12 = vector.shape_cast %reduce_sum3A_11 : vector<16xf32> to vector<1x16xf32>
    %div3A = arith.constant 1.000000e+04 : f32
    %div3A_13 = vector.broadcast %div3A : f32 to vector<1x16xf32>
    %div3A_14 = arith.divf %broadcast_in_dim3A_12, %div3A_13 : vector<1x16xf32>
    %sub3A = vector.broadcast %div3A_14 : vector<1x16xf32> to vector<10000x16xf32>
    %sub3A_15 = arith.subf %max3A_10, %sub3A : vector<10000x16xf32>
    %mul3A = arith.mulf %sub3A_15, %sub3A_15 : vector<10000x16xf32>
    %reduce_sum3A_16 = arith.constant dense<0.000000e+00> : vector<16xf32>
    %reduce_sum3A_17 = vector.multi_reduction <add>, %mul3A, %reduce_sum3A_16 [0] : vector<10000x16xf32> to vector<16xf32>
    %broadcast_in_dim3A_18 = vector.shape_cast %reduce_sum3A_17 : vector<16xf32> to vector<1x16xf32>
    %div3A_19 = arith.constant 1.000000e+04 : f32
    %div3A_20 = vector.broadcast %div3A_19 : f32 to vector<1x16xf32>
    %div3A_21 = arith.divf %broadcast_in_dim3A_18, %div3A_20 : vector<1x16xf32>
    %get3A_22 = arith.constant 0 : index
    %get3A_23 = vector.load %arg3[%get3A_22] : memref<16xf32, #tpu.memory_space<vmem>>, vector<16xf32>
    %broadcast_in_dim3A_24 = vector.shape_cast %get3A_23 : vector<16xf32> to vector<1x16xf32>
    %mul3A_25 = vector.broadcast %broadcast_in_dim3A_24 : vector<1x16xf32> to vector<10000x16xf32>
    %mul3A_26 = arith.mulf %mul3A_25, %sub3A_15 : vector<10000x16xf32>
    %add3A_27 = arith.constant 9.99999974E-6 : f32
    %add3A_28 = vector.broadcast %add3A_27 : f32 to vector<1x16xf32>
    %add3A_29 = arith.addf %div3A_21, %add3A_28 : vector<1x16xf32>
    %rsqrt3A = math.rsqrt %add3A_29 : vector<1x16xf32>
    %mul3A_30 = vector.broadcast %rsqrt3A : vector<1x16xf32> to vector<10000x16xf32>
    %mul3A_31 = arith.mulf %mul3A_26, %mul3A_30 : vector<10000x16xf32>
    %get3A_32 = arith.constant 0 : index
    %get3A_33 = vector.load %arg4[%get3A_32] : memref<16xf32, #tpu.memory_space<vmem>>, vector<16xf32>
    %broadcast_in_dim3A_34 = vector.shape_cast %get3A_33 : vector<16xf32> to vector<1x16xf32>
    %add3A_35 = vector.broadcast %broadcast_in_dim3A_34 : vector<1x16xf32> to vector<10000x16xf32>
    %add3A_36 = arith.addf %mul3A_31, %add3A_35 : vector<10000x16xf32>
    %swap3A = arith.constant 0 : index
    %swap3A_37 = arith.constant 0 : index
    %swap3A_38 = vector.load %arg5[%swap3A, %swap3A_37] : memref<10000x16xf32, #tpu.memory_space<vmem>>, vector<10000x16xf32>
    tpu.vector_store %arg5[%swap3A, %swap3A_37], %add3A_36 {strides = array<i32>} : memref<10000x16xf32, #tpu.memory_space<vmem>>, vector<10000x16xf32>,
    return
  }
}

module attributes {stable_mosaic.version = 14 : i64} {
  func.func @_edge_embed_body(%arg0: i32, %arg1: memref<2000x128xf32, #tpu.memory_space<vmem>>, %arg2: memref<16x16xf32, #tpu.memory_space<vmem>>, %arg3: memref<16xf32, #tpu.memory_space<vmem>>, %arg4: memref<16xf32, #tpu.memory_space<vmem>>, %arg5: memref<16xf32, #tpu.memory_space<vmem>>, %arg6: memref<2000x128xf32, #tpu.memory_space<vmem>>, %arg7: memref<2x16xf32, #tpu.memory_space<vmem>>, %arg8: memref<2x128xf32, #tpu.memory_space<vmem>>) attributes {dimension_semantics = [#tpu.dimension_semantics<arbitrary>], iteration_bounds = array<i64: 10>, scalar_prefetch = 0 : i64, scratch_operands = 1 : i64, tpu.core_type = #tpu.core_type<tc>, window_params = [{transform_indices = @transform_0, window_bounds = array<i64: 2000, 128>}, {pipeline_mode = #tpu.pipeline_mode<synchronous>, transform_indices = @transform_1, window_bounds = array<i64: 16, 16>}, {pipeline_mode = #tpu.pipeline_mode<synchronous>, transform_indices = @transform_2, window_bounds = array<i64: 16>}, {pipeline_mode = #tpu.pipeline_mode<synchronous>, transform_indices = @transform_3, window_bounds = array<i64: 16>}, {pipeline_mode = #tpu.pipeline_mode<synchronous>, transform_indices = @transform_4, window_bounds = array<i64: 16>}, {transform_indices = @transform_5, window_bounds = array<i64: 2000, 128>}, {pipeline_mode = #tpu.pipeline_mode<synchronous>, transform_indices = @transform_6, window_bounds = array<i64: 2, 16>}]} {
    %get3A = arith.constant 0 : index
    %get3A_0 = arith.constant 0 : index
    %get3A_1 = vector.load %arg2[%get3A, %get3A_0] : memref<16x16xf32, #tpu.memory_space<vmem>>, vector<16x16xf32>
    %concatenate3A = tpu.concatenate %get3A_1, %get3A_1, %get3A_1, %get3A_1, %get3A_1, %get3A_1, %get3A_1, %get3A_1 in 1 : vector<16x16xf32>, vector<16x16xf32>, vector<16x16xf32>, vector<16x16xf32>, vector<16x16xf32>, vector<16x16xf32>, vector<16x16xf32>, vector<16x16xf32> -> vector<16x128xf32>
    %concatenate3A_2 = tpu.concatenate %concatenate3A, %concatenate3A, %concatenate3A, %concatenate3A, %concatenate3A, %concatenate3A, %concatenate3A, %concatenate3A in 0 : vector<16x128xf32>, vector<16x128xf32>, vector<16x128xf32>, vector<16x128xf32>, vector<16x128xf32>, vector<16x128xf32>, vector<16x128xf32>, vector<16x128xf32> -> vector<128x128xf32>
    %iota3A = tpu.iota {dimensions = array<i32: 0>} : vector<128x128xi32>
    %jit3A = arith.constant 16 : i32
    %div3A = vector.broadcast %jit3A : i32 to vector<128x128xi32>
    %div3A_3 = arith.divsi %iota3A, %div3A : vector<128x128xi32>
    %sign3A = arith.constant 0 : i32
    %sign3A_4 = vector.broadcast %sign3A : i32 to vector<128x128xi32>
    %sign3A_5 = arith.cmpi sgt, %iota3A, %sign3A_4 : vector<128x128xi32>
    %sign3A_6 = arith.extui %sign3A_5 : vector<128x128xi1> to vector<128x128xi32>
    %sign3A_7 = arith.constant 0 : i32
    %sign3A_8 = vector.broadcast %sign3A_7 : i32 to vector<128x128xi32>
    %sign3A_9 = arith.cmpi slt, %iota3A, %sign3A_8 : vector<128x128xi32>
    %sign3A_10 = arith.extui %sign3A_9 : vector<128x128xi1> to vector<128x128xi32>
    %sign3A_11 = arith.subi %sign3A_6, %sign3A_10 : vector<128x128xi32>
    %sign3A_12 = arith.constant 0 : i32
    %sign3A_13 = arith.cmpi sgt, %jit3A, %sign3A_12 : i32
    %sign3A_14 = arith.extui %sign3A_13 : i1 to i32
    %sign3A_15 = arith.constant 0 : i32
    %sign3A_16 = arith.cmpi slt, %jit3A, %sign3A_15 : i32
    %sign3A_17 = arith.extui %sign3A_16 : i1 to i32
    %sign3A_18 = arith.subi %sign3A_14, %sign3A_17 : i32
    %ne3A = vector.broadcast %sign3A_18 : i32 to vector<128x128xi32>
    %ne3A_19 = arith.cmpi ne, %sign3A_11, %ne3A : vector<128x128xi32>
    %rem3A = vector.broadcast %jit3A : i32 to vector<128x128xi32>
    %rem3A_20 = arith.remsi %iota3A, %rem3A : vector<128x128xi32>
    %ne3A_21 = arith.constant 0 : i32
    %ne3A_22 = vector.broadcast %ne3A_21 : i32 to vector<128x128xi32>
    %ne3A_23 = arith.cmpi ne, %rem3A_20, %ne3A_22 : vector<128x128xi32>
    %and3A = arith.andi %ne3A_19, %ne3A_23 : vector<128x128xi1>
    %sub3A = arith.constant 1 : i32
    %sub3A_24 = vector.broadcast %sub3A : i32 to vector<128x128xi32>
    %sub3A_25 = arith.subi %div3A_3, %sub3A_24 : vector<128x128xi32>
    %select_n3A = arith.select %and3A, %sub3A_25, %div3A_3 : vector<128x128xi1>, vector<128x128xi32>
    %iota3A_26 = tpu.iota {dimensions = array<i32: 1>} : vector<128x128xi32>
    %jit3A_27 = arith.constant 16 : i32
    %div3A_28 = vector.broadcast %jit3A_27 : i32 to vector<128x128xi32>
    %div3A_29 = arith.divsi %iota3A_26, %div3A_28 : vector<128x128xi32>
    %sign3A_30 = arith.constant 0 : i32
    %sign3A_31 = vector.broadcast %sign3A_30 : i32 to vector<128x128xi32>
    %sign3A_32 = arith.cmpi sgt, %iota3A_26, %sign3A_31 : vector<128x128xi32>
    %sign3A_33 = arith.extui %sign3A_32 : vector<128x128xi1> to vector<128x128xi32>
    %sign3A_34 = arith.constant 0 : i32
    %sign3A_35 = vector.broadcast %sign3A_34 : i32 to vector<128x128xi32>
    %sign3A_36 = arith.cmpi slt, %iota3A_26, %sign3A_35 : vector<128x128xi32>
    %sign3A_37 = arith.extui %sign3A_36 : vector<128x128xi1> to vector<128x128xi32>
    %sign3A_38 = arith.subi %sign3A_33, %sign3A_37 : vector<128x128xi32>
    %sign3A_39 = arith.constant 0 : i32
    %sign3A_40 = arith.cmpi sgt, %jit3A_27, %sign3A_39 : i32
    %sign3A_41 = arith.extui %sign3A_40 : i1 to i32
    %sign3A_42 = arith.constant 0 : i32
    %sign3A_43 = arith.cmpi slt, %jit3A_27, %sign3A_42 : i32
    %sign3A_44 = arith.extui %sign3A_43 : i1 to i32
    %sign3A_45 = arith.subi %sign3A_41, %sign3A_44 : i32
    %ne3A_46 = vector.broadcast %sign3A_45 : i32 to vector<128x128xi32>
    %ne3A_47 = arith.cmpi ne, %sign3A_38, %ne3A_46 : vector<128x128xi32>
    %rem3A_48 = vector.broadcast %jit3A_27 : i32 to vector<128x128xi32>
    %rem3A_49 = arith.remsi %iota3A_26, %rem3A_48 : vector<128x128xi32>
    %ne3A_50 = arith.constant 0 : i32
    %ne3A_51 = vector.broadcast %ne3A_50 : i32 to vector<128x128xi32>
    %ne3A_52 = arith.cmpi ne, %rem3A_49, %ne3A_51 : vector<128x128xi32>
    %and3A_53 = arith.andi %ne3A_47, %ne3A_52 : vector<128x128xi1>
    %sub3A_54 = arith.constant 1 : i32
    %sub3A_55 = vector.broadcast %sub3A_54 : i32 to vector<128x128xi32>
    %sub3A_56 = arith.subi %div3A_29, %sub3A_55 : vector<128x128xi32>
    %select_n3A_57 = arith.select %and3A_53, %sub3A_56, %div3A_29 : vector<128x128xi1>, vector<128x128xi32>
    %eq3A = arith.cmpi eq, %select_n3A, %select_n3A_57 : vector<128x128xi32>
    %jit3A_58 = arith.constant 0.000000e+00 : f32
    %broadcast_in_dim3A = vector.broadcast %jit3A_58 : f32 to vector<128x128xf32>
    %select_n3A_59 = arith.select %eq3A, %concatenate3A_2, %broadcast_in_dim3A : vector<128x128xi1>, vector<128x128xf32>
    %get3A_60 = arith.constant 0 : index
    %get3A_61 = vector.load %arg3[%get3A_60] : memref<16xf32, #tpu.memory_space<vmem>>, vector<16xf32>
    %concatenate3A_62 = tpu.concatenate %get3A_61, %get3A_61, %get3A_61, %get3A_61, %get3A_61, %get3A_61, %get3A_61, %get3A_61 in 0 : vector<16xf32>, vector<16xf32>, vector<16xf32>, vector<16xf32>, vector<16xf32>, vector<16xf32>, vector<16xf32>, vector<16xf32> -> vector<128xf32>
    %get3A_63 = arith.constant 0 : index
    %get3A_64 = arith.constant 0 : index
    %get3A_65 = vector.load %arg1[%get3A_63, %get3A_64] : memref<2000x128xf32, #tpu.memory_space<vmem>>, vector<2000x128xf32>
    %dot_general3A = arith.constant dense<0.000000e+00> : vector<2000x128xf32>
    %dot_general3A_66 = tpu.matmul %get3A_65, %select_n3A_59, %dot_general3A {dimension_numbers = #tpu.dot_dimension_numbers<[1], [0], [0], [1], [0, 0, 1, 1], [], []>, transpose_lhs_hint = false} : vector<2000x128xf32>, vector<128x128xf32>, vector<2000x128xf32> -> vector<2000x128xf32>
    %broadcast_in_dim3A_67 = vector.shape_cast %concatenate3A_62 : vector<128xf32> to vector<1x128xf32>
    %add3A = vector.broadcast %broadcast_in_dim3A_67 : vector<1x128xf32> to vector<2000x128xf32>
    %add3A_68 = arith.addf %dot_general3A_66, %add3A : vector<2000x128xf32>
    %max3A = arith.constant 0.000000e+00 : f32
    %max3A_69 = vector.broadcast %max3A : f32 to vector<2000x128xf32>
    %max3A_70 = arith.maximumf %add3A_68, %max3A_69 : vector<2000x128xf32>
    %swap3A = arith.constant 0 : index
    %swap3A_71 = arith.constant 0 : index
    %swap3A_72 = vector.load %arg6[%swap3A, %swap3A_71] : memref<2000x128xf32, #tpu.memory_space<vmem>>, vector<2000x128xf32>
    tpu.vector_store %arg6[%swap3A, %swap3A_71], %max3A_70 {strides = array<i32>} : memref<2000x128xf32, #tpu.memory_space<vmem>>, vector<2000x128xf32>,
    %eq3A_73 = arith.constant 0 : i32
    %eq3A_74 = arith.cmpi eq, %arg0, %eq3A_73 : i32
    %convert_element_type3A = arith.extui %eq3A_74 : i1 to i32
    %cond3A = arith.constant 0 : i32
    %cond3A_75 = arith.cmpi ne, %convert_element_type3A, %cond3A : i32
    scf.if %cond3A_75 {
      %broadcast_in_dim3A_93 = arith.constant 0.000000e+00 : f32
      %broadcast_in_dim3A_94 = vector.broadcast %broadcast_in_dim3A_93 : f32 to vector<2x128xf32>
      %swap3A_95 = arith.constant 0 : index
      %swap3A_96 = arith.constant 0 : index
      %swap3A_97 = vector.load %arg8[%swap3A_95, %swap3A_96] : memref<2x128xf32, #tpu.memory_space<vmem>>, vector<2x128xf32>
      tpu.vector_store %arg8[%swap3A_95, %swap3A_96], %broadcast_in_dim3A_94 {strides = array<i32>} : memref<2x128xf32, #tpu.memory_space<vmem>>, vector<2x128xf32>,
    } else {
    }
    %reduce_sum3A = arith.constant dense<0.000000e+00> : vector<128xf32>
    %reduce_sum3A_76 = vector.multi_reduction <add>, %max3A_70, %reduce_sum3A [0] : vector<2000x128xf32> to vector<128xf32>
    %mul3A = arith.mulf %max3A_70, %max3A_70 : vector<2000x128xf32>
    %reduce_sum3A_77 = arith.constant dense<0.000000e+00> : vector<128xf32>
    %reduce_sum3A_78 = vector.multi_reduction <add>, %mul3A, %reduce_sum3A_77 [0] : vector<2000x128xf32> to vector<128xf32>
    %get3A_79 = arith.constant 0 : index
    %get3A_80 = arith.constant 0 : index
    %get3A_81 = vector.load %arg8[%get3A_79, %get3A_80] : memref<2x128xf32, #tpu.memory_space<vmem>>, vector<2x128xf32>
    %stack3A = vector.shape_cast %reduce_sum3A_76 : vector<128xf32> to vector<1x128xf32>
    %stack3A_82 = vector.shape_cast %reduce_sum3A_78 : vector<128xf32> to vector<1x128xf32>
    %stack3A_83 = tpu.concatenate %stack3A, %stack3A_82 in 0 : vector<1x128xf32>, vector<1x128xf32> -> vector<2x128xf32>
    %add3A_84 = arith.addf %get3A_81, %stack3A_83 : vector<2x128xf32>
    %swap3A_85 = arith.constant 0 : index
    %swap3A_86 = arith.constant 0 : index
    %swap3A_87 = vector.load %arg8[%swap3A_85, %swap3A_86] : memref<2x128xf32, #tpu.memory_space<vmem>>, vector<2x128xf32>
    tpu.vector_store %arg8[%swap3A_85, %swap3A_86], %add3A_84 {strides = array<i32>} : memref<2x128xf32, #tpu.memory_space<vmem>>, vector<2x128xf32>,
    %eq3A_88 = arith.constant 9 : i32
    %eq3A_89 = arith.cmpi eq, %arg0, %eq3A_88 : i32
    %convert_element_type3A_90 = arith.extui %eq3A_89 : i1 to i32
    %cond3A_91 = arith.constant 0 : i32
    %cond3A_92 = arith.cmpi ne, %convert_element_type3A_90, %cond3A_91 : i32
    scf.if %cond3A_92 {
      %get3A_93 = arith.constant 0 : index
      %get3A_94 = arith.constant 0 : index
      %get3A_95 = vector.load %arg8[%get3A_93, %get3A_94] : memref<2x128xf32, #tpu.memory_space<vmem>>, vector<2x128xf32>
      %broadcast_in_dim3A_96 = arith.constant 0.000000e+00 : f32
      %broadcast_in_dim3A_97 = vector.broadcast %broadcast_in_dim3A_96 : f32 to vector<16xf32>
      %broadcast_in_dim3A_98 = arith.constant 0.000000e+00 : f32
      %broadcast_in_dim3A_99 = vector.broadcast %broadcast_in_dim3A_98 : f32 to vector<16xf32>
      %slice3A = vector.extract_strided_slice %get3A_95 {offsets = [0, 0], sizes = [1, 16], strides = [1, 1]} : vector<2x128xf32> to vector<1x16xf32>
      %squeeze3A = vector.shape_cast %slice3A : vector<1x16xf32> to vector<16xf32>
      %add3A_100 = arith.addf %broadcast_in_dim3A_97, %squeeze3A : vector<16xf32>
      %slice3A_101 = vector.extract_strided_slice %get3A_95 {offsets = [1, 0], sizes = [1, 16], strides = [1, 1]} : vector<2x128xf32> to vector<1x16xf32>
      %squeeze3A_102 = vector.shape_cast %slice3A_101 : vector<1x16xf32> to vector<16xf32>
      %add3A_103 = arith.addf %broadcast_in_dim3A_99, %squeeze3A_102 : vector<16xf32>
      %slice3A_104 = vector.extract_strided_slice %get3A_95 {offsets = [0, 16], sizes = [1, 16], strides = [1, 1]} : vector<2x128xf32> to vector<1x16xf32>
      %squeeze3A_105 = vector.shape_cast %slice3A_104 : vector<1x16xf32> to vector<16xf32>
      %add3A_106 = arith.addf %add3A_100, %squeeze3A_105 : vector<16xf32>
      %slice3A_107 = vector.extract_strided_slice %get3A_95 {offsets = [1, 16], sizes = [1, 16], strides = [1, 1]} : vector<2x128xf32> to vector<1x16xf32>
      %squeeze3A_108 = vector.shape_cast %slice3A_107 : vector<1x16xf32> to vector<16xf32>
      %add3A_109 = arith.addf %add3A_103, %squeeze3A_108 : vector<16xf32>
      %slice3A_110 = vector.extract_strided_slice %get3A_95 {offsets = [0, 32], sizes = [1, 16], strides = [1, 1]} : vector<2x128xf32> to vector<1x16xf32>
      %squeeze3A_111 = vector.shape_cast %slice3A_110 : vector<1x16xf32> to vector<16xf32>
      %add3A_112 = arith.addf %add3A_106, %squeeze3A_111 : vector<16xf32>
      %slice3A_113 = vector.extract_strided_slice %get3A_95 {offsets = [1, 32], sizes = [1, 16], strides = [1, 1]} : vector<2x128xf32> to vector<1x16xf32>
      %squeeze3A_114 = vector.shape_cast %slice3A_113 : vector<1x16xf32> to vector<16xf32>
      %add3A_115 = arith.addf %add3A_109, %squeeze3A_114 : vector<16xf32>
      %slice3A_116 = vector.extract_strided_slice %get3A_95 {offsets = [0, 48], sizes = [1, 16], strides = [1, 1]} : vector<2x128xf32> to vector<1x16xf32>
      %squeeze3A_117 = vector.shape_cast %slice3A_116 : vector<1x16xf32> to vector<16xf32>
      %add3A_118 = arith.addf %add3A_112, %squeeze3A_117 : vector<16xf32>
      %slice3A_119 = vector.extract_strided_slice %get3A_95 {offsets = [1, 48], sizes = [1, 16], strides = [1, 1]} : vector<2x128xf32> to vector<1x16xf32>
      %squeeze3A_120 = vector.shape_cast %slice3A_119 : vector<1x16xf32> to vector<16xf32>
      %add3A_121 = arith.addf %add3A_115, %squeeze3A_120 : vector<16xf32>
      %slice3A_122 = vector.extract_strided_slice %get3A_95 {offsets = [0, 64], sizes = [1, 16], strides = [1, 1]} : vector<2x128xf32> to vector<1x16xf32>
      %squeeze3A_123 = vector.shape_cast %slice3A_122 : vector<1x16xf32> to vector<16xf32>
      %add3A_124 = arith.addf %add3A_118, %squeeze3A_123 : vector<16xf32>
      %slice3A_125 = vector.extract_strided_slice %get3A_95 {offsets = [1, 64], sizes = [1, 16], strides = [1, 1]} : vector<2x128xf32> to vector<1x16xf32>
      %squeeze3A_126 = vector.shape_cast %slice3A_125 : vector<1x16xf32> to vector<16xf32>
      %add3A_127 = arith.addf %add3A_121, %squeeze3A_126 : vector<16xf32>
      %slice3A_128 = vector.extract_strided_slice %get3A_95 {offsets = [0, 80], sizes = [1, 16], strides = [1, 1]} : vector<2x128xf32> to vector<1x16xf32>
      %squeeze3A_129 = vector.shape_cast %slice3A_128 : vector<1x16xf32> to vector<16xf32>
      %add3A_130 = arith.addf %add3A_124, %squeeze3A_129 : vector<16xf32>
      %slice3A_131 = vector.extract_strided_slice %get3A_95 {offsets = [1, 80], sizes = [1, 16], strides = [1, 1]} : vector<2x128xf32> to vector<1x16xf32>
      %squeeze3A_132 = vector.shape_cast %slice3A_131 : vector<1x16xf32> to vector<16xf32>
      %add3A_133 = arith.addf %add3A_127, %squeeze3A_132 : vector<16xf32>
      %slice3A_134 = vector.extract_strided_slice %get3A_95 {offsets = [0, 96], sizes = [1, 16], strides = [1, 1]} : vector<2x128xf32> to vector<1x16xf32>
      %squeeze3A_135 = vector.shape_cast %slice3A_134 : vector<1x16xf32> to vector<16xf32>
      %add3A_136 = arith.addf %add3A_130, %squeeze3A_135 : vector<16xf32>
      %slice3A_137 = vector.extract_strided_slice %get3A_95 {offsets = [1, 96], sizes = [1, 16], strides = [1, 1]} : vector<2x128xf32> to vector<1x16xf32>
      %squeeze3A_138 = vector.shape_cast %slice3A_137 : vector<1x16xf32> to vector<16xf32>
      %add3A_139 = arith.addf %add3A_133, %squeeze3A_138 : vector<16xf32>
      %slice3A_140 = vector.extract_strided_slice %get3A_95 {offsets = [0, 112], sizes = [1, 16], strides = [1, 1]} : vector<2x128xf32> to vector<1x16xf32>
      %squeeze3A_141 = vector.shape_cast %slice3A_140 : vector<1x16xf32> to vector<16xf32>
      %add3A_142 = arith.addf %add3A_136, %squeeze3A_141 : vector<16xf32>
      %slice3A_143 = vector.extract_strided_slice %get3A_95 {offsets = [1, 112], sizes = [1, 16], strides = [1, 1]} : vector<2x128xf32> to vector<1x16xf32>
      %squeeze3A_144 = vector.shape_cast %slice3A_143 : vector<1x16xf32> to vector<16xf32>
      %add3A_145 = arith.addf %add3A_139, %squeeze3A_144 : vector<16xf32>
      %div3A_146 = arith.constant 1.600000e+05 : f32
      %div3A_147 = vector.broadcast %div3A_146 : f32 to vector<16xf32>
      %div3A_148 = arith.divf %add3A_142, %div3A_147 : vector<16xf32>
      %div3A_149 = arith.constant 1.600000e+05 : f32
      %div3A_150 = vector.broadcast %div3A_149 : f32 to vector<16xf32>
      %div3A_151 = arith.divf %add3A_145, %div3A_150 : vector<16xf32>
      %mul3A_152 = arith.mulf %div3A_148, %div3A_148 : vector<16xf32>
      %sub3A_153 = arith.subf %div3A_151, %mul3A_152 : vector<16xf32>
      %get3A_154 = arith.constant 0 : index
      %get3A_155 = vector.load %arg4[%get3A_154] : memref<16xf32, #tpu.memory_space<vmem>>, vector<16xf32>
      %add3A_156 = arith.constant 9.99999974E-6 : f32
      %add3A_157 = vector.broadcast %add3A_156 : f32 to vector<16xf32>
      %add3A_158 = arith.addf %sub3A_153, %add3A_157 : vector<16xf32>
      %rsqrt3A = math.rsqrt %add3A_158 : vector<16xf32>
      %mul3A_159 = arith.mulf %get3A_155, %rsqrt3A : vector<16xf32>
      %get3A_160 = arith.constant 0 : index
      %get3A_161 = vector.load %arg5[%get3A_160] : memref<16xf32, #tpu.memory_space<vmem>>, vector<16xf32>
      %mul3A_162 = arith.mulf %div3A_148, %mul3A_159 : vector<16xf32>
      %sub3A_163 = arith.subf %get3A_161, %mul3A_162 : vector<16xf32>
      %stack3A_164 = vector.shape_cast %mul3A_159 : vector<16xf32> to vector<1x16xf32>
      %stack3A_165 = vector.shape_cast %sub3A_163 : vector<16xf32> to vector<1x16xf32>
      %stack3A_166 = tpu.concatenate %stack3A_164, %stack3A_165 in 0 : vector<1x16xf32>, vector<1x16xf32> -> vector<2x16xf32>
      %swap3A_167 = arith.constant 0 : index
      %swap3A_168 = arith.constant 0 : index
      %swap3A_169 = vector.load %arg7[%swap3A_167, %swap3A_168] : memref<2x16xf32, #tpu.memory_space<vmem>>, vector<2x16xf32>
      tpu.vector_store %arg7[%swap3A_167, %swap3A_168], %stack3A_166 {strides = array<i32>} : memref<2x16xf32, #tpu.memory_space<vmem>>, vector<2x16xf32>,
    } else {
    }
    return
  }
  func.func @transform_0(%arg0: i32) -> (i32, i32) {
    %c0_i32 = arith.constant 0 : i32
    %c0_i32_0 = arith.constant 0 : i32
    return %arg0, %c0_i32 : i32, i32
  }
  func.func @transform_1(%arg0: i32) -> (i32, i32) {
    %c0_i32 = arith.constant 0 : i32
    %c0_i32_0 = arith.constant 0 : i32
    %c0_i32_1 = arith.constant 0 : i32
    return %c0_i32, %c0_i32_0 : i32, i32
  }
  func.func @transform_2(%arg0: i32) -> i32 {
    %c0_i32 = arith.constant 0 : i32
    %c0_i32_0 = arith.constant 0 : i32
    return %c0_i32 : i32
  }
  func.func @transform_3(%arg0: i32) -> i32 {
    %c0_i32 = arith.constant 0 : i32
    %c0_i32_0 = arith.constant 0 : i32
    return %c0_i32 : i32
  }
  func.func @transform_4(%arg0: i32) -> i32 {
    %c0_i32 = arith.constant 0 : i32
    %c0_i32_0 = arith.constant 0 : i32
    return %c0_i32 : i32
  }
  func.func @transform_5(%arg0: i32) -> (i32, i32) {
    %c0_i32 = arith.constant 0 : i32
    %c0_i32_0 = arith.constant 0 : i32
    return %arg0, %c0_i32 : i32, i32
  }
  func.func @transform_6(%arg0: i32) -> (i32, i32) {
    %c0_i32 = arith.constant 0 : i32
    %c0_i32_0 = arith.constant 0 : i32
    %c0_i32_1 = arith.constant 0 : i32
    return %c0_i32, %c0_i32_0 : i32, i32
  }
}

module attributes {stable_mosaic.version = 14 : i64} {
  func.func @_msg_body(%arg0: i32, %arg1: memref<2000x128xf32, #tpu.memory_space<vmem>>, %arg2: memref<2000x128xf32, #tpu.memory_space<vmem>>, %arg3: memref<2x16xf32, #tpu.memory_space<vmem>>, %arg4: memref<16x256xf32, #tpu.memory_space<vmem>>, %arg5: memref<256xf32, #tpu.memory_space<vmem>>, %arg6: memref<2000x128xf32, #tpu.memory_space<vmem>>) attributes {dimension_semantics = [#tpu.dimension_semantics<arbitrary>], iteration_bounds = array<i64: 10>, scalar_prefetch = 0 : i64, scratch_operands = 0 : i64, tpu.core_type = #tpu.core_type<tc>, window_params = [{transform_indices = @transform_0, window_bounds = array<i64: 2000, 128>}, {transform_indices = @transform_1, window_bounds = array<i64: 2000, 128>}, {pipeline_mode = #tpu.pipeline_mode<synchronous>, transform_indices = @transform_2, window_bounds = array<i64: 2, 16>}, {pipeline_mode = #tpu.pipeline_mode<synchronous>, transform_indices = @transform_3, window_bounds = array<i64: 16, 256>}, {pipeline_mode = #tpu.pipeline_mode<synchronous>, transform_indices = @transform_4, window_bounds = array<i64: 256>}, {transform_indices = @transform_5, window_bounds = array<i64: 2000, 128>}]} {
    %get3A = arith.constant 0 : index
    %get3A_0 = arith.constant 0 : index
    %get3A_1 = vector.load %arg3[%get3A, %get3A_0] : memref<2x16xf32, #tpu.memory_space<vmem>>, vector<1x16xf32>
    %get3A_2 = vector.shape_cast %get3A_1 : vector<1x16xf32> to vector<16xf32>
    %get3A_3 = arith.constant 1 : index
    %get3A_4 = arith.constant 0 : index
    %get3A_5 = vector.load %arg3[%get3A_3, %get3A_4] : memref<2x16xf32, #tpu.memory_space<vmem>>, vector<1x16xf32>
    %get3A_6 = vector.shape_cast %get3A_5 : vector<1x16xf32> to vector<16xf32>
    %broadcast_in_dim3A = vector.shape_cast %get3A_2 : vector<16xf32> to vector<16x1xf32>
    %get3A_7 = arith.constant 0 : index
    %get3A_8 = arith.constant 0 : index
    %get3A_9 = vector.load %arg4[%get3A_7, %get3A_8] : memref<16x256xf32, #tpu.memory_space<vmem>>, vector<16x256xf32>
    %mul3A = vector.broadcast %broadcast_in_dim3A : vector<16x1xf32> to vector<16x256xf32>
    %mul3A_10 = arith.mulf %mul3A, %get3A_9 : vector<16x256xf32>
    %get3A_11 = arith.constant 0 : index
    %get3A_12 = vector.load %arg5[%get3A_11] : memref<256xf32, #tpu.memory_space<vmem>>, vector<256xf32>
    %broadcast_in_dim3A_13 = vector.shape_cast %get3A_6 : vector<16xf32> to vector<1x16xf32>
    %get3A_14 = arith.constant 0 : index
    %get3A_15 = arith.constant 0 : index
    %get3A_16 = vector.load %arg4[%get3A_14, %get3A_15] : memref<16x256xf32, #tpu.memory_space<vmem>>, vector<16x256xf32>
    %dot_general3A = arith.constant dense<0.000000e+00> : vector<1x256xf32>
    %dot_general3A_17 = tpu.matmul %broadcast_in_dim3A_13, %get3A_16, %dot_general3A {dimension_numbers = #tpu.dot_dimension_numbers<[1], [0], [0], [1], [0, 0, 1, 1], [], []>, transpose_lhs_hint = false} : vector<1x16xf32>, vector<16x256xf32>, vector<1x256xf32> -> vector<1x256xf32>
    %squeeze3A = vector.shape_cast %dot_general3A_17 : vector<1x256xf32> to vector<256xf32>
    %add3A = arith.addf %get3A_12, %squeeze3A : vector<256xf32>
    %iota3A = tpu.iota {dimensions = array<i32: 0>} : vector<256x16xi32>
    %iota3A_18 = tpu.iota {dimensions = array<i32: 1>} : vector<256x16xi32>
    %jit3A = arith.constant 16 : i32
    %div3A = vector.broadcast %jit3A : i32 to vector<256x16xi32>
    %div3A_19 = arith.divsi %iota3A, %div3A : vector<256x16xi32>
    %sign3A = arith.constant 0 : i32
    %sign3A_20 = vector.broadcast %sign3A : i32 to vector<256x16xi32>
    %sign3A_21 = arith.cmpi sgt, %iota3A, %sign3A_20 : vector<256x16xi32>
    %sign3A_22 = arith.extui %sign3A_21 : vector<256x16xi1> to vector<256x16xi32>
    %sign3A_23 = arith.constant 0 : i32
    %sign3A_24 = vector.broadcast %sign3A_23 : i32 to vector<256x16xi32>
    %sign3A_25 = arith.cmpi slt, %iota3A, %sign3A_24 : vector<256x16xi32>
    %sign3A_26 = arith.extui %sign3A_25 : vector<256x16xi1> to vector<256x16xi32>
    %sign3A_27 = arith.subi %sign3A_22, %sign3A_26 : vector<256x16xi32>
    %sign3A_28 = arith.constant 0 : i32
    %sign3A_29 = arith.cmpi sgt, %jit3A, %sign3A_28 : i32
    %sign3A_30 = arith.extui %sign3A_29 : i1 to i32
    %sign3A_31 = arith.constant 0 : i32
    %sign3A_32 = arith.cmpi slt, %jit3A, %sign3A_31 : i32
    %sign3A_33 = arith.extui %sign3A_32 : i1 to i32
    %sign3A_34 = arith.subi %sign3A_30, %sign3A_33 : i32
    %ne3A = vector.broadcast %sign3A_34 : i32 to vector<256x16xi32>
    %ne3A_35 = arith.cmpi ne, %sign3A_27, %ne3A : vector<256x16xi32>
    %rem3A = vector.broadcast %jit3A : i32 to vector<256x16xi32>
    %rem3A_36 = arith.remsi %iota3A, %rem3A : vector<256x16xi32>
    %ne3A_37 = arith.constant 0 : i32
    %ne3A_38 = vector.broadcast %ne3A_37 : i32 to vector<256x16xi32>
    %ne3A_39 = arith.cmpi ne, %rem3A_36, %ne3A_38 : vector<256x16xi32>
    %and3A = arith.andi %ne3A_35, %ne3A_39 : vector<256x16xi1>
    %sub3A = arith.constant 1 : i32
    %sub3A_40 = vector.broadcast %sub3A : i32 to vector<256x16xi32>
    %sub3A_41 = arith.subi %div3A_19, %sub3A_40 : vector<256x16xi32>
    %select_n3A = arith.select %and3A, %sub3A_41, %div3A_19 : vector<256x16xi1>, vector<256x16xi32>
    %eq3A = arith.cmpi eq, %select_n3A, %iota3A_18 : vector<256x16xi32>
    %convert_element_type3A = arith.extui %eq3A : vector<256x16xi1> to vector<256x16xi32>
    %convert_element_type3A_42 = arith.sitofp %convert_element_type3A : vector<256x16xi32> to vector<256x16xf32>
    %iota3A_43 = tpu.iota {dimensions = array<i32: 0>} : vector<16x256xi32>
    %iota3A_44 = tpu.iota {dimensions = array<i32: 1>} : vector<16x256xi32>
    %jit3A_45 = arith.constant 16 : i32
    %eq3A_46 = arith.constant 0 : i32
    %eq3A_47 = arith.cmpi eq, %jit3A_45, %eq3A_46 : i32
    %jit3A_48 = arith.constant 1 : i32
    %select_n3A_49 = arith.select %eq3A_47, %jit3A_48, %jit3A_45 : i32
    %rem3A_50 = vector.broadcast %select_n3A_49 : i32 to vector<16x256xi32>
    %rem3A_51 = arith.remsi %iota3A_44, %rem3A_50 : vector<16x256xi32>
    %ne3A_52 = arith.constant 0 : i32
    %ne3A_53 = vector.broadcast %ne3A_52 : i32 to vector<16x256xi32>
    %ne3A_54 = arith.cmpi ne, %rem3A_51, %ne3A_53 : vector<16x256xi32>
    %lt3A = arith.constant 0 : i32
    %lt3A_55 = vector.broadcast %lt3A : i32 to vector<16x256xi32>
    %lt3A_56 = arith.cmpi slt, %rem3A_51, %lt3A_55 : vector<16x256xi32>
    %lt3A_57 = arith.constant 0 : i32
    %lt3A_58 = arith.cmpi slt, %select_n3A_49, %lt3A_57 : i32
    %ne3A_59 = vector.broadcast %lt3A_58 : i1 to vector<16x256xi1>
    %ne3A_60 = vector.broadcast %ne3A_59 : vector<16x256xi1> to vector<16x256xi1>
    %ne3A_61 = arith.xori %lt3A_56, %ne3A_60 : vector<16x256xi1>
    %and3A_62 = arith.andi %ne3A_61, %ne3A_54 : vector<16x256xi1>
    %add3A_63 = vector.broadcast %select_n3A_49 : i32 to vector<16x256xi32>
    %add3A_64 = arith.addi %rem3A_51, %add3A_63 : vector<16x256xi32>
    %select_n3A_65 = arith.select %and3A_62, %add3A_64, %rem3A_51 : vector<16x256xi1>, vector<16x256xi32>
    %eq3A_66 = arith.cmpi eq, %select_n3A_65, %iota3A_43 : vector<16x256xi32>
    %convert_element_type3A_67 = arith.extui %eq3A_66 : vector<16x256xi1> to vector<16x256xi32>
    %convert_element_type3A_68 = arith.sitofp %convert_element_type3A_67 : vector<16x256xi32> to vector<16x256xf32>
    %get3A_69 = arith.constant 0 : index
    %get3A_70 = arith.constant 0 : index
    %get3A_71 = vector.load %arg1[%get3A_69, %get3A_70] : memref<2000x128xf32, #tpu.memory_space<vmem>>, vector<2000x16xf32>
    %get3A_72 = arith.constant 0 : index
    %get3A_73 = arith.constant 0 : index
    %get3A_74 = vector.load %arg2[%get3A_72, %get3A_73] : memref<2000x128xf32, #tpu.memory_space<vmem>>, vector<2000x16xf32>
    %dot_general3A_75 = arith.constant dense<0.000000e+00> : vector<2000x256xf32>
    %dot_general3A_76 = tpu.matmul %get3A_71, %mul3A_10, %dot_general3A_75 {dimension_numbers = #tpu.dot_dimension_numbers<[1], [0], [0], [1], [0, 0, 1, 1], [], []>, transpose_lhs_hint = false} : vector<2000x16xf32>, vector<16x256xf32>, vector<2000x256xf32> -> vector<2000x256xf32>
    %broadcast_in_dim3A_77 = vector.shape_cast %add3A : vector<256xf32> to vector<1x256xf32>
    %add3A_78 = vector.broadcast %broadcast_in_dim3A_77 : vector<1x256xf32> to vector<2000x256xf32>
    %add3A_79 = arith.addf %dot_general3A_76, %add3A_78 : vector<2000x256xf32>
    %tanh3A = math.tanh %add3A_79 : vector<2000x256xf32>
    %dot_general3A_80 = arith.constant dense<0.000000e+00> : vector<2000x256xf32>
    %dot_general3A_81 = tpu.matmul %get3A_74, %convert_element_type3A_68, %dot_general3A_80 {dimension_numbers = #tpu.dot_dimension_numbers<[1], [0], [0], [1], [0, 0, 1, 1], [], []>, transpose_lhs_hint = false} : vector<2000x16xf32>, vector<16x256xf32>, vector<2000x256xf32> -> vector<2000x256xf32>
    %mul3A_82 = arith.mulf %tanh3A, %dot_general3A_81 : vector<2000x256xf32>
    %dot_general3A_83 = arith.constant dense<0.000000e+00> : vector<2000x16xf32>
    %dot_general3A_84 = tpu.matmul %mul3A_82, %convert_element_type3A_42, %dot_general3A_83 {dimension_numbers = #tpu.dot_dimension_numbers<[1], [0], [0], [1], [0, 0, 1, 1], [], []>, transpose_lhs_hint = false} : vector<2000x256xf32>, vector<256x16xf32>, vector<2000x16xf32> -> vector<2000x16xf32>
    %get3A_85 = arith.constant 0 : index
    %get3A_86 = arith.constant 16 : index
    %get3A_87 = vector.load %arg1[%get3A_85, %get3A_86] : memref<2000x128xf32, #tpu.memory_space<vmem>>, vector<2000x16xf32>
    %get3A_88 = arith.constant 0 : index
    %get3A_89 = arith.constant 16 : index
    %get3A_90 = vector.load %arg2[%get3A_88, %get3A_89] : memref<2000x128xf32, #tpu.memory_space<vmem>>, vector<2000x16xf32>
    %dot_general3A_91 = arith.constant dense<0.000000e+00> : vector<2000x256xf32>
    %dot_general3A_92 = tpu.matmul %get3A_87, %mul3A_10, %dot_general3A_91 {dimension_numbers = #tpu.dot_dimension_numbers<[1], [0], [0], [1], [0, 0, 1, 1], [], []>, transpose_lhs_hint = false} : vector<2000x16xf32>, vector<16x256xf32>, vector<2000x256xf32> -> vector<2000x256xf32>
    %broadcast_in_dim3A_93 = vector.shape_cast %add3A : vector<256xf32> to vector<1x256xf32>
    %add3A_94 = vector.broadcast %broadcast_in_dim3A_93 : vector<1x256xf32> to vector<2000x256xf32>
    %add3A_95 = arith.addf %dot_general3A_92, %add3A_94 : vector<2000x256xf32>
    %tanh3A_96 = math.tanh %add3A_95 : vector<2000x256xf32>
    %dot_general3A_97 = arith.constant dense<0.000000e+00> : vector<2000x256xf32>
    %dot_general3A_98 = tpu.matmul %get3A_90, %convert_element_type3A_68, %dot_general3A_97 {dimension_numbers = #tpu.dot_dimension_numbers<[1], [0], [0], [1], [0, 0, 1, 1], [], []>, transpose_lhs_hint = false} : vector<2000x16xf32>, vector<16x256xf32>, vector<2000x256xf32> -> vector<2000x256xf32>
    %mul3A_99 = arith.mulf %tanh3A_96, %dot_general3A_98 : vector<2000x256xf32>
    %dot_general3A_100 = arith.constant dense<0.000000e+00> : vector<2000x16xf32>
    %dot_general3A_101 = tpu.matmul %mul3A_99, %convert_element_type3A_42, %dot_general3A_100 {dimension_numbers = #tpu.dot_dimension_numbers<[1], [0], [0], [1], [0, 0, 1, 1], [], []>, transpose_lhs_hint = false} : vector<2000x256xf32>, vector<256x16xf32>, vector<2000x16xf32> -> vector<2000x16xf32>
    %get3A_102 = arith.constant 0 : index
    %get3A_103 = arith.constant 32 : index
    %get3A_104 = vector.load %arg1[%get3A_102, %get3A_103] : memref<2000x128xf32, #tpu.memory_space<vmem>>, vector<2000x16xf32>
    %get3A_105 = arith.constant 0 : index
    %get3A_106 = arith.constant 32 : index
    %get3A_107 = vector.load %arg2[%get3A_105, %get3A_106] : memref<2000x128xf32, #tpu.memory_space<vmem>>, vector<2000x16xf32>
    %dot_general3A_108 = arith.constant dense<0.000000e+00> : vector<2000x256xf32>
    %dot_general3A_109 = tpu.matmul %get3A_104, %mul3A_10, %dot_general3A_108 {dimension_numbers = #tpu.dot_dimension_numbers<[1], [0], [0], [1], [0, 0, 1, 1], [], []>, transpose_lhs_hint = false} : vector<2000x16xf32>, vector<16x256xf32>, vector<2000x256xf32> -> vector<2000x256xf32>
    %broadcast_in_dim3A_110 = vector.shape_cast %add3A : vector<256xf32> to vector<1x256xf32>
    %add3A_111 = vector.broadcast %broadcast_in_dim3A_110 : vector<1x256xf32> to vector<2000x256xf32>
    %add3A_112 = arith.addf %dot_general3A_109, %add3A_111 : vector<2000x256xf32>
    %tanh3A_113 = math.tanh %add3A_112 : vector<2000x256xf32>
    %dot_general3A_114 = arith.constant dense<0.000000e+00> : vector<2000x256xf32>
    %dot_general3A_115 = tpu.matmul %get3A_107, %convert_element_type3A_68, %dot_general3A_114 {dimension_numbers = #tpu.dot_dimension_numbers<[1], [0], [0], [1], [0, 0, 1, 1], [], []>, transpose_lhs_hint = false} : vector<2000x16xf32>, vector<16x256xf32>, vector<2000x256xf32> -> vector<2000x256xf32>
    %mul3A_116 = arith.mulf %tanh3A_113, %dot_general3A_115 : vector<2000x256xf32>
    %dot_general3A_117 = arith.constant dense<0.000000e+00> : vector<2000x16xf32>
    %dot_general3A_118 = tpu.matmul %mul3A_116, %convert_element_type3A_42, %dot_general3A_117 {dimension_numbers = #tpu.dot_dimension_numbers<[1], [0], [0], [1], [0, 0, 1, 1], [], []>, transpose_lhs_hint = false} : vector<2000x256xf32>, vector<256x16xf32>, vector<2000x16xf32> -> vector<2000x16xf32>
    %get3A_119 = arith.constant 0 : index
    %get3A_120 = arith.constant 48 : index
    %get3A_121 = vector.load %arg1[%get3A_119, %get3A_120] : memref<2000x128xf32, #tpu.memory_space<vmem>>, vector<2000x16xf32>
    %get3A_122 = arith.constant 0 : index
    %get3A_123 = arith.constant 48 : index
    %get3A_124 = vector.load %arg2[%get3A_122, %get3A_123] : memref<2000x128xf32, #tpu.memory_space<vmem>>, vector<2000x16xf32>
    %dot_general3A_125 = arith.constant dense<0.000000e+00> : vector<2000x256xf32>
    %dot_general3A_126 = tpu.matmul %get3A_121, %mul3A_10, %dot_general3A_125 {dimension_numbers = #tpu.dot_dimension_numbers<[1], [0], [0], [1], [0, 0, 1, 1], [], []>, transpose_lhs_hint = false} : vector<2000x16xf32>, vector<16x256xf32>, vector<2000x256xf32> -> vector<2000x256xf32>
    %broadcast_in_dim3A_127 = vector.shape_cast %add3A : vector<256xf32> to vector<1x256xf32>
    %add3A_128 = vector.broadcast %broadcast_in_dim3A_127 : vector<1x256xf32> to vector<2000x256xf32>
    %add3A_129 = arith.addf %dot_general3A_126, %add3A_128 : vector<2000x256xf32>
    %tanh3A_130 = math.tanh %add3A_129 : vector<2000x256xf32>
    %dot_general3A_131 = arith.constant dense<0.000000e+00> : vector<2000x256xf32>
    %dot_general3A_132 = tpu.matmul %get3A_124, %convert_element_type3A_68, %dot_general3A_131 {dimension_numbers = #tpu.dot_dimension_numbers<[1], [0], [0], [1], [0, 0, 1, 1], [], []>, transpose_lhs_hint = false} : vector<2000x16xf32>, vector<16x256xf32>, vector<2000x256xf32> -> vector<2000x256xf32>
    %mul3A_133 = arith.mulf %tanh3A_130, %dot_general3A_132 : vector<2000x256xf32>
    %dot_general3A_134 = arith.constant dense<0.000000e+00> : vector<2000x16xf32>
    %dot_general3A_135 = tpu.matmul %mul3A_133, %convert_element_type3A_42, %dot_general3A_134 {dimension_numbers = #tpu.dot_dimension_numbers<[1], [0], [0], [1], [0, 0, 1, 1], [], []>, transpose_lhs_hint = false} : vector<2000x256xf32>, vector<256x16xf32>, vector<2000x16xf32> -> vector<2000x16xf32>
    %get3A_136 = arith.constant 0 : index
    %get3A_137 = arith.constant 64 : index
    %get3A_138 = vector.load %arg1[%get3A_136, %get3A_137] : memref<2000x128xf32, #tpu.memory_space<vmem>>, vector<2000x16xf32>
    %get3A_139 = arith.constant 0 : index
    %get3A_140 = arith.constant 64 : index
    %get3A_141 = vector.load %arg2[%get3A_139, %get3A_140] : memref<2000x128xf32, #tpu.memory_space<vmem>>, vector<2000x16xf32>
    %dot_general3A_142 = arith.constant dense<0.000000e+00> : vector<2000x256xf32>
    %dot_general3A_143 = tpu.matmul %get3A_138, %mul3A_10, %dot_general3A_142 {dimension_numbers = #tpu.dot_dimension_numbers<[1], [0], [0], [1], [0, 0, 1, 1], [], []>, transpose_lhs_hint = false} : vector<2000x16xf32>, vector<16x256xf32>, vector<2000x256xf32> -> vector<2000x256xf32>
    %broadcast_in_dim3A_144 = vector.shape_cast %add3A : vector<256xf32> to vector<1x256xf32>
    %add3A_145 = vector.broadcast %broadcast_in_dim3A_144 : vector<1x256xf32> to vector<2000x256xf32>
    %add3A_146 = arith.addf %dot_general3A_143, %add3A_145 : vector<2000x256xf32>
    %tanh3A_147 = math.tanh %add3A_146 : vector<2000x256xf32>
    %dot_general3A_148 = arith.constant dense<0.000000e+00> : vector<2000x256xf32>
    %dot_general3A_149 = tpu.matmul %get3A_141, %convert_element_type3A_68, %dot_general3A_148 {dimension_numbers = #tpu.dot_dimension_numbers<[1], [0], [0], [1], [0, 0, 1, 1], [], []>, transpose_lhs_hint = false} : vector<2000x16xf32>, vector<16x256xf32>, vector<2000x256xf32> -> vector<2000x256xf32>
    %mul3A_150 = arith.mulf %tanh3A_147, %dot_general3A_149 : vector<2000x256xf32>
    %dot_general3A_151 = arith.constant dense<0.000000e+00> : vector<2000x16xf32>
    %dot_general3A_152 = tpu.matmul %mul3A_150, %convert_element_type3A_42, %dot_general3A_151 {dimension_numbers = #tpu.dot_dimension_numbers<[1], [0], [0], [1], [0, 0, 1, 1], [], []>, transpose_lhs_hint = false} : vector<2000x256xf32>, vector<256x16xf32>, vector<2000x16xf32> -> vector<2000x16xf32>
    %get3A_153 = arith.constant 0 : index
    %get3A_154 = arith.constant 80 : index
    %get3A_155 = vector.load %arg1[%get3A_153, %get3A_154] : memref<2000x128xf32, #tpu.memory_space<vmem>>, vector<2000x16xf32>
    %get3A_156 = arith.constant 0 : index
    %get3A_157 = arith.constant 80 : index
    %get3A_158 = vector.load %arg2[%get3A_156, %get3A_157] : memref<2000x128xf32, #tpu.memory_space<vmem>>, vector<2000x16xf32>
    %dot_general3A_159 = arith.constant dense<0.000000e+00> : vector<2000x256xf32>
    %dot_general3A_160 = tpu.matmul %get3A_155, %mul3A_10, %dot_general3A_159 {dimension_numbers = #tpu.dot_dimension_numbers<[1], [0], [0], [1], [0, 0, 1, 1], [], []>, transpose_lhs_hint = false} : vector<2000x16xf32>, vector<16x256xf32>, vector<2000x256xf32> -> vector<2000x256xf32>
    %broadcast_in_dim3A_161 = vector.shape_cast %add3A : vector<256xf32> to vector<1x256xf32>
    %add3A_162 = vector.broadcast %broadcast_in_dim3A_161 : vector<1x256xf32> to vector<2000x256xf32>
    %add3A_163 = arith.addf %dot_general3A_160, %add3A_162 : vector<2000x256xf32>
    %tanh3A_164 = math.tanh %add3A_163 : vector<2000x256xf32>
    %dot_general3A_165 = arith.constant dense<0.000000e+00> : vector<2000x256xf32>
    %dot_general3A_166 = tpu.matmul %get3A_158, %convert_element_type3A_68, %dot_general3A_165 {dimension_numbers = #tpu.dot_dimension_numbers<[1], [0], [0], [1], [0, 0, 1, 1], [], []>, transpose_lhs_hint = false} : vector<2000x16xf32>, vector<16x256xf32>, vector<2000x256xf32> -> vector<2000x256xf32>
    %mul3A_167 = arith.mulf %tanh3A_164, %dot_general3A_166 : vector<2000x256xf32>
    %dot_general3A_168 = arith.constant dense<0.000000e+00> : vector<2000x16xf32>
    %dot_general3A_169 = tpu.matmul %mul3A_167, %convert_element_type3A_42, %dot_general3A_168 {dimension_numbers = #tpu.dot_dimension_numbers<[1], [0], [0], [1], [0, 0, 1, 1], [], []>, transpose_lhs_hint = false} : vector<2000x256xf32>, vector<256x16xf32>, vector<2000x16xf32> -> vector<2000x16xf32>
    %get3A_170 = arith.constant 0 : index
    %get3A_171 = arith.constant 96 : index
    %get3A_172 = vector.load %arg1[%get3A_170, %get3A_171] : memref<2000x128xf32, #tpu.memory_space<vmem>>, vector<2000x16xf32>
    %get3A_173 = arith.constant 0 : index
    %get3A_174 = arith.constant 96 : index
    %get3A_175 = vector.load %arg2[%get3A_173, %get3A_174] : memref<2000x128xf32, #tpu.memory_space<vmem>>, vector<2000x16xf32>
    %dot_general3A_176 = arith.constant dense<0.000000e+00> : vector<2000x256xf32>
    %dot_general3A_177 = tpu.matmul %get3A_172, %mul3A_10, %dot_general3A_176 {dimension_numbers = #tpu.dot_dimension_numbers<[1], [0], [0], [1], [0, 0, 1, 1], [], []>, transpose_lhs_hint = false} : vector<2000x16xf32>, vector<16x256xf32>, vector<2000x256xf32> -> vector<2000x256xf32>
    %broadcast_in_dim3A_178 = vector.shape_cast %add3A : vector<256xf32> to vector<1x256xf32>
    %add3A_179 = vector.broadcast %broadcast_in_dim3A_178 : vector<1x256xf32> to vector<2000x256xf32>
    %add3A_180 = arith.addf %dot_general3A_177, %add3A_179 : vector<2000x256xf32>
    %tanh3A_181 = math.tanh %add3A_180 : vector<2000x256xf32>
    %dot_general3A_182 = arith.constant dense<0.000000e+00> : vector<2000x256xf32>
    %dot_general3A_183 = tpu.matmul %get3A_175, %convert_element_type3A_68, %dot_general3A_182 {dimension_numbers = #tpu.dot_dimension_numbers<[1], [0], [0], [1], [0, 0, 1, 1], [], []>, transpose_lhs_hint = false} : vector<2000x16xf32>, vector<16x256xf32>, vector<2000x256xf32> -> vector<2000x256xf32>
    %mul3A_184 = arith.mulf %tanh3A_181, %dot_general3A_183 : vector<2000x256xf32>
    %dot_general3A_185 = arith.constant dense<0.000000e+00> : vector<2000x16xf32>
    %dot_general3A_186 = tpu.matmul %mul3A_184, %convert_element_type3A_42, %dot_general3A_185 {dimension_numbers = #tpu.dot_dimension_numbers<[1], [0], [0], [1], [0, 0, 1, 1], [], []>, transpose_lhs_hint = false} : vector<2000x256xf32>, vector<256x16xf32>, vector<2000x16xf32> -> vector<2000x16xf32>
    %get3A_187 = arith.constant 0 : index
    %get3A_188 = arith.constant 112 : index
    %get3A_189 = vector.load %arg1[%get3A_187, %get3A_188] : memref<2000x128xf32, #tpu.memory_space<vmem>>, vector<2000x16xf32>
    %get3A_190 = arith.constant 0 : index
    %get3A_191 = arith.constant 112 : index
    %get3A_192 = vector.load %arg2[%get3A_190, %get3A_191] : memref<2000x128xf32, #tpu.memory_space<vmem>>, vector<2000x16xf32>
    %dot_general3A_193 = arith.constant dense<0.000000e+00> : vector<2000x256xf32>
    %dot_general3A_194 = tpu.matmul %get3A_189, %mul3A_10, %dot_general3A_193 {dimension_numbers = #tpu.dot_dimension_numbers<[1], [0], [0], [1], [0, 0, 1, 1], [], []>, transpose_lhs_hint = false} : vector<2000x16xf32>, vector<16x256xf32>, vector<2000x256xf32> -> vector<2000x256xf32>
    %broadcast_in_dim3A_195 = vector.shape_cast %add3A : vector<256xf32> to vector<1x256xf32>
    %add3A_196 = vector.broadcast %broadcast_in_dim3A_195 : vector<1x256xf32> to vector<2000x256xf32>
    %add3A_197 = arith.addf %dot_general3A_194, %add3A_196 : vector<2000x256xf32>
    %tanh3A_198 = math.tanh %add3A_197 : vector<2000x256xf32>
    %dot_general3A_199 = arith.constant dense<0.000000e+00> : vector<2000x256xf32>
    %dot_general3A_200 = tpu.matmul %get3A_192, %convert_element_type3A_68, %dot_general3A_199 {dimension_numbers = #tpu.dot_dimension_numbers<[1], [0], [0], [1], [0, 0, 1, 1], [], []>, transpose_lhs_hint = false} : vector<2000x16xf32>, vector<16x256xf32>, vector<2000x256xf32> -> vector<2000x256xf32>
    %mul3A_201 = arith.mulf %tanh3A_198, %dot_general3A_200 : vector<2000x256xf32>
    %dot_general3A_202 = arith.constant dense<0.000000e+00> : vector<2000x16xf32>
    %dot_general3A_203 = tpu.matmul %mul3A_201, %convert_element_type3A_42, %dot_general3A_202 {dimension_numbers = #tpu.dot_dimension_numbers<[1], [0], [0], [1], [0, 0, 1, 1], [], []>, transpose_lhs_hint = false} : vector<2000x256xf32>, vector<256x16xf32>, vector<2000x16xf32> -> vector<2000x16xf32>
    %concatenate3A = tpu.concatenate %dot_general3A_84, %dot_general3A_101, %dot_general3A_118, %dot_general3A_135, %dot_general3A_152, %dot_general3A_169, %dot_general3A_186, %dot_general3A_203 in 1 : vector<2000x16xf32>, vector<2000x16xf32>, vector<2000x16xf32>, vector<2000x16xf32>, vector<2000x16xf32>, vector<2000x16xf32>, vector<2000x16xf32>, vector<2000x16xf32> -> vector<2000x128xf32>
    %swap3A = arith.constant 0 : index
    %swap3A_204 = arith.constant 0 : index
    %swap3A_205 = vector.load %arg6[%swap3A, %swap3A_204] : memref<2000x128xf32, #tpu.memory_space<vmem>>, vector<2000x128xf32>
    tpu.vector_store %arg6[%swap3A, %swap3A_204], %concatenate3A {strides = array<i32>} : memref<2000x128xf32, #tpu.memory_space<vmem>>, vector<2000x128xf32>,
    return
  }
  func.func @transform_0(%arg0: i32) -> (i32, i32) {
    %c0_i32 = arith.constant 0 : i32
    %c0_i32_0 = arith.constant 0 : i32
    return %arg0, %c0_i32 : i32, i32
  }
  func.func @transform_1(%arg0: i32) -> (i32, i32) {
    %c0_i32 = arith.constant 0 : i32
    %c0_i32_0 = arith.constant 0 : i32
    return %arg0, %c0_i32 : i32, i32
  }
  func.func @transform_2(%arg0: i32) -> (i32, i32) {
    %c0_i32 = arith.constant 0 : i32
    %c0_i32_0 = arith.constant 0 : i32
    %c0_i32_1 = arith.constant 0 : i32
    return %c0_i32, %c0_i32_0 : i32, i32
  }
  func.func @transform_3(%arg0: i32) -> (i32, i32) {
    %c0_i32 = arith.constant 0 : i32
    %c0_i32_0 = arith.constant 0 : i32
    %c0_i32_1 = arith.constant 0 : i32
    return %c0_i32, %c0_i32_0 : i32, i32
  }
  func.func @transform_4(%arg0: i32) -> i32 {
    %c0_i32 = arith.constant 0 : i32
    %c0_i32_0 = arith.constant 0 : i32
    return %c0_i32 : i32
  }
  func.func @transform_5(%arg0: i32) -> (i32, i32) {
    %c0_i32 = arith.constant 0 : i32
    %c0_i32_0 = arith.constant 0 : i32
    return %arg0, %c0_i32 : i32, i32
  }
}

module attributes {stable_mosaic.version = 14 : i64} {
  func.func @_update_body(%arg0: memref<10000x16xf32, #tpu.memory_space<vmem>>, %arg1: memref<2x10000x16xf32, #tpu.memory_space<vmem>>, %arg2: memref<2x10000x16xf32, #tpu.memory_space<vmem>>, %arg3: memref<16x16xf32, #tpu.memory_space<vmem>>, %arg4: memref<16xf32, #tpu.memory_space<vmem>>, %arg5: memref<16xf32, #tpu.memory_space<vmem>>, %arg6: memref<16xf32, #tpu.memory_space<vmem>>, %arg7: memref<10000x16xf32, #tpu.memory_space<vmem>>) attributes {dimension_semantics = [], scalar_prefetch = 0 : i64, scratch_operands = 0 : i64, tpu.core_type = #tpu.core_type<tc>} {
    %get3A = arith.constant 0 : index
    %get3A_0 = arith.constant 0 : index
    %get3A_1 = arith.constant 0 : index
    %get3A_2 = vector.load %arg1[%get3A, %get3A_0, %get3A_1] : memref<2x10000x16xf32, #tpu.memory_space<vmem>>, vector<1x10000x16xf32>
    %get3A_3 = vector.shape_cast %get3A_2 : vector<1x10000x16xf32> to vector<10000x16xf32>
    %get3A_4 = arith.constant 1 : index
    %get3A_5 = arith.constant 0 : index
    %get3A_6 = arith.constant 0 : index
    %get3A_7 = vector.load %arg1[%get3A_4, %get3A_5, %get3A_6] : memref<2x10000x16xf32, #tpu.memory_space<vmem>>, vector<1x10000x16xf32>
    %get3A_8 = vector.shape_cast %get3A_7 : vector<1x10000x16xf32> to vector<10000x16xf32>
    %add3A = arith.addf %get3A_3, %get3A_8 : vector<10000x16xf32>
    %get3A_9 = arith.constant 0 : index
    %get3A_10 = arith.constant 0 : index
    %get3A_11 = arith.constant 0 : index
    %get3A_12 = vector.load %arg2[%get3A_9, %get3A_10, %get3A_11] : memref<2x10000x16xf32, #tpu.memory_space<vmem>>, vector<1x10000x1xf32>
    %get3A_13 = vector.shape_cast %get3A_12 : vector<1x10000x1xf32> to vector<10000x1xf32>
    %get3A_14 = arith.constant 1 : index
    %get3A_15 = arith.constant 0 : index
    %get3A_16 = arith.constant 0 : index
    %get3A_17 = vector.load %arg2[%get3A_14, %get3A_15, %get3A_16] : memref<2x10000x16xf32, #tpu.memory_space<vmem>>, vector<1x10000x1xf32>
    %get3A_18 = vector.shape_cast %get3A_17 : vector<1x10000x1xf32> to vector<10000x1xf32>
    %add3A_19 = arith.addf %get3A_13, %get3A_18 : vector<10000x1xf32>
    %max3A = arith.constant 1.000000e+00 : f32
    %max3A_20 = vector.broadcast %max3A : f32 to vector<10000x1xf32>
    %max3A_21 = arith.maximumf %add3A_19, %max3A_20 : vector<10000x1xf32>
    %div3A = vector.broadcast %max3A_21 : vector<10000x1xf32> to vector<10000x16xf32>
    %div3A_22 = arith.divf %add3A, %div3A : vector<10000x16xf32>
    %get3A_23 = arith.constant 0 : index
    %get3A_24 = arith.constant 0 : index
    %get3A_25 = vector.load %arg0[%get3A_23, %get3A_24] : memref<10000x16xf32, #tpu.memory_space<vmem>>, vector<10000x16xf32>
    %get3A_26 = arith.constant 0 : index
    %get3A_27 = arith.constant 0 : index
    %get3A_28 = vector.load %arg3[%get3A_26, %get3A_27] : memref<16x16xf32, #tpu.memory_space<vmem>>, vector<16x16xf32>
    %dot_general3A = arith.constant dense<0.000000e+00> : vector<10000x16xf32>
    %dot_general3A_29 = tpu.matmul %get3A_25, %get3A_28, %dot_general3A {dimension_numbers = #tpu.dot_dimension_numbers<[1], [0], [0], [1], [0, 0, 1, 1], [], []>, transpose_lhs_hint = false} : vector<10000x16xf32>, vector<16x16xf32>, vector<10000x16xf32> -> vector<10000x16xf32>
    %add3A_30 = arith.addf %dot_general3A_29, %div3A_22 : vector<10000x16xf32>
    %get3A_31 = arith.constant 0 : index
    %get3A_32 = vector.load %arg4[%get3A_31] : memref<16xf32, #tpu.memory_space<vmem>>, vector<16xf32>
    %broadcast_in_dim3A = vector.shape_cast %get3A_32 : vector<16xf32> to vector<1x16xf32>
    %add3A_33 = vector.broadcast %broadcast_in_dim3A : vector<1x16xf32> to vector<10000x16xf32>
    %add3A_34 = arith.addf %add3A_30, %add3A_33 : vector<10000x16xf32>
    %reduce_sum3A = arith.constant dense<0.000000e+00> : vector<16xf32>
    %reduce_sum3A_35 = vector.multi_reduction <add>, %add3A_34, %reduce_sum3A [0] : vector<10000x16xf32> to vector<16xf32>
    %broadcast_in_dim3A_36 = vector.shape_cast %reduce_sum3A_35 : vector<16xf32> to vector<1x16xf32>
    %div3A_37 = arith.constant 1.000000e+04 : f32
    %div3A_38 = vector.broadcast %div3A_37 : f32 to vector<1x16xf32>
    %div3A_39 = arith.divf %broadcast_in_dim3A_36, %div3A_38 : vector<1x16xf32>
    %sub3A = vector.broadcast %div3A_39 : vector<1x16xf32> to vector<10000x16xf32>
    %sub3A_40 = arith.subf %add3A_34, %sub3A : vector<10000x16xf32>
    %mul3A = arith.mulf %sub3A_40, %sub3A_40 : vector<10000x16xf32>
    %reduce_sum3A_41 = arith.constant dense<0.000000e+00> : vector<16xf32>
    %reduce_sum3A_42 = vector.multi_reduction <add>, %mul3A, %reduce_sum3A_41 [0] : vector<10000x16xf32> to vector<16xf32>
    %broadcast_in_dim3A_43 = vector.shape_cast %reduce_sum3A_42 : vector<16xf32> to vector<1x16xf32>
    %div3A_44 = arith.constant 1.000000e+04 : f32
    %div3A_45 = vector.broadcast %div3A_44 : f32 to vector<1x16xf32>
    %div3A_46 = arith.divf %broadcast_in_dim3A_43, %div3A_45 : vector<1x16xf32>
    %get3A_47 = arith.constant 0 : index
    %get3A_48 = vector.load %arg5[%get3A_47] : memref<16xf32, #tpu.memory_space<vmem>>, vector<16xf32>
    %broadcast_in_dim3A_49 = vector.shape_cast %get3A_48 : vector<16xf32> to vector<1x16xf32>
    %mul3A_50 = vector.broadcast %broadcast_in_dim3A_49 : vector<1x16xf32> to vector<10000x16xf32>
    %mul3A_51 = arith.mulf %mul3A_50, %sub3A_40 : vector<10000x16xf32>
    %add3A_52 = arith.constant 9.99999974E-6 : f32
    %add3A_53 = vector.broadcast %add3A_52 : f32 to vector<1x16xf32>
    %add3A_54 = arith.addf %div3A_46, %add3A_53 : vector<1x16xf32>
    %rsqrt3A = math.rsqrt %add3A_54 : vector<1x16xf32>
    %mul3A_55 = vector.broadcast %rsqrt3A : vector<1x16xf32> to vector<10000x16xf32>
    %mul3A_56 = arith.mulf %mul3A_51, %mul3A_55 : vector<10000x16xf32>
    %get3A_57 = arith.constant 0 : index
    %get3A_58 = vector.load %arg6[%get3A_57] : memref<16xf32, #tpu.memory_space<vmem>>, vector<16xf32>
    %broadcast_in_dim3A_59 = vector.shape_cast %get3A_58 : vector<16xf32> to vector<1x16xf32>
    %add3A_60 = vector.broadcast %broadcast_in_dim3A_59 : vector<1x16xf32> to vector<10000x16xf32>
    %add3A_61 = arith.addf %mul3A_56, %add3A_60 : vector<10000x16xf32>
    %swap3A = arith.constant 0 : index
    %swap3A_62 = arith.constant 0 : index
    %swap3A_63 = vector.load %arg7[%swap3A, %swap3A_62] : memref<10000x16xf32, #tpu.memory_space<vmem>>, vector<10000x16xf32>
    tpu.vector_store %arg7[%swap3A, %swap3A_62], %add3A_61 {strides = array<i32>} : memref<10000x16xf32, #tpu.memory_space<vmem>>, vector<10000x16xf32>,
    return
  }
}

module attributes {stable_mosaic.version = 14 : i64} {
  func.func @_msg_body(%arg0: i32, %arg1: memref<2000x128xf32, #tpu.memory_space<vmem>>, %arg2: memref<2000x128xf32, #tpu.memory_space<vmem>>, %arg3: memref<2x16xf32, #tpu.memory_space<vmem>>, %arg4: memref<16x256xf32, #tpu.memory_space<vmem>>, %arg5: memref<256xf32, #tpu.memory_space<vmem>>, %arg6: memref<2000x128xf32, #tpu.memory_space<vmem>>) attributes {dimension_semantics = [#tpu.dimension_semantics<arbitrary>], iteration_bounds = array<i64: 10>, scalar_prefetch = 0 : i64, scratch_operands = 0 : i64, tpu.core_type = #tpu.core_type<tc>, window_params = [{transform_indices = @transform_0, window_bounds = array<i64: 2000, 128>}, {transform_indices = @transform_1, window_bounds = array<i64: 2000, 128>}, {pipeline_mode = #tpu.pipeline_mode<synchronous>, transform_indices = @transform_2, window_bounds = array<i64: 2, 16>}, {pipeline_mode = #tpu.pipeline_mode<synchronous>, transform_indices = @transform_3, window_bounds = array<i64: 16, 256>}, {pipeline_mode = #tpu.pipeline_mode<synchronous>, transform_indices = @transform_4, window_bounds = array<i64: 256>}, {transform_indices = @transform_5, window_bounds = array<i64: 2000, 128>}]} {
    %get3A = arith.constant 0 : index
    %get3A_0 = arith.constant 0 : index
    %get3A_1 = vector.load %arg3[%get3A, %get3A_0] : memref<2x16xf32, #tpu.memory_space<vmem>>, vector<1x16xf32>
    %get3A_2 = vector.shape_cast %get3A_1 : vector<1x16xf32> to vector<16xf32>
    %get3A_3 = arith.constant 1 : index
    %get3A_4 = arith.constant 0 : index
    %get3A_5 = vector.load %arg3[%get3A_3, %get3A_4] : memref<2x16xf32, #tpu.memory_space<vmem>>, vector<1x16xf32>
    %get3A_6 = vector.shape_cast %get3A_5 : vector<1x16xf32> to vector<16xf32>
    %broadcast_in_dim3A = vector.shape_cast %get3A_2 : vector<16xf32> to vector<16x1xf32>
    %get3A_7 = arith.constant 0 : index
    %get3A_8 = arith.constant 0 : index
    %get3A_9 = vector.load %arg4[%get3A_7, %get3A_8] : memref<16x256xf32, #tpu.memory_space<vmem>>, vector<16x256xf32>
    %mul3A = vector.broadcast %broadcast_in_dim3A : vector<16x1xf32> to vector<16x256xf32>
    %mul3A_10 = arith.mulf %mul3A, %get3A_9 : vector<16x256xf32>
    %get3A_11 = arith.constant 0 : index
    %get3A_12 = vector.load %arg5[%get3A_11] : memref<256xf32, #tpu.memory_space<vmem>>, vector<256xf32>
    %broadcast_in_dim3A_13 = vector.shape_cast %get3A_6 : vector<16xf32> to vector<1x16xf32>
    %get3A_14 = arith.constant 0 : index
    %get3A_15 = arith.constant 0 : index
    %get3A_16 = vector.load %arg4[%get3A_14, %get3A_15] : memref<16x256xf32, #tpu.memory_space<vmem>>, vector<16x256xf32>
    %dot_general3A = arith.constant dense<0.000000e+00> : vector<1x256xf32>
    %dot_general3A_17 = tpu.matmul %broadcast_in_dim3A_13, %get3A_16, %dot_general3A {dimension_numbers = #tpu.dot_dimension_numbers<[1], [0], [0], [1], [0, 0, 1, 1], [], []>, transpose_lhs_hint = false} : vector<1x16xf32>, vector<16x256xf32>, vector<1x256xf32> -> vector<1x256xf32>
    %squeeze3A = vector.shape_cast %dot_general3A_17 : vector<1x256xf32> to vector<256xf32>
    %add3A = arith.addf %get3A_12, %squeeze3A : vector<256xf32>
    %iota3A = tpu.iota {dimensions = array<i32: 0>} : vector<256x16xi32>
    %iota3A_18 = tpu.iota {dimensions = array<i32: 1>} : vector<256x16xi32>
    %jit3A = arith.constant 16 : i32
    %div3A = vector.broadcast %jit3A : i32 to vector<256x16xi32>
    %div3A_19 = arith.divsi %iota3A, %div3A : vector<256x16xi32>
    %sign3A = arith.constant 0 : i32
    %sign3A_20 = vector.broadcast %sign3A : i32 to vector<256x16xi32>
    %sign3A_21 = arith.cmpi sgt, %iota3A, %sign3A_20 : vector<256x16xi32>
    %sign3A_22 = arith.extui %sign3A_21 : vector<256x16xi1> to vector<256x16xi32>
    %sign3A_23 = arith.constant 0 : i32
    %sign3A_24 = vector.broadcast %sign3A_23 : i32 to vector<256x16xi32>
    %sign3A_25 = arith.cmpi slt, %iota3A, %sign3A_24 : vector<256x16xi32>
    %sign3A_26 = arith.extui %sign3A_25 : vector<256x16xi1> to vector<256x16xi32>
    %sign3A_27 = arith.subi %sign3A_22, %sign3A_26 : vector<256x16xi32>
    %sign3A_28 = arith.constant 0 : i32
    %sign3A_29 = arith.cmpi sgt, %jit3A, %sign3A_28 : i32
    %sign3A_30 = arith.extui %sign3A_29 : i1 to i32
    %sign3A_31 = arith.constant 0 : i32
    %sign3A_32 = arith.cmpi slt, %jit3A, %sign3A_31 : i32
    %sign3A_33 = arith.extui %sign3A_32 : i1 to i32
    %sign3A_34 = arith.subi %sign3A_30, %sign3A_33 : i32
    %ne3A = vector.broadcast %sign3A_34 : i32 to vector<256x16xi32>
    %ne3A_35 = arith.cmpi ne, %sign3A_27, %ne3A : vector<256x16xi32>
    %rem3A = vector.broadcast %jit3A : i32 to vector<256x16xi32>
    %rem3A_36 = arith.remsi %iota3A, %rem3A : vector<256x16xi32>
    %ne3A_37 = arith.constant 0 : i32
    %ne3A_38 = vector.broadcast %ne3A_37 : i32 to vector<256x16xi32>
    %ne3A_39 = arith.cmpi ne, %rem3A_36, %ne3A_38 : vector<256x16xi32>
    %and3A = arith.andi %ne3A_35, %ne3A_39 : vector<256x16xi1>
    %sub3A = arith.constant 1 : i32
    %sub3A_40 = vector.broadcast %sub3A : i32 to vector<256x16xi32>
    %sub3A_41 = arith.subi %div3A_19, %sub3A_40 : vector<256x16xi32>
    %select_n3A = arith.select %and3A, %sub3A_41, %div3A_19 : vector<256x16xi1>, vector<256x16xi32>
    %eq3A = arith.cmpi eq, %select_n3A, %iota3A_18 : vector<256x16xi32>
    %convert_element_type3A = arith.extui %eq3A : vector<256x16xi1> to vector<256x16xi32>
    %convert_element_type3A_42 = arith.sitofp %convert_element_type3A : vector<256x16xi32> to vector<256x16xf32>
    %iota3A_43 = tpu.iota {dimensions = array<i32: 0>} : vector<16x256xi32>
    %iota3A_44 = tpu.iota {dimensions = array<i32: 1>} : vector<16x256xi32>
    %jit3A_45 = arith.constant 16 : i32
    %eq3A_46 = arith.constant 0 : i32
    %eq3A_47 = arith.cmpi eq, %jit3A_45, %eq3A_46 : i32
    %jit3A_48 = arith.constant 1 : i32
    %select_n3A_49 = arith.select %eq3A_47, %jit3A_48, %jit3A_45 : i32
    %rem3A_50 = vector.broadcast %select_n3A_49 : i32 to vector<16x256xi32>
    %rem3A_51 = arith.remsi %iota3A_44, %rem3A_50 : vector<16x256xi32>
    %ne3A_52 = arith.constant 0 : i32
    %ne3A_53 = vector.broadcast %ne3A_52 : i32 to vector<16x256xi32>
    %ne3A_54 = arith.cmpi ne, %rem3A_51, %ne3A_53 : vector<16x256xi32>
    %lt3A = arith.constant 0 : i32
    %lt3A_55 = vector.broadcast %lt3A : i32 to vector<16x256xi32>
    %lt3A_56 = arith.cmpi slt, %rem3A_51, %lt3A_55 : vector<16x256xi32>
    %lt3A_57 = arith.constant 0 : i32
    %lt3A_58 = arith.cmpi slt, %select_n3A_49, %lt3A_57 : i32
    %ne3A_59 = vector.broadcast %lt3A_58 : i1 to vector<16x256xi1>
    %ne3A_60 = vector.broadcast %ne3A_59 : vector<16x256xi1> to vector<16x256xi1>
    %ne3A_61 = arith.xori %lt3A_56, %ne3A_60 : vector<16x256xi1>
    %and3A_62 = arith.andi %ne3A_61, %ne3A_54 : vector<16x256xi1>
    %add3A_63 = vector.broadcast %select_n3A_49 : i32 to vector<16x256xi32>
    %add3A_64 = arith.addi %rem3A_51, %add3A_63 : vector<16x256xi32>
    %select_n3A_65 = arith.select %and3A_62, %add3A_64, %rem3A_51 : vector<16x256xi1>, vector<16x256xi32>
    %eq3A_66 = arith.cmpi eq, %select_n3A_65, %iota3A_43 : vector<16x256xi32>
    %convert_element_type3A_67 = arith.extui %eq3A_66 : vector<16x256xi1> to vector<16x256xi32>
    %convert_element_type3A_68 = arith.sitofp %convert_element_type3A_67 : vector<16x256xi32> to vector<16x256xf32>
    %get3A_69 = arith.constant 0 : index
    %get3A_70 = arith.constant 0 : index
    %get3A_71 = vector.load %arg1[%get3A_69, %get3A_70] : memref<2000x128xf32, #tpu.memory_space<vmem>>, vector<2000x16xf32>
    %get3A_72 = arith.constant 0 : index
    %get3A_73 = arith.constant 0 : index
    %get3A_74 = vector.load %arg2[%get3A_72, %get3A_73] : memref<2000x128xf32, #tpu.memory_space<vmem>>, vector<2000x16xf32>
    %dot_general3A_75 = arith.constant dense<0.000000e+00> : vector<2000x256xf32>
    %dot_general3A_76 = tpu.matmul %get3A_71, %mul3A_10, %dot_general3A_75 {dimension_numbers = #tpu.dot_dimension_numbers<[1], [0], [0], [1], [0, 0, 1, 1], [], []>, transpose_lhs_hint = false} : vector<2000x16xf32>, vector<16x256xf32>, vector<2000x256xf32> -> vector<2000x256xf32>
    %broadcast_in_dim3A_77 = vector.shape_cast %add3A : vector<256xf32> to vector<1x256xf32>
    %add3A_78 = vector.broadcast %broadcast_in_dim3A_77 : vector<1x256xf32> to vector<2000x256xf32>
    %add3A_79 = arith.addf %dot_general3A_76, %add3A_78 : vector<2000x256xf32>
    %max3A = arith.constant 0.000000e+00 : f32
    %max3A_80 = vector.broadcast %max3A : f32 to vector<2000x256xf32>
    %max3A_81 = arith.maximumf %add3A_79, %max3A_80 : vector<2000x256xf32>
    %dot_general3A_82 = arith.constant dense<0.000000e+00> : vector<2000x256xf32>
    %dot_general3A_83 = tpu.matmul %get3A_74, %convert_element_type3A_68, %dot_general3A_82 {dimension_numbers = #tpu.dot_dimension_numbers<[1], [0], [0], [1], [0, 0, 1, 1], [], []>, transpose_lhs_hint = false} : vector<2000x16xf32>, vector<16x256xf32>, vector<2000x256xf32> -> vector<2000x256xf32>
    %mul3A_84 = arith.mulf %max3A_81, %dot_general3A_83 : vector<2000x256xf32>
    %dot_general3A_85 = arith.constant dense<0.000000e+00> : vector<2000x16xf32>
    %dot_general3A_86 = tpu.matmul %mul3A_84, %convert_element_type3A_42, %dot_general3A_85 {dimension_numbers = #tpu.dot_dimension_numbers<[1], [0], [0], [1], [0, 0, 1, 1], [], []>, transpose_lhs_hint = false} : vector<2000x256xf32>, vector<256x16xf32>, vector<2000x16xf32> -> vector<2000x16xf32>
    %get3A_87 = arith.constant 0 : index
    %get3A_88 = arith.constant 16 : index
    %get3A_89 = vector.load %arg1[%get3A_87, %get3A_88] : memref<2000x128xf32, #tpu.memory_space<vmem>>, vector<2000x16xf32>
    %get3A_90 = arith.constant 0 : index
    %get3A_91 = arith.constant 16 : index
    %get3A_92 = vector.load %arg2[%get3A_90, %get3A_91] : memref<2000x128xf32, #tpu.memory_space<vmem>>, vector<2000x16xf32>
    %dot_general3A_93 = arith.constant dense<0.000000e+00> : vector<2000x256xf32>
    %dot_general3A_94 = tpu.matmul %get3A_89, %mul3A_10, %dot_general3A_93 {dimension_numbers = #tpu.dot_dimension_numbers<[1], [0], [0], [1], [0, 0, 1, 1], [], []>, transpose_lhs_hint = false} : vector<2000x16xf32>, vector<16x256xf32>, vector<2000x256xf32> -> vector<2000x256xf32>
    %broadcast_in_dim3A_95 = vector.shape_cast %add3A : vector<256xf32> to vector<1x256xf32>
    %add3A_96 = vector.broadcast %broadcast_in_dim3A_95 : vector<1x256xf32> to vector<2000x256xf32>
    %add3A_97 = arith.addf %dot_general3A_94, %add3A_96 : vector<2000x256xf32>
    %max3A_98 = arith.constant 0.000000e+00 : f32
    %max3A_99 = vector.broadcast %max3A_98 : f32 to vector<2000x256xf32>
    %max3A_100 = arith.maximumf %add3A_97, %max3A_99 : vector<2000x256xf32>
    %dot_general3A_101 = arith.constant dense<0.000000e+00> : vector<2000x256xf32>
    %dot_general3A_102 = tpu.matmul %get3A_92, %convert_element_type3A_68, %dot_general3A_101 {dimension_numbers = #tpu.dot_dimension_numbers<[1], [0], [0], [1], [0, 0, 1, 1], [], []>, transpose_lhs_hint = false} : vector<2000x16xf32>, vector<16x256xf32>, vector<2000x256xf32> -> vector<2000x256xf32>
    %mul3A_103 = arith.mulf %max3A_100, %dot_general3A_102 : vector<2000x256xf32>
    %dot_general3A_104 = arith.constant dense<0.000000e+00> : vector<2000x16xf32>
    %dot_general3A_105 = tpu.matmul %mul3A_103, %convert_element_type3A_42, %dot_general3A_104 {dimension_numbers = #tpu.dot_dimension_numbers<[1], [0], [0], [1], [0, 0, 1, 1], [], []>, transpose_lhs_hint = false} : vector<2000x256xf32>, vector<256x16xf32>, vector<2000x16xf32> -> vector<2000x16xf32>
    %get3A_106 = arith.constant 0 : index
    %get3A_107 = arith.constant 32 : index
    %get3A_108 = vector.load %arg1[%get3A_106, %get3A_107] : memref<2000x128xf32, #tpu.memory_space<vmem>>, vector<2000x16xf32>
    %get3A_109 = arith.constant 0 : index
    %get3A_110 = arith.constant 32 : index
    %get3A_111 = vector.load %arg2[%get3A_109, %get3A_110] : memref<2000x128xf32, #tpu.memory_space<vmem>>, vector<2000x16xf32>
    %dot_general3A_112 = arith.constant dense<0.000000e+00> : vector<2000x256xf32>
    %dot_general3A_113 = tpu.matmul %get3A_108, %mul3A_10, %dot_general3A_112 {dimension_numbers = #tpu.dot_dimension_numbers<[1], [0], [0], [1], [0, 0, 1, 1], [], []>, transpose_lhs_hint = false} : vector<2000x16xf32>, vector<16x256xf32>, vector<2000x256xf32> -> vector<2000x256xf32>
    %broadcast_in_dim3A_114 = vector.shape_cast %add3A : vector<256xf32> to vector<1x256xf32>
    %add3A_115 = vector.broadcast %broadcast_in_dim3A_114 : vector<1x256xf32> to vector<2000x256xf32>
    %add3A_116 = arith.addf %dot_general3A_113, %add3A_115 : vector<2000x256xf32>
    %max3A_117 = arith.constant 0.000000e+00 : f32
    %max3A_118 = vector.broadcast %max3A_117 : f32 to vector<2000x256xf32>
    %max3A_119 = arith.maximumf %add3A_116, %max3A_118 : vector<2000x256xf32>
    %dot_general3A_120 = arith.constant dense<0.000000e+00> : vector<2000x256xf32>
    %dot_general3A_121 = tpu.matmul %get3A_111, %convert_element_type3A_68, %dot_general3A_120 {dimension_numbers = #tpu.dot_dimension_numbers<[1], [0], [0], [1], [0, 0, 1, 1], [], []>, transpose_lhs_hint = false} : vector<2000x16xf32>, vector<16x256xf32>, vector<2000x256xf32> -> vector<2000x256xf32>
    %mul3A_122 = arith.mulf %max3A_119, %dot_general3A_121 : vector<2000x256xf32>
    %dot_general3A_123 = arith.constant dense<0.000000e+00> : vector<2000x16xf32>
    %dot_general3A_124 = tpu.matmul %mul3A_122, %convert_element_type3A_42, %dot_general3A_123 {dimension_numbers = #tpu.dot_dimension_numbers<[1], [0], [0], [1], [0, 0, 1, 1], [], []>, transpose_lhs_hint = false} : vector<2000x256xf32>, vector<256x16xf32>, vector<2000x16xf32> -> vector<2000x16xf32>
    %get3A_125 = arith.constant 0 : index
    %get3A_126 = arith.constant 48 : index
    %get3A_127 = vector.load %arg1[%get3A_125, %get3A_126] : memref<2000x128xf32, #tpu.memory_space<vmem>>, vector<2000x16xf32>
    %get3A_128 = arith.constant 0 : index
    %get3A_129 = arith.constant 48 : index
    %get3A_130 = vector.load %arg2[%get3A_128, %get3A_129] : memref<2000x128xf32, #tpu.memory_space<vmem>>, vector<2000x16xf32>
    %dot_general3A_131 = arith.constant dense<0.000000e+00> : vector<2000x256xf32>
    %dot_general3A_132 = tpu.matmul %get3A_127, %mul3A_10, %dot_general3A_131 {dimension_numbers = #tpu.dot_dimension_numbers<[1], [0], [0], [1], [0, 0, 1, 1], [], []>, transpose_lhs_hint = false} : vector<2000x16xf32>, vector<16x256xf32>, vector<2000x256xf32> -> vector<2000x256xf32>
    %broadcast_in_dim3A_133 = vector.shape_cast %add3A : vector<256xf32> to vector<1x256xf32>
    %add3A_134 = vector.broadcast %broadcast_in_dim3A_133 : vector<1x256xf32> to vector<2000x256xf32>
    %add3A_135 = arith.addf %dot_general3A_132, %add3A_134 : vector<2000x256xf32>
    %max3A_136 = arith.constant 0.000000e+00 : f32
    %max3A_137 = vector.broadcast %max3A_136 : f32 to vector<2000x256xf32>
    %max3A_138 = arith.maximumf %add3A_135, %max3A_137 : vector<2000x256xf32>
    %dot_general3A_139 = arith.constant dense<0.000000e+00> : vector<2000x256xf32>
    %dot_general3A_140 = tpu.matmul %get3A_130, %convert_element_type3A_68, %dot_general3A_139 {dimension_numbers = #tpu.dot_dimension_numbers<[1], [0], [0], [1], [0, 0, 1, 1], [], []>, transpose_lhs_hint = false} : vector<2000x16xf32>, vector<16x256xf32>, vector<2000x256xf32> -> vector<2000x256xf32>
    %mul3A_141 = arith.mulf %max3A_138, %dot_general3A_140 : vector<2000x256xf32>
    %dot_general3A_142 = arith.constant dense<0.000000e+00> : vector<2000x16xf32>
    %dot_general3A_143 = tpu.matmul %mul3A_141, %convert_element_type3A_42, %dot_general3A_142 {dimension_numbers = #tpu.dot_dimension_numbers<[1], [0], [0], [1], [0, 0, 1, 1], [], []>, transpose_lhs_hint = false} : vector<2000x256xf32>, vector<256x16xf32>, vector<2000x16xf32> -> vector<2000x16xf32>
    %get3A_144 = arith.constant 0 : index
    %get3A_145 = arith.constant 64 : index
    %get3A_146 = vector.load %arg1[%get3A_144, %get3A_145] : memref<2000x128xf32, #tpu.memory_space<vmem>>, vector<2000x16xf32>
    %get3A_147 = arith.constant 0 : index
    %get3A_148 = arith.constant 64 : index
    %get3A_149 = vector.load %arg2[%get3A_147, %get3A_148] : memref<2000x128xf32, #tpu.memory_space<vmem>>, vector<2000x16xf32>
    %dot_general3A_150 = arith.constant dense<0.000000e+00> : vector<2000x256xf32>
    %dot_general3A_151 = tpu.matmul %get3A_146, %mul3A_10, %dot_general3A_150 {dimension_numbers = #tpu.dot_dimension_numbers<[1], [0], [0], [1], [0, 0, 1, 1], [], []>, transpose_lhs_hint = false} : vector<2000x16xf32>, vector<16x256xf32>, vector<2000x256xf32> -> vector<2000x256xf32>
    %broadcast_in_dim3A_152 = vector.shape_cast %add3A : vector<256xf32> to vector<1x256xf32>
    %add3A_153 = vector.broadcast %broadcast_in_dim3A_152 : vector<1x256xf32> to vector<2000x256xf32>
    %add3A_154 = arith.addf %dot_general3A_151, %add3A_153 : vector<2000x256xf32>
    %max3A_155 = arith.constant 0.000000e+00 : f32
    %max3A_156 = vector.broadcast %max3A_155 : f32 to vector<2000x256xf32>
    %max3A_157 = arith.maximumf %add3A_154, %max3A_156 : vector<2000x256xf32>
    %dot_general3A_158 = arith.constant dense<0.000000e+00> : vector<2000x256xf32>
    %dot_general3A_159 = tpu.matmul %get3A_149, %convert_element_type3A_68, %dot_general3A_158 {dimension_numbers = #tpu.dot_dimension_numbers<[1], [0], [0], [1], [0, 0, 1, 1], [], []>, transpose_lhs_hint = false} : vector<2000x16xf32>, vector<16x256xf32>, vector<2000x256xf32> -> vector<2000x256xf32>
    %mul3A_160 = arith.mulf %max3A_157, %dot_general3A_159 : vector<2000x256xf32>
    %dot_general3A_161 = arith.constant dense<0.000000e+00> : vector<2000x16xf32>
    %dot_general3A_162 = tpu.matmul %mul3A_160, %convert_element_type3A_42, %dot_general3A_161 {dimension_numbers = #tpu.dot_dimension_numbers<[1], [0], [0], [1], [0, 0, 1, 1], [], []>, transpose_lhs_hint = false} : vector<2000x256xf32>, vector<256x16xf32>, vector<2000x16xf32> -> vector<2000x16xf32>
    %get3A_163 = arith.constant 0 : index
    %get3A_164 = arith.constant 80 : index
    %get3A_165 = vector.load %arg1[%get3A_163, %get3A_164] : memref<2000x128xf32, #tpu.memory_space<vmem>>, vector<2000x16xf32>
    %get3A_166 = arith.constant 0 : index
    %get3A_167 = arith.constant 80 : index
    %get3A_168 = vector.load %arg2[%get3A_166, %get3A_167] : memref<2000x128xf32, #tpu.memory_space<vmem>>, vector<2000x16xf32>
    %dot_general3A_169 = arith.constant dense<0.000000e+00> : vector<2000x256xf32>
    %dot_general3A_170 = tpu.matmul %get3A_165, %mul3A_10, %dot_general3A_169 {dimension_numbers = #tpu.dot_dimension_numbers<[1], [0], [0], [1], [0, 0, 1, 1], [], []>, transpose_lhs_hint = false} : vector<2000x16xf32>, vector<16x256xf32>, vector<2000x256xf32> -> vector<2000x256xf32>
    %broadcast_in_dim3A_171 = vector.shape_cast %add3A : vector<256xf32> to vector<1x256xf32>
    %add3A_172 = vector.broadcast %broadcast_in_dim3A_171 : vector<1x256xf32> to vector<2000x256xf32>
    %add3A_173 = arith.addf %dot_general3A_170, %add3A_172 : vector<2000x256xf32>
    %max3A_174 = arith.constant 0.000000e+00 : f32
    %max3A_175 = vector.broadcast %max3A_174 : f32 to vector<2000x256xf32>
    %max3A_176 = arith.maximumf %add3A_173, %max3A_175 : vector<2000x256xf32>
    %dot_general3A_177 = arith.constant dense<0.000000e+00> : vector<2000x256xf32>
    %dot_general3A_178 = tpu.matmul %get3A_168, %convert_element_type3A_68, %dot_general3A_177 {dimension_numbers = #tpu.dot_dimension_numbers<[1], [0], [0], [1], [0, 0, 1, 1], [], []>, transpose_lhs_hint = false} : vector<2000x16xf32>, vector<16x256xf32>, vector<2000x256xf32> -> vector<2000x256xf32>
    %mul3A_179 = arith.mulf %max3A_176, %dot_general3A_178 : vector<2000x256xf32>
    %dot_general3A_180 = arith.constant dense<0.000000e+00> : vector<2000x16xf32>
    %dot_general3A_181 = tpu.matmul %mul3A_179, %convert_element_type3A_42, %dot_general3A_180 {dimension_numbers = #tpu.dot_dimension_numbers<[1], [0], [0], [1], [0, 0, 1, 1], [], []>, transpose_lhs_hint = false} : vector<2000x256xf32>, vector<256x16xf32>, vector<2000x16xf32> -> vector<2000x16xf32>
    %get3A_182 = arith.constant 0 : index
    %get3A_183 = arith.constant 96 : index
    %get3A_184 = vector.load %arg1[%get3A_182, %get3A_183] : memref<2000x128xf32, #tpu.memory_space<vmem>>, vector<2000x16xf32>
    %get3A_185 = arith.constant 0 : index
    %get3A_186 = arith.constant 96 : index
    %get3A_187 = vector.load %arg2[%get3A_185, %get3A_186] : memref<2000x128xf32, #tpu.memory_space<vmem>>, vector<2000x16xf32>
    %dot_general3A_188 = arith.constant dense<0.000000e+00> : vector<2000x256xf32>
    %dot_general3A_189 = tpu.matmul %get3A_184, %mul3A_10, %dot_general3A_188 {dimension_numbers = #tpu.dot_dimension_numbers<[1], [0], [0], [1], [0, 0, 1, 1], [], []>, transpose_lhs_hint = false} : vector<2000x16xf32>, vector<16x256xf32>, vector<2000x256xf32> -> vector<2000x256xf32>
    %broadcast_in_dim3A_190 = vector.shape_cast %add3A : vector<256xf32> to vector<1x256xf32>
    %add3A_191 = vector.broadcast %broadcast_in_dim3A_190 : vector<1x256xf32> to vector<2000x256xf32>
    %add3A_192 = arith.addf %dot_general3A_189, %add3A_191 : vector<2000x256xf32>
    %max3A_193 = arith.constant 0.000000e+00 : f32
    %max3A_194 = vector.broadcast %max3A_193 : f32 to vector<2000x256xf32>
    %max3A_195 = arith.maximumf %add3A_192, %max3A_194 : vector<2000x256xf32>
    %dot_general3A_196 = arith.constant dense<0.000000e+00> : vector<2000x256xf32>
    %dot_general3A_197 = tpu.matmul %get3A_187, %convert_element_type3A_68, %dot_general3A_196 {dimension_numbers = #tpu.dot_dimension_numbers<[1], [0], [0], [1], [0, 0, 1, 1], [], []>, transpose_lhs_hint = false} : vector<2000x16xf32>, vector<16x256xf32>, vector<2000x256xf32> -> vector<2000x256xf32>
    %mul3A_198 = arith.mulf %max3A_195, %dot_general3A_197 : vector<2000x256xf32>
    %dot_general3A_199 = arith.constant dense<0.000000e+00> : vector<2000x16xf32>
    %dot_general3A_200 = tpu.matmul %mul3A_198, %convert_element_type3A_42, %dot_general3A_199 {dimension_numbers = #tpu.dot_dimension_numbers<[1], [0], [0], [1], [0, 0, 1, 1], [], []>, transpose_lhs_hint = false} : vector<2000x256xf32>, vector<256x16xf32>, vector<2000x16xf32> -> vector<2000x16xf32>
    %get3A_201 = arith.constant 0 : index
    %get3A_202 = arith.constant 112 : index
    %get3A_203 = vector.load %arg1[%get3A_201, %get3A_202] : memref<2000x128xf32, #tpu.memory_space<vmem>>, vector<2000x16xf32>
    %get3A_204 = arith.constant 0 : index
    %get3A_205 = arith.constant 112 : index
    %get3A_206 = vector.load %arg2[%get3A_204, %get3A_205] : memref<2000x128xf32, #tpu.memory_space<vmem>>, vector<2000x16xf32>
    %dot_general3A_207 = arith.constant dense<0.000000e+00> : vector<2000x256xf32>
    %dot_general3A_208 = tpu.matmul %get3A_203, %mul3A_10, %dot_general3A_207 {dimension_numbers = #tpu.dot_dimension_numbers<[1], [0], [0], [1], [0, 0, 1, 1], [], []>, transpose_lhs_hint = false} : vector<2000x16xf32>, vector<16x256xf32>, vector<2000x256xf32> -> vector<2000x256xf32>
    %broadcast_in_dim3A_209 = vector.shape_cast %add3A : vector<256xf32> to vector<1x256xf32>
    %add3A_210 = vector.broadcast %broadcast_in_dim3A_209 : vector<1x256xf32> to vector<2000x256xf32>
    %add3A_211 = arith.addf %dot_general3A_208, %add3A_210 : vector<2000x256xf32>
    %max3A_212 = arith.constant 0.000000e+00 : f32
    %max3A_213 = vector.broadcast %max3A_212 : f32 to vector<2000x256xf32>
    %max3A_214 = arith.maximumf %add3A_211, %max3A_213 : vector<2000x256xf32>
    %dot_general3A_215 = arith.constant dense<0.000000e+00> : vector<2000x256xf32>
    %dot_general3A_216 = tpu.matmul %get3A_206, %convert_element_type3A_68, %dot_general3A_215 {dimension_numbers = #tpu.dot_dimension_numbers<[1], [0], [0], [1], [0, 0, 1, 1], [], []>, transpose_lhs_hint = false} : vector<2000x16xf32>, vector<16x256xf32>, vector<2000x256xf32> -> vector<2000x256xf32>
    %mul3A_217 = arith.mulf %max3A_214, %dot_general3A_216 : vector<2000x256xf32>
    %dot_general3A_218 = arith.constant dense<0.000000e+00> : vector<2000x16xf32>
    %dot_general3A_219 = tpu.matmul %mul3A_217, %convert_element_type3A_42, %dot_general3A_218 {dimension_numbers = #tpu.dot_dimension_numbers<[1], [0], [0], [1], [0, 0, 1, 1], [], []>, transpose_lhs_hint = false} : vector<2000x256xf32>, vector<256x16xf32>, vector<2000x16xf32> -> vector<2000x16xf32>
    %concatenate3A = tpu.concatenate %dot_general3A_86, %dot_general3A_105, %dot_general3A_124, %dot_general3A_143, %dot_general3A_162, %dot_general3A_181, %dot_general3A_200, %dot_general3A_219 in 1 : vector<2000x16xf32>, vector<2000x16xf32>, vector<2000x16xf32>, vector<2000x16xf32>, vector<2000x16xf32>, vector<2000x16xf32>, vector<2000x16xf32>, vector<2000x16xf32> -> vector<2000x128xf32>
    %swap3A = arith.constant 0 : index
    %swap3A_220 = arith.constant 0 : index
    %swap3A_221 = vector.load %arg6[%swap3A, %swap3A_220] : memref<2000x128xf32, #tpu.memory_space<vmem>>, vector<2000x128xf32>
    tpu.vector_store %arg6[%swap3A, %swap3A_220], %concatenate3A {strides = array<i32>} : memref<2000x128xf32, #tpu.memory_space<vmem>>, vector<2000x128xf32>,
    return
  }
  func.func @transform_0(%arg0: i32) -> (i32, i32) {
    %c0_i32 = arith.constant 0 : i32
    %c0_i32_0 = arith.constant 0 : i32
    return %arg0, %c0_i32 : i32, i32
  }
  func.func @transform_1(%arg0: i32) -> (i32, i32) {
    %c0_i32 = arith.constant 0 : i32
    %c0_i32_0 = arith.constant 0 : i32
    return %arg0, %c0_i32 : i32, i32
  }
  func.func @transform_2(%arg0: i32) -> (i32, i32) {
    %c0_i32 = arith.constant 0 : i32
    %c0_i32_0 = arith.constant 0 : i32
    %c0_i32_1 = arith.constant 0 : i32
    return %c0_i32, %c0_i32_0 : i32, i32
  }
  func.func @transform_3(%arg0: i32) -> (i32, i32) {
    %c0_i32 = arith.constant 0 : i32
    %c0_i32_0 = arith.constant 0 : i32
    %c0_i32_1 = arith.constant 0 : i32
    return %c0_i32, %c0_i32_0 : i32, i32
  }
  func.func @transform_4(%arg0: i32) -> i32 {
    %c0_i32 = arith.constant 0 : i32
    %c0_i32_0 = arith.constant 0 : i32
    return %c0_i32 : i32
  }
  func.func @transform_5(%arg0: i32) -> (i32, i32) {
    %c0_i32 = arith.constant 0 : i32
    %c0_i32_0 = arith.constant 0 : i32
    return %arg0, %c0_i32 : i32, i32
  }
}

module attributes {stable_mosaic.version = 14 : i64} {
  func.func @_final_body(%arg0: memref<1250x128xf32, #tpu.memory_space<vmem>>, %arg1: memref<2x1250x128xf32, #tpu.memory_space<vmem>>, %arg2: memref<2x1250x128xf32, #tpu.memory_space<vmem>>, %arg3: memref<1250x128xi32, #tpu.memory_space<vmem>>, %arg4: memref<16x16xf32, #tpu.memory_space<vmem>>, %arg5: memref<16xf32, #tpu.memory_space<vmem>>, %arg6: memref<16xf32, #tpu.memory_space<vmem>>, %arg7: memref<16xf32, #tpu.memory_space<vmem>>, %arg8: memref<32x3xf32, #tpu.memory_space<vmem>>, %arg9: memref<3xf32, #tpu.memory_space<vmem>>, %arg10: memref<3x1xf32, #tpu.memory_space<vmem>>, %arg11: memref<1xf32, #tpu.memory_space<vmem>>, %arg12: memref<64x1xf32, #tpu.memory_space<vmem>>) attributes {dimension_semantics = [], scalar_prefetch = 0 : i64, scratch_operands = 0 : i64, tpu.core_type = #tpu.core_type<tc>} {
    %get3A = arith.constant 0 : index
    %get3A_0 = arith.constant 0 : index
    %get3A_1 = vector.load %arg4[%get3A, %get3A_0] : memref<16x16xf32, #tpu.memory_space<vmem>>, vector<16x16xf32>
    %concatenate3A = tpu.concatenate %get3A_1, %get3A_1, %get3A_1, %get3A_1, %get3A_1, %get3A_1, %get3A_1, %get3A_1 in 1 : vector<16x16xf32>, vector<16x16xf32>, vector<16x16xf32>, vector<16x16xf32>, vector<16x16xf32>, vector<16x16xf32>, vector<16x16xf32>, vector<16x16xf32> -> vector<16x128xf32>
    %concatenate3A_2 = tpu.concatenate %concatenate3A, %concatenate3A, %concatenate3A, %concatenate3A, %concatenate3A, %concatenate3A, %concatenate3A, %concatenate3A in 0 : vector<16x128xf32>, vector<16x128xf32>, vector<16x128xf32>, vector<16x128xf32>, vector<16x128xf32>, vector<16x128xf32>, vector<16x128xf32>, vector<16x128xf32> -> vector<128x128xf32>
    %iota3A = tpu.iota {dimensions = array<i32: 0>} : vector<128x128xi32>
    %jit3A = arith.constant 16 : i32
    %div3A = vector.broadcast %jit3A : i32 to vector<128x128xi32>
    %div3A_3 = arith.divsi %iota3A, %div3A : vector<128x128xi32>
    %sign3A = arith.constant 0 : i32
    %sign3A_4 = vector.broadcast %sign3A : i32 to vector<128x128xi32>
    %sign3A_5 = arith.cmpi sgt, %iota3A, %sign3A_4 : vector<128x128xi32>
    %sign3A_6 = arith.extui %sign3A_5 : vector<128x128xi1> to vector<128x128xi32>
    %sign3A_7 = arith.constant 0 : i32
    %sign3A_8 = vector.broadcast %sign3A_7 : i32 to vector<128x128xi32>
    %sign3A_9 = arith.cmpi slt, %iota3A, %sign3A_8 : vector<128x128xi32>
    %sign3A_10 = arith.extui %sign3A_9 : vector<128x128xi1> to vector<128x128xi32>
    %sign3A_11 = arith.subi %sign3A_6, %sign3A_10 : vector<128x128xi32>
    %sign3A_12 = arith.constant 0 : i32
    %sign3A_13 = arith.cmpi sgt, %jit3A, %sign3A_12 : i32
    %sign3A_14 = arith.extui %sign3A_13 : i1 to i32
    %sign3A_15 = arith.constant 0 : i32
    %sign3A_16 = arith.cmpi slt, %jit3A, %sign3A_15 : i32
    %sign3A_17 = arith.extui %sign3A_16 : i1 to i32
    %sign3A_18 = arith.subi %sign3A_14, %sign3A_17 : i32
    %ne3A = vector.broadcast %sign3A_18 : i32 to vector<128x128xi32>
    %ne3A_19 = arith.cmpi ne, %sign3A_11, %ne3A : vector<128x128xi32>
    %rem3A = vector.broadcast %jit3A : i32 to vector<128x128xi32>
    %rem3A_20 = arith.remsi %iota3A, %rem3A : vector<128x128xi32>
    %ne3A_21 = arith.constant 0 : i32
    %ne3A_22 = vector.broadcast %ne3A_21 : i32 to vector<128x128xi32>
    %ne3A_23 = arith.cmpi ne, %rem3A_20, %ne3A_22 : vector<128x128xi32>
    %and3A = arith.andi %ne3A_19, %ne3A_23 : vector<128x128xi1>
    %sub3A = arith.constant 1 : i32
    %sub3A_24 = vector.broadcast %sub3A : i32 to vector<128x128xi32>
    %sub3A_25 = arith.subi %div3A_3, %sub3A_24 : vector<128x128xi32>
    %select_n3A = arith.select %and3A, %sub3A_25, %div3A_3 : vector<128x128xi1>, vector<128x128xi32>
    %iota3A_26 = tpu.iota {dimensions = array<i32: 1>} : vector<128x128xi32>
    %jit3A_27 = arith.constant 16 : i32
    %div3A_28 = vector.broadcast %jit3A_27 : i32 to vector<128x128xi32>
    %div3A_29 = arith.divsi %iota3A_26, %div3A_28 : vector<128x128xi32>
    %sign3A_30 = arith.constant 0 : i32
    %sign3A_31 = vector.broadcast %sign3A_30 : i32 to vector<128x128xi32>
    %sign3A_32 = arith.cmpi sgt, %iota3A_26, %sign3A_31 : vector<128x128xi32>
    %sign3A_33 = arith.extui %sign3A_32 : vector<128x128xi1> to vector<128x128xi32>
    %sign3A_34 = arith.constant 0 : i32
    %sign3A_35 = vector.broadcast %sign3A_34 : i32 to vector<128x128xi32>
    %sign3A_36 = arith.cmpi slt, %iota3A_26, %sign3A_35 : vector<128x128xi32>
    %sign3A_37 = arith.extui %sign3A_36 : vector<128x128xi1> to vector<128x128xi32>
    %sign3A_38 = arith.subi %sign3A_33, %sign3A_37 : vector<128x128xi32>
    %sign3A_39 = arith.constant 0 : i32
    %sign3A_40 = arith.cmpi sgt, %jit3A_27, %sign3A_39 : i32
    %sign3A_41 = arith.extui %sign3A_40 : i1 to i32
    %sign3A_42 = arith.constant 0 : i32
    %sign3A_43 = arith.cmpi slt, %jit3A_27, %sign3A_42 : i32
    %sign3A_44 = arith.extui %sign3A_43 : i1 to i32
    %sign3A_45 = arith.subi %sign3A_41, %sign3A_44 : i32
    %ne3A_46 = vector.broadcast %sign3A_45 : i32 to vector<128x128xi32>
    %ne3A_47 = arith.cmpi ne, %sign3A_38, %ne3A_46 : vector<128x128xi32>
    %rem3A_48 = vector.broadcast %jit3A_27 : i32 to vector<128x128xi32>
    %rem3A_49 = arith.remsi %iota3A_26, %rem3A_48 : vector<128x128xi32>
    %ne3A_50 = arith.constant 0 : i32
    %ne3A_51 = vector.broadcast %ne3A_50 : i32 to vector<128x128xi32>
    %ne3A_52 = arith.cmpi ne, %rem3A_49, %ne3A_51 : vector<128x128xi32>
    %and3A_53 = arith.andi %ne3A_47, %ne3A_52 : vector<128x128xi1>
    %sub3A_54 = arith.constant 1 : i32
    %sub3A_55 = vector.broadcast %sub3A_54 : i32 to vector<128x128xi32>
    %sub3A_56 = arith.subi %div3A_29, %sub3A_55 : vector<128x128xi32>
    %select_n3A_57 = arith.select %and3A_53, %sub3A_56, %div3A_29 : vector<128x128xi1>, vector<128x128xi32>
    %eq3A = arith.cmpi eq, %select_n3A, %select_n3A_57 : vector<128x128xi32>
    %jit3A_58 = arith.constant 0.000000e+00 : f32
    %broadcast_in_dim3A = vector.broadcast %jit3A_58 : f32 to vector<128x128xf32>
    %select_n3A_59 = arith.select %eq3A, %concatenate3A_2, %broadcast_in_dim3A : vector<128x128xi1>, vector<128x128xf32>
    %get3A_60 = arith.constant 0 : index
    %get3A_61 = arith.constant 0 : index
    %get3A_62 = arith.constant 0 : index
    %get3A_63 = vector.load %arg1[%get3A_60, %get3A_61, %get3A_62] : memref<2x1250x128xf32, #tpu.memory_space<vmem>>, vector<1x1250x128xf32>
    %get3A_64 = vector.shape_cast %get3A_63 : vector<1x1250x128xf32> to vector<1250x128xf32>
    %get3A_65 = arith.constant 1 : index
    %get3A_66 = arith.constant 0 : index
    %get3A_67 = arith.constant 0 : index
    %get3A_68 = vector.load %arg1[%get3A_65, %get3A_66, %get3A_67] : memref<2x1250x128xf32, #tpu.memory_space<vmem>>, vector<1x1250x128xf32>
    %get3A_69 = vector.shape_cast %get3A_68 : vector<1x1250x128xf32> to vector<1250x128xf32>
    %add3A = arith.addf %get3A_64, %get3A_69 : vector<1250x128xf32>
    %get3A_70 = arith.constant 0 : index
    %get3A_71 = arith.constant 0 : index
    %get3A_72 = arith.constant 0 : index
    %get3A_73 = vector.load %arg2[%get3A_70, %get3A_71, %get3A_72] : memref<2x1250x128xf32, #tpu.memory_space<vmem>>, vector<1x1250x128xf32>
    %get3A_74 = vector.shape_cast %get3A_73 : vector<1x1250x128xf32> to vector<1250x128xf32>
    %get3A_75 = arith.constant 1 : index
    %get3A_76 = arith.constant 0 : index
    %get3A_77 = arith.constant 0 : index
    %get3A_78 = vector.load %arg2[%get3A_75, %get3A_76, %get3A_77] : memref<2x1250x128xf32, #tpu.memory_space<vmem>>, vector<1x1250x128xf32>
    %get3A_79 = vector.shape_cast %get3A_78 : vector<1x1250x128xf32> to vector<1250x128xf32>
    %add3A_80 = arith.addf %get3A_74, %get3A_79 : vector<1250x128xf32>
    %max3A = arith.constant 1.000000e+00 : f32
    %max3A_81 = vector.broadcast %max3A : f32 to vector<1250x128xf32>
    %max3A_82 = arith.maximumf %add3A_80, %max3A_81 : vector<1250x128xf32>
    %div3A_83 = arith.divf %add3A, %max3A_82 : vector<1250x128xf32>
    %get3A_84 = arith.constant 0 : index
    %get3A_85 = vector.load %arg5[%get3A_84] : memref<16xf32, #tpu.memory_space<vmem>>, vector<16xf32>
    %concatenate3A_86 = tpu.concatenate %get3A_85, %get3A_85, %get3A_85, %get3A_85, %get3A_85, %get3A_85, %get3A_85, %get3A_85 in 0 : vector<16xf32>, vector<16xf32>, vector<16xf32>, vector<16xf32>, vector<16xf32>, vector<16xf32>, vector<16xf32>, vector<16xf32> -> vector<128xf32>
    %get3A_87 = arith.constant 0 : index
    %get3A_88 = arith.constant 0 : index
    %get3A_89 = vector.load %arg0[%get3A_87, %get3A_88] : memref<1250x128xf32, #tpu.memory_space<vmem>>, vector<1250x128xf32>
    %dot_general3A = arith.constant dense<0.000000e+00> : vector<1250x128xf32>
    %dot_general3A_90 = tpu.matmul %get3A_89, %select_n3A_59, %dot_general3A {dimension_numbers = #tpu.dot_dimension_numbers<[1], [0], [0], [1], [0, 0, 1, 1], [], []>, transpose_lhs_hint = false} : vector<1250x128xf32>, vector<128x128xf32>, vector<1250x128xf32> -> vector<1250x128xf32>
    %add3A_91 = arith.addf %dot_general3A_90, %div3A_83 : vector<1250x128xf32>
    %broadcast_in_dim3A_92 = vector.shape_cast %concatenate3A_86 : vector<128xf32> to vector<1x128xf32>
    %add3A_93 = vector.broadcast %broadcast_in_dim3A_92 : vector<1x128xf32> to vector<1250x128xf32>
    %add3A_94 = arith.addf %add3A_91, %add3A_93 : vector<1250x128xf32>
    %reduce_sum3A = arith.constant dense<0.000000e+00> : vector<128xf32>
    %reduce_sum3A_95 = vector.multi_reduction <add>, %add3A_94, %reduce_sum3A [0] : vector<1250x128xf32> to vector<128xf32>
    %broadcast_in_dim3A_96 = arith.constant 0.000000e+00 : f32
    %broadcast_in_dim3A_97 = vector.broadcast %broadcast_in_dim3A_96 : f32 to vector<16xf32>
    %slice3A = vector.extract_strided_slice %reduce_sum3A_95 {offsets = [0], sizes = [16], strides = [1]} : vector<128xf32> to vector<16xf32>
    %add3A_98 = arith.addf %broadcast_in_dim3A_97, %slice3A : vector<16xf32>
    %slice3A_99 = vector.extract_strided_slice %reduce_sum3A_95 {offsets = [16], sizes = [16], strides = [1]} : vector<128xf32> to vector<16xf32>
    %add3A_100 = arith.addf %add3A_98, %slice3A_99 : vector<16xf32>
    %slice3A_101 = vector.extract_strided_slice %reduce_sum3A_95 {offsets = [32], sizes = [16], strides = [1]} : vector<128xf32> to vector<16xf32>
    %add3A_102 = arith.addf %add3A_100, %slice3A_101 : vector<16xf32>
    %slice3A_103 = vector.extract_strided_slice %reduce_sum3A_95 {offsets = [48], sizes = [16], strides = [1]} : vector<128xf32> to vector<16xf32>
    %add3A_104 = arith.addf %add3A_102, %slice3A_103 : vector<16xf32>
    %slice3A_105 = vector.extract_strided_slice %reduce_sum3A_95 {offsets = [64], sizes = [16], strides = [1]} : vector<128xf32> to vector<16xf32>
    %add3A_106 = arith.addf %add3A_104, %slice3A_105 : vector<16xf32>
    %slice3A_107 = vector.extract_strided_slice %reduce_sum3A_95 {offsets = [80], sizes = [16], strides = [1]} : vector<128xf32> to vector<16xf32>
    %add3A_108 = arith.addf %add3A_106, %slice3A_107 : vector<16xf32>
    %slice3A_109 = vector.extract_strided_slice %reduce_sum3A_95 {offsets = [96], sizes = [16], strides = [1]} : vector<128xf32> to vector<16xf32>
    %add3A_110 = arith.addf %add3A_108, %slice3A_109 : vector<16xf32>
    %slice3A_111 = vector.extract_strided_slice %reduce_sum3A_95 {offsets = [112], sizes = [16], strides = [1]} : vector<128xf32> to vector<16xf32>
    %add3A_112 = arith.addf %add3A_110, %slice3A_111 : vector<16xf32>
    %div3A_113 = arith.constant 1.000000e+04 : f32
    %div3A_114 = vector.broadcast %div3A_113 : f32 to vector<16xf32>
    %div3A_115 = arith.divf %add3A_112, %div3A_114 : vector<16xf32>
    %concatenate3A_116 = tpu.concatenate %div3A_115, %div3A_115, %div3A_115, %div3A_115, %div3A_115, %div3A_115, %div3A_115, %div3A_115 in 0 : vector<16xf32>, vector<16xf32>, vector<16xf32>, vector<16xf32>, vector<16xf32>, vector<16xf32>, vector<16xf32>, vector<16xf32> -> vector<128xf32>
    %broadcast_in_dim3A_117 = vector.shape_cast %concatenate3A_116 : vector<128xf32> to vector<1x128xf32>
    %sub3A_118 = vector.broadcast %broadcast_in_dim3A_117 : vector<1x128xf32> to vector<1250x128xf32>
    %sub3A_119 = arith.subf %add3A_94, %sub3A_118 : vector<1250x128xf32>
    %mul3A = arith.mulf %sub3A_119, %sub3A_119 : vector<1250x128xf32>
    %reduce_sum3A_120 = arith.constant dense<0.000000e+00> : vector<128xf32>
    %reduce_sum3A_121 = vector.multi_reduction <add>, %mul3A, %reduce_sum3A_120 [0] : vector<1250x128xf32> to vector<128xf32>
    %broadcast_in_dim3A_122 = arith.constant 0.000000e+00 : f32
    %broadcast_in_dim3A_123 = vector.broadcast %broadcast_in_dim3A_122 : f32 to vector<16xf32>
    %slice3A_124 = vector.extract_strided_slice %reduce_sum3A_121 {offsets = [0], sizes = [16], strides = [1]} : vector<128xf32> to vector<16xf32>
    %add3A_125 = arith.addf %broadcast_in_dim3A_123, %slice3A_124 : vector<16xf32>
    %slice3A_126 = vector.extract_strided_slice %reduce_sum3A_121 {offsets = [16], sizes = [16], strides = [1]} : vector<128xf32> to vector<16xf32>
    %add3A_127 = arith.addf %add3A_125, %slice3A_126 : vector<16xf32>
    %slice3A_128 = vector.extract_strided_slice %reduce_sum3A_121 {offsets = [32], sizes = [16], strides = [1]} : vector<128xf32> to vector<16xf32>
    %add3A_129 = arith.addf %add3A_127, %slice3A_128 : vector<16xf32>
    %slice3A_130 = vector.extract_strided_slice %reduce_sum3A_121 {offsets = [48], sizes = [16], strides = [1]} : vector<128xf32> to vector<16xf32>
    %add3A_131 = arith.addf %add3A_129, %slice3A_130 : vector<16xf32>
    %slice3A_132 = vector.extract_strided_slice %reduce_sum3A_121 {offsets = [64], sizes = [16], strides = [1]} : vector<128xf32> to vector<16xf32>
    %add3A_133 = arith.addf %add3A_131, %slice3A_132 : vector<16xf32>
    %slice3A_134 = vector.extract_strided_slice %reduce_sum3A_121 {offsets = [80], sizes = [16], strides = [1]} : vector<128xf32> to vector<16xf32>
    %add3A_135 = arith.addf %add3A_133, %slice3A_134 : vector<16xf32>
    %slice3A_136 = vector.extract_strided_slice %reduce_sum3A_121 {offsets = [96], sizes = [16], strides = [1]} : vector<128xf32> to vector<16xf32>
    %add3A_137 = arith.addf %add3A_135, %slice3A_136 : vector<16xf32>
    %slice3A_138 = vector.extract_strided_slice %reduce_sum3A_121 {offsets = [112], sizes = [16], strides = [1]} : vector<128xf32> to vector<16xf32>
    %add3A_139 = arith.addf %add3A_137, %slice3A_138 : vector<16xf32>
    %div3A_140 = arith.constant 1.000000e+04 : f32
    %div3A_141 = vector.broadcast %div3A_140 : f32 to vector<16xf32>
    %div3A_142 = arith.divf %add3A_139, %div3A_141 : vector<16xf32>
    %get3A_143 = arith.constant 0 : index
    %get3A_144 = vector.load %arg6[%get3A_143] : memref<16xf32, #tpu.memory_space<vmem>>, vector<16xf32>
    %add3A_145 = arith.constant 9.99999974E-6 : f32
    %add3A_146 = vector.broadcast %add3A_145 : f32 to vector<16xf32>
    %add3A_147 = arith.addf %div3A_142, %add3A_146 : vector<16xf32>
    %rsqrt3A = math.rsqrt %add3A_147 : vector<16xf32>
    %mul3A_148 = arith.mulf %get3A_144, %rsqrt3A : vector<16xf32>
    %concatenate3A_149 = tpu.concatenate %mul3A_148, %mul3A_148, %mul3A_148, %mul3A_148, %mul3A_148, %mul3A_148, %mul3A_148, %mul3A_148 in 0 : vector<16xf32>, vector<16xf32>, vector<16xf32>, vector<16xf32>, vector<16xf32>, vector<16xf32>, vector<16xf32>, vector<16xf32> -> vector<128xf32>
    %get3A_150 = arith.constant 0 : index
    %get3A_151 = vector.load %arg7[%get3A_150] : memref<16xf32, #tpu.memory_space<vmem>>, vector<16xf32>
    %concatenate3A_152 = tpu.concatenate %get3A_151, %get3A_151, %get3A_151, %get3A_151, %get3A_151, %get3A_151, %get3A_151, %get3A_151 in 0 : vector<16xf32>, vector<16xf32>, vector<16xf32>, vector<16xf32>, vector<16xf32>, vector<16xf32>, vector<16xf32>, vector<16xf32> -> vector<128xf32>
    %broadcast_in_dim3A_153 = vector.shape_cast %concatenate3A_149 : vector<128xf32> to vector<1x128xf32>
    %mul3A_154 = vector.broadcast %broadcast_in_dim3A_153 : vector<1x128xf32> to vector<1250x128xf32>
    %mul3A_155 = arith.mulf %sub3A_119, %mul3A_154 : vector<1250x128xf32>
    %broadcast_in_dim3A_156 = vector.shape_cast %concatenate3A_152 : vector<128xf32> to vector<1x128xf32>
    %add3A_157 = vector.broadcast %broadcast_in_dim3A_156 : vector<1x128xf32> to vector<1250x128xf32>
    %add3A_158 = arith.addf %mul3A_155, %add3A_157 : vector<1250x128xf32>
    %get3A_159 = arith.constant 0 : index
    %get3A_160 = arith.constant 0 : index
    %get3A_161 = vector.load %arg3[%get3A_159, %get3A_160] : memref<1250x128xi32, #tpu.memory_space<vmem>>, vector<1250x128xi32>
    %iota3A_162 = tpu.iota {dimensions = array<i32: 1>} : vector<1250x64xi32>
    %broadcast_in_dim3A_163 = arith.constant 0.000000e+00 : f32
    %broadcast_in_dim3A_164 = vector.broadcast %broadcast_in_dim3A_163 : f32 to vector<64x16xf32>
    %broadcast_in_dim3A_165 = arith.constant 0.000000e+00 : f32
    %broadcast_in_dim3A_166 = vector.broadcast %broadcast_in_dim3A_165 : f32 to vector<64x1xf32>
    %slice3A_167 = vector.extract_strided_slice %get3A_161 {offsets = [0, 0], sizes = [1250, 1], strides = [1, 1]} : vector<1250x128xi32> to vector<1250x1xi32>
    %eq3A_168 = vector.broadcast %slice3A_167 : vector<1250x1xi32> to vector<1250x64xi32>
    %eq3A_169 = arith.cmpi eq, %eq3A_168, %iota3A_162 : vector<1250x64xi32>
    %convert_element_type3A = arith.extui %eq3A_169 : vector<1250x64xi1> to vector<1250x64xi32>
    %convert_element_type3A_170 = arith.sitofp %convert_element_type3A : vector<1250x64xi32> to vector<1250x64xf32>
    %slice3A_171 = vector.extract_strided_slice %add3A_158 {offsets = [0, 0], sizes = [1250, 16], strides = [1, 1]} : vector<1250x128xf32> to vector<1250x16xf32>
    %dot_general3A_172 = arith.constant dense<0.000000e+00> : vector<64x16xf32>
    %dot_general3A_173 = tpu.matmul %convert_element_type3A_170, %slice3A_171, %dot_general3A_172 {dimension_numbers = #tpu.dot_dimension_numbers<[0], [0], [1], [1], [0, 1, 1, 1], [], []>, transpose_lhs_hint = false} : vector<1250x64xf32>, vector<1250x16xf32>, vector<64x16xf32> -> vector<64x16xf32>
    %add3A_174 = arith.addf %broadcast_in_dim3A_164, %dot_general3A_173 : vector<64x16xf32>
    %reduce_sum3A_175 = arith.constant dense<0.000000e+00> : vector<64xf32>
    %reduce_sum3A_176 = vector.multi_reduction <add>, %convert_element_type3A_170, %reduce_sum3A_175 [0] : vector<1250x64xf32> to vector<64xf32>
    %broadcast_in_dim3A_177 = vector.shape_cast %reduce_sum3A_176 : vector<64xf32> to vector<64x1xf32>
    %add3A_178 = arith.addf %broadcast_in_dim3A_166, %broadcast_in_dim3A_177 : vector<64x1xf32>
    %slice3A_179 = vector.extract_strided_slice %get3A_161 {offsets = [0, 16], sizes = [1250, 1], strides = [1, 1]} : vector<1250x128xi32> to vector<1250x1xi32>
    %eq3A_180 = vector.broadcast %slice3A_179 : vector<1250x1xi32> to vector<1250x64xi32>
    %eq3A_181 = arith.cmpi eq, %eq3A_180, %iota3A_162 : vector<1250x64xi32>
    %convert_element_type3A_182 = arith.extui %eq3A_181 : vector<1250x64xi1> to vector<1250x64xi32>
    %convert_element_type3A_183 = arith.sitofp %convert_element_type3A_182 : vector<1250x64xi32> to vector<1250x64xf32>
    %slice3A_184 = vector.extract_strided_slice %add3A_158 {offsets = [0, 16], sizes = [1250, 16], strides = [1, 1]} : vector<1250x128xf32> to vector<1250x16xf32>
    %dot_general3A_185 = arith.constant dense<0.000000e+00> : vector<64x16xf32>
    %dot_general3A_186 = tpu.matmul %convert_element_type3A_183, %slice3A_184, %dot_general3A_185 {dimension_numbers = #tpu.dot_dimension_numbers<[0], [0], [1], [1], [0, 1, 1, 1], [], []>, transpose_lhs_hint = false} : vector<1250x64xf32>, vector<1250x16xf32>, vector<64x16xf32> -> vector<64x16xf32>
    %add3A_187 = arith.addf %add3A_174, %dot_general3A_186 : vector<64x16xf32>
    %reduce_sum3A_188 = arith.constant dense<0.000000e+00> : vector<64xf32>
    %reduce_sum3A_189 = vector.multi_reduction <add>, %convert_element_type3A_183, %reduce_sum3A_188 [0] : vector<1250x64xf32> to vector<64xf32>
    %broadcast_in_dim3A_190 = vector.shape_cast %reduce_sum3A_189 : vector<64xf32> to vector<64x1xf32>
    %add3A_191 = arith.addf %add3A_178, %broadcast_in_dim3A_190 : vector<64x1xf32>
    %slice3A_192 = vector.extract_strided_slice %get3A_161 {offsets = [0, 32], sizes = [1250, 1], strides = [1, 1]} : vector<1250x128xi32> to vector<1250x1xi32>
    %eq3A_193 = vector.broadcast %slice3A_192 : vector<1250x1xi32> to vector<1250x64xi32>
    %eq3A_194 = arith.cmpi eq, %eq3A_193, %iota3A_162 : vector<1250x64xi32>
    %convert_element_type3A_195 = arith.extui %eq3A_194 : vector<1250x64xi1> to vector<1250x64xi32>
    %convert_element_type3A_196 = arith.sitofp %convert_element_type3A_195 : vector<1250x64xi32> to vector<1250x64xf32>
    %slice3A_197 = vector.extract_strided_slice %add3A_158 {offsets = [0, 32], sizes = [1250, 16], strides = [1, 1]} : vector<1250x128xf32> to vector<1250x16xf32>
    %dot_general3A_198 = arith.constant dense<0.000000e+00> : vector<64x16xf32>
    %dot_general3A_199 = tpu.matmul %convert_element_type3A_196, %slice3A_197, %dot_general3A_198 {dimension_numbers = #tpu.dot_dimension_numbers<[0], [0], [1], [1], [0, 1, 1, 1], [], []>, transpose_lhs_hint = false} : vector<1250x64xf32>, vector<1250x16xf32>, vector<64x16xf32> -> vector<64x16xf32>
    %add3A_200 = arith.addf %add3A_187, %dot_general3A_199 : vector<64x16xf32>
    %reduce_sum3A_201 = arith.constant dense<0.000000e+00> : vector<64xf32>
    %reduce_sum3A_202 = vector.multi_reduction <add>, %convert_element_type3A_196, %reduce_sum3A_201 [0] : vector<1250x64xf32> to vector<64xf32>
    %broadcast_in_dim3A_203 = vector.shape_cast %reduce_sum3A_202 : vector<64xf32> to vector<64x1xf32>
    %add3A_204 = arith.addf %add3A_191, %broadcast_in_dim3A_203 : vector<64x1xf32>
    %slice3A_205 = vector.extract_strided_slice %get3A_161 {offsets = [0, 48], sizes = [1250, 1], strides = [1, 1]} : vector<1250x128xi32> to vector<1250x1xi32>
    %eq3A_206 = vector.broadcast %slice3A_205 : vector<1250x1xi32> to vector<1250x64xi32>
    %eq3A_207 = arith.cmpi eq, %eq3A_206, %iota3A_162 : vector<1250x64xi32>
    %convert_element_type3A_208 = arith.extui %eq3A_207 : vector<1250x64xi1> to vector<1250x64xi32>
    %convert_element_type3A_209 = arith.sitofp %convert_element_type3A_208 : vector<1250x64xi32> to vector<1250x64xf32>
    %slice3A_210 = vector.extract_strided_slice %add3A_158 {offsets = [0, 48], sizes = [1250, 16], strides = [1, 1]} : vector<1250x128xf32> to vector<1250x16xf32>
    %dot_general3A_211 = arith.constant dense<0.000000e+00> : vector<64x16xf32>
    %dot_general3A_212 = tpu.matmul %convert_element_type3A_209, %slice3A_210, %dot_general3A_211 {dimension_numbers = #tpu.dot_dimension_numbers<[0], [0], [1], [1], [0, 1, 1, 1], [], []>, transpose_lhs_hint = false} : vector<1250x64xf32>, vector<1250x16xf32>, vector<64x16xf32> -> vector<64x16xf32>
    %add3A_213 = arith.addf %add3A_200, %dot_general3A_212 : vector<64x16xf32>
    %reduce_sum3A_214 = arith.constant dense<0.000000e+00> : vector<64xf32>
    %reduce_sum3A_215 = vector.multi_reduction <add>, %convert_element_type3A_209, %reduce_sum3A_214 [0] : vector<1250x64xf32> to vector<64xf32>
    %broadcast_in_dim3A_216 = vector.shape_cast %reduce_sum3A_215 : vector<64xf32> to vector<64x1xf32>
    %add3A_217 = arith.addf %add3A_204, %broadcast_in_dim3A_216 : vector<64x1xf32>
    %slice3A_218 = vector.extract_strided_slice %get3A_161 {offsets = [0, 64], sizes = [1250, 1], strides = [1, 1]} : vector<1250x128xi32> to vector<1250x1xi32>
    %eq3A_219 = vector.broadcast %slice3A_218 : vector<1250x1xi32> to vector<1250x64xi32>
    %eq3A_220 = arith.cmpi eq, %eq3A_219, %iota3A_162 : vector<1250x64xi32>
    %convert_element_type3A_221 = arith.extui %eq3A_220 : vector<1250x64xi1> to vector<1250x64xi32>
    %convert_element_type3A_222 = arith.sitofp %convert_element_type3A_221 : vector<1250x64xi32> to vector<1250x64xf32>
    %slice3A_223 = vector.extract_strided_slice %add3A_158 {offsets = [0, 64], sizes = [1250, 16], strides = [1, 1]} : vector<1250x128xf32> to vector<1250x16xf32>
    %dot_general3A_224 = arith.constant dense<0.000000e+00> : vector<64x16xf32>
    %dot_general3A_225 = tpu.matmul %convert_element_type3A_222, %slice3A_223, %dot_general3A_224 {dimension_numbers = #tpu.dot_dimension_numbers<[0], [0], [1], [1], [0, 1, 1, 1], [], []>, transpose_lhs_hint = false} : vector<1250x64xf32>, vector<1250x16xf32>, vector<64x16xf32> -> vector<64x16xf32>
    %add3A_226 = arith.addf %add3A_213, %dot_general3A_225 : vector<64x16xf32>
    %reduce_sum3A_227 = arith.constant dense<0.000000e+00> : vector<64xf32>
    %reduce_sum3A_228 = vector.multi_reduction <add>, %convert_element_type3A_222, %reduce_sum3A_227 [0] : vector<1250x64xf32> to vector<64xf32>
    %broadcast_in_dim3A_229 = vector.shape_cast %reduce_sum3A_228 : vector<64xf32> to vector<64x1xf32>
    %add3A_230 = arith.addf %add3A_217, %broadcast_in_dim3A_229 : vector<64x1xf32>
    %slice3A_231 = vector.extract_strided_slice %get3A_161 {offsets = [0, 80], sizes = [1250, 1], strides = [1, 1]} : vector<1250x128xi32> to vector<1250x1xi32>
    %eq3A_232 = vector.broadcast %slice3A_231 : vector<1250x1xi32> to vector<1250x64xi32>
    %eq3A_233 = arith.cmpi eq, %eq3A_232, %iota3A_162 : vector<1250x64xi32>
    %convert_element_type3A_234 = arith.extui %eq3A_233 : vector<1250x64xi1> to vector<1250x64xi32>
    %convert_element_type3A_235 = arith.sitofp %convert_element_type3A_234 : vector<1250x64xi32> to vector<1250x64xf32>
    %slice3A_236 = vector.extract_strided_slice %add3A_158 {offsets = [0, 80], sizes = [1250, 16], strides = [1, 1]} : vector<1250x128xf32> to vector<1250x16xf32>
    %dot_general3A_237 = arith.constant dense<0.000000e+00> : vector<64x16xf32>
    %dot_general3A_238 = tpu.matmul %convert_element_type3A_235, %slice3A_236, %dot_general3A_237 {dimension_numbers = #tpu.dot_dimension_numbers<[0], [0], [1], [1], [0, 1, 1, 1], [], []>, transpose_lhs_hint = false} : vector<1250x64xf32>, vector<1250x16xf32>, vector<64x16xf32> -> vector<64x16xf32>
    %add3A_239 = arith.addf %add3A_226, %dot_general3A_238 : vector<64x16xf32>
    %reduce_sum3A_240 = arith.constant dense<0.000000e+00> : vector<64xf32>
    %reduce_sum3A_241 = vector.multi_reduction <add>, %convert_element_type3A_235, %reduce_sum3A_240 [0] : vector<1250x64xf32> to vector<64xf32>
    %broadcast_in_dim3A_242 = vector.shape_cast %reduce_sum3A_241 : vector<64xf32> to vector<64x1xf32>
    %add3A_243 = arith.addf %add3A_230, %broadcast_in_dim3A_242 : vector<64x1xf32>
    %slice3A_244 = vector.extract_strided_slice %get3A_161 {offsets = [0, 96], sizes = [1250, 1], strides = [1, 1]} : vector<1250x128xi32> to vector<1250x1xi32>
    %eq3A_245 = vector.broadcast %slice3A_244 : vector<1250x1xi32> to vector<1250x64xi32>
    %eq3A_246 = arith.cmpi eq, %eq3A_245, %iota3A_162 : vector<1250x64xi32>
    %convert_element_type3A_247 = arith.extui %eq3A_246 : vector<1250x64xi1> to vector<1250x64xi32>
    %convert_element_type3A_248 = arith.sitofp %convert_element_type3A_247 : vector<1250x64xi32> to vector<1250x64xf32>
    %slice3A_249 = vector.extract_strided_slice %add3A_158 {offsets = [0, 96], sizes = [1250, 16], strides = [1, 1]} : vector<1250x128xf32> to vector<1250x16xf32>
    %dot_general3A_250 = arith.constant dense<0.000000e+00> : vector<64x16xf32>
    %dot_general3A_251 = tpu.matmul %convert_element_type3A_248, %slice3A_249, %dot_general3A_250 {dimension_numbers = #tpu.dot_dimension_numbers<[0], [0], [1], [1], [0, 1, 1, 1], [], []>, transpose_lhs_hint = false} : vector<1250x64xf32>, vector<1250x16xf32>, vector<64x16xf32> -> vector<64x16xf32>
    %add3A_252 = arith.addf %add3A_239, %dot_general3A_251 : vector<64x16xf32>
    %reduce_sum3A_253 = arith.constant dense<0.000000e+00> : vector<64xf32>
    %reduce_sum3A_254 = vector.multi_reduction <add>, %convert_element_type3A_248, %reduce_sum3A_253 [0] : vector<1250x64xf32> to vector<64xf32>
    %broadcast_in_dim3A_255 = vector.shape_cast %reduce_sum3A_254 : vector<64xf32> to vector<64x1xf32>
    %add3A_256 = arith.addf %add3A_243, %broadcast_in_dim3A_255 : vector<64x1xf32>
    %slice3A_257 = vector.extract_strided_slice %get3A_161 {offsets = [0, 112], sizes = [1250, 1], strides = [1, 1]} : vector<1250x128xi32> to vector<1250x1xi32>
    %eq3A_258 = vector.broadcast %slice3A_257 : vector<1250x1xi32> to vector<1250x64xi32>
    %eq3A_259 = arith.cmpi eq, %eq3A_258, %iota3A_162 : vector<1250x64xi32>
    %convert_element_type3A_260 = arith.extui %eq3A_259 : vector<1250x64xi1> to vector<1250x64xi32>
    %convert_element_type3A_261 = arith.sitofp %convert_element_type3A_260 : vector<1250x64xi32> to vector<1250x64xf32>
    %slice3A_262 = vector.extract_strided_slice %add3A_158 {offsets = [0, 112], sizes = [1250, 16], strides = [1, 1]} : vector<1250x128xf32> to vector<1250x16xf32>
    %dot_general3A_263 = arith.constant dense<0.000000e+00> : vector<64x16xf32>
    %dot_general3A_264 = tpu.matmul %convert_element_type3A_261, %slice3A_262, %dot_general3A_263 {dimension_numbers = #tpu.dot_dimension_numbers<[0], [0], [1], [1], [0, 1, 1, 1], [], []>, transpose_lhs_hint = false} : vector<1250x64xf32>, vector<1250x16xf32>, vector<64x16xf32> -> vector<64x16xf32>
    %add3A_265 = arith.addf %add3A_252, %dot_general3A_264 : vector<64x16xf32>
    %reduce_sum3A_266 = arith.constant dense<0.000000e+00> : vector<64xf32>
    %reduce_sum3A_267 = vector.multi_reduction <add>, %convert_element_type3A_261, %reduce_sum3A_266 [0] : vector<1250x64xf32> to vector<64xf32>
    %broadcast_in_dim3A_268 = vector.shape_cast %reduce_sum3A_267 : vector<64xf32> to vector<64x1xf32>
    %add3A_269 = arith.addf %add3A_256, %broadcast_in_dim3A_268 : vector<64x1xf32>
    %max3A_270 = arith.constant 1.000000e+00 : f32
    %max3A_271 = vector.broadcast %max3A_270 : f32 to vector<64x1xf32>
    %max3A_272 = arith.maximumf %add3A_269, %max3A_271 : vector<64x1xf32>
    %div3A_273 = vector.broadcast %max3A_272 : vector<64x1xf32> to vector<64x16xf32>
    %div3A_274 = arith.divf %add3A_265, %div3A_273 : vector<64x16xf32>
    %eq3A_275 = arith.constant 0 : i32
    %eq3A_276 = vector.broadcast %eq3A_275 : i32 to vector<1250x128xi32>
    %eq3A_277 = arith.cmpi eq, %get3A_161, %eq3A_276 : vector<1250x128xi32>
    %jit3A_278 = arith.constant 0xFF800000 : f32
    %broadcast_in_dim3A_279 = vector.broadcast %jit3A_278 : f32 to vector<1250x128xf32>
    %select_n3A_280 = arith.select %eq3A_277, %add3A_158, %broadcast_in_dim3A_279 : vector<1250x128xi1>, vector<1250x128xf32>
    %reduce_max3A = arith.constant dense<0xFF800000> : vector<128xf32>
    %reduce_max3A_281 = vector.multi_reduction <maximumf>, %select_n3A_280, %reduce_max3A [0] : vector<1250x128xf32> to vector<128xf32>
    %slice3A_282 = vector.extract_strided_slice %reduce_max3A_281 {offsets = [0], sizes = [16], strides = [1]} : vector<128xf32> to vector<16xf32>
    %slice3A_283 = vector.extract_strided_slice %reduce_max3A_281 {offsets = [16], sizes = [16], strides = [1]} : vector<128xf32> to vector<16xf32>
    %max3A_284 = arith.maximumf %slice3A_282, %slice3A_283 : vector<16xf32>
    %slice3A_285 = vector.extract_strided_slice %reduce_max3A_281 {offsets = [32], sizes = [16], strides = [1]} : vector<128xf32> to vector<16xf32>
    %max3A_286 = arith.maximumf %max3A_284, %slice3A_285 : vector<16xf32>
    %slice3A_287 = vector.extract_strided_slice %reduce_max3A_281 {offsets = [48], sizes = [16], strides = [1]} : vector<128xf32> to vector<16xf32>
    %max3A_288 = arith.maximumf %max3A_286, %slice3A_287 : vector<16xf32>
    %slice3A_289 = vector.extract_strided_slice %reduce_max3A_281 {offsets = [64], sizes = [16], strides = [1]} : vector<128xf32> to vector<16xf32>
    %max3A_290 = arith.maximumf %max3A_288, %slice3A_289 : vector<16xf32>
    %slice3A_291 = vector.extract_strided_slice %reduce_max3A_281 {offsets = [80], sizes = [16], strides = [1]} : vector<128xf32> to vector<16xf32>
    %max3A_292 = arith.maximumf %max3A_290, %slice3A_291 : vector<16xf32>
    %slice3A_293 = vector.extract_strided_slice %reduce_max3A_281 {offsets = [96], sizes = [16], strides = [1]} : vector<128xf32> to vector<16xf32>
    %max3A_294 = arith.maximumf %max3A_292, %slice3A_293 : vector<16xf32>
    %slice3A_295 = vector.extract_strided_slice %reduce_max3A_281 {offsets = [112], sizes = [16], strides = [1]} : vector<128xf32> to vector<16xf32>
    %max3A_296 = arith.maximumf %max3A_294, %slice3A_295 : vector<16xf32>
    %eq3A_297 = arith.constant 1 : i32
    %eq3A_298 = vector.broadcast %eq3A_297 : i32 to vector<1250x128xi32>
    %eq3A_299 = arith.cmpi eq, %get3A_161, %eq3A_298 : vector<1250x128xi32>
    %jit3A_300 = arith.constant 0xFF800000 : f32
    %broadcast_in_dim3A_301 = vector.broadcast %jit3A_300 : f32 to vector<1250x128xf32>
    %select_n3A_302 = arith.select %eq3A_299, %add3A_158, %broadcast_in_dim3A_301 : vector<1250x128xi1>, vector<1250x128xf32>
    %reduce_max3A_303 = arith.constant dense<0xFF800000> : vector<128xf32>
    %reduce_max3A_304 = vector.multi_reduction <maximumf>, %select_n3A_302, %reduce_max3A_303 [0] : vector<1250x128xf32> to vector<128xf32>
    %slice3A_305 = vector.extract_strided_slice %reduce_max3A_304 {offsets = [0], sizes = [16], strides = [1]} : vector<128xf32> to vector<16xf32>
    %slice3A_306 = vector.extract_strided_slice %reduce_max3A_304 {offsets = [16], sizes = [16], strides = [1]} : vector<128xf32> to vector<16xf32>
    %max3A_307 = arith.maximumf %slice3A_305, %slice3A_306 : vector<16xf32>
    %slice3A_308 = vector.extract_strided_slice %reduce_max3A_304 {offsets = [32], sizes = [16], strides = [1]} : vector<128xf32> to vector<16xf32>
    %max3A_309 = arith.maximumf %max3A_307, %slice3A_308 : vector<16xf32>
    %slice3A_310 = vector.extract_strided_slice %reduce_max3A_304 {offsets = [48], sizes = [16], strides = [1]} : vector<128xf32> to vector<16xf32>
    %max3A_311 = arith.maximumf %max3A_309, %slice3A_310 : vector<16xf32>
    %slice3A_312 = vector.extract_strided_slice %reduce_max3A_304 {offsets = [64], sizes = [16], strides = [1]} : vector<128xf32> to vector<16xf32>
    %max3A_313 = arith.maximumf %max3A_311, %slice3A_312 : vector<16xf32>
    %slice3A_314 = vector.extract_strided_slice %reduce_max3A_304 {offsets = [80], sizes = [16], strides = [1]} : vector<128xf32> to vector<16xf32>
    %max3A_315 = arith.maximumf %max3A_313, %slice3A_314 : vector<16xf32>
    %slice3A_316 = vector.extract_strided_slice %reduce_max3A_304 {offsets = [96], sizes = [16], strides = [1]} : vector<128xf32> to vector<16xf32>
    %max3A_317 = arith.maximumf %max3A_315, %slice3A_316 : vector<16xf32>
    %slice3A_318 = vector.extract_strided_slice %reduce_max3A_304 {offsets = [112], sizes = [16], strides = [1]} : vector<128xf32> to vector<16xf32>
    %max3A_319 = arith.maximumf %max3A_317, %slice3A_318 : vector<16xf32>
    %eq3A_320 = arith.constant 2 : i32
    %eq3A_321 = vector.broadcast %eq3A_320 : i32 to vector<1250x128xi32>
    %eq3A_322 = arith.cmpi eq, %get3A_161, %eq3A_321 : vector<1250x128xi32>
    %jit3A_323 = arith.constant 0xFF800000 : f32
    %broadcast_in_dim3A_324 = vector.broadcast %jit3A_323 : f32 to vector<1250x128xf32>
    %select_n3A_325 = arith.select %eq3A_322, %add3A_158, %broadcast_in_dim3A_324 : vector<1250x128xi1>, vector<1250x128xf32>
    %reduce_max3A_326 = arith.constant dense<0xFF800000> : vector<128xf32>
    %reduce_max3A_327 = vector.multi_reduction <maximumf>, %select_n3A_325, %reduce_max3A_326 [0] : vector<1250x128xf32> to vector<128xf32>
    %slice3A_328 = vector.extract_strided_slice %reduce_max3A_327 {offsets = [0], sizes = [16], strides = [1]} : vector<128xf32> to vector<16xf32>
    %slice3A_329 = vector.extract_strided_slice %reduce_max3A_327 {offsets = [16], sizes = [16], strides = [1]} : vector<128xf32> to vector<16xf32>
    %max3A_330 = arith.maximumf %slice3A_328, %slice3A_329 : vector<16xf32>
    %slice3A_331 = vector.extract_strided_slice %reduce_max3A_327 {offsets = [32], sizes = [16], strides = [1]} : vector<128xf32> to vector<16xf32>
    %max3A_332 = arith.maximumf %max3A_330, %slice3A_331 : vector<16xf32>
    %slice3A_333 = vector.extract_strided_slice %reduce_max3A_327 {offsets = [48], sizes = [16], strides = [1]} : vector<128xf32> to vector<16xf32>
    %max3A_334 = arith.maximumf %max3A_332, %slice3A_333 : vector<16xf32>
    %slice3A_335 = vector.extract_strided_slice %reduce_max3A_327 {offsets = [64], sizes = [16], strides = [1]} : vector<128xf32> to vector<16xf32>
    %max3A_336 = arith.maximumf %max3A_334, %slice3A_335 : vector<16xf32>
    %slice3A_337 = vector.extract_strided_slice %reduce_max3A_327 {offsets = [80], sizes = [16], strides = [1]} : vector<128xf32> to vector<16xf32>
    %max3A_338 = arith.maximumf %max3A_336, %slice3A_337 : vector<16xf32>
    %slice3A_339 = vector.extract_strided_slice %reduce_max3A_327 {offsets = [96], sizes = [16], strides = [1]} : vector<128xf32> to vector<16xf32>
    %max3A_340 = arith.maximumf %max3A_338, %slice3A_339 : vector<16xf32>
    %slice3A_341 = vector.extract_strided_slice %reduce_max3A_327 {offsets = [112], sizes = [16], strides = [1]} : vector<128xf32> to vector<16xf32>
    %max3A_342 = arith.maximumf %max3A_340, %slice3A_341 : vector<16xf32>
    %eq3A_343 = arith.constant 3 : i32
    %eq3A_344 = vector.broadcast %eq3A_343 : i32 to vector<1250x128xi32>
    %eq3A_345 = arith.cmpi eq, %get3A_161, %eq3A_344 : vector<1250x128xi32>
    %jit3A_346 = arith.constant 0xFF800000 : f32
    %broadcast_in_dim3A_347 = vector.broadcast %jit3A_346 : f32 to vector<1250x128xf32>
    %select_n3A_348 = arith.select %eq3A_345, %add3A_158, %broadcast_in_dim3A_347 : vector<1250x128xi1>, vector<1250x128xf32>
    %reduce_max3A_349 = arith.constant dense<0xFF800000> : vector<128xf32>
    %reduce_max3A_350 = vector.multi_reduction <maximumf>, %select_n3A_348, %reduce_max3A_349 [0] : vector<1250x128xf32> to vector<128xf32>
    %slice3A_351 = vector.extract_strided_slice %reduce_max3A_350 {offsets = [0], sizes = [16], strides = [1]} : vector<128xf32> to vector<16xf32>
    %slice3A_352 = vector.extract_strided_slice %reduce_max3A_350 {offsets = [16], sizes = [16], strides = [1]} : vector<128xf32> to vector<16xf32>
    %max3A_353 = arith.maximumf %slice3A_351, %slice3A_352 : vector<16xf32>
    %slice3A_354 = vector.extract_strided_slice %reduce_max3A_350 {offsets = [32], sizes = [16], strides = [1]} : vector<128xf32> to vector<16xf32>
    %max3A_355 = arith.maximumf %max3A_353, %slice3A_354 : vector<16xf32>
    %slice3A_356 = vector.extract_strided_slice %reduce_max3A_350 {offsets = [48], sizes = [16], strides = [1]} : vector<128xf32> to vector<16xf32>
    %max3A_357 = arith.maximumf %max3A_355, %slice3A_356 : vector<16xf32>
    %slice3A_358 = vector.extract_strided_slice %reduce_max3A_350 {offsets = [64], sizes = [16], strides = [1]} : vector<128xf32> to vector<16xf32>
    %max3A_359 = arith.maximumf %max3A_357, %slice3A_358 : vector<16xf32>
    %slice3A_360 = vector.extract_strided_slice %reduce_max3A_350 {offsets = [80], sizes = [16], strides = [1]} : vector<128xf32> to vector<16xf32>
    %max3A_361 = arith.maximumf %max3A_359, %slice3A_360 : vector<16xf32>
    %slice3A_362 = vector.extract_strided_slice %reduce_max3A_350 {offsets = [96], sizes = [16], strides = [1]} : vector<128xf32> to vector<16xf32>
    %max3A_363 = arith.maximumf %max3A_361, %slice3A_362 : vector<16xf32>
    %slice3A_364 = vector.extract_strided_slice %reduce_max3A_350 {offsets = [112], sizes = [16], strides = [1]} : vector<128xf32> to vector<16xf32>
    %max3A_365 = arith.maximumf %max3A_363, %slice3A_364 : vector<16xf32>
    %eq3A_366 = arith.constant 4 : i32
    %eq3A_367 = vector.broadcast %eq3A_366 : i32 to vector<1250x128xi32>
    %eq3A_368 = arith.cmpi eq, %get3A_161, %eq3A_367 : vector<1250x128xi32>
    %jit3A_369 = arith.constant 0xFF800000 : f32
    %broadcast_in_dim3A_370 = vector.broadcast %jit3A_369 : f32 to vector<1250x128xf32>
    %select_n3A_371 = arith.select %eq3A_368, %add3A_158, %broadcast_in_dim3A_370 : vector<1250x128xi1>, vector<1250x128xf32>
    %reduce_max3A_372 = arith.constant dense<0xFF800000> : vector<128xf32>
    %reduce_max3A_373 = vector.multi_reduction <maximumf>, %select_n3A_371, %reduce_max3A_372 [0] : vector<1250x128xf32> to vector<128xf32>
    %slice3A_374 = vector.extract_strided_slice %reduce_max3A_373 {offsets = [0], sizes = [16], strides = [1]} : vector<128xf32> to vector<16xf32>
    %slice3A_375 = vector.extract_strided_slice %reduce_max3A_373 {offsets = [16], sizes = [16], strides = [1]} : vector<128xf32> to vector<16xf32>
    %max3A_376 = arith.maximumf %slice3A_374, %slice3A_375 : vector<16xf32>
    %slice3A_377 = vector.extract_strided_slice %reduce_max3A_373 {offsets = [32], sizes = [16], strides = [1]} : vector<128xf32> to vector<16xf32>
    %max3A_378 = arith.maximumf %max3A_376, %slice3A_377 : vector<16xf32>
    %slice3A_379 = vector.extract_strided_slice %reduce_max3A_373 {offsets = [48], sizes = [16], strides = [1]} : vector<128xf32> to vector<16xf32>
    %max3A_380 = arith.maximumf %max3A_378, %slice3A_379 : vector<16xf32>
    %slice3A_381 = vector.extract_strided_slice %reduce_max3A_373 {offsets = [64], sizes = [16], strides = [1]} : vector<128xf32> to vector<16xf32>
    %max3A_382 = arith.maximumf %max3A_380, %slice3A_381 : vector<16xf32>
    %slice3A_383 = vector.extract_strided_slice %reduce_max3A_373 {offsets = [80], sizes = [16], strides = [1]} : vector<128xf32> to vector<16xf32>
    %max3A_384 = arith.maximumf %max3A_382, %slice3A_383 : vector<16xf32>
    %slice3A_385 = vector.extract_strided_slice %reduce_max3A_373 {offsets = [96], sizes = [16], strides = [1]} : vector<128xf32> to vector<16xf32>
    %max3A_386 = arith.maximumf %max3A_384, %slice3A_385 : vector<16xf32>
    %slice3A_387 = vector.extract_strided_slice %reduce_max3A_373 {offsets = [112], sizes = [16], strides = [1]} : vector<128xf32> to vector<16xf32>
    %max3A_388 = arith.maximumf %max3A_386, %slice3A_387 : vector<16xf32>
    %eq3A_389 = arith.constant 5 : i32
    %eq3A_390 = vector.broadcast %eq3A_389 : i32 to vector<1250x128xi32>
    %eq3A_391 = arith.cmpi eq, %get3A_161, %eq3A_390 : vector<1250x128xi32>
    %jit3A_392 = arith.constant 0xFF800000 : f32
    %broadcast_in_dim3A_393 = vector.broadcast %jit3A_392 : f32 to vector<1250x128xf32>
    %select_n3A_394 = arith.select %eq3A_391, %add3A_158, %broadcast_in_dim3A_393 : vector<1250x128xi1>, vector<1250x128xf32>
    %reduce_max3A_395 = arith.constant dense<0xFF800000> : vector<128xf32>
    %reduce_max3A_396 = vector.multi_reduction <maximumf>, %select_n3A_394, %reduce_max3A_395 [0] : vector<1250x128xf32> to vector<128xf32>
    %slice3A_397 = vector.extract_strided_slice %reduce_max3A_396 {offsets = [0], sizes = [16], strides = [1]} : vector<128xf32> to vector<16xf32>
    %slice3A_398 = vector.extract_strided_slice %reduce_max3A_396 {offsets = [16], sizes = [16], strides = [1]} : vector<128xf32> to vector<16xf32>
    %max3A_399 = arith.maximumf %slice3A_397, %slice3A_398 : vector<16xf32>
    %slice3A_400 = vector.extract_strided_slice %reduce_max3A_396 {offsets = [32], sizes = [16], strides = [1]} : vector<128xf32> to vector<16xf32>
    %max3A_401 = arith.maximumf %max3A_399, %slice3A_400 : vector<16xf32>
    %slice3A_402 = vector.extract_strided_slice %reduce_max3A_396 {offsets = [48], sizes = [16], strides = [1]} : vector<128xf32> to vector<16xf32>
    %max3A_403 = arith.maximumf %max3A_401, %slice3A_402 : vector<16xf32>
    %slice3A_404 = vector.extract_strided_slice %reduce_max3A_396 {offsets = [64], sizes = [16], strides = [1]} : vector<128xf32> to vector<16xf32>
    %max3A_405 = arith.maximumf %max3A_403, %slice3A_404 : vector<16xf32>
    %slice3A_406 = vector.extract_strided_slice %reduce_max3A_396 {offsets = [80], sizes = [16], strides = [1]} : vector<128xf32> to vector<16xf32>
    %max3A_407 = arith.maximumf %max3A_405, %slice3A_406 : vector<16xf32>
    %slice3A_408 = vector.extract_strided_slice %reduce_max3A_396 {offsets = [96], sizes = [16], strides = [1]} : vector<128xf32> to vector<16xf32>
    %max3A_409 = arith.maximumf %max3A_407, %slice3A_408 : vector<16xf32>
    %slice3A_410 = vector.extract_strided_slice %reduce_max3A_396 {offsets = [112], sizes = [16], strides = [1]} : vector<128xf32> to vector<16xf32>
    %max3A_411 = arith.maximumf %max3A_409, %slice3A_410 : vector<16xf32>
    %eq3A_412 = arith.constant 6 : i32
    %eq3A_413 = vector.broadcast %eq3A_412 : i32 to vector<1250x128xi32>
    %eq3A_414 = arith.cmpi eq, %get3A_161, %eq3A_413 : vector<1250x128xi32>
    %jit3A_415 = arith.constant 0xFF800000 : f32
    %broadcast_in_dim3A_416 = vector.broadcast %jit3A_415 : f32 to vector<1250x128xf32>
    %select_n3A_417 = arith.select %eq3A_414, %add3A_158, %broadcast_in_dim3A_416 : vector<1250x128xi1>, vector<1250x128xf32>
    %reduce_max3A_418 = arith.constant dense<0xFF800000> : vector<128xf32>
    %reduce_max3A_419 = vector.multi_reduction <maximumf>, %select_n3A_417, %reduce_max3A_418 [0] : vector<1250x128xf32> to vector<128xf32>
    %slice3A_420 = vector.extract_strided_slice %reduce_max3A_419 {offsets = [0], sizes = [16], strides = [1]} : vector<128xf32> to vector<16xf32>
    %slice3A_421 = vector.extract_strided_slice %reduce_max3A_419 {offsets = [16], sizes = [16], strides = [1]} : vector<128xf32> to vector<16xf32>
    %max3A_422 = arith.maximumf %slice3A_420, %slice3A_421 : vector<16xf32>
    %slice3A_423 = vector.extract_strided_slice %reduce_max3A_419 {offsets = [32], sizes = [16], strides = [1]} : vector<128xf32> to vector<16xf32>
    %max3A_424 = arith.maximumf %max3A_422, %slice3A_423 : vector<16xf32>
    %slice3A_425 = vector.extract_strided_slice %reduce_max3A_419 {offsets = [48], sizes = [16], strides = [1]} : vector<128xf32> to vector<16xf32>
    %max3A_426 = arith.maximumf %max3A_424, %slice3A_425 : vector<16xf32>
    %slice3A_427 = vector.extract_strided_slice %reduce_max3A_419 {offsets = [64], sizes = [16], strides = [1]} : vector<128xf32> to vector<16xf32>
    %max3A_428 = arith.maximumf %max3A_426, %slice3A_427 : vector<16xf32>
    %slice3A_429 = vector.extract_strided_slice %reduce_max3A_419 {offsets = [80], sizes = [16], strides = [1]} : vector<128xf32> to vector<16xf32>
    %max3A_430 = arith.maximumf %max3A_428, %slice3A_429 : vector<16xf32>
    %slice3A_431 = vector.extract_strided_slice %reduce_max3A_419 {offsets = [96], sizes = [16], strides = [1]} : vector<128xf32> to vector<16xf32>
    %max3A_432 = arith.maximumf %max3A_430, %slice3A_431 : vector<16xf32>
    %slice3A_433 = vector.extract_strided_slice %reduce_max3A_419 {offsets = [112], sizes = [16], strides = [1]} : vector<128xf32> to vector<16xf32>
    %max3A_434 = arith.maximumf %max3A_432, %slice3A_433 : vector<16xf32>
    %eq3A_435 = arith.constant 7 : i32
    %eq3A_436 = vector.broadcast %eq3A_435 : i32 to vector<1250x128xi32>
    %eq3A_437 = arith.cmpi eq, %get3A_161, %eq3A_436 : vector<1250x128xi32>
    %jit3A_438 = arith.constant 0xFF800000 : f32
    %broadcast_in_dim3A_439 = vector.broadcast %jit3A_438 : f32 to vector<1250x128xf32>
    %select_n3A_440 = arith.select %eq3A_437, %add3A_158, %broadcast_in_dim3A_439 : vector<1250x128xi1>, vector<1250x128xf32>
    %reduce_max3A_441 = arith.constant dense<0xFF800000> : vector<128xf32>
    %reduce_max3A_442 = vector.multi_reduction <maximumf>, %select_n3A_440, %reduce_max3A_441 [0] : vector<1250x128xf32> to vector<128xf32>
    %slice3A_443 = vector.extract_strided_slice %reduce_max3A_442 {offsets = [0], sizes = [16], strides = [1]} : vector<128xf32> to vector<16xf32>
    %slice3A_444 = vector.extract_strided_slice %reduce_max3A_442 {offsets = [16], sizes = [16], strides = [1]} : vector<128xf32> to vector<16xf32>
    %max3A_445 = arith.maximumf %slice3A_443, %slice3A_444 : vector<16xf32>
    %slice3A_446 = vector.extract_strided_slice %reduce_max3A_442 {offsets = [32], sizes = [16], strides = [1]} : vector<128xf32> to vector<16xf32>
    %max3A_447 = arith.maximumf %max3A_445, %slice3A_446 : vector<16xf32>
    %slice3A_448 = vector.extract_strided_slice %reduce_max3A_442 {offsets = [48], sizes = [16], strides = [1]} : vector<128xf32> to vector<16xf32>
    %max3A_449 = arith.maximumf %max3A_447, %slice3A_448 : vector<16xf32>
    %slice3A_450 = vector.extract_strided_slice %reduce_max3A_442 {offsets = [64], sizes = [16], strides = [1]} : vector<128xf32> to vector<16xf32>
    %max3A_451 = arith.maximumf %max3A_449, %slice3A_450 : vector<16xf32>
    %slice3A_452 = vector.extract_strided_slice %reduce_max3A_442 {offsets = [80], sizes = [16], strides = [1]} : vector<128xf32> to vector<16xf32>
    %max3A_453 = arith.maximumf %max3A_451, %slice3A_452 : vector<16xf32>
    %slice3A_454 = vector.extract_strided_slice %reduce_max3A_442 {offsets = [96], sizes = [16], strides = [1]} : vector<128xf32> to vector<16xf32>
    %max3A_455 = arith.maximumf %max3A_453, %slice3A_454 : vector<16xf32>
    %slice3A_456 = vector.extract_strided_slice %reduce_max3A_442 {offsets = [112], sizes = [16], strides = [1]} : vector<128xf32> to vector<16xf32>
    %max3A_457 = arith.maximumf %max3A_455, %slice3A_456 : vector<16xf32>
    %eq3A_458 = arith.constant 8 : i32
    %eq3A_459 = vector.broadcast %eq3A_458 : i32 to vector<1250x128xi32>
    %eq3A_460 = arith.cmpi eq, %get3A_161, %eq3A_459 : vector<1250x128xi32>
    %jit3A_461 = arith.constant 0xFF800000 : f32
    %broadcast_in_dim3A_462 = vector.broadcast %jit3A_461 : f32 to vector<1250x128xf32>
    %select_n3A_463 = arith.select %eq3A_460, %add3A_158, %broadcast_in_dim3A_462 : vector<1250x128xi1>, vector<1250x128xf32>
    %reduce_max3A_464 = arith.constant dense<0xFF800000> : vector<128xf32>
    %reduce_max3A_465 = vector.multi_reduction <maximumf>, %select_n3A_463, %reduce_max3A_464 [0] : vector<1250x128xf32> to vector<128xf32>
    %slice3A_466 = vector.extract_strided_slice %reduce_max3A_465 {offsets = [0], sizes = [16], strides = [1]} : vector<128xf32> to vector<16xf32>
    %slice3A_467 = vector.extract_strided_slice %reduce_max3A_465 {offsets = [16], sizes = [16], strides = [1]} : vector<128xf32> to vector<16xf32>
    %max3A_468 = arith.maximumf %slice3A_466, %slice3A_467 : vector<16xf32>
    %slice3A_469 = vector.extract_strided_slice %reduce_max3A_465 {offsets = [32], sizes = [16], strides = [1]} : vector<128xf32> to vector<16xf32>
    %max3A_470 = arith.maximumf %max3A_468, %slice3A_469 : vector<16xf32>
    %slice3A_471 = vector.extract_strided_slice %reduce_max3A_465 {offsets = [48], sizes = [16], strides = [1]} : vector<128xf32> to vector<16xf32>
    %max3A_472 = arith.maximumf %max3A_470, %slice3A_471 : vector<16xf32>
    %slice3A_473 = vector.extract_strided_slice %reduce_max3A_465 {offsets = [64], sizes = [16], strides = [1]} : vector<128xf32> to vector<16xf32>
    %max3A_474 = arith.maximumf %max3A_472, %slice3A_473 : vector<16xf32>
    %slice3A_475 = vector.extract_strided_slice %reduce_max3A_465 {offsets = [80], sizes = [16], strides = [1]} : vector<128xf32> to vector<16xf32>
    %max3A_476 = arith.maximumf %max3A_474, %slice3A_475 : vector<16xf32>
    %slice3A_477 = vector.extract_strided_slice %reduce_max3A_465 {offsets = [96], sizes = [16], strides = [1]} : vector<128xf32> to vector<16xf32>
    %max3A_478 = arith.maximumf %max3A_476, %slice3A_477 : vector<16xf32>
    %slice3A_479 = vector.extract_strided_slice %reduce_max3A_465 {offsets = [112], sizes = [16], strides = [1]} : vector<128xf32> to vector<16xf32>
    %max3A_480 = arith.maximumf %max3A_478, %slice3A_479 : vector<16xf32>
    %eq3A_481 = arith.constant 9 : i32
    %eq3A_482 = vector.broadcast %eq3A_481 : i32 to vector<1250x128xi32>
    %eq3A_483 = arith.cmpi eq, %get3A_161, %eq3A_482 : vector<1250x128xi32>
    %jit3A_484 = arith.constant 0xFF800000 : f32
    %broadcast_in_dim3A_485 = vector.broadcast %jit3A_484 : f32 to vector<1250x128xf32>
    %select_n3A_486 = arith.select %eq3A_483, %add3A_158, %broadcast_in_dim3A_485 : vector<1250x128xi1>, vector<1250x128xf32>
    %reduce_max3A_487 = arith.constant dense<0xFF800000> : vector<128xf32>
    %reduce_max3A_488 = vector.multi_reduction <maximumf>, %select_n3A_486, %reduce_max3A_487 [0] : vector<1250x128xf32> to vector<128xf32>
    %slice3A_489 = vector.extract_strided_slice %reduce_max3A_488 {offsets = [0], sizes = [16], strides = [1]} : vector<128xf32> to vector<16xf32>
    %slice3A_490 = vector.extract_strided_slice %reduce_max3A_488 {offsets = [16], sizes = [16], strides = [1]} : vector<128xf32> to vector<16xf32>
    %max3A_491 = arith.maximumf %slice3A_489, %slice3A_490 : vector<16xf32>
    %slice3A_492 = vector.extract_strided_slice %reduce_max3A_488 {offsets = [32], sizes = [16], strides = [1]} : vector<128xf32> to vector<16xf32>
    %max3A_493 = arith.maximumf %max3A_491, %slice3A_492 : vector<16xf32>
    %slice3A_494 = vector.extract_strided_slice %reduce_max3A_488 {offsets = [48], sizes = [16], strides = [1]} : vector<128xf32> to vector<16xf32>
    %max3A_495 = arith.maximumf %max3A_493, %slice3A_494 : vector<16xf32>
    %slice3A_496 = vector.extract_strided_slice %reduce_max3A_488 {offsets = [64], sizes = [16], strides = [1]} : vector<128xf32> to vector<16xf32>
    %max3A_497 = arith.maximumf %max3A_495, %slice3A_496 : vector<16xf32>
    %slice3A_498 = vector.extract_strided_slice %reduce_max3A_488 {offsets = [80], sizes = [16], strides = [1]} : vector<128xf32> to vector<16xf32>
    %max3A_499 = arith.maximumf %max3A_497, %slice3A_498 : vector<16xf32>
    %slice3A_500 = vector.extract_strided_slice %reduce_max3A_488 {offsets = [96], sizes = [16], strides = [1]} : vector<128xf32> to vector<16xf32>
    %max3A_501 = arith.maximumf %max3A_499, %slice3A_500 : vector<16xf32>
    %slice3A_502 = vector.extract_strided_slice %reduce_max3A_488 {offsets = [112], sizes = [16], strides = [1]} : vector<128xf32> to vector<16xf32>
    %max3A_503 = arith.maximumf %max3A_501, %slice3A_502 : vector<16xf32>
    %eq3A_504 = arith.constant 10 : i32
    %eq3A_505 = vector.broadcast %eq3A_504 : i32 to vector<1250x128xi32>
    %eq3A_506 = arith.cmpi eq, %get3A_161, %eq3A_505 : vector<1250x128xi32>
    %jit3A_507 = arith.constant 0xFF800000 : f32
    %broadcast_in_dim3A_508 = vector.broadcast %jit3A_507 : f32 to vector<1250x128xf32>
    %select_n3A_509 = arith.select %eq3A_506, %add3A_158, %broadcast_in_dim3A_508 : vector<1250x128xi1>, vector<1250x128xf32>
    %reduce_max3A_510 = arith.constant dense<0xFF800000> : vector<128xf32>
    %reduce_max3A_511 = vector.multi_reduction <maximumf>, %select_n3A_509, %reduce_max3A_510 [0] : vector<1250x128xf32> to vector<128xf32>
    %slice3A_512 = vector.extract_strided_slice %reduce_max3A_511 {offsets = [0], sizes = [16], strides = [1]} : vector<128xf32> to vector<16xf32>
    %slice3A_513 = vector.extract_strided_slice %reduce_max3A_511 {offsets = [16], sizes = [16], strides = [1]} : vector<128xf32> to vector<16xf32>
    %max3A_514 = arith.maximumf %slice3A_512, %slice3A_513 : vector<16xf32>
    %slice3A_515 = vector.extract_strided_slice %reduce_max3A_511 {offsets = [32], sizes = [16], strides = [1]} : vector<128xf32> to vector<16xf32>
    %max3A_516 = arith.maximumf %max3A_514, %slice3A_515 : vector<16xf32>
    %slice3A_517 = vector.extract_strided_slice %reduce_max3A_511 {offsets = [48], sizes = [16], strides = [1]} : vector<128xf32> to vector<16xf32>
    %max3A_518 = arith.maximumf %max3A_516, %slice3A_517 : vector<16xf32>
    %slice3A_519 = vector.extract_strided_slice %reduce_max3A_511 {offsets = [64], sizes = [16], strides = [1]} : vector<128xf32> to vector<16xf32>
    %max3A_520 = arith.maximumf %max3A_518, %slice3A_519 : vector<16xf32>
    %slice3A_521 = vector.extract_strided_slice %reduce_max3A_511 {offsets = [80], sizes = [16], strides = [1]} : vector<128xf32> to vector<16xf32>
    %max3A_522 = arith.maximumf %max3A_520, %slice3A_521 : vector<16xf32>
    %slice3A_523 = vector.extract_strided_slice %reduce_max3A_511 {offsets = [96], sizes = [16], strides = [1]} : vector<128xf32> to vector<16xf32>
    %max3A_524 = arith.maximumf %max3A_522, %slice3A_523 : vector<16xf32>
    %slice3A_525 = vector.extract_strided_slice %reduce_max3A_511 {offsets = [112], sizes = [16], strides = [1]} : vector<128xf32> to vector<16xf32>
    %max3A_526 = arith.maximumf %max3A_524, %slice3A_525 : vector<16xf32>
    %eq3A_527 = arith.constant 11 : i32
    %eq3A_528 = vector.broadcast %eq3A_527 : i32 to vector<1250x128xi32>
    %eq3A_529 = arith.cmpi eq, %get3A_161, %eq3A_528 : vector<1250x128xi32>
    %jit3A_530 = arith.constant 0xFF800000 : f32
    %broadcast_in_dim3A_531 = vector.broadcast %jit3A_530 : f32 to vector<1250x128xf32>
    %select_n3A_532 = arith.select %eq3A_529, %add3A_158, %broadcast_in_dim3A_531 : vector<1250x128xi1>, vector<1250x128xf32>
    %reduce_max3A_533 = arith.constant dense<0xFF800000> : vector<128xf32>
    %reduce_max3A_534 = vector.multi_reduction <maximumf>, %select_n3A_532, %reduce_max3A_533 [0] : vector<1250x128xf32> to vector<128xf32>
    %slice3A_535 = vector.extract_strided_slice %reduce_max3A_534 {offsets = [0], sizes = [16], strides = [1]} : vector<128xf32> to vector<16xf32>
    %slice3A_536 = vector.extract_strided_slice %reduce_max3A_534 {offsets = [16], sizes = [16], strides = [1]} : vector<128xf32> to vector<16xf32>
    %max3A_537 = arith.maximumf %slice3A_535, %slice3A_536 : vector<16xf32>
    %slice3A_538 = vector.extract_strided_slice %reduce_max3A_534 {offsets = [32], sizes = [16], strides = [1]} : vector<128xf32> to vector<16xf32>
    %max3A_539 = arith.maximumf %max3A_537, %slice3A_538 : vector<16xf32>
    %slice3A_540 = vector.extract_strided_slice %reduce_max3A_534 {offsets = [48], sizes = [16], strides = [1]} : vector<128xf32> to vector<16xf32>
    %max3A_541 = arith.maximumf %max3A_539, %slice3A_540 : vector<16xf32>
    %slice3A_542 = vector.extract_strided_slice %reduce_max3A_534 {offsets = [64], sizes = [16], strides = [1]} : vector<128xf32> to vector<16xf32>
    %max3A_543 = arith.maximumf %max3A_541, %slice3A_542 : vector<16xf32>
    %slice3A_544 = vector.extract_strided_slice %reduce_max3A_534 {offsets = [80], sizes = [16], strides = [1]} : vector<128xf32> to vector<16xf32>
    %max3A_545 = arith.maximumf %max3A_543, %slice3A_544 : vector<16xf32>
    %slice3A_546 = vector.extract_strided_slice %reduce_max3A_534 {offsets = [96], sizes = [16], strides = [1]} : vector<128xf32> to vector<16xf32>
    %max3A_547 = arith.maximumf %max3A_545, %slice3A_546 : vector<16xf32>
    %slice3A_548 = vector.extract_strided_slice %reduce_max3A_534 {offsets = [112], sizes = [16], strides = [1]} : vector<128xf32> to vector<16xf32>
    %max3A_549 = arith.maximumf %max3A_547, %slice3A_548 : vector<16xf32>
    %eq3A_550 = arith.constant 12 : i32
    %eq3A_551 = vector.broadcast %eq3A_550 : i32 to vector<1250x128xi32>
    %eq3A_552 = arith.cmpi eq, %get3A_161, %eq3A_551 : vector<1250x128xi32>
    %jit3A_553 = arith.constant 0xFF800000 : f32
    %broadcast_in_dim3A_554 = vector.broadcast %jit3A_553 : f32 to vector<1250x128xf32>
    %select_n3A_555 = arith.select %eq3A_552, %add3A_158, %broadcast_in_dim3A_554 : vector<1250x128xi1>, vector<1250x128xf32>
    %reduce_max3A_556 = arith.constant dense<0xFF800000> : vector<128xf32>
    %reduce_max3A_557 = vector.multi_reduction <maximumf>, %select_n3A_555, %reduce_max3A_556 [0] : vector<1250x128xf32> to vector<128xf32>
    %slice3A_558 = vector.extract_strided_slice %reduce_max3A_557 {offsets = [0], sizes = [16], strides = [1]} : vector<128xf32> to vector<16xf32>
    %slice3A_559 = vector.extract_strided_slice %reduce_max3A_557 {offsets = [16], sizes = [16], strides = [1]} : vector<128xf32> to vector<16xf32>
    %max3A_560 = arith.maximumf %slice3A_558, %slice3A_559 : vector<16xf32>
    %slice3A_561 = vector.extract_strided_slice %reduce_max3A_557 {offsets = [32], sizes = [16], strides = [1]} : vector<128xf32> to vector<16xf32>
    %max3A_562 = arith.maximumf %max3A_560, %slice3A_561 : vector<16xf32>
    %slice3A_563 = vector.extract_strided_slice %reduce_max3A_557 {offsets = [48], sizes = [16], strides = [1]} : vector<128xf32> to vector<16xf32>
    %max3A_564 = arith.maximumf %max3A_562, %slice3A_563 : vector<16xf32>
    %slice3A_565 = vector.extract_strided_slice %reduce_max3A_557 {offsets = [64], sizes = [16], strides = [1]} : vector<128xf32> to vector<16xf32>
    %max3A_566 = arith.maximumf %max3A_564, %slice3A_565 : vector<16xf32>
    %slice3A_567 = vector.extract_strided_slice %reduce_max3A_557 {offsets = [80], sizes = [16], strides = [1]} : vector<128xf32> to vector<16xf32>
    %max3A_568 = arith.maximumf %max3A_566, %slice3A_567 : vector<16xf32>
    %slice3A_569 = vector.extract_strided_slice %reduce_max3A_557 {offsets = [96], sizes = [16], strides = [1]} : vector<128xf32> to vector<16xf32>
    %max3A_570 = arith.maximumf %max3A_568, %slice3A_569 : vector<16xf32>
    %slice3A_571 = vector.extract_strided_slice %reduce_max3A_557 {offsets = [112], sizes = [16], strides = [1]} : vector<128xf32> to vector<16xf32>
    %max3A_572 = arith.maximumf %max3A_570, %slice3A_571 : vector<16xf32>
    %eq3A_573 = arith.constant 13 : i32
    %eq3A_574 = vector.broadcast %eq3A_573 : i32 to vector<1250x128xi32>
    %eq3A_575 = arith.cmpi eq, %get3A_161, %eq3A_574 : vector<1250x128xi32>
    %jit3A_576 = arith.constant 0xFF800000 : f32
    %broadcast_in_dim3A_577 = vector.broadcast %jit3A_576 : f32 to vector<1250x128xf32>
    %select_n3A_578 = arith.select %eq3A_575, %add3A_158, %broadcast_in_dim3A_577 : vector<1250x128xi1>, vector<1250x128xf32>
    %reduce_max3A_579 = arith.constant dense<0xFF800000> : vector<128xf32>
    %reduce_max3A_580 = vector.multi_reduction <maximumf>, %select_n3A_578, %reduce_max3A_579 [0] : vector<1250x128xf32> to vector<128xf32>
    %slice3A_581 = vector.extract_strided_slice %reduce_max3A_580 {offsets = [0], sizes = [16], strides = [1]} : vector<128xf32> to vector<16xf32>
    %slice3A_582 = vector.extract_strided_slice %reduce_max3A_580 {offsets = [16], sizes = [16], strides = [1]} : vector<128xf32> to vector<16xf32>
    %max3A_583 = arith.maximumf %slice3A_581, %slice3A_582 : vector<16xf32>
    %slice3A_584 = vector.extract_strided_slice %reduce_max3A_580 {offsets = [32], sizes = [16], strides = [1]} : vector<128xf32> to vector<16xf32>
    %max3A_585 = arith.maximumf %max3A_583, %slice3A_584 : vector<16xf32>
    %slice3A_586 = vector.extract_strided_slice %reduce_max3A_580 {offsets = [48], sizes = [16], strides = [1]} : vector<128xf32> to vector<16xf32>
    %max3A_587 = arith.maximumf %max3A_585, %slice3A_586 : vector<16xf32>
    %slice3A_588 = vector.extract_strided_slice %reduce_max3A_580 {offsets = [64], sizes = [16], strides = [1]} : vector<128xf32> to vector<16xf32>
    %max3A_589 = arith.maximumf %max3A_587, %slice3A_588 : vector<16xf32>
    %slice3A_590 = vector.extract_strided_slice %reduce_max3A_580 {offsets = [80], sizes = [16], strides = [1]} : vector<128xf32> to vector<16xf32>
    %max3A_591 = arith.maximumf %max3A_589, %slice3A_590 : vector<16xf32>
    %slice3A_592 = vector.extract_strided_slice %reduce_max3A_580 {offsets = [96], sizes = [16], strides = [1]} : vector<128xf32> to vector<16xf32>
    %max3A_593 = arith.maximumf %max3A_591, %slice3A_592 : vector<16xf32>
    %slice3A_594 = vector.extract_strided_slice %reduce_max3A_580 {offsets = [112], sizes = [16], strides = [1]} : vector<128xf32> to vector<16xf32>
    %max3A_595 = arith.maximumf %max3A_593, %slice3A_594 : vector<16xf32>
    %eq3A_596 = arith.constant 14 : i32
    %eq3A_597 = vector.broadcast %eq3A_596 : i32 to vector<1250x128xi32>
    %eq3A_598 = arith.cmpi eq, %get3A_161, %eq3A_597 : vector<1250x128xi32>
    %jit3A_599 = arith.constant 0xFF800000 : f32
    %broadcast_in_dim3A_600 = vector.broadcast %jit3A_599 : f32 to vector<1250x128xf32>
    %select_n3A_601 = arith.select %eq3A_598, %add3A_158, %broadcast_in_dim3A_600 : vector<1250x128xi1>, vector<1250x128xf32>
    %reduce_max3A_602 = arith.constant dense<0xFF800000> : vector<128xf32>
    %reduce_max3A_603 = vector.multi_reduction <maximumf>, %select_n3A_601, %reduce_max3A_602 [0] : vector<1250x128xf32> to vector<128xf32>
    %slice3A_604 = vector.extract_strided_slice %reduce_max3A_603 {offsets = [0], sizes = [16], strides = [1]} : vector<128xf32> to vector<16xf32>
    %slice3A_605 = vector.extract_strided_slice %reduce_max3A_603 {offsets = [16], sizes = [16], strides = [1]} : vector<128xf32> to vector<16xf32>
    %max3A_606 = arith.maximumf %slice3A_604, %slice3A_605 : vector<16xf32>
    %slice3A_607 = vector.extract_strided_slice %reduce_max3A_603 {offsets = [32], sizes = [16], strides = [1]} : vector<128xf32> to vector<16xf32>
    %max3A_608 = arith.maximumf %max3A_606, %slice3A_607 : vector<16xf32>
    %slice3A_609 = vector.extract_strided_slice %reduce_max3A_603 {offsets = [48], sizes = [16], strides = [1]} : vector<128xf32> to vector<16xf32>
    %max3A_610 = arith.maximumf %max3A_608, %slice3A_609 : vector<16xf32>
    %slice3A_611 = vector.extract_strided_slice %reduce_max3A_603 {offsets = [64], sizes = [16], strides = [1]} : vector<128xf32> to vector<16xf32>
    %max3A_612 = arith.maximumf %max3A_610, %slice3A_611 : vector<16xf32>
    %slice3A_613 = vector.extract_strided_slice %reduce_max3A_603 {offsets = [80], sizes = [16], strides = [1]} : vector<128xf32> to vector<16xf32>
    %max3A_614 = arith.maximumf %max3A_612, %slice3A_613 : vector<16xf32>
    %slice3A_615 = vector.extract_strided_slice %reduce_max3A_603 {offsets = [96], sizes = [16], strides = [1]} : vector<128xf32> to vector<16xf32>
    %max3A_616 = arith.maximumf %max3A_614, %slice3A_615 : vector<16xf32>
    %slice3A_617 = vector.extract_strided_slice %reduce_max3A_603 {offsets = [112], sizes = [16], strides = [1]} : vector<128xf32> to vector<16xf32>
    %max3A_618 = arith.maximumf %max3A_616, %slice3A_617 : vector<16xf32>
    %eq3A_619 = arith.constant 15 : i32
    %eq3A_620 = vector.broadcast %eq3A_619 : i32 to vector<1250x128xi32>
    %eq3A_621 = arith.cmpi eq, %get3A_161, %eq3A_620 : vector<1250x128xi32>
    %jit3A_622 = arith.constant 0xFF800000 : f32
    %broadcast_in_dim3A_623 = vector.broadcast %jit3A_622 : f32 to vector<1250x128xf32>
    %select_n3A_624 = arith.select %eq3A_621, %add3A_158, %broadcast_in_dim3A_623 : vector<1250x128xi1>, vector<1250x128xf32>
    %reduce_max3A_625 = arith.constant dense<0xFF800000> : vector<128xf32>
    %reduce_max3A_626 = vector.multi_reduction <maximumf>, %select_n3A_624, %reduce_max3A_625 [0] : vector<1250x128xf32> to vector<128xf32>
    %slice3A_627 = vector.extract_strided_slice %reduce_max3A_626 {offsets = [0], sizes = [16], strides = [1]} : vector<128xf32> to vector<16xf32>
    %slice3A_628 = vector.extract_strided_slice %reduce_max3A_626 {offsets = [16], sizes = [16], strides = [1]} : vector<128xf32> to vector<16xf32>
    %max3A_629 = arith.maximumf %slice3A_627, %slice3A_628 : vector<16xf32>
    %slice3A_630 = vector.extract_strided_slice %reduce_max3A_626 {offsets = [32], sizes = [16], strides = [1]} : vector<128xf32> to vector<16xf32>
    %max3A_631 = arith.maximumf %max3A_629, %slice3A_630 : vector<16xf32>
    %slice3A_632 = vector.extract_strided_slice %reduce_max3A_626 {offsets = [48], sizes = [16], strides = [1]} : vector<128xf32> to vector<16xf32>
    %max3A_633 = arith.maximumf %max3A_631, %slice3A_632 : vector<16xf32>
    %slice3A_634 = vector.extract_strided_slice %reduce_max3A_626 {offsets = [64], sizes = [16], strides = [1]} : vector<128xf32> to vector<16xf32>
    %max3A_635 = arith.maximumf %max3A_633, %slice3A_634 : vector<16xf32>
    %slice3A_636 = vector.extract_strided_slice %reduce_max3A_626 {offsets = [80], sizes = [16], strides = [1]} : vector<128xf32> to vector<16xf32>
    %max3A_637 = arith.maximumf %max3A_635, %slice3A_636 : vector<16xf32>
    %slice3A_638 = vector.extract_strided_slice %reduce_max3A_626 {offsets = [96], sizes = [16], strides = [1]} : vector<128xf32> to vector<16xf32>
    %max3A_639 = arith.maximumf %max3A_637, %slice3A_638 : vector<16xf32>
    %slice3A_640 = vector.extract_strided_slice %reduce_max3A_626 {offsets = [112], sizes = [16], strides = [1]} : vector<128xf32> to vector<16xf32>
    %max3A_641 = arith.maximumf %max3A_639, %slice3A_640 : vector<16xf32>
    %eq3A_642 = arith.constant 16 : i32
    %eq3A_643 = vector.broadcast %eq3A_642 : i32 to vector<1250x128xi32>
    %eq3A_644 = arith.cmpi eq, %get3A_161, %eq3A_643 : vector<1250x128xi32>
    %jit3A_645 = arith.constant 0xFF800000 : f32
    %broadcast_in_dim3A_646 = vector.broadcast %jit3A_645 : f32 to vector<1250x128xf32>
    %select_n3A_647 = arith.select %eq3A_644, %add3A_158, %broadcast_in_dim3A_646 : vector<1250x128xi1>, vector<1250x128xf32>
    %reduce_max3A_648 = arith.constant dense<0xFF800000> : vector<128xf32>
    %reduce_max3A_649 = vector.multi_reduction <maximumf>, %select_n3A_647, %reduce_max3A_648 [0] : vector<1250x128xf32> to vector<128xf32>
    %slice3A_650 = vector.extract_strided_slice %reduce_max3A_649 {offsets = [0], sizes = [16], strides = [1]} : vector<128xf32> to vector<16xf32>
    %slice3A_651 = vector.extract_strided_slice %reduce_max3A_649 {offsets = [16], sizes = [16], strides = [1]} : vector<128xf32> to vector<16xf32>
    %max3A_652 = arith.maximumf %slice3A_650, %slice3A_651 : vector<16xf32>
    %slice3A_653 = vector.extract_strided_slice %reduce_max3A_649 {offsets = [32], sizes = [16], strides = [1]} : vector<128xf32> to vector<16xf32>
    %max3A_654 = arith.maximumf %max3A_652, %slice3A_653 : vector<16xf32>
    %slice3A_655 = vector.extract_strided_slice %reduce_max3A_649 {offsets = [48], sizes = [16], strides = [1]} : vector<128xf32> to vector<16xf32>
    %max3A_656 = arith.maximumf %max3A_654, %slice3A_655 : vector<16xf32>
    %slice3A_657 = vector.extract_strided_slice %reduce_max3A_649 {offsets = [64], sizes = [16], strides = [1]} : vector<128xf32> to vector<16xf32>
    %max3A_658 = arith.maximumf %max3A_656, %slice3A_657 : vector<16xf32>
    %slice3A_659 = vector.extract_strided_slice %reduce_max3A_649 {offsets = [80], sizes = [16], strides = [1]} : vector<128xf32> to vector<16xf32>
    %max3A_660 = arith.maximumf %max3A_658, %slice3A_659 : vector<16xf32>
    %slice3A_661 = vector.extract_strided_slice %reduce_max3A_649 {offsets = [96], sizes = [16], strides = [1]} : vector<128xf32> to vector<16xf32>
    %max3A_662 = arith.maximumf %max3A_660, %slice3A_661 : vector<16xf32>
    %slice3A_663 = vector.extract_strided_slice %reduce_max3A_649 {offsets = [112], sizes = [16], strides = [1]} : vector<128xf32> to vector<16xf32>
    %max3A_664 = arith.maximumf %max3A_662, %slice3A_663 : vector<16xf32>
    %eq3A_665 = arith.constant 17 : i32
    %eq3A_666 = vector.broadcast %eq3A_665 : i32 to vector<1250x128xi32>
    %eq3A_667 = arith.cmpi eq, %get3A_161, %eq3A_666 : vector<1250x128xi32>
    %jit3A_668 = arith.constant 0xFF800000 : f32
    %broadcast_in_dim3A_669 = vector.broadcast %jit3A_668 : f32 to vector<1250x128xf32>
    %select_n3A_670 = arith.select %eq3A_667, %add3A_158, %broadcast_in_dim3A_669 : vector<1250x128xi1>, vector<1250x128xf32>
    %reduce_max3A_671 = arith.constant dense<0xFF800000> : vector<128xf32>
    %reduce_max3A_672 = vector.multi_reduction <maximumf>, %select_n3A_670, %reduce_max3A_671 [0] : vector<1250x128xf32> to vector<128xf32>
    %slice3A_673 = vector.extract_strided_slice %reduce_max3A_672 {offsets = [0], sizes = [16], strides = [1]} : vector<128xf32> to vector<16xf32>
    %slice3A_674 = vector.extract_strided_slice %reduce_max3A_672 {offsets = [16], sizes = [16], strides = [1]} : vector<128xf32> to vector<16xf32>
    %max3A_675 = arith.maximumf %slice3A_673, %slice3A_674 : vector<16xf32>
    %slice3A_676 = vector.extract_strided_slice %reduce_max3A_672 {offsets = [32], sizes = [16], strides = [1]} : vector<128xf32> to vector<16xf32>
    %max3A_677 = arith.maximumf %max3A_675, %slice3A_676 : vector<16xf32>
    %slice3A_678 = vector.extract_strided_slice %reduce_max3A_672 {offsets = [48], sizes = [16], strides = [1]} : vector<128xf32> to vector<16xf32>
    %max3A_679 = arith.maximumf %max3A_677, %slice3A_678 : vector<16xf32>
    %slice3A_680 = vector.extract_strided_slice %reduce_max3A_672 {offsets = [64], sizes = [16], strides = [1]} : vector<128xf32> to vector<16xf32>
    %max3A_681 = arith.maximumf %max3A_679, %slice3A_680 : vector<16xf32>
    %slice3A_682 = vector.extract_strided_slice %reduce_max3A_672 {offsets = [80], sizes = [16], strides = [1]} : vector<128xf32> to vector<16xf32>
    %max3A_683 = arith.maximumf %max3A_681, %slice3A_682 : vector<16xf32>
    %slice3A_684 = vector.extract_strided_slice %reduce_max3A_672 {offsets = [96], sizes = [16], strides = [1]} : vector<128xf32> to vector<16xf32>
    %max3A_685 = arith.maximumf %max3A_683, %slice3A_684 : vector<16xf32>
    %slice3A_686 = vector.extract_strided_slice %reduce_max3A_672 {offsets = [112], sizes = [16], strides = [1]} : vector<128xf32> to vector<16xf32>
    %max3A_687 = arith.maximumf %max3A_685, %slice3A_686 : vector<16xf32>
    %eq3A_688 = arith.constant 18 : i32
    %eq3A_689 = vector.broadcast %eq3A_688 : i32 to vector<1250x128xi32>
    %eq3A_690 = arith.cmpi eq, %get3A_161, %eq3A_689 : vector<1250x128xi32>
    %jit3A_691 = arith.constant 0xFF800000 : f32
    %broadcast_in_dim3A_692 = vector.broadcast %jit3A_691 : f32 to vector<1250x128xf32>
    %select_n3A_693 = arith.select %eq3A_690, %add3A_158, %broadcast_in_dim3A_692 : vector<1250x128xi1>, vector<1250x128xf32>
    %reduce_max3A_694 = arith.constant dense<0xFF800000> : vector<128xf32>
    %reduce_max3A_695 = vector.multi_reduction <maximumf>, %select_n3A_693, %reduce_max3A_694 [0] : vector<1250x128xf32> to vector<128xf32>
    %slice3A_696 = vector.extract_strided_slice %reduce_max3A_695 {offsets = [0], sizes = [16], strides = [1]} : vector<128xf32> to vector<16xf32>
    %slice3A_697 = vector.extract_strided_slice %reduce_max3A_695 {offsets = [16], sizes = [16], strides = [1]} : vector<128xf32> to vector<16xf32>
    %max3A_698 = arith.maximumf %slice3A_696, %slice3A_697 : vector<16xf32>
    %slice3A_699 = vector.extract_strided_slice %reduce_max3A_695 {offsets = [32], sizes = [16], strides = [1]} : vector<128xf32> to vector<16xf32>
    %max3A_700 = arith.maximumf %max3A_698, %slice3A_699 : vector<16xf32>
    %slice3A_701 = vector.extract_strided_slice %reduce_max3A_695 {offsets = [48], sizes = [16], strides = [1]} : vector<128xf32> to vector<16xf32>
    %max3A_702 = arith.maximumf %max3A_700, %slice3A_701 : vector<16xf32>
    %slice3A_703 = vector.extract_strided_slice %reduce_max3A_695 {offsets = [64], sizes = [16], strides = [1]} : vector<128xf32> to vector<16xf32>
    %max3A_704 = arith.maximumf %max3A_702, %slice3A_703 : vector<16xf32>
    %slice3A_705 = vector.extract_strided_slice %reduce_max3A_695 {offsets = [80], sizes = [16], strides = [1]} : vector<128xf32> to vector<16xf32>
    %max3A_706 = arith.maximumf %max3A_704, %slice3A_705 : vector<16xf32>
    %slice3A_707 = vector.extract_strided_slice %reduce_max3A_695 {offsets = [96], sizes = [16], strides = [1]} : vector<128xf32> to vector<16xf32>
    %max3A_708 = arith.maximumf %max3A_706, %slice3A_707 : vector<16xf32>
    %slice3A_709 = vector.extract_strided_slice %reduce_max3A_695 {offsets = [112], sizes = [16], strides = [1]} : vector<128xf32> to vector<16xf32>
    %max3A_710 = arith.maximumf %max3A_708, %slice3A_709 : vector<16xf32>
    %eq3A_711 = arith.constant 19 : i32
    %eq3A_712 = vector.broadcast %eq3A_711 : i32 to vector<1250x128xi32>
    %eq3A_713 = arith.cmpi eq, %get3A_161, %eq3A_712 : vector<1250x128xi32>
    %jit3A_714 = arith.constant 0xFF800000 : f32
    %broadcast_in_dim3A_715 = vector.broadcast %jit3A_714 : f32 to vector<1250x128xf32>
    %select_n3A_716 = arith.select %eq3A_713, %add3A_158, %broadcast_in_dim3A_715 : vector<1250x128xi1>, vector<1250x128xf32>
    %reduce_max3A_717 = arith.constant dense<0xFF800000> : vector<128xf32>
    %reduce_max3A_718 = vector.multi_reduction <maximumf>, %select_n3A_716, %reduce_max3A_717 [0] : vector<1250x128xf32> to vector<128xf32>
    %slice3A_719 = vector.extract_strided_slice %reduce_max3A_718 {offsets = [0], sizes = [16], strides = [1]} : vector<128xf32> to vector<16xf32>
    %slice3A_720 = vector.extract_strided_slice %reduce_max3A_718 {offsets = [16], sizes = [16], strides = [1]} : vector<128xf32> to vector<16xf32>
    %max3A_721 = arith.maximumf %slice3A_719, %slice3A_720 : vector<16xf32>
    %slice3A_722 = vector.extract_strided_slice %reduce_max3A_718 {offsets = [32], sizes = [16], strides = [1]} : vector<128xf32> to vector<16xf32>
    %max3A_723 = arith.maximumf %max3A_721, %slice3A_722 : vector<16xf32>
    %slice3A_724 = vector.extract_strided_slice %reduce_max3A_718 {offsets = [48], sizes = [16], strides = [1]} : vector<128xf32> to vector<16xf32>
    %max3A_725 = arith.maximumf %max3A_723, %slice3A_724 : vector<16xf32>
    %slice3A_726 = vector.extract_strided_slice %reduce_max3A_718 {offsets = [64], sizes = [16], strides = [1]} : vector<128xf32> to vector<16xf32>
    %max3A_727 = arith.maximumf %max3A_725, %slice3A_726 : vector<16xf32>
    %slice3A_728 = vector.extract_strided_slice %reduce_max3A_718 {offsets = [80], sizes = [16], strides = [1]} : vector<128xf32> to vector<16xf32>
    %max3A_729 = arith.maximumf %max3A_727, %slice3A_728 : vector<16xf32>
    %slice3A_730 = vector.extract_strided_slice %reduce_max3A_718 {offsets = [96], sizes = [16], strides = [1]} : vector<128xf32> to vector<16xf32>
    %max3A_731 = arith.maximumf %max3A_729, %slice3A_730 : vector<16xf32>
    %slice3A_732 = vector.extract_strided_slice %reduce_max3A_718 {offsets = [112], sizes = [16], strides = [1]} : vector<128xf32> to vector<16xf32>
    %max3A_733 = arith.maximumf %max3A_731, %slice3A_732 : vector<16xf32>
    %eq3A_734 = arith.constant 20 : i32
    %eq3A_735 = vector.broadcast %eq3A_734 : i32 to vector<1250x128xi32>
    %eq3A_736 = arith.cmpi eq, %get3A_161, %eq3A_735 : vector<1250x128xi32>
    %jit3A_737 = arith.constant 0xFF800000 : f32
    %broadcast_in_dim3A_738 = vector.broadcast %jit3A_737 : f32 to vector<1250x128xf32>
    %select_n3A_739 = arith.select %eq3A_736, %add3A_158, %broadcast_in_dim3A_738 : vector<1250x128xi1>, vector<1250x128xf32>
    %reduce_max3A_740 = arith.constant dense<0xFF800000> : vector<128xf32>
    %reduce_max3A_741 = vector.multi_reduction <maximumf>, %select_n3A_739, %reduce_max3A_740 [0] : vector<1250x128xf32> to vector<128xf32>
    %slice3A_742 = vector.extract_strided_slice %reduce_max3A_741 {offsets = [0], sizes = [16], strides = [1]} : vector<128xf32> to vector<16xf32>
    %slice3A_743 = vector.extract_strided_slice %reduce_max3A_741 {offsets = [16], sizes = [16], strides = [1]} : vector<128xf32> to vector<16xf32>
    %max3A_744 = arith.maximumf %slice3A_742, %slice3A_743 : vector<16xf32>
    %slice3A_745 = vector.extract_strided_slice %reduce_max3A_741 {offsets = [32], sizes = [16], strides = [1]} : vector<128xf32> to vector<16xf32>
    %max3A_746 = arith.maximumf %max3A_744, %slice3A_745 : vector<16xf32>
    %slice3A_747 = vector.extract_strided_slice %reduce_max3A_741 {offsets = [48], sizes = [16], strides = [1]} : vector<128xf32> to vector<16xf32>
    %max3A_748 = arith.maximumf %max3A_746, %slice3A_747 : vector<16xf32>
    %slice3A_749 = vector.extract_strided_slice %reduce_max3A_741 {offsets = [64], sizes = [16], strides = [1]} : vector<128xf32> to vector<16xf32>
    %max3A_750 = arith.maximumf %max3A_748, %slice3A_749 : vector<16xf32>
    %slice3A_751 = vector.extract_strided_slice %reduce_max3A_741 {offsets = [80], sizes = [16], strides = [1]} : vector<128xf32> to vector<16xf32>
    %max3A_752 = arith.maximumf %max3A_750, %slice3A_751 : vector<16xf32>
    %slice3A_753 = vector.extract_strided_slice %reduce_max3A_741 {offsets = [96], sizes = [16], strides = [1]} : vector<128xf32> to vector<16xf32>
    %max3A_754 = arith.maximumf %max3A_752, %slice3A_753 : vector<16xf32>
    %slice3A_755 = vector.extract_strided_slice %reduce_max3A_741 {offsets = [112], sizes = [16], strides = [1]} : vector<128xf32> to vector<16xf32>
    %max3A_756 = arith.maximumf %max3A_754, %slice3A_755 : vector<16xf32>
    %eq3A_757 = arith.constant 21 : i32
    %eq3A_758 = vector.broadcast %eq3A_757 : i32 to vector<1250x128xi32>
    %eq3A_759 = arith.cmpi eq, %get3A_161, %eq3A_758 : vector<1250x128xi32>
    %jit3A_760 = arith.constant 0xFF800000 : f32
    %broadcast_in_dim3A_761 = vector.broadcast %jit3A_760 : f32 to vector<1250x128xf32>
    %select_n3A_762 = arith.select %eq3A_759, %add3A_158, %broadcast_in_dim3A_761 : vector<1250x128xi1>, vector<1250x128xf32>
    %reduce_max3A_763 = arith.constant dense<0xFF800000> : vector<128xf32>
    %reduce_max3A_764 = vector.multi_reduction <maximumf>, %select_n3A_762, %reduce_max3A_763 [0] : vector<1250x128xf32> to vector<128xf32>
    %slice3A_765 = vector.extract_strided_slice %reduce_max3A_764 {offsets = [0], sizes = [16], strides = [1]} : vector<128xf32> to vector<16xf32>
    %slice3A_766 = vector.extract_strided_slice %reduce_max3A_764 {offsets = [16], sizes = [16], strides = [1]} : vector<128xf32> to vector<16xf32>
    %max3A_767 = arith.maximumf %slice3A_765, %slice3A_766 : vector<16xf32>
    %slice3A_768 = vector.extract_strided_slice %reduce_max3A_764 {offsets = [32], sizes = [16], strides = [1]} : vector<128xf32> to vector<16xf32>
    %max3A_769 = arith.maximumf %max3A_767, %slice3A_768 : vector<16xf32>
    %slice3A_770 = vector.extract_strided_slice %reduce_max3A_764 {offsets = [48], sizes = [16], strides = [1]} : vector<128xf32> to vector<16xf32>
    %max3A_771 = arith.maximumf %max3A_769, %slice3A_770 : vector<16xf32>
    %slice3A_772 = vector.extract_strided_slice %reduce_max3A_764 {offsets = [64], sizes = [16], strides = [1]} : vector<128xf32> to vector<16xf32>
    %max3A_773 = arith.maximumf %max3A_771, %slice3A_772 : vector<16xf32>
    %slice3A_774 = vector.extract_strided_slice %reduce_max3A_764 {offsets = [80], sizes = [16], strides = [1]} : vector<128xf32> to vector<16xf32>
    %max3A_775 = arith.maximumf %max3A_773, %slice3A_774 : vector<16xf32>
    %slice3A_776 = vector.extract_strided_slice %reduce_max3A_764 {offsets = [96], sizes = [16], strides = [1]} : vector<128xf32> to vector<16xf32>
    %max3A_777 = arith.maximumf %max3A_775, %slice3A_776 : vector<16xf32>
    %slice3A_778 = vector.extract_strided_slice %reduce_max3A_764 {offsets = [112], sizes = [16], strides = [1]} : vector<128xf32> to vector<16xf32>
    %max3A_779 = arith.maximumf %max3A_777, %slice3A_778 : vector<16xf32>
    %eq3A_780 = arith.constant 22 : i32
    %eq3A_781 = vector.broadcast %eq3A_780 : i32 to vector<1250x128xi32>
    %eq3A_782 = arith.cmpi eq, %get3A_161, %eq3A_781 : vector<1250x128xi32>
    %jit3A_783 = arith.constant 0xFF800000 : f32
    %broadcast_in_dim3A_784 = vector.broadcast %jit3A_783 : f32 to vector<1250x128xf32>
    %select_n3A_785 = arith.select %eq3A_782, %add3A_158, %broadcast_in_dim3A_784 : vector<1250x128xi1>, vector<1250x128xf32>
    %reduce_max3A_786 = arith.constant dense<0xFF800000> : vector<128xf32>
    %reduce_max3A_787 = vector.multi_reduction <maximumf>, %select_n3A_785, %reduce_max3A_786 [0] : vector<1250x128xf32> to vector<128xf32>
    %slice3A_788 = vector.extract_strided_slice %reduce_max3A_787 {offsets = [0], sizes = [16], strides = [1]} : vector<128xf32> to vector<16xf32>
    %slice3A_789 = vector.extract_strided_slice %reduce_max3A_787 {offsets = [16], sizes = [16], strides = [1]} : vector<128xf32> to vector<16xf32>
    %max3A_790 = arith.maximumf %slice3A_788, %slice3A_789 : vector<16xf32>
    %slice3A_791 = vector.extract_strided_slice %reduce_max3A_787 {offsets = [32], sizes = [16], strides = [1]} : vector<128xf32> to vector<16xf32>
    %max3A_792 = arith.maximumf %max3A_790, %slice3A_791 : vector<16xf32>
    %slice3A_793 = vector.extract_strided_slice %reduce_max3A_787 {offsets = [48], sizes = [16], strides = [1]} : vector<128xf32> to vector<16xf32>
    %max3A_794 = arith.maximumf %max3A_792, %slice3A_793 : vector<16xf32>
    %slice3A_795 = vector.extract_strided_slice %reduce_max3A_787 {offsets = [64], sizes = [16], strides = [1]} : vector<128xf32> to vector<16xf32>
    %max3A_796 = arith.maximumf %max3A_794, %slice3A_795 : vector<16xf32>
    %slice3A_797 = vector.extract_strided_slice %reduce_max3A_787 {offsets = [80], sizes = [16], strides = [1]} : vector<128xf32> to vector<16xf32>
    %max3A_798 = arith.maximumf %max3A_796, %slice3A_797 : vector<16xf32>
    %slice3A_799 = vector.extract_strided_slice %reduce_max3A_787 {offsets = [96], sizes = [16], strides = [1]} : vector<128xf32> to vector<16xf32>
    %max3A_800 = arith.maximumf %max3A_798, %slice3A_799 : vector<16xf32>
    %slice3A_801 = vector.extract_strided_slice %reduce_max3A_787 {offsets = [112], sizes = [16], strides = [1]} : vector<128xf32> to vector<16xf32>
    %max3A_802 = arith.maximumf %max3A_800, %slice3A_801 : vector<16xf32>
    %eq3A_803 = arith.constant 23 : i32
    %eq3A_804 = vector.broadcast %eq3A_803 : i32 to vector<1250x128xi32>
    %eq3A_805 = arith.cmpi eq, %get3A_161, %eq3A_804 : vector<1250x128xi32>
    %jit3A_806 = arith.constant 0xFF800000 : f32
    %broadcast_in_dim3A_807 = vector.broadcast %jit3A_806 : f32 to vector<1250x128xf32>
    %select_n3A_808 = arith.select %eq3A_805, %add3A_158, %broadcast_in_dim3A_807 : vector<1250x128xi1>, vector<1250x128xf32>
    %reduce_max3A_809 = arith.constant dense<0xFF800000> : vector<128xf32>
    %reduce_max3A_810 = vector.multi_reduction <maximumf>, %select_n3A_808, %reduce_max3A_809 [0] : vector<1250x128xf32> to vector<128xf32>
    %slice3A_811 = vector.extract_strided_slice %reduce_max3A_810 {offsets = [0], sizes = [16], strides = [1]} : vector<128xf32> to vector<16xf32>
    %slice3A_812 = vector.extract_strided_slice %reduce_max3A_810 {offsets = [16], sizes = [16], strides = [1]} : vector<128xf32> to vector<16xf32>
    %max3A_813 = arith.maximumf %slice3A_811, %slice3A_812 : vector<16xf32>
    %slice3A_814 = vector.extract_strided_slice %reduce_max3A_810 {offsets = [32], sizes = [16], strides = [1]} : vector<128xf32> to vector<16xf32>
    %max3A_815 = arith.maximumf %max3A_813, %slice3A_814 : vector<16xf32>
    %slice3A_816 = vector.extract_strided_slice %reduce_max3A_810 {offsets = [48], sizes = [16], strides = [1]} : vector<128xf32> to vector<16xf32>
    %max3A_817 = arith.maximumf %max3A_815, %slice3A_816 : vector<16xf32>
    %slice3A_818 = vector.extract_strided_slice %reduce_max3A_810 {offsets = [64], sizes = [16], strides = [1]} : vector<128xf32> to vector<16xf32>
    %max3A_819 = arith.maximumf %max3A_817, %slice3A_818 : vector<16xf32>
    %slice3A_820 = vector.extract_strided_slice %reduce_max3A_810 {offsets = [80], sizes = [16], strides = [1]} : vector<128xf32> to vector<16xf32>
    %max3A_821 = arith.maximumf %max3A_819, %slice3A_820 : vector<16xf32>
    %slice3A_822 = vector.extract_strided_slice %reduce_max3A_810 {offsets = [96], sizes = [16], strides = [1]} : vector<128xf32> to vector<16xf32>
    %max3A_823 = arith.maximumf %max3A_821, %slice3A_822 : vector<16xf32>
    %slice3A_824 = vector.extract_strided_slice %reduce_max3A_810 {offsets = [112], sizes = [16], strides = [1]} : vector<128xf32> to vector<16xf32>
    %max3A_825 = arith.maximumf %max3A_823, %slice3A_824 : vector<16xf32>
    %eq3A_826 = arith.constant 24 : i32
    %eq3A_827 = vector.broadcast %eq3A_826 : i32 to vector<1250x128xi32>
    %eq3A_828 = arith.cmpi eq, %get3A_161, %eq3A_827 : vector<1250x128xi32>
    %jit3A_829 = arith.constant 0xFF800000 : f32
    %broadcast_in_dim3A_830 = vector.broadcast %jit3A_829 : f32 to vector<1250x128xf32>
    %select_n3A_831 = arith.select %eq3A_828, %add3A_158, %broadcast_in_dim3A_830 : vector<1250x128xi1>, vector<1250x128xf32>
    %reduce_max3A_832 = arith.constant dense<0xFF800000> : vector<128xf32>
    %reduce_max3A_833 = vector.multi_reduction <maximumf>, %select_n3A_831, %reduce_max3A_832 [0] : vector<1250x128xf32> to vector<128xf32>
    %slice3A_834 = vector.extract_strided_slice %reduce_max3A_833 {offsets = [0], sizes = [16], strides = [1]} : vector<128xf32> to vector<16xf32>
    %slice3A_835 = vector.extract_strided_slice %reduce_max3A_833 {offsets = [16], sizes = [16], strides = [1]} : vector<128xf32> to vector<16xf32>
    %max3A_836 = arith.maximumf %slice3A_834, %slice3A_835 : vector<16xf32>
    %slice3A_837 = vector.extract_strided_slice %reduce_max3A_833 {offsets = [32], sizes = [16], strides = [1]} : vector<128xf32> to vector<16xf32>
    %max3A_838 = arith.maximumf %max3A_836, %slice3A_837 : vector<16xf32>
    %slice3A_839 = vector.extract_strided_slice %reduce_max3A_833 {offsets = [48], sizes = [16], strides = [1]} : vector<128xf32> to vector<16xf32>
    %max3A_840 = arith.maximumf %max3A_838, %slice3A_839 : vector<16xf32>
    %slice3A_841 = vector.extract_strided_slice %reduce_max3A_833 {offsets = [64], sizes = [16], strides = [1]} : vector<128xf32> to vector<16xf32>
    %max3A_842 = arith.maximumf %max3A_840, %slice3A_841 : vector<16xf32>
    %slice3A_843 = vector.extract_strided_slice %reduce_max3A_833 {offsets = [80], sizes = [16], strides = [1]} : vector<128xf32> to vector<16xf32>
    %max3A_844 = arith.maximumf %max3A_842, %slice3A_843 : vector<16xf32>
    %slice3A_845 = vector.extract_strided_slice %reduce_max3A_833 {offsets = [96], sizes = [16], strides = [1]} : vector<128xf32> to vector<16xf32>
    %max3A_846 = arith.maximumf %max3A_844, %slice3A_845 : vector<16xf32>
    %slice3A_847 = vector.extract_strided_slice %reduce_max3A_833 {offsets = [112], sizes = [16], strides = [1]} : vector<128xf32> to vector<16xf32>
    %max3A_848 = arith.maximumf %max3A_846, %slice3A_847 : vector<16xf32>
    %eq3A_849 = arith.constant 25 : i32
    %eq3A_850 = vector.broadcast %eq3A_849 : i32 to vector<1250x128xi32>
    %eq3A_851 = arith.cmpi eq, %get3A_161, %eq3A_850 : vector<1250x128xi32>
    %jit3A_852 = arith.constant 0xFF800000 : f32
    %broadcast_in_dim3A_853 = vector.broadcast %jit3A_852 : f32 to vector<1250x128xf32>
    %select_n3A_854 = arith.select %eq3A_851, %add3A_158, %broadcast_in_dim3A_853 : vector<1250x128xi1>, vector<1250x128xf32>
    %reduce_max3A_855 = arith.constant dense<0xFF800000> : vector<128xf32>
    %reduce_max3A_856 = vector.multi_reduction <maximumf>, %select_n3A_854, %reduce_max3A_855 [0] : vector<1250x128xf32> to vector<128xf32>
    %slice3A_857 = vector.extract_strided_slice %reduce_max3A_856 {offsets = [0], sizes = [16], strides = [1]} : vector<128xf32> to vector<16xf32>
    %slice3A_858 = vector.extract_strided_slice %reduce_max3A_856 {offsets = [16], sizes = [16], strides = [1]} : vector<128xf32> to vector<16xf32>
    %max3A_859 = arith.maximumf %slice3A_857, %slice3A_858 : vector<16xf32>
    %slice3A_860 = vector.extract_strided_slice %reduce_max3A_856 {offsets = [32], sizes = [16], strides = [1]} : vector<128xf32> to vector<16xf32>
    %max3A_861 = arith.maximumf %max3A_859, %slice3A_860 : vector<16xf32>
    %slice3A_862 = vector.extract_strided_slice %reduce_max3A_856 {offsets = [48], sizes = [16], strides = [1]} : vector<128xf32> to vector<16xf32>
    %max3A_863 = arith.maximumf %max3A_861, %slice3A_862 : vector<16xf32>
    %slice3A_864 = vector.extract_strided_slice %reduce_max3A_856 {offsets = [64], sizes = [16], strides = [1]} : vector<128xf32> to vector<16xf32>
    %max3A_865 = arith.maximumf %max3A_863, %slice3A_864 : vector<16xf32>
    %slice3A_866 = vector.extract_strided_slice %reduce_max3A_856 {offsets = [80], sizes = [16], strides = [1]} : vector<128xf32> to vector<16xf32>
    %max3A_867 = arith.maximumf %max3A_865, %slice3A_866 : vector<16xf32>
    %slice3A_868 = vector.extract_strided_slice %reduce_max3A_856 {offsets = [96], sizes = [16], strides = [1]} : vector<128xf32> to vector<16xf32>
    %max3A_869 = arith.maximumf %max3A_867, %slice3A_868 : vector<16xf32>
    %slice3A_870 = vector.extract_strided_slice %reduce_max3A_856 {offsets = [112], sizes = [16], strides = [1]} : vector<128xf32> to vector<16xf32>
    %max3A_871 = arith.maximumf %max3A_869, %slice3A_870 : vector<16xf32>
    %eq3A_872 = arith.constant 26 : i32
    %eq3A_873 = vector.broadcast %eq3A_872 : i32 to vector<1250x128xi32>
    %eq3A_874 = arith.cmpi eq, %get3A_161, %eq3A_873 : vector<1250x128xi32>
    %jit3A_875 = arith.constant 0xFF800000 : f32
    %broadcast_in_dim3A_876 = vector.broadcast %jit3A_875 : f32 to vector<1250x128xf32>
    %select_n3A_877 = arith.select %eq3A_874, %add3A_158, %broadcast_in_dim3A_876 : vector<1250x128xi1>, vector<1250x128xf32>
    %reduce_max3A_878 = arith.constant dense<0xFF800000> : vector<128xf32>
    %reduce_max3A_879 = vector.multi_reduction <maximumf>, %select_n3A_877, %reduce_max3A_878 [0] : vector<1250x128xf32> to vector<128xf32>
    %slice3A_880 = vector.extract_strided_slice %reduce_max3A_879 {offsets = [0], sizes = [16], strides = [1]} : vector<128xf32> to vector<16xf32>
    %slice3A_881 = vector.extract_strided_slice %reduce_max3A_879 {offsets = [16], sizes = [16], strides = [1]} : vector<128xf32> to vector<16xf32>
    %max3A_882 = arith.maximumf %slice3A_880, %slice3A_881 : vector<16xf32>
    %slice3A_883 = vector.extract_strided_slice %reduce_max3A_879 {offsets = [32], sizes = [16], strides = [1]} : vector<128xf32> to vector<16xf32>
    %max3A_884 = arith.maximumf %max3A_882, %slice3A_883 : vector<16xf32>
    %slice3A_885 = vector.extract_strided_slice %reduce_max3A_879 {offsets = [48], sizes = [16], strides = [1]} : vector<128xf32> to vector<16xf32>
    %max3A_886 = arith.maximumf %max3A_884, %slice3A_885 : vector<16xf32>
    %slice3A_887 = vector.extract_strided_slice %reduce_max3A_879 {offsets = [64], sizes = [16], strides = [1]} : vector<128xf32> to vector<16xf32>
    %max3A_888 = arith.maximumf %max3A_886, %slice3A_887 : vector<16xf32>
    %slice3A_889 = vector.extract_strided_slice %reduce_max3A_879 {offsets = [80], sizes = [16], strides = [1]} : vector<128xf32> to vector<16xf32>
    %max3A_890 = arith.maximumf %max3A_888, %slice3A_889 : vector<16xf32>
    %slice3A_891 = vector.extract_strided_slice %reduce_max3A_879 {offsets = [96], sizes = [16], strides = [1]} : vector<128xf32> to vector<16xf32>
    %max3A_892 = arith.maximumf %max3A_890, %slice3A_891 : vector<16xf32>
    %slice3A_893 = vector.extract_strided_slice %reduce_max3A_879 {offsets = [112], sizes = [16], strides = [1]} : vector<128xf32> to vector<16xf32>
    %max3A_894 = arith.maximumf %max3A_892, %slice3A_893 : vector<16xf32>
    %eq3A_895 = arith.constant 27 : i32
    %eq3A_896 = vector.broadcast %eq3A_895 : i32 to vector<1250x128xi32>
    %eq3A_897 = arith.cmpi eq, %get3A_161, %eq3A_896 : vector<1250x128xi32>
    %jit3A_898 = arith.constant 0xFF800000 : f32
    %broadcast_in_dim3A_899 = vector.broadcast %jit3A_898 : f32 to vector<1250x128xf32>
    %select_n3A_900 = arith.select %eq3A_897, %add3A_158, %broadcast_in_dim3A_899 : vector<1250x128xi1>, vector<1250x128xf32>
    %reduce_max3A_901 = arith.constant dense<0xFF800000> : vector<128xf32>
    %reduce_max3A_902 = vector.multi_reduction <maximumf>, %select_n3A_900, %reduce_max3A_901 [0] : vector<1250x128xf32> to vector<128xf32>
    %slice3A_903 = vector.extract_strided_slice %reduce_max3A_902 {offsets = [0], sizes = [16], strides = [1]} : vector<128xf32> to vector<16xf32>
    %slice3A_904 = vector.extract_strided_slice %reduce_max3A_902 {offsets = [16], sizes = [16], strides = [1]} : vector<128xf32> to vector<16xf32>
    %max3A_905 = arith.maximumf %slice3A_903, %slice3A_904 : vector<16xf32>
    %slice3A_906 = vector.extract_strided_slice %reduce_max3A_902 {offsets = [32], sizes = [16], strides = [1]} : vector<128xf32> to vector<16xf32>
    %max3A_907 = arith.maximumf %max3A_905, %slice3A_906 : vector<16xf32>
    %slice3A_908 = vector.extract_strided_slice %reduce_max3A_902 {offsets = [48], sizes = [16], strides = [1]} : vector<128xf32> to vector<16xf32>
    %max3A_909 = arith.maximumf %max3A_907, %slice3A_908 : vector<16xf32>
    %slice3A_910 = vector.extract_strided_slice %reduce_max3A_902 {offsets = [64], sizes = [16], strides = [1]} : vector<128xf32> to vector<16xf32>
    %max3A_911 = arith.maximumf %max3A_909, %slice3A_910 : vector<16xf32>
    %slice3A_912 = vector.extract_strided_slice %reduce_max3A_902 {offsets = [80], sizes = [16], strides = [1]} : vector<128xf32> to vector<16xf32>
    %max3A_913 = arith.maximumf %max3A_911, %slice3A_912 : vector<16xf32>
    %slice3A_914 = vector.extract_strided_slice %reduce_max3A_902 {offsets = [96], sizes = [16], strides = [1]} : vector<128xf32> to vector<16xf32>
    %max3A_915 = arith.maximumf %max3A_913, %slice3A_914 : vector<16xf32>
    %slice3A_916 = vector.extract_strided_slice %reduce_max3A_902 {offsets = [112], sizes = [16], strides = [1]} : vector<128xf32> to vector<16xf32>
    %max3A_917 = arith.maximumf %max3A_915, %slice3A_916 : vector<16xf32>
    %eq3A_918 = arith.constant 28 : i32
    %eq3A_919 = vector.broadcast %eq3A_918 : i32 to vector<1250x128xi32>
    %eq3A_920 = arith.cmpi eq, %get3A_161, %eq3A_919 : vector<1250x128xi32>
    %jit3A_921 = arith.constant 0xFF800000 : f32
    %broadcast_in_dim3A_922 = vector.broadcast %jit3A_921 : f32 to vector<1250x128xf32>
    %select_n3A_923 = arith.select %eq3A_920, %add3A_158, %broadcast_in_dim3A_922 : vector<1250x128xi1>, vector<1250x128xf32>
    %reduce_max3A_924 = arith.constant dense<0xFF800000> : vector<128xf32>
    %reduce_max3A_925 = vector.multi_reduction <maximumf>, %select_n3A_923, %reduce_max3A_924 [0] : vector<1250x128xf32> to vector<128xf32>
    %slice3A_926 = vector.extract_strided_slice %reduce_max3A_925 {offsets = [0], sizes = [16], strides = [1]} : vector<128xf32> to vector<16xf32>
    %slice3A_927 = vector.extract_strided_slice %reduce_max3A_925 {offsets = [16], sizes = [16], strides = [1]} : vector<128xf32> to vector<16xf32>
    %max3A_928 = arith.maximumf %slice3A_926, %slice3A_927 : vector<16xf32>
    %slice3A_929 = vector.extract_strided_slice %reduce_max3A_925 {offsets = [32], sizes = [16], strides = [1]} : vector<128xf32> to vector<16xf32>
    %max3A_930 = arith.maximumf %max3A_928, %slice3A_929 : vector<16xf32>
    %slice3A_931 = vector.extract_strided_slice %reduce_max3A_925 {offsets = [48], sizes = [16], strides = [1]} : vector<128xf32> to vector<16xf32>
    %max3A_932 = arith.maximumf %max3A_930, %slice3A_931 : vector<16xf32>
    %slice3A_933 = vector.extract_strided_slice %reduce_max3A_925 {offsets = [64], sizes = [16], strides = [1]} : vector<128xf32> to vector<16xf32>
    %max3A_934 = arith.maximumf %max3A_932, %slice3A_933 : vector<16xf32>
    %slice3A_935 = vector.extract_strided_slice %reduce_max3A_925 {offsets = [80], sizes = [16], strides = [1]} : vector<128xf32> to vector<16xf32>
    %max3A_936 = arith.maximumf %max3A_934, %slice3A_935 : vector<16xf32>
    %slice3A_937 = vector.extract_strided_slice %reduce_max3A_925 {offsets = [96], sizes = [16], strides = [1]} : vector<128xf32> to vector<16xf32>
    %max3A_938 = arith.maximumf %max3A_936, %slice3A_937 : vector<16xf32>
    %slice3A_939 = vector.extract_strided_slice %reduce_max3A_925 {offsets = [112], sizes = [16], strides = [1]} : vector<128xf32> to vector<16xf32>
    %max3A_940 = arith.maximumf %max3A_938, %slice3A_939 : vector<16xf32>
    %eq3A_941 = arith.constant 29 : i32
    %eq3A_942 = vector.broadcast %eq3A_941 : i32 to vector<1250x128xi32>
    %eq3A_943 = arith.cmpi eq, %get3A_161, %eq3A_942 : vector<1250x128xi32>
    %jit3A_944 = arith.constant 0xFF800000 : f32
    %broadcast_in_dim3A_945 = vector.broadcast %jit3A_944 : f32 to vector<1250x128xf32>
    %select_n3A_946 = arith.select %eq3A_943, %add3A_158, %broadcast_in_dim3A_945 : vector<1250x128xi1>, vector<1250x128xf32>
    %reduce_max3A_947 = arith.constant dense<0xFF800000> : vector<128xf32>
    %reduce_max3A_948 = vector.multi_reduction <maximumf>, %select_n3A_946, %reduce_max3A_947 [0] : vector<1250x128xf32> to vector<128xf32>
    %slice3A_949 = vector.extract_strided_slice %reduce_max3A_948 {offsets = [0], sizes = [16], strides = [1]} : vector<128xf32> to vector<16xf32>
    %slice3A_950 = vector.extract_strided_slice %reduce_max3A_948 {offsets = [16], sizes = [16], strides = [1]} : vector<128xf32> to vector<16xf32>
    %max3A_951 = arith.maximumf %slice3A_949, %slice3A_950 : vector<16xf32>
    %slice3A_952 = vector.extract_strided_slice %reduce_max3A_948 {offsets = [32], sizes = [16], strides = [1]} : vector<128xf32> to vector<16xf32>
    %max3A_953 = arith.maximumf %max3A_951, %slice3A_952 : vector<16xf32>
    %slice3A_954 = vector.extract_strided_slice %reduce_max3A_948 {offsets = [48], sizes = [16], strides = [1]} : vector<128xf32> to vector<16xf32>
    %max3A_955 = arith.maximumf %max3A_953, %slice3A_954 : vector<16xf32>
    %slice3A_956 = vector.extract_strided_slice %reduce_max3A_948 {offsets = [64], sizes = [16], strides = [1]} : vector<128xf32> to vector<16xf32>
    %max3A_957 = arith.maximumf %max3A_955, %slice3A_956 : vector<16xf32>
    %slice3A_958 = vector.extract_strided_slice %reduce_max3A_948 {offsets = [80], sizes = [16], strides = [1]} : vector<128xf32> to vector<16xf32>
    %max3A_959 = arith.maximumf %max3A_957, %slice3A_958 : vector<16xf32>
    %slice3A_960 = vector.extract_strided_slice %reduce_max3A_948 {offsets = [96], sizes = [16], strides = [1]} : vector<128xf32> to vector<16xf32>
    %max3A_961 = arith.maximumf %max3A_959, %slice3A_960 : vector<16xf32>
    %slice3A_962 = vector.extract_strided_slice %reduce_max3A_948 {offsets = [112], sizes = [16], strides = [1]} : vector<128xf32> to vector<16xf32>
    %max3A_963 = arith.maximumf %max3A_961, %slice3A_962 : vector<16xf32>
    %eq3A_964 = arith.constant 30 : i32
    %eq3A_965 = vector.broadcast %eq3A_964 : i32 to vector<1250x128xi32>
    %eq3A_966 = arith.cmpi eq, %get3A_161, %eq3A_965 : vector<1250x128xi32>
    %jit3A_967 = arith.constant 0xFF800000 : f32
    %broadcast_in_dim3A_968 = vector.broadcast %jit3A_967 : f32 to vector<1250x128xf32>
    %select_n3A_969 = arith.select %eq3A_966, %add3A_158, %broadcast_in_dim3A_968 : vector<1250x128xi1>, vector<1250x128xf32>
    %reduce_max3A_970 = arith.constant dense<0xFF800000> : vector<128xf32>
    %reduce_max3A_971 = vector.multi_reduction <maximumf>, %select_n3A_969, %reduce_max3A_970 [0] : vector<1250x128xf32> to vector<128xf32>
    %slice3A_972 = vector.extract_strided_slice %reduce_max3A_971 {offsets = [0], sizes = [16], strides = [1]} : vector<128xf32> to vector<16xf32>
    %slice3A_973 = vector.extract_strided_slice %reduce_max3A_971 {offsets = [16], sizes = [16], strides = [1]} : vector<128xf32> to vector<16xf32>
    %max3A_974 = arith.maximumf %slice3A_972, %slice3A_973 : vector<16xf32>
    %slice3A_975 = vector.extract_strided_slice %reduce_max3A_971 {offsets = [32], sizes = [16], strides = [1]} : vector<128xf32> to vector<16xf32>
    %max3A_976 = arith.maximumf %max3A_974, %slice3A_975 : vector<16xf32>
    %slice3A_977 = vector.extract_strided_slice %reduce_max3A_971 {offsets = [48], sizes = [16], strides = [1]} : vector<128xf32> to vector<16xf32>
    %max3A_978 = arith.maximumf %max3A_976, %slice3A_977 : vector<16xf32>
    %slice3A_979 = vector.extract_strided_slice %reduce_max3A_971 {offsets = [64], sizes = [16], strides = [1]} : vector<128xf32> to vector<16xf32>
    %max3A_980 = arith.maximumf %max3A_978, %slice3A_979 : vector<16xf32>
    %slice3A_981 = vector.extract_strided_slice %reduce_max3A_971 {offsets = [80], sizes = [16], strides = [1]} : vector<128xf32> to vector<16xf32>
    %max3A_982 = arith.maximumf %max3A_980, %slice3A_981 : vector<16xf32>
    %slice3A_983 = vector.extract_strided_slice %reduce_max3A_971 {offsets = [96], sizes = [16], strides = [1]} : vector<128xf32> to vector<16xf32>
    %max3A_984 = arith.maximumf %max3A_982, %slice3A_983 : vector<16xf32>
    %slice3A_985 = vector.extract_strided_slice %reduce_max3A_971 {offsets = [112], sizes = [16], strides = [1]} : vector<128xf32> to vector<16xf32>
    %max3A_986 = arith.maximumf %max3A_984, %slice3A_985 : vector<16xf32>
    %eq3A_987 = arith.constant 31 : i32
    %eq3A_988 = vector.broadcast %eq3A_987 : i32 to vector<1250x128xi32>
    %eq3A_989 = arith.cmpi eq, %get3A_161, %eq3A_988 : vector<1250x128xi32>
    %jit3A_990 = arith.constant 0xFF800000 : f32
    %broadcast_in_dim3A_991 = vector.broadcast %jit3A_990 : f32 to vector<1250x128xf32>
    %select_n3A_992 = arith.select %eq3A_989, %add3A_158, %broadcast_in_dim3A_991 : vector<1250x128xi1>, vector<1250x128xf32>
    %reduce_max3A_993 = arith.constant dense<0xFF800000> : vector<128xf32>
    %reduce_max3A_994 = vector.multi_reduction <maximumf>, %select_n3A_992, %reduce_max3A_993 [0] : vector<1250x128xf32> to vector<128xf32>
    %slice3A_995 = vector.extract_strided_slice %reduce_max3A_994 {offsets = [0], sizes = [16], strides = [1]} : vector<128xf32> to vector<16xf32>
    %slice3A_996 = vector.extract_strided_slice %reduce_max3A_994 {offsets = [16], sizes = [16], strides = [1]} : vector<128xf32> to vector<16xf32>
    %max3A_997 = arith.maximumf %slice3A_995, %slice3A_996 : vector<16xf32>
    %slice3A_998 = vector.extract_strided_slice %reduce_max3A_994 {offsets = [32], sizes = [16], strides = [1]} : vector<128xf32> to vector<16xf32>
    %max3A_999 = arith.maximumf %max3A_997, %slice3A_998 : vector<16xf32>
    %slice3A_1000 = vector.extract_strided_slice %reduce_max3A_994 {offsets = [48], sizes = [16], strides = [1]} : vector<128xf32> to vector<16xf32>
    %max3A_1001 = arith.maximumf %max3A_999, %slice3A_1000 : vector<16xf32>
    %slice3A_1002 = vector.extract_strided_slice %reduce_max3A_994 {offsets = [64], sizes = [16], strides = [1]} : vector<128xf32> to vector<16xf32>
    %max3A_1003 = arith.maximumf %max3A_1001, %slice3A_1002 : vector<16xf32>
    %slice3A_1004 = vector.extract_strided_slice %reduce_max3A_994 {offsets = [80], sizes = [16], strides = [1]} : vector<128xf32> to vector<16xf32>
    %max3A_1005 = arith.maximumf %max3A_1003, %slice3A_1004 : vector<16xf32>
    %slice3A_1006 = vector.extract_strided_slice %reduce_max3A_994 {offsets = [96], sizes = [16], strides = [1]} : vector<128xf32> to vector<16xf32>
    %max3A_1007 = arith.maximumf %max3A_1005, %slice3A_1006 : vector<16xf32>
    %slice3A_1008 = vector.extract_strided_slice %reduce_max3A_994 {offsets = [112], sizes = [16], strides = [1]} : vector<128xf32> to vector<16xf32>
    %max3A_1009 = arith.maximumf %max3A_1007, %slice3A_1008 : vector<16xf32>
    %eq3A_1010 = arith.constant 32 : i32
    %eq3A_1011 = vector.broadcast %eq3A_1010 : i32 to vector<1250x128xi32>
    %eq3A_1012 = arith.cmpi eq, %get3A_161, %eq3A_1011 : vector<1250x128xi32>
    %jit3A_1013 = arith.constant 0xFF800000 : f32
    %broadcast_in_dim3A_1014 = vector.broadcast %jit3A_1013 : f32 to vector<1250x128xf32>
    %select_n3A_1015 = arith.select %eq3A_1012, %add3A_158, %broadcast_in_dim3A_1014 : vector<1250x128xi1>, vector<1250x128xf32>
    %reduce_max3A_1016 = arith.constant dense<0xFF800000> : vector<128xf32>
    %reduce_max3A_1017 = vector.multi_reduction <maximumf>, %select_n3A_1015, %reduce_max3A_1016 [0] : vector<1250x128xf32> to vector<128xf32>
    %slice3A_1018 = vector.extract_strided_slice %reduce_max3A_1017 {offsets = [0], sizes = [16], strides = [1]} : vector<128xf32> to vector<16xf32>
    %slice3A_1019 = vector.extract_strided_slice %reduce_max3A_1017 {offsets = [16], sizes = [16], strides = [1]} : vector<128xf32> to vector<16xf32>
    %max3A_1020 = arith.maximumf %slice3A_1018, %slice3A_1019 : vector<16xf32>
    %slice3A_1021 = vector.extract_strided_slice %reduce_max3A_1017 {offsets = [32], sizes = [16], strides = [1]} : vector<128xf32> to vector<16xf32>
    %max3A_1022 = arith.maximumf %max3A_1020, %slice3A_1021 : vector<16xf32>
    %slice3A_1023 = vector.extract_strided_slice %reduce_max3A_1017 {offsets = [48], sizes = [16], strides = [1]} : vector<128xf32> to vector<16xf32>
    %max3A_1024 = arith.maximumf %max3A_1022, %slice3A_1023 : vector<16xf32>
    %slice3A_1025 = vector.extract_strided_slice %reduce_max3A_1017 {offsets = [64], sizes = [16], strides = [1]} : vector<128xf32> to vector<16xf32>
    %max3A_1026 = arith.maximumf %max3A_1024, %slice3A_1025 : vector<16xf32>
    %slice3A_1027 = vector.extract_strided_slice %reduce_max3A_1017 {offsets = [80], sizes = [16], strides = [1]} : vector<128xf32> to vector<16xf32>
    %max3A_1028 = arith.maximumf %max3A_1026, %slice3A_1027 : vector<16xf32>
    %slice3A_1029 = vector.extract_strided_slice %reduce_max3A_1017 {offsets = [96], sizes = [16], strides = [1]} : vector<128xf32> to vector<16xf32>
    %max3A_1030 = arith.maximumf %max3A_1028, %slice3A_1029 : vector<16xf32>
    %slice3A_1031 = vector.extract_strided_slice %reduce_max3A_1017 {offsets = [112], sizes = [16], strides = [1]} : vector<128xf32> to vector<16xf32>
    %max3A_1032 = arith.maximumf %max3A_1030, %slice3A_1031 : vector<16xf32>
    %eq3A_1033 = arith.constant 33 : i32
    %eq3A_1034 = vector.broadcast %eq3A_1033 : i32 to vector<1250x128xi32>
    %eq3A_1035 = arith.cmpi eq, %get3A_161, %eq3A_1034 : vector<1250x128xi32>
    %jit3A_1036 = arith.constant 0xFF800000 : f32
    %broadcast_in_dim3A_1037 = vector.broadcast %jit3A_1036 : f32 to vector<1250x128xf32>
    %select_n3A_1038 = arith.select %eq3A_1035, %add3A_158, %broadcast_in_dim3A_1037 : vector<1250x128xi1>, vector<1250x128xf32>
    %reduce_max3A_1039 = arith.constant dense<0xFF800000> : vector<128xf32>
    %reduce_max3A_1040 = vector.multi_reduction <maximumf>, %select_n3A_1038, %reduce_max3A_1039 [0] : vector<1250x128xf32> to vector<128xf32>
    %slice3A_1041 = vector.extract_strided_slice %reduce_max3A_1040 {offsets = [0], sizes = [16], strides = [1]} : vector<128xf32> to vector<16xf32>
    %slice3A_1042 = vector.extract_strided_slice %reduce_max3A_1040 {offsets = [16], sizes = [16], strides = [1]} : vector<128xf32> to vector<16xf32>
    %max3A_1043 = arith.maximumf %slice3A_1041, %slice3A_1042 : vector<16xf32>
    %slice3A_1044 = vector.extract_strided_slice %reduce_max3A_1040 {offsets = [32], sizes = [16], strides = [1]} : vector<128xf32> to vector<16xf32>
    %max3A_1045 = arith.maximumf %max3A_1043, %slice3A_1044 : vector<16xf32>
    %slice3A_1046 = vector.extract_strided_slice %reduce_max3A_1040 {offsets = [48], sizes = [16], strides = [1]} : vector<128xf32> to vector<16xf32>
    %max3A_1047 = arith.maximumf %max3A_1045, %slice3A_1046 : vector<16xf32>
    %slice3A_1048 = vector.extract_strided_slice %reduce_max3A_1040 {offsets = [64], sizes = [16], strides = [1]} : vector<128xf32> to vector<16xf32>
    %max3A_1049 = arith.maximumf %max3A_1047, %slice3A_1048 : vector<16xf32>
    %slice3A_1050 = vector.extract_strided_slice %reduce_max3A_1040 {offsets = [80], sizes = [16], strides = [1]} : vector<128xf32> to vector<16xf32>
    %max3A_1051 = arith.maximumf %max3A_1049, %slice3A_1050 : vector<16xf32>
    %slice3A_1052 = vector.extract_strided_slice %reduce_max3A_1040 {offsets = [96], sizes = [16], strides = [1]} : vector<128xf32> to vector<16xf32>
    %max3A_1053 = arith.maximumf %max3A_1051, %slice3A_1052 : vector<16xf32>
    %slice3A_1054 = vector.extract_strided_slice %reduce_max3A_1040 {offsets = [112], sizes = [16], strides = [1]} : vector<128xf32> to vector<16xf32>
    %max3A_1055 = arith.maximumf %max3A_1053, %slice3A_1054 : vector<16xf32>
    %eq3A_1056 = arith.constant 34 : i32
    %eq3A_1057 = vector.broadcast %eq3A_1056 : i32 to vector<1250x128xi32>
    %eq3A_1058 = arith.cmpi eq, %get3A_161, %eq3A_1057 : vector<1250x128xi32>
    %jit3A_1059 = arith.constant 0xFF800000 : f32
    %broadcast_in_dim3A_1060 = vector.broadcast %jit3A_1059 : f32 to vector<1250x128xf32>
    %select_n3A_1061 = arith.select %eq3A_1058, %add3A_158, %broadcast_in_dim3A_1060 : vector<1250x128xi1>, vector<1250x128xf32>
    %reduce_max3A_1062 = arith.constant dense<0xFF800000> : vector<128xf32>
    %reduce_max3A_1063 = vector.multi_reduction <maximumf>, %select_n3A_1061, %reduce_max3A_1062 [0] : vector<1250x128xf32> to vector<128xf32>
    %slice3A_1064 = vector.extract_strided_slice %reduce_max3A_1063 {offsets = [0], sizes = [16], strides = [1]} : vector<128xf32> to vector<16xf32>
    %slice3A_1065 = vector.extract_strided_slice %reduce_max3A_1063 {offsets = [16], sizes = [16], strides = [1]} : vector<128xf32> to vector<16xf32>
    %max3A_1066 = arith.maximumf %slice3A_1064, %slice3A_1065 : vector<16xf32>
    %slice3A_1067 = vector.extract_strided_slice %reduce_max3A_1063 {offsets = [32], sizes = [16], strides = [1]} : vector<128xf32> to vector<16xf32>
    %max3A_1068 = arith.maximumf %max3A_1066, %slice3A_1067 : vector<16xf32>
    %slice3A_1069 = vector.extract_strided_slice %reduce_max3A_1063 {offsets = [48], sizes = [16], strides = [1]} : vector<128xf32> to vector<16xf32>
    %max3A_1070 = arith.maximumf %max3A_1068, %slice3A_1069 : vector<16xf32>
    %slice3A_1071 = vector.extract_strided_slice %reduce_max3A_1063 {offsets = [64], sizes = [16], strides = [1]} : vector<128xf32> to vector<16xf32>
    %max3A_1072 = arith.maximumf %max3A_1070, %slice3A_1071 : vector<16xf32>
    %slice3A_1073 = vector.extract_strided_slice %reduce_max3A_1063 {offsets = [80], sizes = [16], strides = [1]} : vector<128xf32> to vector<16xf32>
    %max3A_1074 = arith.maximumf %max3A_1072, %slice3A_1073 : vector<16xf32>
    %slice3A_1075 = vector.extract_strided_slice %reduce_max3A_1063 {offsets = [96], sizes = [16], strides = [1]} : vector<128xf32> to vector<16xf32>
    %max3A_1076 = arith.maximumf %max3A_1074, %slice3A_1075 : vector<16xf32>
    %slice3A_1077 = vector.extract_strided_slice %reduce_max3A_1063 {offsets = [112], sizes = [16], strides = [1]} : vector<128xf32> to vector<16xf32>
    %max3A_1078 = arith.maximumf %max3A_1076, %slice3A_1077 : vector<16xf32>
    %eq3A_1079 = arith.constant 35 : i32
    %eq3A_1080 = vector.broadcast %eq3A_1079 : i32 to vector<1250x128xi32>
    %eq3A_1081 = arith.cmpi eq, %get3A_161, %eq3A_1080 : vector<1250x128xi32>
    %jit3A_1082 = arith.constant 0xFF800000 : f32
    %broadcast_in_dim3A_1083 = vector.broadcast %jit3A_1082 : f32 to vector<1250x128xf32>
    %select_n3A_1084 = arith.select %eq3A_1081, %add3A_158, %broadcast_in_dim3A_1083 : vector<1250x128xi1>, vector<1250x128xf32>
    %reduce_max3A_1085 = arith.constant dense<0xFF800000> : vector<128xf32>
    %reduce_max3A_1086 = vector.multi_reduction <maximumf>, %select_n3A_1084, %reduce_max3A_1085 [0] : vector<1250x128xf32> to vector<128xf32>
    %slice3A_1087 = vector.extract_strided_slice %reduce_max3A_1086 {offsets = [0], sizes = [16], strides = [1]} : vector<128xf32> to vector<16xf32>
    %slice3A_1088 = vector.extract_strided_slice %reduce_max3A_1086 {offsets = [16], sizes = [16], strides = [1]} : vector<128xf32> to vector<16xf32>
    %max3A_1089 = arith.maximumf %slice3A_1087, %slice3A_1088 : vector<16xf32>
    %slice3A_1090 = vector.extract_strided_slice %reduce_max3A_1086 {offsets = [32], sizes = [16], strides = [1]} : vector<128xf32> to vector<16xf32>
    %max3A_1091 = arith.maximumf %max3A_1089, %slice3A_1090 : vector<16xf32>
    %slice3A_1092 = vector.extract_strided_slice %reduce_max3A_1086 {offsets = [48], sizes = [16], strides = [1]} : vector<128xf32> to vector<16xf32>
    %max3A_1093 = arith.maximumf %max3A_1091, %slice3A_1092 : vector<16xf32>
    %slice3A_1094 = vector.extract_strided_slice %reduce_max3A_1086 {offsets = [64], sizes = [16], strides = [1]} : vector<128xf32> to vector<16xf32>
    %max3A_1095 = arith.maximumf %max3A_1093, %slice3A_1094 : vector<16xf32>
    %slice3A_1096 = vector.extract_strided_slice %reduce_max3A_1086 {offsets = [80], sizes = [16], strides = [1]} : vector<128xf32> to vector<16xf32>
    %max3A_1097 = arith.maximumf %max3A_1095, %slice3A_1096 : vector<16xf32>
    %slice3A_1098 = vector.extract_strided_slice %reduce_max3A_1086 {offsets = [96], sizes = [16], strides = [1]} : vector<128xf32> to vector<16xf32>
    %max3A_1099 = arith.maximumf %max3A_1097, %slice3A_1098 : vector<16xf32>
    %slice3A_1100 = vector.extract_strided_slice %reduce_max3A_1086 {offsets = [112], sizes = [16], strides = [1]} : vector<128xf32> to vector<16xf32>
    %max3A_1101 = arith.maximumf %max3A_1099, %slice3A_1100 : vector<16xf32>
    %eq3A_1102 = arith.constant 36 : i32
    %eq3A_1103 = vector.broadcast %eq3A_1102 : i32 to vector<1250x128xi32>
    %eq3A_1104 = arith.cmpi eq, %get3A_161, %eq3A_1103 : vector<1250x128xi32>
    %jit3A_1105 = arith.constant 0xFF800000 : f32
    %broadcast_in_dim3A_1106 = vector.broadcast %jit3A_1105 : f32 to vector<1250x128xf32>
    %select_n3A_1107 = arith.select %eq3A_1104, %add3A_158, %broadcast_in_dim3A_1106 : vector<1250x128xi1>, vector<1250x128xf32>
    %reduce_max3A_1108 = arith.constant dense<0xFF800000> : vector<128xf32>
    %reduce_max3A_1109 = vector.multi_reduction <maximumf>, %select_n3A_1107, %reduce_max3A_1108 [0] : vector<1250x128xf32> to vector<128xf32>
    %slice3A_1110 = vector.extract_strided_slice %reduce_max3A_1109 {offsets = [0], sizes = [16], strides = [1]} : vector<128xf32> to vector<16xf32>
    %slice3A_1111 = vector.extract_strided_slice %reduce_max3A_1109 {offsets = [16], sizes = [16], strides = [1]} : vector<128xf32> to vector<16xf32>
    %max3A_1112 = arith.maximumf %slice3A_1110, %slice3A_1111 : vector<16xf32>
    %slice3A_1113 = vector.extract_strided_slice %reduce_max3A_1109 {offsets = [32], sizes = [16], strides = [1]} : vector<128xf32> to vector<16xf32>
    %max3A_1114 = arith.maximumf %max3A_1112, %slice3A_1113 : vector<16xf32>
    %slice3A_1115 = vector.extract_strided_slice %reduce_max3A_1109 {offsets = [48], sizes = [16], strides = [1]} : vector<128xf32> to vector<16xf32>
    %max3A_1116 = arith.maximumf %max3A_1114, %slice3A_1115 : vector<16xf32>
    %slice3A_1117 = vector.extract_strided_slice %reduce_max3A_1109 {offsets = [64], sizes = [16], strides = [1]} : vector<128xf32> to vector<16xf32>
    %max3A_1118 = arith.maximumf %max3A_1116, %slice3A_1117 : vector<16xf32>
    %slice3A_1119 = vector.extract_strided_slice %reduce_max3A_1109 {offsets = [80], sizes = [16], strides = [1]} : vector<128xf32> to vector<16xf32>
    %max3A_1120 = arith.maximumf %max3A_1118, %slice3A_1119 : vector<16xf32>
    %slice3A_1121 = vector.extract_strided_slice %reduce_max3A_1109 {offsets = [96], sizes = [16], strides = [1]} : vector<128xf32> to vector<16xf32>
    %max3A_1122 = arith.maximumf %max3A_1120, %slice3A_1121 : vector<16xf32>
    %slice3A_1123 = vector.extract_strided_slice %reduce_max3A_1109 {offsets = [112], sizes = [16], strides = [1]} : vector<128xf32> to vector<16xf32>
    %max3A_1124 = arith.maximumf %max3A_1122, %slice3A_1123 : vector<16xf32>
    %eq3A_1125 = arith.constant 37 : i32
    %eq3A_1126 = vector.broadcast %eq3A_1125 : i32 to vector<1250x128xi32>
    %eq3A_1127 = arith.cmpi eq, %get3A_161, %eq3A_1126 : vector<1250x128xi32>
    %jit3A_1128 = arith.constant 0xFF800000 : f32
    %broadcast_in_dim3A_1129 = vector.broadcast %jit3A_1128 : f32 to vector<1250x128xf32>
    %select_n3A_1130 = arith.select %eq3A_1127, %add3A_158, %broadcast_in_dim3A_1129 : vector<1250x128xi1>, vector<1250x128xf32>
    %reduce_max3A_1131 = arith.constant dense<0xFF800000> : vector<128xf32>
    %reduce_max3A_1132 = vector.multi_reduction <maximumf>, %select_n3A_1130, %reduce_max3A_1131 [0] : vector<1250x128xf32> to vector<128xf32>
    %slice3A_1133 = vector.extract_strided_slice %reduce_max3A_1132 {offsets = [0], sizes = [16], strides = [1]} : vector<128xf32> to vector<16xf32>
    %slice3A_1134 = vector.extract_strided_slice %reduce_max3A_1132 {offsets = [16], sizes = [16], strides = [1]} : vector<128xf32> to vector<16xf32>
    %max3A_1135 = arith.maximumf %slice3A_1133, %slice3A_1134 : vector<16xf32>
    %slice3A_1136 = vector.extract_strided_slice %reduce_max3A_1132 {offsets = [32], sizes = [16], strides = [1]} : vector<128xf32> to vector<16xf32>
    %max3A_1137 = arith.maximumf %max3A_1135, %slice3A_1136 : vector<16xf32>
    %slice3A_1138 = vector.extract_strided_slice %reduce_max3A_1132 {offsets = [48], sizes = [16], strides = [1]} : vector<128xf32> to vector<16xf32>
    %max3A_1139 = arith.maximumf %max3A_1137, %slice3A_1138 : vector<16xf32>
    %slice3A_1140 = vector.extract_strided_slice %reduce_max3A_1132 {offsets = [64], sizes = [16], strides = [1]} : vector<128xf32> to vector<16xf32>
    %max3A_1141 = arith.maximumf %max3A_1139, %slice3A_1140 : vector<16xf32>
    %slice3A_1142 = vector.extract_strided_slice %reduce_max3A_1132 {offsets = [80], sizes = [16], strides = [1]} : vector<128xf32> to vector<16xf32>
    %max3A_1143 = arith.maximumf %max3A_1141, %slice3A_1142 : vector<16xf32>
    %slice3A_1144 = vector.extract_strided_slice %reduce_max3A_1132 {offsets = [96], sizes = [16], strides = [1]} : vector<128xf32> to vector<16xf32>
    %max3A_1145 = arith.maximumf %max3A_1143, %slice3A_1144 : vector<16xf32>
    %slice3A_1146 = vector.extract_strided_slice %reduce_max3A_1132 {offsets = [112], sizes = [16], strides = [1]} : vector<128xf32> to vector<16xf32>
    %max3A_1147 = arith.maximumf %max3A_1145, %slice3A_1146 : vector<16xf32>
    %eq3A_1148 = arith.constant 38 : i32
    %eq3A_1149 = vector.broadcast %eq3A_1148 : i32 to vector<1250x128xi32>
    %eq3A_1150 = arith.cmpi eq, %get3A_161, %eq3A_1149 : vector<1250x128xi32>
    %jit3A_1151 = arith.constant 0xFF800000 : f32
    %broadcast_in_dim3A_1152 = vector.broadcast %jit3A_1151 : f32 to vector<1250x128xf32>
    %select_n3A_1153 = arith.select %eq3A_1150, %add3A_158, %broadcast_in_dim3A_1152 : vector<1250x128xi1>, vector<1250x128xf32>
    %reduce_max3A_1154 = arith.constant dense<0xFF800000> : vector<128xf32>
    %reduce_max3A_1155 = vector.multi_reduction <maximumf>, %select_n3A_1153, %reduce_max3A_1154 [0] : vector<1250x128xf32> to vector<128xf32>
    %slice3A_1156 = vector.extract_strided_slice %reduce_max3A_1155 {offsets = [0], sizes = [16], strides = [1]} : vector<128xf32> to vector<16xf32>
    %slice3A_1157 = vector.extract_strided_slice %reduce_max3A_1155 {offsets = [16], sizes = [16], strides = [1]} : vector<128xf32> to vector<16xf32>
    %max3A_1158 = arith.maximumf %slice3A_1156, %slice3A_1157 : vector<16xf32>
    %slice3A_1159 = vector.extract_strided_slice %reduce_max3A_1155 {offsets = [32], sizes = [16], strides = [1]} : vector<128xf32> to vector<16xf32>
    %max3A_1160 = arith.maximumf %max3A_1158, %slice3A_1159 : vector<16xf32>
    %slice3A_1161 = vector.extract_strided_slice %reduce_max3A_1155 {offsets = [48], sizes = [16], strides = [1]} : vector<128xf32> to vector<16xf32>
    %max3A_1162 = arith.maximumf %max3A_1160, %slice3A_1161 : vector<16xf32>
    %slice3A_1163 = vector.extract_strided_slice %reduce_max3A_1155 {offsets = [64], sizes = [16], strides = [1]} : vector<128xf32> to vector<16xf32>
    %max3A_1164 = arith.maximumf %max3A_1162, %slice3A_1163 : vector<16xf32>
    %slice3A_1165 = vector.extract_strided_slice %reduce_max3A_1155 {offsets = [80], sizes = [16], strides = [1]} : vector<128xf32> to vector<16xf32>
    %max3A_1166 = arith.maximumf %max3A_1164, %slice3A_1165 : vector<16xf32>
    %slice3A_1167 = vector.extract_strided_slice %reduce_max3A_1155 {offsets = [96], sizes = [16], strides = [1]} : vector<128xf32> to vector<16xf32>
    %max3A_1168 = arith.maximumf %max3A_1166, %slice3A_1167 : vector<16xf32>
    %slice3A_1169 = vector.extract_strided_slice %reduce_max3A_1155 {offsets = [112], sizes = [16], strides = [1]} : vector<128xf32> to vector<16xf32>
    %max3A_1170 = arith.maximumf %max3A_1168, %slice3A_1169 : vector<16xf32>
    %eq3A_1171 = arith.constant 39 : i32
    %eq3A_1172 = vector.broadcast %eq3A_1171 : i32 to vector<1250x128xi32>
    %eq3A_1173 = arith.cmpi eq, %get3A_161, %eq3A_1172 : vector<1250x128xi32>
    %jit3A_1174 = arith.constant 0xFF800000 : f32
    %broadcast_in_dim3A_1175 = vector.broadcast %jit3A_1174 : f32 to vector<1250x128xf32>
    %select_n3A_1176 = arith.select %eq3A_1173, %add3A_158, %broadcast_in_dim3A_1175 : vector<1250x128xi1>, vector<1250x128xf32>
    %reduce_max3A_1177 = arith.constant dense<0xFF800000> : vector<128xf32>
    %reduce_max3A_1178 = vector.multi_reduction <maximumf>, %select_n3A_1176, %reduce_max3A_1177 [0] : vector<1250x128xf32> to vector<128xf32>
    %slice3A_1179 = vector.extract_strided_slice %reduce_max3A_1178 {offsets = [0], sizes = [16], strides = [1]} : vector<128xf32> to vector<16xf32>
    %slice3A_1180 = vector.extract_strided_slice %reduce_max3A_1178 {offsets = [16], sizes = [16], strides = [1]} : vector<128xf32> to vector<16xf32>
    %max3A_1181 = arith.maximumf %slice3A_1179, %slice3A_1180 : vector<16xf32>
    %slice3A_1182 = vector.extract_strided_slice %reduce_max3A_1178 {offsets = [32], sizes = [16], strides = [1]} : vector<128xf32> to vector<16xf32>
    %max3A_1183 = arith.maximumf %max3A_1181, %slice3A_1182 : vector<16xf32>
    %slice3A_1184 = vector.extract_strided_slice %reduce_max3A_1178 {offsets = [48], sizes = [16], strides = [1]} : vector<128xf32> to vector<16xf32>
    %max3A_1185 = arith.maximumf %max3A_1183, %slice3A_1184 : vector<16xf32>
    %slice3A_1186 = vector.extract_strided_slice %reduce_max3A_1178 {offsets = [64], sizes = [16], strides = [1]} : vector<128xf32> to vector<16xf32>
    %max3A_1187 = arith.maximumf %max3A_1185, %slice3A_1186 : vector<16xf32>
    %slice3A_1188 = vector.extract_strided_slice %reduce_max3A_1178 {offsets = [80], sizes = [16], strides = [1]} : vector<128xf32> to vector<16xf32>
    %max3A_1189 = arith.maximumf %max3A_1187, %slice3A_1188 : vector<16xf32>
    %slice3A_1190 = vector.extract_strided_slice %reduce_max3A_1178 {offsets = [96], sizes = [16], strides = [1]} : vector<128xf32> to vector<16xf32>
    %max3A_1191 = arith.maximumf %max3A_1189, %slice3A_1190 : vector<16xf32>
    %slice3A_1192 = vector.extract_strided_slice %reduce_max3A_1178 {offsets = [112], sizes = [16], strides = [1]} : vector<128xf32> to vector<16xf32>
    %max3A_1193 = arith.maximumf %max3A_1191, %slice3A_1192 : vector<16xf32>
    %eq3A_1194 = arith.constant 40 : i32
    %eq3A_1195 = vector.broadcast %eq3A_1194 : i32 to vector<1250x128xi32>
    %eq3A_1196 = arith.cmpi eq, %get3A_161, %eq3A_1195 : vector<1250x128xi32>
    %jit3A_1197 = arith.constant 0xFF800000 : f32
    %broadcast_in_dim3A_1198 = vector.broadcast %jit3A_1197 : f32 to vector<1250x128xf32>
    %select_n3A_1199 = arith.select %eq3A_1196, %add3A_158, %broadcast_in_dim3A_1198 : vector<1250x128xi1>, vector<1250x128xf32>
    %reduce_max3A_1200 = arith.constant dense<0xFF800000> : vector<128xf32>
    %reduce_max3A_1201 = vector.multi_reduction <maximumf>, %select_n3A_1199, %reduce_max3A_1200 [0] : vector<1250x128xf32> to vector<128xf32>
    %slice3A_1202 = vector.extract_strided_slice %reduce_max3A_1201 {offsets = [0], sizes = [16], strides = [1]} : vector<128xf32> to vector<16xf32>
    %slice3A_1203 = vector.extract_strided_slice %reduce_max3A_1201 {offsets = [16], sizes = [16], strides = [1]} : vector<128xf32> to vector<16xf32>
    %max3A_1204 = arith.maximumf %slice3A_1202, %slice3A_1203 : vector<16xf32>
    %slice3A_1205 = vector.extract_strided_slice %reduce_max3A_1201 {offsets = [32], sizes = [16], strides = [1]} : vector<128xf32> to vector<16xf32>
    %max3A_1206 = arith.maximumf %max3A_1204, %slice3A_1205 : vector<16xf32>
    %slice3A_1207 = vector.extract_strided_slice %reduce_max3A_1201 {offsets = [48], sizes = [16], strides = [1]} : vector<128xf32> to vector<16xf32>
    %max3A_1208 = arith.maximumf %max3A_1206, %slice3A_1207 : vector<16xf32>
    %slice3A_1209 = vector.extract_strided_slice %reduce_max3A_1201 {offsets = [64], sizes = [16], strides = [1]} : vector<128xf32> to vector<16xf32>
    %max3A_1210 = arith.maximumf %max3A_1208, %slice3A_1209 : vector<16xf32>
    %slice3A_1211 = vector.extract_strided_slice %reduce_max3A_1201 {offsets = [80], sizes = [16], strides = [1]} : vector<128xf32> to vector<16xf32>
    %max3A_1212 = arith.maximumf %max3A_1210, %slice3A_1211 : vector<16xf32>
    %slice3A_1213 = vector.extract_strided_slice %reduce_max3A_1201 {offsets = [96], sizes = [16], strides = [1]} : vector<128xf32> to vector<16xf32>
    %max3A_1214 = arith.maximumf %max3A_1212, %slice3A_1213 : vector<16xf32>
    %slice3A_1215 = vector.extract_strided_slice %reduce_max3A_1201 {offsets = [112], sizes = [16], strides = [1]} : vector<128xf32> to vector<16xf32>
    %max3A_1216 = arith.maximumf %max3A_1214, %slice3A_1215 : vector<16xf32>
    %eq3A_1217 = arith.constant 41 : i32
    %eq3A_1218 = vector.broadcast %eq3A_1217 : i32 to vector<1250x128xi32>
    %eq3A_1219 = arith.cmpi eq, %get3A_161, %eq3A_1218 : vector<1250x128xi32>
    %jit3A_1220 = arith.constant 0xFF800000 : f32
    %broadcast_in_dim3A_1221 = vector.broadcast %jit3A_1220 : f32 to vector<1250x128xf32>
    %select_n3A_1222 = arith.select %eq3A_1219, %add3A_158, %broadcast_in_dim3A_1221 : vector<1250x128xi1>, vector<1250x128xf32>
    %reduce_max3A_1223 = arith.constant dense<0xFF800000> : vector<128xf32>
    %reduce_max3A_1224 = vector.multi_reduction <maximumf>, %select_n3A_1222, %reduce_max3A_1223 [0] : vector<1250x128xf32> to vector<128xf32>
    %slice3A_1225 = vector.extract_strided_slice %reduce_max3A_1224 {offsets = [0], sizes = [16], strides = [1]} : vector<128xf32> to vector<16xf32>
    %slice3A_1226 = vector.extract_strided_slice %reduce_max3A_1224 {offsets = [16], sizes = [16], strides = [1]} : vector<128xf32> to vector<16xf32>
    %max3A_1227 = arith.maximumf %slice3A_1225, %slice3A_1226 : vector<16xf32>
    %slice3A_1228 = vector.extract_strided_slice %reduce_max3A_1224 {offsets = [32], sizes = [16], strides = [1]} : vector<128xf32> to vector<16xf32>
    %max3A_1229 = arith.maximumf %max3A_1227, %slice3A_1228 : vector<16xf32>
    %slice3A_1230 = vector.extract_strided_slice %reduce_max3A_1224 {offsets = [48], sizes = [16], strides = [1]} : vector<128xf32> to vector<16xf32>
    %max3A_1231 = arith.maximumf %max3A_1229, %slice3A_1230 : vector<16xf32>
    %slice3A_1232 = vector.extract_strided_slice %reduce_max3A_1224 {offsets = [64], sizes = [16], strides = [1]} : vector<128xf32> to vector<16xf32>
    %max3A_1233 = arith.maximumf %max3A_1231, %slice3A_1232 : vector<16xf32>
    %slice3A_1234 = vector.extract_strided_slice %reduce_max3A_1224 {offsets = [80], sizes = [16], strides = [1]} : vector<128xf32> to vector<16xf32>
    %max3A_1235 = arith.maximumf %max3A_1233, %slice3A_1234 : vector<16xf32>
    %slice3A_1236 = vector.extract_strided_slice %reduce_max3A_1224 {offsets = [96], sizes = [16], strides = [1]} : vector<128xf32> to vector<16xf32>
    %max3A_1237 = arith.maximumf %max3A_1235, %slice3A_1236 : vector<16xf32>
    %slice3A_1238 = vector.extract_strided_slice %reduce_max3A_1224 {offsets = [112], sizes = [16], strides = [1]} : vector<128xf32> to vector<16xf32>
    %max3A_1239 = arith.maximumf %max3A_1237, %slice3A_1238 : vector<16xf32>
    %eq3A_1240 = arith.constant 42 : i32
    %eq3A_1241 = vector.broadcast %eq3A_1240 : i32 to vector<1250x128xi32>
    %eq3A_1242 = arith.cmpi eq, %get3A_161, %eq3A_1241 : vector<1250x128xi32>
    %jit3A_1243 = arith.constant 0xFF800000 : f32
    %broadcast_in_dim3A_1244 = vector.broadcast %jit3A_1243 : f32 to vector<1250x128xf32>
    %select_n3A_1245 = arith.select %eq3A_1242, %add3A_158, %broadcast_in_dim3A_1244 : vector<1250x128xi1>, vector<1250x128xf32>
    %reduce_max3A_1246 = arith.constant dense<0xFF800000> : vector<128xf32>
    %reduce_max3A_1247 = vector.multi_reduction <maximumf>, %select_n3A_1245, %reduce_max3A_1246 [0] : vector<1250x128xf32> to vector<128xf32>
    %slice3A_1248 = vector.extract_strided_slice %reduce_max3A_1247 {offsets = [0], sizes = [16], strides = [1]} : vector<128xf32> to vector<16xf32>
    %slice3A_1249 = vector.extract_strided_slice %reduce_max3A_1247 {offsets = [16], sizes = [16], strides = [1]} : vector<128xf32> to vector<16xf32>
    %max3A_1250 = arith.maximumf %slice3A_1248, %slice3A_1249 : vector<16xf32>
    %slice3A_1251 = vector.extract_strided_slice %reduce_max3A_1247 {offsets = [32], sizes = [16], strides = [1]} : vector<128xf32> to vector<16xf32>
    %max3A_1252 = arith.maximumf %max3A_1250, %slice3A_1251 : vector<16xf32>
    %slice3A_1253 = vector.extract_strided_slice %reduce_max3A_1247 {offsets = [48], sizes = [16], strides = [1]} : vector<128xf32> to vector<16xf32>
    %max3A_1254 = arith.maximumf %max3A_1252, %slice3A_1253 : vector<16xf32>
    %slice3A_1255 = vector.extract_strided_slice %reduce_max3A_1247 {offsets = [64], sizes = [16], strides = [1]} : vector<128xf32> to vector<16xf32>
    %max3A_1256 = arith.maximumf %max3A_1254, %slice3A_1255 : vector<16xf32>
    %slice3A_1257 = vector.extract_strided_slice %reduce_max3A_1247 {offsets = [80], sizes = [16], strides = [1]} : vector<128xf32> to vector<16xf32>
    %max3A_1258 = arith.maximumf %max3A_1256, %slice3A_1257 : vector<16xf32>
    %slice3A_1259 = vector.extract_strided_slice %reduce_max3A_1247 {offsets = [96], sizes = [16], strides = [1]} : vector<128xf32> to vector<16xf32>
    %max3A_1260 = arith.maximumf %max3A_1258, %slice3A_1259 : vector<16xf32>
    %slice3A_1261 = vector.extract_strided_slice %reduce_max3A_1247 {offsets = [112], sizes = [16], strides = [1]} : vector<128xf32> to vector<16xf32>
    %max3A_1262 = arith.maximumf %max3A_1260, %slice3A_1261 : vector<16xf32>
    %eq3A_1263 = arith.constant 43 : i32
    %eq3A_1264 = vector.broadcast %eq3A_1263 : i32 to vector<1250x128xi32>
    %eq3A_1265 = arith.cmpi eq, %get3A_161, %eq3A_1264 : vector<1250x128xi32>
    %jit3A_1266 = arith.constant 0xFF800000 : f32
    %broadcast_in_dim3A_1267 = vector.broadcast %jit3A_1266 : f32 to vector<1250x128xf32>
    %select_n3A_1268 = arith.select %eq3A_1265, %add3A_158, %broadcast_in_dim3A_1267 : vector<1250x128xi1>, vector<1250x128xf32>
    %reduce_max3A_1269 = arith.constant dense<0xFF800000> : vector<128xf32>
    %reduce_max3A_1270 = vector.multi_reduction <maximumf>, %select_n3A_1268, %reduce_max3A_1269 [0] : vector<1250x128xf32> to vector<128xf32>
    %slice3A_1271 = vector.extract_strided_slice %reduce_max3A_1270 {offsets = [0], sizes = [16], strides = [1]} : vector<128xf32> to vector<16xf32>
    %slice3A_1272 = vector.extract_strided_slice %reduce_max3A_1270 {offsets = [16], sizes = [16], strides = [1]} : vector<128xf32> to vector<16xf32>
    %max3A_1273 = arith.maximumf %slice3A_1271, %slice3A_1272 : vector<16xf32>
    %slice3A_1274 = vector.extract_strided_slice %reduce_max3A_1270 {offsets = [32], sizes = [16], strides = [1]} : vector<128xf32> to vector<16xf32>
    %max3A_1275 = arith.maximumf %max3A_1273, %slice3A_1274 : vector<16xf32>
    %slice3A_1276 = vector.extract_strided_slice %reduce_max3A_1270 {offsets = [48], sizes = [16], strides = [1]} : vector<128xf32> to vector<16xf32>
    %max3A_1277 = arith.maximumf %max3A_1275, %slice3A_1276 : vector<16xf32>
    %slice3A_1278 = vector.extract_strided_slice %reduce_max3A_1270 {offsets = [64], sizes = [16], strides = [1]} : vector<128xf32> to vector<16xf32>
    %max3A_1279 = arith.maximumf %max3A_1277, %slice3A_1278 : vector<16xf32>
    %slice3A_1280 = vector.extract_strided_slice %reduce_max3A_1270 {offsets = [80], sizes = [16], strides = [1]} : vector<128xf32> to vector<16xf32>
    %max3A_1281 = arith.maximumf %max3A_1279, %slice3A_1280 : vector<16xf32>
    %slice3A_1282 = vector.extract_strided_slice %reduce_max3A_1270 {offsets = [96], sizes = [16], strides = [1]} : vector<128xf32> to vector<16xf32>
    %max3A_1283 = arith.maximumf %max3A_1281, %slice3A_1282 : vector<16xf32>
    %slice3A_1284 = vector.extract_strided_slice %reduce_max3A_1270 {offsets = [112], sizes = [16], strides = [1]} : vector<128xf32> to vector<16xf32>
    %max3A_1285 = arith.maximumf %max3A_1283, %slice3A_1284 : vector<16xf32>
    %eq3A_1286 = arith.constant 44 : i32
    %eq3A_1287 = vector.broadcast %eq3A_1286 : i32 to vector<1250x128xi32>
    %eq3A_1288 = arith.cmpi eq, %get3A_161, %eq3A_1287 : vector<1250x128xi32>
    %jit3A_1289 = arith.constant 0xFF800000 : f32
    %broadcast_in_dim3A_1290 = vector.broadcast %jit3A_1289 : f32 to vector<1250x128xf32>
    %select_n3A_1291 = arith.select %eq3A_1288, %add3A_158, %broadcast_in_dim3A_1290 : vector<1250x128xi1>, vector<1250x128xf32>
    %reduce_max3A_1292 = arith.constant dense<0xFF800000> : vector<128xf32>
    %reduce_max3A_1293 = vector.multi_reduction <maximumf>, %select_n3A_1291, %reduce_max3A_1292 [0] : vector<1250x128xf32> to vector<128xf32>
    %slice3A_1294 = vector.extract_strided_slice %reduce_max3A_1293 {offsets = [0], sizes = [16], strides = [1]} : vector<128xf32> to vector<16xf32>
    %slice3A_1295 = vector.extract_strided_slice %reduce_max3A_1293 {offsets = [16], sizes = [16], strides = [1]} : vector<128xf32> to vector<16xf32>
    %max3A_1296 = arith.maximumf %slice3A_1294, %slice3A_1295 : vector<16xf32>
    %slice3A_1297 = vector.extract_strided_slice %reduce_max3A_1293 {offsets = [32], sizes = [16], strides = [1]} : vector<128xf32> to vector<16xf32>
    %max3A_1298 = arith.maximumf %max3A_1296, %slice3A_1297 : vector<16xf32>
    %slice3A_1299 = vector.extract_strided_slice %reduce_max3A_1293 {offsets = [48], sizes = [16], strides = [1]} : vector<128xf32> to vector<16xf32>
    %max3A_1300 = arith.maximumf %max3A_1298, %slice3A_1299 : vector<16xf32>
    %slice3A_1301 = vector.extract_strided_slice %reduce_max3A_1293 {offsets = [64], sizes = [16], strides = [1]} : vector<128xf32> to vector<16xf32>
    %max3A_1302 = arith.maximumf %max3A_1300, %slice3A_1301 : vector<16xf32>
    %slice3A_1303 = vector.extract_strided_slice %reduce_max3A_1293 {offsets = [80], sizes = [16], strides = [1]} : vector<128xf32> to vector<16xf32>
    %max3A_1304 = arith.maximumf %max3A_1302, %slice3A_1303 : vector<16xf32>
    %slice3A_1305 = vector.extract_strided_slice %reduce_max3A_1293 {offsets = [96], sizes = [16], strides = [1]} : vector<128xf32> to vector<16xf32>
    %max3A_1306 = arith.maximumf %max3A_1304, %slice3A_1305 : vector<16xf32>
    %slice3A_1307 = vector.extract_strided_slice %reduce_max3A_1293 {offsets = [112], sizes = [16], strides = [1]} : vector<128xf32> to vector<16xf32>
    %max3A_1308 = arith.maximumf %max3A_1306, %slice3A_1307 : vector<16xf32>
    %eq3A_1309 = arith.constant 45 : i32
    %eq3A_1310 = vector.broadcast %eq3A_1309 : i32 to vector<1250x128xi32>
    %eq3A_1311 = arith.cmpi eq, %get3A_161, %eq3A_1310 : vector<1250x128xi32>
    %jit3A_1312 = arith.constant 0xFF800000 : f32
    %broadcast_in_dim3A_1313 = vector.broadcast %jit3A_1312 : f32 to vector<1250x128xf32>
    %select_n3A_1314 = arith.select %eq3A_1311, %add3A_158, %broadcast_in_dim3A_1313 : vector<1250x128xi1>, vector<1250x128xf32>
    %reduce_max3A_1315 = arith.constant dense<0xFF800000> : vector<128xf32>
    %reduce_max3A_1316 = vector.multi_reduction <maximumf>, %select_n3A_1314, %reduce_max3A_1315 [0] : vector<1250x128xf32> to vector<128xf32>
    %slice3A_1317 = vector.extract_strided_slice %reduce_max3A_1316 {offsets = [0], sizes = [16], strides = [1]} : vector<128xf32> to vector<16xf32>
    %slice3A_1318 = vector.extract_strided_slice %reduce_max3A_1316 {offsets = [16], sizes = [16], strides = [1]} : vector<128xf32> to vector<16xf32>
    %max3A_1319 = arith.maximumf %slice3A_1317, %slice3A_1318 : vector<16xf32>
    %slice3A_1320 = vector.extract_strided_slice %reduce_max3A_1316 {offsets = [32], sizes = [16], strides = [1]} : vector<128xf32> to vector<16xf32>
    %max3A_1321 = arith.maximumf %max3A_1319, %slice3A_1320 : vector<16xf32>
    %slice3A_1322 = vector.extract_strided_slice %reduce_max3A_1316 {offsets = [48], sizes = [16], strides = [1]} : vector<128xf32> to vector<16xf32>
    %max3A_1323 = arith.maximumf %max3A_1321, %slice3A_1322 : vector<16xf32>
    %slice3A_1324 = vector.extract_strided_slice %reduce_max3A_1316 {offsets = [64], sizes = [16], strides = [1]} : vector<128xf32> to vector<16xf32>
    %max3A_1325 = arith.maximumf %max3A_1323, %slice3A_1324 : vector<16xf32>
    %slice3A_1326 = vector.extract_strided_slice %reduce_max3A_1316 {offsets = [80], sizes = [16], strides = [1]} : vector<128xf32> to vector<16xf32>
    %max3A_1327 = arith.maximumf %max3A_1325, %slice3A_1326 : vector<16xf32>
    %slice3A_1328 = vector.extract_strided_slice %reduce_max3A_1316 {offsets = [96], sizes = [16], strides = [1]} : vector<128xf32> to vector<16xf32>
    %max3A_1329 = arith.maximumf %max3A_1327, %slice3A_1328 : vector<16xf32>
    %slice3A_1330 = vector.extract_strided_slice %reduce_max3A_1316 {offsets = [112], sizes = [16], strides = [1]} : vector<128xf32> to vector<16xf32>
    %max3A_1331 = arith.maximumf %max3A_1329, %slice3A_1330 : vector<16xf32>
    %eq3A_1332 = arith.constant 46 : i32
    %eq3A_1333 = vector.broadcast %eq3A_1332 : i32 to vector<1250x128xi32>
    %eq3A_1334 = arith.cmpi eq, %get3A_161, %eq3A_1333 : vector<1250x128xi32>
    %jit3A_1335 = arith.constant 0xFF800000 : f32
    %broadcast_in_dim3A_1336 = vector.broadcast %jit3A_1335 : f32 to vector<1250x128xf32>
    %select_n3A_1337 = arith.select %eq3A_1334, %add3A_158, %broadcast_in_dim3A_1336 : vector<1250x128xi1>, vector<1250x128xf32>
    %reduce_max3A_1338 = arith.constant dense<0xFF800000> : vector<128xf32>
    %reduce_max3A_1339 = vector.multi_reduction <maximumf>, %select_n3A_1337, %reduce_max3A_1338 [0] : vector<1250x128xf32> to vector<128xf32>
    %slice3A_1340 = vector.extract_strided_slice %reduce_max3A_1339 {offsets = [0], sizes = [16], strides = [1]} : vector<128xf32> to vector<16xf32>
    %slice3A_1341 = vector.extract_strided_slice %reduce_max3A_1339 {offsets = [16], sizes = [16], strides = [1]} : vector<128xf32> to vector<16xf32>
    %max3A_1342 = arith.maximumf %slice3A_1340, %slice3A_1341 : vector<16xf32>
    %slice3A_1343 = vector.extract_strided_slice %reduce_max3A_1339 {offsets = [32], sizes = [16], strides = [1]} : vector<128xf32> to vector<16xf32>
    %max3A_1344 = arith.maximumf %max3A_1342, %slice3A_1343 : vector<16xf32>
    %slice3A_1345 = vector.extract_strided_slice %reduce_max3A_1339 {offsets = [48], sizes = [16], strides = [1]} : vector<128xf32> to vector<16xf32>
    %max3A_1346 = arith.maximumf %max3A_1344, %slice3A_1345 : vector<16xf32>
    %slice3A_1347 = vector.extract_strided_slice %reduce_max3A_1339 {offsets = [64], sizes = [16], strides = [1]} : vector<128xf32> to vector<16xf32>
    %max3A_1348 = arith.maximumf %max3A_1346, %slice3A_1347 : vector<16xf32>
    %slice3A_1349 = vector.extract_strided_slice %reduce_max3A_1339 {offsets = [80], sizes = [16], strides = [1]} : vector<128xf32> to vector<16xf32>
    %max3A_1350 = arith.maximumf %max3A_1348, %slice3A_1349 : vector<16xf32>
    %slice3A_1351 = vector.extract_strided_slice %reduce_max3A_1339 {offsets = [96], sizes = [16], strides = [1]} : vector<128xf32> to vector<16xf32>
    %max3A_1352 = arith.maximumf %max3A_1350, %slice3A_1351 : vector<16xf32>
    %slice3A_1353 = vector.extract_strided_slice %reduce_max3A_1339 {offsets = [112], sizes = [16], strides = [1]} : vector<128xf32> to vector<16xf32>
    %max3A_1354 = arith.maximumf %max3A_1352, %slice3A_1353 : vector<16xf32>
    %eq3A_1355 = arith.constant 47 : i32
    %eq3A_1356 = vector.broadcast %eq3A_1355 : i32 to vector<1250x128xi32>
    %eq3A_1357 = arith.cmpi eq, %get3A_161, %eq3A_1356 : vector<1250x128xi32>
    %jit3A_1358 = arith.constant 0xFF800000 : f32
    %broadcast_in_dim3A_1359 = vector.broadcast %jit3A_1358 : f32 to vector<1250x128xf32>
    %select_n3A_1360 = arith.select %eq3A_1357, %add3A_158, %broadcast_in_dim3A_1359 : vector<1250x128xi1>, vector<1250x128xf32>
    %reduce_max3A_1361 = arith.constant dense<0xFF800000> : vector<128xf32>
    %reduce_max3A_1362 = vector.multi_reduction <maximumf>, %select_n3A_1360, %reduce_max3A_1361 [0] : vector<1250x128xf32> to vector<128xf32>
    %slice3A_1363 = vector.extract_strided_slice %reduce_max3A_1362 {offsets = [0], sizes = [16], strides = [1]} : vector<128xf32> to vector<16xf32>
    %slice3A_1364 = vector.extract_strided_slice %reduce_max3A_1362 {offsets = [16], sizes = [16], strides = [1]} : vector<128xf32> to vector<16xf32>
    %max3A_1365 = arith.maximumf %slice3A_1363, %slice3A_1364 : vector<16xf32>
    %slice3A_1366 = vector.extract_strided_slice %reduce_max3A_1362 {offsets = [32], sizes = [16], strides = [1]} : vector<128xf32> to vector<16xf32>
    %max3A_1367 = arith.maximumf %max3A_1365, %slice3A_1366 : vector<16xf32>
    %slice3A_1368 = vector.extract_strided_slice %reduce_max3A_1362 {offsets = [48], sizes = [16], strides = [1]} : vector<128xf32> to vector<16xf32>
    %max3A_1369 = arith.maximumf %max3A_1367, %slice3A_1368 : vector<16xf32>
    %slice3A_1370 = vector.extract_strided_slice %reduce_max3A_1362 {offsets = [64], sizes = [16], strides = [1]} : vector<128xf32> to vector<16xf32>
    %max3A_1371 = arith.maximumf %max3A_1369, %slice3A_1370 : vector<16xf32>
    %slice3A_1372 = vector.extract_strided_slice %reduce_max3A_1362 {offsets = [80], sizes = [16], strides = [1]} : vector<128xf32> to vector<16xf32>
    %max3A_1373 = arith.maximumf %max3A_1371, %slice3A_1372 : vector<16xf32>
    %slice3A_1374 = vector.extract_strided_slice %reduce_max3A_1362 {offsets = [96], sizes = [16], strides = [1]} : vector<128xf32> to vector<16xf32>
    %max3A_1375 = arith.maximumf %max3A_1373, %slice3A_1374 : vector<16xf32>
    %slice3A_1376 = vector.extract_strided_slice %reduce_max3A_1362 {offsets = [112], sizes = [16], strides = [1]} : vector<128xf32> to vector<16xf32>
    %max3A_1377 = arith.maximumf %max3A_1375, %slice3A_1376 : vector<16xf32>
    %eq3A_1378 = arith.constant 48 : i32
    %eq3A_1379 = vector.broadcast %eq3A_1378 : i32 to vector<1250x128xi32>
    %eq3A_1380 = arith.cmpi eq, %get3A_161, %eq3A_1379 : vector<1250x128xi32>
    %jit3A_1381 = arith.constant 0xFF800000 : f32
    %broadcast_in_dim3A_1382 = vector.broadcast %jit3A_1381 : f32 to vector<1250x128xf32>
    %select_n3A_1383 = arith.select %eq3A_1380, %add3A_158, %broadcast_in_dim3A_1382 : vector<1250x128xi1>, vector<1250x128xf32>
    %reduce_max3A_1384 = arith.constant dense<0xFF800000> : vector<128xf32>
    %reduce_max3A_1385 = vector.multi_reduction <maximumf>, %select_n3A_1383, %reduce_max3A_1384 [0] : vector<1250x128xf32> to vector<128xf32>
    %slice3A_1386 = vector.extract_strided_slice %reduce_max3A_1385 {offsets = [0], sizes = [16], strides = [1]} : vector<128xf32> to vector<16xf32>
    %slice3A_1387 = vector.extract_strided_slice %reduce_max3A_1385 {offsets = [16], sizes = [16], strides = [1]} : vector<128xf32> to vector<16xf32>
    %max3A_1388 = arith.maximumf %slice3A_1386, %slice3A_1387 : vector<16xf32>
    %slice3A_1389 = vector.extract_strided_slice %reduce_max3A_1385 {offsets = [32], sizes = [16], strides = [1]} : vector<128xf32> to vector<16xf32>
    %max3A_1390 = arith.maximumf %max3A_1388, %slice3A_1389 : vector<16xf32>
    %slice3A_1391 = vector.extract_strided_slice %reduce_max3A_1385 {offsets = [48], sizes = [16], strides = [1]} : vector<128xf32> to vector<16xf32>
    %max3A_1392 = arith.maximumf %max3A_1390, %slice3A_1391 : vector<16xf32>
    %slice3A_1393 = vector.extract_strided_slice %reduce_max3A_1385 {offsets = [64], sizes = [16], strides = [1]} : vector<128xf32> to vector<16xf32>
    %max3A_1394 = arith.maximumf %max3A_1392, %slice3A_1393 : vector<16xf32>
    %slice3A_1395 = vector.extract_strided_slice %reduce_max3A_1385 {offsets = [80], sizes = [16], strides = [1]} : vector<128xf32> to vector<16xf32>
    %max3A_1396 = arith.maximumf %max3A_1394, %slice3A_1395 : vector<16xf32>
    %slice3A_1397 = vector.extract_strided_slice %reduce_max3A_1385 {offsets = [96], sizes = [16], strides = [1]} : vector<128xf32> to vector<16xf32>
    %max3A_1398 = arith.maximumf %max3A_1396, %slice3A_1397 : vector<16xf32>
    %slice3A_1399 = vector.extract_strided_slice %reduce_max3A_1385 {offsets = [112], sizes = [16], strides = [1]} : vector<128xf32> to vector<16xf32>
    %max3A_1400 = arith.maximumf %max3A_1398, %slice3A_1399 : vector<16xf32>
    %eq3A_1401 = arith.constant 49 : i32
    %eq3A_1402 = vector.broadcast %eq3A_1401 : i32 to vector<1250x128xi32>
    %eq3A_1403 = arith.cmpi eq, %get3A_161, %eq3A_1402 : vector<1250x128xi32>
    %jit3A_1404 = arith.constant 0xFF800000 : f32
    %broadcast_in_dim3A_1405 = vector.broadcast %jit3A_1404 : f32 to vector<1250x128xf32>
    %select_n3A_1406 = arith.select %eq3A_1403, %add3A_158, %broadcast_in_dim3A_1405 : vector<1250x128xi1>, vector<1250x128xf32>
    %reduce_max3A_1407 = arith.constant dense<0xFF800000> : vector<128xf32>
    %reduce_max3A_1408 = vector.multi_reduction <maximumf>, %select_n3A_1406, %reduce_max3A_1407 [0] : vector<1250x128xf32> to vector<128xf32>
    %slice3A_1409 = vector.extract_strided_slice %reduce_max3A_1408 {offsets = [0], sizes = [16], strides = [1]} : vector<128xf32> to vector<16xf32>
    %slice3A_1410 = vector.extract_strided_slice %reduce_max3A_1408 {offsets = [16], sizes = [16], strides = [1]} : vector<128xf32> to vector<16xf32>
    %max3A_1411 = arith.maximumf %slice3A_1409, %slice3A_1410 : vector<16xf32>
    %slice3A_1412 = vector.extract_strided_slice %reduce_max3A_1408 {offsets = [32], sizes = [16], strides = [1]} : vector<128xf32> to vector<16xf32>
    %max3A_1413 = arith.maximumf %max3A_1411, %slice3A_1412 : vector<16xf32>
    %slice3A_1414 = vector.extract_strided_slice %reduce_max3A_1408 {offsets = [48], sizes = [16], strides = [1]} : vector<128xf32> to vector<16xf32>
    %max3A_1415 = arith.maximumf %max3A_1413, %slice3A_1414 : vector<16xf32>
    %slice3A_1416 = vector.extract_strided_slice %reduce_max3A_1408 {offsets = [64], sizes = [16], strides = [1]} : vector<128xf32> to vector<16xf32>
    %max3A_1417 = arith.maximumf %max3A_1415, %slice3A_1416 : vector<16xf32>
    %slice3A_1418 = vector.extract_strided_slice %reduce_max3A_1408 {offsets = [80], sizes = [16], strides = [1]} : vector<128xf32> to vector<16xf32>
    %max3A_1419 = arith.maximumf %max3A_1417, %slice3A_1418 : vector<16xf32>
    %slice3A_1420 = vector.extract_strided_slice %reduce_max3A_1408 {offsets = [96], sizes = [16], strides = [1]} : vector<128xf32> to vector<16xf32>
    %max3A_1421 = arith.maximumf %max3A_1419, %slice3A_1420 : vector<16xf32>
    %slice3A_1422 = vector.extract_strided_slice %reduce_max3A_1408 {offsets = [112], sizes = [16], strides = [1]} : vector<128xf32> to vector<16xf32>
    %max3A_1423 = arith.maximumf %max3A_1421, %slice3A_1422 : vector<16xf32>
    %eq3A_1424 = arith.constant 50 : i32
    %eq3A_1425 = vector.broadcast %eq3A_1424 : i32 to vector<1250x128xi32>
    %eq3A_1426 = arith.cmpi eq, %get3A_161, %eq3A_1425 : vector<1250x128xi32>
    %jit3A_1427 = arith.constant 0xFF800000 : f32
    %broadcast_in_dim3A_1428 = vector.broadcast %jit3A_1427 : f32 to vector<1250x128xf32>
    %select_n3A_1429 = arith.select %eq3A_1426, %add3A_158, %broadcast_in_dim3A_1428 : vector<1250x128xi1>, vector<1250x128xf32>
    %reduce_max3A_1430 = arith.constant dense<0xFF800000> : vector<128xf32>
    %reduce_max3A_1431 = vector.multi_reduction <maximumf>, %select_n3A_1429, %reduce_max3A_1430 [0] : vector<1250x128xf32> to vector<128xf32>
    %slice3A_1432 = vector.extract_strided_slice %reduce_max3A_1431 {offsets = [0], sizes = [16], strides = [1]} : vector<128xf32> to vector<16xf32>
    %slice3A_1433 = vector.extract_strided_slice %reduce_max3A_1431 {offsets = [16], sizes = [16], strides = [1]} : vector<128xf32> to vector<16xf32>
    %max3A_1434 = arith.maximumf %slice3A_1432, %slice3A_1433 : vector<16xf32>
    %slice3A_1435 = vector.extract_strided_slice %reduce_max3A_1431 {offsets = [32], sizes = [16], strides = [1]} : vector<128xf32> to vector<16xf32>
    %max3A_1436 = arith.maximumf %max3A_1434, %slice3A_1435 : vector<16xf32>
    %slice3A_1437 = vector.extract_strided_slice %reduce_max3A_1431 {offsets = [48], sizes = [16], strides = [1]} : vector<128xf32> to vector<16xf32>
    %max3A_1438 = arith.maximumf %max3A_1436, %slice3A_1437 : vector<16xf32>
    %slice3A_1439 = vector.extract_strided_slice %reduce_max3A_1431 {offsets = [64], sizes = [16], strides = [1]} : vector<128xf32> to vector<16xf32>
    %max3A_1440 = arith.maximumf %max3A_1438, %slice3A_1439 : vector<16xf32>
    %slice3A_1441 = vector.extract_strided_slice %reduce_max3A_1431 {offsets = [80], sizes = [16], strides = [1]} : vector<128xf32> to vector<16xf32>
    %max3A_1442 = arith.maximumf %max3A_1440, %slice3A_1441 : vector<16xf32>
    %slice3A_1443 = vector.extract_strided_slice %reduce_max3A_1431 {offsets = [96], sizes = [16], strides = [1]} : vector<128xf32> to vector<16xf32>
    %max3A_1444 = arith.maximumf %max3A_1442, %slice3A_1443 : vector<16xf32>
    %slice3A_1445 = vector.extract_strided_slice %reduce_max3A_1431 {offsets = [112], sizes = [16], strides = [1]} : vector<128xf32> to vector<16xf32>
    %max3A_1446 = arith.maximumf %max3A_1444, %slice3A_1445 : vector<16xf32>
    %eq3A_1447 = arith.constant 51 : i32
    %eq3A_1448 = vector.broadcast %eq3A_1447 : i32 to vector<1250x128xi32>
    %eq3A_1449 = arith.cmpi eq, %get3A_161, %eq3A_1448 : vector<1250x128xi32>
    %jit3A_1450 = arith.constant 0xFF800000 : f32
    %broadcast_in_dim3A_1451 = vector.broadcast %jit3A_1450 : f32 to vector<1250x128xf32>
    %select_n3A_1452 = arith.select %eq3A_1449, %add3A_158, %broadcast_in_dim3A_1451 : vector<1250x128xi1>, vector<1250x128xf32>
    %reduce_max3A_1453 = arith.constant dense<0xFF800000> : vector<128xf32>
    %reduce_max3A_1454 = vector.multi_reduction <maximumf>, %select_n3A_1452, %reduce_max3A_1453 [0] : vector<1250x128xf32> to vector<128xf32>
    %slice3A_1455 = vector.extract_strided_slice %reduce_max3A_1454 {offsets = [0], sizes = [16], strides = [1]} : vector<128xf32> to vector<16xf32>
    %slice3A_1456 = vector.extract_strided_slice %reduce_max3A_1454 {offsets = [16], sizes = [16], strides = [1]} : vector<128xf32> to vector<16xf32>
    %max3A_1457 = arith.maximumf %slice3A_1455, %slice3A_1456 : vector<16xf32>
    %slice3A_1458 = vector.extract_strided_slice %reduce_max3A_1454 {offsets = [32], sizes = [16], strides = [1]} : vector<128xf32> to vector<16xf32>
    %max3A_1459 = arith.maximumf %max3A_1457, %slice3A_1458 : vector<16xf32>
    %slice3A_1460 = vector.extract_strided_slice %reduce_max3A_1454 {offsets = [48], sizes = [16], strides = [1]} : vector<128xf32> to vector<16xf32>
    %max3A_1461 = arith.maximumf %max3A_1459, %slice3A_1460 : vector<16xf32>
    %slice3A_1462 = vector.extract_strided_slice %reduce_max3A_1454 {offsets = [64], sizes = [16], strides = [1]} : vector<128xf32> to vector<16xf32>
    %max3A_1463 = arith.maximumf %max3A_1461, %slice3A_1462 : vector<16xf32>
    %slice3A_1464 = vector.extract_strided_slice %reduce_max3A_1454 {offsets = [80], sizes = [16], strides = [1]} : vector<128xf32> to vector<16xf32>
    %max3A_1465 = arith.maximumf %max3A_1463, %slice3A_1464 : vector<16xf32>
    %slice3A_1466 = vector.extract_strided_slice %reduce_max3A_1454 {offsets = [96], sizes = [16], strides = [1]} : vector<128xf32> to vector<16xf32>
    %max3A_1467 = arith.maximumf %max3A_1465, %slice3A_1466 : vector<16xf32>
    %slice3A_1468 = vector.extract_strided_slice %reduce_max3A_1454 {offsets = [112], sizes = [16], strides = [1]} : vector<128xf32> to vector<16xf32>
    %max3A_1469 = arith.maximumf %max3A_1467, %slice3A_1468 : vector<16xf32>
    %eq3A_1470 = arith.constant 52 : i32
    %eq3A_1471 = vector.broadcast %eq3A_1470 : i32 to vector<1250x128xi32>
    %eq3A_1472 = arith.cmpi eq, %get3A_161, %eq3A_1471 : vector<1250x128xi32>
    %jit3A_1473 = arith.constant 0xFF800000 : f32
    %broadcast_in_dim3A_1474 = vector.broadcast %jit3A_1473 : f32 to vector<1250x128xf32>
    %select_n3A_1475 = arith.select %eq3A_1472, %add3A_158, %broadcast_in_dim3A_1474 : vector<1250x128xi1>, vector<1250x128xf32>
    %reduce_max3A_1476 = arith.constant dense<0xFF800000> : vector<128xf32>
    %reduce_max3A_1477 = vector.multi_reduction <maximumf>, %select_n3A_1475, %reduce_max3A_1476 [0] : vector<1250x128xf32> to vector<128xf32>
    %slice3A_1478 = vector.extract_strided_slice %reduce_max3A_1477 {offsets = [0], sizes = [16], strides = [1]} : vector<128xf32> to vector<16xf32>
    %slice3A_1479 = vector.extract_strided_slice %reduce_max3A_1477 {offsets = [16], sizes = [16], strides = [1]} : vector<128xf32> to vector<16xf32>
    %max3A_1480 = arith.maximumf %slice3A_1478, %slice3A_1479 : vector<16xf32>
    %slice3A_1481 = vector.extract_strided_slice %reduce_max3A_1477 {offsets = [32], sizes = [16], strides = [1]} : vector<128xf32> to vector<16xf32>
    %max3A_1482 = arith.maximumf %max3A_1480, %slice3A_1481 : vector<16xf32>
    %slice3A_1483 = vector.extract_strided_slice %reduce_max3A_1477 {offsets = [48], sizes = [16], strides = [1]} : vector<128xf32> to vector<16xf32>
    %max3A_1484 = arith.maximumf %max3A_1482, %slice3A_1483 : vector<16xf32>
    %slice3A_1485 = vector.extract_strided_slice %reduce_max3A_1477 {offsets = [64], sizes = [16], strides = [1]} : vector<128xf32> to vector<16xf32>
    %max3A_1486 = arith.maximumf %max3A_1484, %slice3A_1485 : vector<16xf32>
    %slice3A_1487 = vector.extract_strided_slice %reduce_max3A_1477 {offsets = [80], sizes = [16], strides = [1]} : vector<128xf32> to vector<16xf32>
    %max3A_1488 = arith.maximumf %max3A_1486, %slice3A_1487 : vector<16xf32>
    %slice3A_1489 = vector.extract_strided_slice %reduce_max3A_1477 {offsets = [96], sizes = [16], strides = [1]} : vector<128xf32> to vector<16xf32>
    %max3A_1490 = arith.maximumf %max3A_1488, %slice3A_1489 : vector<16xf32>
    %slice3A_1491 = vector.extract_strided_slice %reduce_max3A_1477 {offsets = [112], sizes = [16], strides = [1]} : vector<128xf32> to vector<16xf32>
    %max3A_1492 = arith.maximumf %max3A_1490, %slice3A_1491 : vector<16xf32>
    %eq3A_1493 = arith.constant 53 : i32
    %eq3A_1494 = vector.broadcast %eq3A_1493 : i32 to vector<1250x128xi32>
    %eq3A_1495 = arith.cmpi eq, %get3A_161, %eq3A_1494 : vector<1250x128xi32>
    %jit3A_1496 = arith.constant 0xFF800000 : f32
    %broadcast_in_dim3A_1497 = vector.broadcast %jit3A_1496 : f32 to vector<1250x128xf32>
    %select_n3A_1498 = arith.select %eq3A_1495, %add3A_158, %broadcast_in_dim3A_1497 : vector<1250x128xi1>, vector<1250x128xf32>
    %reduce_max3A_1499 = arith.constant dense<0xFF800000> : vector<128xf32>
    %reduce_max3A_1500 = vector.multi_reduction <maximumf>, %select_n3A_1498, %reduce_max3A_1499 [0] : vector<1250x128xf32> to vector<128xf32>
    %slice3A_1501 = vector.extract_strided_slice %reduce_max3A_1500 {offsets = [0], sizes = [16], strides = [1]} : vector<128xf32> to vector<16xf32>
    %slice3A_1502 = vector.extract_strided_slice %reduce_max3A_1500 {offsets = [16], sizes = [16], strides = [1]} : vector<128xf32> to vector<16xf32>
    %max3A_1503 = arith.maximumf %slice3A_1501, %slice3A_1502 : vector<16xf32>
    %slice3A_1504 = vector.extract_strided_slice %reduce_max3A_1500 {offsets = [32], sizes = [16], strides = [1]} : vector<128xf32> to vector<16xf32>
    %max3A_1505 = arith.maximumf %max3A_1503, %slice3A_1504 : vector<16xf32>
    %slice3A_1506 = vector.extract_strided_slice %reduce_max3A_1500 {offsets = [48], sizes = [16], strides = [1]} : vector<128xf32> to vector<16xf32>
    %max3A_1507 = arith.maximumf %max3A_1505, %slice3A_1506 : vector<16xf32>
    %slice3A_1508 = vector.extract_strided_slice %reduce_max3A_1500 {offsets = [64], sizes = [16], strides = [1]} : vector<128xf32> to vector<16xf32>
    %max3A_1509 = arith.maximumf %max3A_1507, %slice3A_1508 : vector<16xf32>
    %slice3A_1510 = vector.extract_strided_slice %reduce_max3A_1500 {offsets = [80], sizes = [16], strides = [1]} : vector<128xf32> to vector<16xf32>
    %max3A_1511 = arith.maximumf %max3A_1509, %slice3A_1510 : vector<16xf32>
    %slice3A_1512 = vector.extract_strided_slice %reduce_max3A_1500 {offsets = [96], sizes = [16], strides = [1]} : vector<128xf32> to vector<16xf32>
    %max3A_1513 = arith.maximumf %max3A_1511, %slice3A_1512 : vector<16xf32>
    %slice3A_1514 = vector.extract_strided_slice %reduce_max3A_1500 {offsets = [112], sizes = [16], strides = [1]} : vector<128xf32> to vector<16xf32>
    %max3A_1515 = arith.maximumf %max3A_1513, %slice3A_1514 : vector<16xf32>
    %eq3A_1516 = arith.constant 54 : i32
    %eq3A_1517 = vector.broadcast %eq3A_1516 : i32 to vector<1250x128xi32>
    %eq3A_1518 = arith.cmpi eq, %get3A_161, %eq3A_1517 : vector<1250x128xi32>
    %jit3A_1519 = arith.constant 0xFF800000 : f32
    %broadcast_in_dim3A_1520 = vector.broadcast %jit3A_1519 : f32 to vector<1250x128xf32>
    %select_n3A_1521 = arith.select %eq3A_1518, %add3A_158, %broadcast_in_dim3A_1520 : vector<1250x128xi1>, vector<1250x128xf32>
    %reduce_max3A_1522 = arith.constant dense<0xFF800000> : vector<128xf32>
    %reduce_max3A_1523 = vector.multi_reduction <maximumf>, %select_n3A_1521, %reduce_max3A_1522 [0] : vector<1250x128xf32> to vector<128xf32>
    %slice3A_1524 = vector.extract_strided_slice %reduce_max3A_1523 {offsets = [0], sizes = [16], strides = [1]} : vector<128xf32> to vector<16xf32>
    %slice3A_1525 = vector.extract_strided_slice %reduce_max3A_1523 {offsets = [16], sizes = [16], strides = [1]} : vector<128xf32> to vector<16xf32>
    %max3A_1526 = arith.maximumf %slice3A_1524, %slice3A_1525 : vector<16xf32>
    %slice3A_1527 = vector.extract_strided_slice %reduce_max3A_1523 {offsets = [32], sizes = [16], strides = [1]} : vector<128xf32> to vector<16xf32>
    %max3A_1528 = arith.maximumf %max3A_1526, %slice3A_1527 : vector<16xf32>
    %slice3A_1529 = vector.extract_strided_slice %reduce_max3A_1523 {offsets = [48], sizes = [16], strides = [1]} : vector<128xf32> to vector<16xf32>
    %max3A_1530 = arith.maximumf %max3A_1528, %slice3A_1529 : vector<16xf32>
    %slice3A_1531 = vector.extract_strided_slice %reduce_max3A_1523 {offsets = [64], sizes = [16], strides = [1]} : vector<128xf32> to vector<16xf32>
    %max3A_1532 = arith.maximumf %max3A_1530, %slice3A_1531 : vector<16xf32>
    %slice3A_1533 = vector.extract_strided_slice %reduce_max3A_1523 {offsets = [80], sizes = [16], strides = [1]} : vector<128xf32> to vector<16xf32>
    %max3A_1534 = arith.maximumf %max3A_1532, %slice3A_1533 : vector<16xf32>
    %slice3A_1535 = vector.extract_strided_slice %reduce_max3A_1523 {offsets = [96], sizes = [16], strides = [1]} : vector<128xf32> to vector<16xf32>
    %max3A_1536 = arith.maximumf %max3A_1534, %slice3A_1535 : vector<16xf32>
    %slice3A_1537 = vector.extract_strided_slice %reduce_max3A_1523 {offsets = [112], sizes = [16], strides = [1]} : vector<128xf32> to vector<16xf32>
    %max3A_1538 = arith.maximumf %max3A_1536, %slice3A_1537 : vector<16xf32>
    %eq3A_1539 = arith.constant 55 : i32
    %eq3A_1540 = vector.broadcast %eq3A_1539 : i32 to vector<1250x128xi32>
    %eq3A_1541 = arith.cmpi eq, %get3A_161, %eq3A_1540 : vector<1250x128xi32>
    %jit3A_1542 = arith.constant 0xFF800000 : f32
    %broadcast_in_dim3A_1543 = vector.broadcast %jit3A_1542 : f32 to vector<1250x128xf32>
    %select_n3A_1544 = arith.select %eq3A_1541, %add3A_158, %broadcast_in_dim3A_1543 : vector<1250x128xi1>, vector<1250x128xf32>
    %reduce_max3A_1545 = arith.constant dense<0xFF800000> : vector<128xf32>
    %reduce_max3A_1546 = vector.multi_reduction <maximumf>, %select_n3A_1544, %reduce_max3A_1545 [0] : vector<1250x128xf32> to vector<128xf32>
    %slice3A_1547 = vector.extract_strided_slice %reduce_max3A_1546 {offsets = [0], sizes = [16], strides = [1]} : vector<128xf32> to vector<16xf32>
    %slice3A_1548 = vector.extract_strided_slice %reduce_max3A_1546 {offsets = [16], sizes = [16], strides = [1]} : vector<128xf32> to vector<16xf32>
    %max3A_1549 = arith.maximumf %slice3A_1547, %slice3A_1548 : vector<16xf32>
    %slice3A_1550 = vector.extract_strided_slice %reduce_max3A_1546 {offsets = [32], sizes = [16], strides = [1]} : vector<128xf32> to vector<16xf32>
    %max3A_1551 = arith.maximumf %max3A_1549, %slice3A_1550 : vector<16xf32>
    %slice3A_1552 = vector.extract_strided_slice %reduce_max3A_1546 {offsets = [48], sizes = [16], strides = [1]} : vector<128xf32> to vector<16xf32>
    %max3A_1553 = arith.maximumf %max3A_1551, %slice3A_1552 : vector<16xf32>
    %slice3A_1554 = vector.extract_strided_slice %reduce_max3A_1546 {offsets = [64], sizes = [16], strides = [1]} : vector<128xf32> to vector<16xf32>
    %max3A_1555 = arith.maximumf %max3A_1553, %slice3A_1554 : vector<16xf32>
    %slice3A_1556 = vector.extract_strided_slice %reduce_max3A_1546 {offsets = [80], sizes = [16], strides = [1]} : vector<128xf32> to vector<16xf32>
    %max3A_1557 = arith.maximumf %max3A_1555, %slice3A_1556 : vector<16xf32>
    %slice3A_1558 = vector.extract_strided_slice %reduce_max3A_1546 {offsets = [96], sizes = [16], strides = [1]} : vector<128xf32> to vector<16xf32>
    %max3A_1559 = arith.maximumf %max3A_1557, %slice3A_1558 : vector<16xf32>
    %slice3A_1560 = vector.extract_strided_slice %reduce_max3A_1546 {offsets = [112], sizes = [16], strides = [1]} : vector<128xf32> to vector<16xf32>
    %max3A_1561 = arith.maximumf %max3A_1559, %slice3A_1560 : vector<16xf32>
    %eq3A_1562 = arith.constant 56 : i32
    %eq3A_1563 = vector.broadcast %eq3A_1562 : i32 to vector<1250x128xi32>
    %eq3A_1564 = arith.cmpi eq, %get3A_161, %eq3A_1563 : vector<1250x128xi32>
    %jit3A_1565 = arith.constant 0xFF800000 : f32
    %broadcast_in_dim3A_1566 = vector.broadcast %jit3A_1565 : f32 to vector<1250x128xf32>
    %select_n3A_1567 = arith.select %eq3A_1564, %add3A_158, %broadcast_in_dim3A_1566 : vector<1250x128xi1>, vector<1250x128xf32>
    %reduce_max3A_1568 = arith.constant dense<0xFF800000> : vector<128xf32>
    %reduce_max3A_1569 = vector.multi_reduction <maximumf>, %select_n3A_1567, %reduce_max3A_1568 [0] : vector<1250x128xf32> to vector<128xf32>
    %slice3A_1570 = vector.extract_strided_slice %reduce_max3A_1569 {offsets = [0], sizes = [16], strides = [1]} : vector<128xf32> to vector<16xf32>
    %slice3A_1571 = vector.extract_strided_slice %reduce_max3A_1569 {offsets = [16], sizes = [16], strides = [1]} : vector<128xf32> to vector<16xf32>
    %max3A_1572 = arith.maximumf %slice3A_1570, %slice3A_1571 : vector<16xf32>
    %slice3A_1573 = vector.extract_strided_slice %reduce_max3A_1569 {offsets = [32], sizes = [16], strides = [1]} : vector<128xf32> to vector<16xf32>
    %max3A_1574 = arith.maximumf %max3A_1572, %slice3A_1573 : vector<16xf32>
    %slice3A_1575 = vector.extract_strided_slice %reduce_max3A_1569 {offsets = [48], sizes = [16], strides = [1]} : vector<128xf32> to vector<16xf32>
    %max3A_1576 = arith.maximumf %max3A_1574, %slice3A_1575 : vector<16xf32>
    %slice3A_1577 = vector.extract_strided_slice %reduce_max3A_1569 {offsets = [64], sizes = [16], strides = [1]} : vector<128xf32> to vector<16xf32>
    %max3A_1578 = arith.maximumf %max3A_1576, %slice3A_1577 : vector<16xf32>
    %slice3A_1579 = vector.extract_strided_slice %reduce_max3A_1569 {offsets = [80], sizes = [16], strides = [1]} : vector<128xf32> to vector<16xf32>
    %max3A_1580 = arith.maximumf %max3A_1578, %slice3A_1579 : vector<16xf32>
    %slice3A_1581 = vector.extract_strided_slice %reduce_max3A_1569 {offsets = [96], sizes = [16], strides = [1]} : vector<128xf32> to vector<16xf32>
    %max3A_1582 = arith.maximumf %max3A_1580, %slice3A_1581 : vector<16xf32>
    %slice3A_1583 = vector.extract_strided_slice %reduce_max3A_1569 {offsets = [112], sizes = [16], strides = [1]} : vector<128xf32> to vector<16xf32>
    %max3A_1584 = arith.maximumf %max3A_1582, %slice3A_1583 : vector<16xf32>
    %eq3A_1585 = arith.constant 57 : i32
    %eq3A_1586 = vector.broadcast %eq3A_1585 : i32 to vector<1250x128xi32>
    %eq3A_1587 = arith.cmpi eq, %get3A_161, %eq3A_1586 : vector<1250x128xi32>
    %jit3A_1588 = arith.constant 0xFF800000 : f32
    %broadcast_in_dim3A_1589 = vector.broadcast %jit3A_1588 : f32 to vector<1250x128xf32>
    %select_n3A_1590 = arith.select %eq3A_1587, %add3A_158, %broadcast_in_dim3A_1589 : vector<1250x128xi1>, vector<1250x128xf32>
    %reduce_max3A_1591 = arith.constant dense<0xFF800000> : vector<128xf32>
    %reduce_max3A_1592 = vector.multi_reduction <maximumf>, %select_n3A_1590, %reduce_max3A_1591 [0] : vector<1250x128xf32> to vector<128xf32>
    %slice3A_1593 = vector.extract_strided_slice %reduce_max3A_1592 {offsets = [0], sizes = [16], strides = [1]} : vector<128xf32> to vector<16xf32>
    %slice3A_1594 = vector.extract_strided_slice %reduce_max3A_1592 {offsets = [16], sizes = [16], strides = [1]} : vector<128xf32> to vector<16xf32>
    %max3A_1595 = arith.maximumf %slice3A_1593, %slice3A_1594 : vector<16xf32>
    %slice3A_1596 = vector.extract_strided_slice %reduce_max3A_1592 {offsets = [32], sizes = [16], strides = [1]} : vector<128xf32> to vector<16xf32>
    %max3A_1597 = arith.maximumf %max3A_1595, %slice3A_1596 : vector<16xf32>
    %slice3A_1598 = vector.extract_strided_slice %reduce_max3A_1592 {offsets = [48], sizes = [16], strides = [1]} : vector<128xf32> to vector<16xf32>
    %max3A_1599 = arith.maximumf %max3A_1597, %slice3A_1598 : vector<16xf32>
    %slice3A_1600 = vector.extract_strided_slice %reduce_max3A_1592 {offsets = [64], sizes = [16], strides = [1]} : vector<128xf32> to vector<16xf32>
    %max3A_1601 = arith.maximumf %max3A_1599, %slice3A_1600 : vector<16xf32>
    %slice3A_1602 = vector.extract_strided_slice %reduce_max3A_1592 {offsets = [80], sizes = [16], strides = [1]} : vector<128xf32> to vector<16xf32>
    %max3A_1603 = arith.maximumf %max3A_1601, %slice3A_1602 : vector<16xf32>
    %slice3A_1604 = vector.extract_strided_slice %reduce_max3A_1592 {offsets = [96], sizes = [16], strides = [1]} : vector<128xf32> to vector<16xf32>
    %max3A_1605 = arith.maximumf %max3A_1603, %slice3A_1604 : vector<16xf32>
    %slice3A_1606 = vector.extract_strided_slice %reduce_max3A_1592 {offsets = [112], sizes = [16], strides = [1]} : vector<128xf32> to vector<16xf32>
    %max3A_1607 = arith.maximumf %max3A_1605, %slice3A_1606 : vector<16xf32>
    %eq3A_1608 = arith.constant 58 : i32
    %eq3A_1609 = vector.broadcast %eq3A_1608 : i32 to vector<1250x128xi32>
    %eq3A_1610 = arith.cmpi eq, %get3A_161, %eq3A_1609 : vector<1250x128xi32>
    %jit3A_1611 = arith.constant 0xFF800000 : f32
    %broadcast_in_dim3A_1612 = vector.broadcast %jit3A_1611 : f32 to vector<1250x128xf32>
    %select_n3A_1613 = arith.select %eq3A_1610, %add3A_158, %broadcast_in_dim3A_1612 : vector<1250x128xi1>, vector<1250x128xf32>
    %reduce_max3A_1614 = arith.constant dense<0xFF800000> : vector<128xf32>
    %reduce_max3A_1615 = vector.multi_reduction <maximumf>, %select_n3A_1613, %reduce_max3A_1614 [0] : vector<1250x128xf32> to vector<128xf32>
    %slice3A_1616 = vector.extract_strided_slice %reduce_max3A_1615 {offsets = [0], sizes = [16], strides = [1]} : vector<128xf32> to vector<16xf32>
    %slice3A_1617 = vector.extract_strided_slice %reduce_max3A_1615 {offsets = [16], sizes = [16], strides = [1]} : vector<128xf32> to vector<16xf32>
    %max3A_1618 = arith.maximumf %slice3A_1616, %slice3A_1617 : vector<16xf32>
    %slice3A_1619 = vector.extract_strided_slice %reduce_max3A_1615 {offsets = [32], sizes = [16], strides = [1]} : vector<128xf32> to vector<16xf32>
    %max3A_1620 = arith.maximumf %max3A_1618, %slice3A_1619 : vector<16xf32>
    %slice3A_1621 = vector.extract_strided_slice %reduce_max3A_1615 {offsets = [48], sizes = [16], strides = [1]} : vector<128xf32> to vector<16xf32>
    %max3A_1622 = arith.maximumf %max3A_1620, %slice3A_1621 : vector<16xf32>
    %slice3A_1623 = vector.extract_strided_slice %reduce_max3A_1615 {offsets = [64], sizes = [16], strides = [1]} : vector<128xf32> to vector<16xf32>
    %max3A_1624 = arith.maximumf %max3A_1622, %slice3A_1623 : vector<16xf32>
    %slice3A_1625 = vector.extract_strided_slice %reduce_max3A_1615 {offsets = [80], sizes = [16], strides = [1]} : vector<128xf32> to vector<16xf32>
    %max3A_1626 = arith.maximumf %max3A_1624, %slice3A_1625 : vector<16xf32>
    %slice3A_1627 = vector.extract_strided_slice %reduce_max3A_1615 {offsets = [96], sizes = [16], strides = [1]} : vector<128xf32> to vector<16xf32>
    %max3A_1628 = arith.maximumf %max3A_1626, %slice3A_1627 : vector<16xf32>
    %slice3A_1629 = vector.extract_strided_slice %reduce_max3A_1615 {offsets = [112], sizes = [16], strides = [1]} : vector<128xf32> to vector<16xf32>
    %max3A_1630 = arith.maximumf %max3A_1628, %slice3A_1629 : vector<16xf32>
    %eq3A_1631 = arith.constant 59 : i32
    %eq3A_1632 = vector.broadcast %eq3A_1631 : i32 to vector<1250x128xi32>
    %eq3A_1633 = arith.cmpi eq, %get3A_161, %eq3A_1632 : vector<1250x128xi32>
    %jit3A_1634 = arith.constant 0xFF800000 : f32
    %broadcast_in_dim3A_1635 = vector.broadcast %jit3A_1634 : f32 to vector<1250x128xf32>
    %select_n3A_1636 = arith.select %eq3A_1633, %add3A_158, %broadcast_in_dim3A_1635 : vector<1250x128xi1>, vector<1250x128xf32>
    %reduce_max3A_1637 = arith.constant dense<0xFF800000> : vector<128xf32>
    %reduce_max3A_1638 = vector.multi_reduction <maximumf>, %select_n3A_1636, %reduce_max3A_1637 [0] : vector<1250x128xf32> to vector<128xf32>
    %slice3A_1639 = vector.extract_strided_slice %reduce_max3A_1638 {offsets = [0], sizes = [16], strides = [1]} : vector<128xf32> to vector<16xf32>
    %slice3A_1640 = vector.extract_strided_slice %reduce_max3A_1638 {offsets = [16], sizes = [16], strides = [1]} : vector<128xf32> to vector<16xf32>
    %max3A_1641 = arith.maximumf %slice3A_1639, %slice3A_1640 : vector<16xf32>
    %slice3A_1642 = vector.extract_strided_slice %reduce_max3A_1638 {offsets = [32], sizes = [16], strides = [1]} : vector<128xf32> to vector<16xf32>
    %max3A_1643 = arith.maximumf %max3A_1641, %slice3A_1642 : vector<16xf32>
    %slice3A_1644 = vector.extract_strided_slice %reduce_max3A_1638 {offsets = [48], sizes = [16], strides = [1]} : vector<128xf32> to vector<16xf32>
    %max3A_1645 = arith.maximumf %max3A_1643, %slice3A_1644 : vector<16xf32>
    %slice3A_1646 = vector.extract_strided_slice %reduce_max3A_1638 {offsets = [64], sizes = [16], strides = [1]} : vector<128xf32> to vector<16xf32>
    %max3A_1647 = arith.maximumf %max3A_1645, %slice3A_1646 : vector<16xf32>
    %slice3A_1648 = vector.extract_strided_slice %reduce_max3A_1638 {offsets = [80], sizes = [16], strides = [1]} : vector<128xf32> to vector<16xf32>
    %max3A_1649 = arith.maximumf %max3A_1647, %slice3A_1648 : vector<16xf32>
    %slice3A_1650 = vector.extract_strided_slice %reduce_max3A_1638 {offsets = [96], sizes = [16], strides = [1]} : vector<128xf32> to vector<16xf32>
    %max3A_1651 = arith.maximumf %max3A_1649, %slice3A_1650 : vector<16xf32>
    %slice3A_1652 = vector.extract_strided_slice %reduce_max3A_1638 {offsets = [112], sizes = [16], strides = [1]} : vector<128xf32> to vector<16xf32>
    %max3A_1653 = arith.maximumf %max3A_1651, %slice3A_1652 : vector<16xf32>
    %eq3A_1654 = arith.constant 60 : i32
    %eq3A_1655 = vector.broadcast %eq3A_1654 : i32 to vector<1250x128xi32>
    %eq3A_1656 = arith.cmpi eq, %get3A_161, %eq3A_1655 : vector<1250x128xi32>
    %jit3A_1657 = arith.constant 0xFF800000 : f32
    %broadcast_in_dim3A_1658 = vector.broadcast %jit3A_1657 : f32 to vector<1250x128xf32>
    %select_n3A_1659 = arith.select %eq3A_1656, %add3A_158, %broadcast_in_dim3A_1658 : vector<1250x128xi1>, vector<1250x128xf32>
    %reduce_max3A_1660 = arith.constant dense<0xFF800000> : vector<128xf32>
    %reduce_max3A_1661 = vector.multi_reduction <maximumf>, %select_n3A_1659, %reduce_max3A_1660 [0] : vector<1250x128xf32> to vector<128xf32>
    %slice3A_1662 = vector.extract_strided_slice %reduce_max3A_1661 {offsets = [0], sizes = [16], strides = [1]} : vector<128xf32> to vector<16xf32>
    %slice3A_1663 = vector.extract_strided_slice %reduce_max3A_1661 {offsets = [16], sizes = [16], strides = [1]} : vector<128xf32> to vector<16xf32>
    %max3A_1664 = arith.maximumf %slice3A_1662, %slice3A_1663 : vector<16xf32>
    %slice3A_1665 = vector.extract_strided_slice %reduce_max3A_1661 {offsets = [32], sizes = [16], strides = [1]} : vector<128xf32> to vector<16xf32>
    %max3A_1666 = arith.maximumf %max3A_1664, %slice3A_1665 : vector<16xf32>
    %slice3A_1667 = vector.extract_strided_slice %reduce_max3A_1661 {offsets = [48], sizes = [16], strides = [1]} : vector<128xf32> to vector<16xf32>
    %max3A_1668 = arith.maximumf %max3A_1666, %slice3A_1667 : vector<16xf32>
    %slice3A_1669 = vector.extract_strided_slice %reduce_max3A_1661 {offsets = [64], sizes = [16], strides = [1]} : vector<128xf32> to vector<16xf32>
    %max3A_1670 = arith.maximumf %max3A_1668, %slice3A_1669 : vector<16xf32>
    %slice3A_1671 = vector.extract_strided_slice %reduce_max3A_1661 {offsets = [80], sizes = [16], strides = [1]} : vector<128xf32> to vector<16xf32>
    %max3A_1672 = arith.maximumf %max3A_1670, %slice3A_1671 : vector<16xf32>
    %slice3A_1673 = vector.extract_strided_slice %reduce_max3A_1661 {offsets = [96], sizes = [16], strides = [1]} : vector<128xf32> to vector<16xf32>
    %max3A_1674 = arith.maximumf %max3A_1672, %slice3A_1673 : vector<16xf32>
    %slice3A_1675 = vector.extract_strided_slice %reduce_max3A_1661 {offsets = [112], sizes = [16], strides = [1]} : vector<128xf32> to vector<16xf32>
    %max3A_1676 = arith.maximumf %max3A_1674, %slice3A_1675 : vector<16xf32>
    %eq3A_1677 = arith.constant 61 : i32
    %eq3A_1678 = vector.broadcast %eq3A_1677 : i32 to vector<1250x128xi32>
    %eq3A_1679 = arith.cmpi eq, %get3A_161, %eq3A_1678 : vector<1250x128xi32>
    %jit3A_1680 = arith.constant 0xFF800000 : f32
    %broadcast_in_dim3A_1681 = vector.broadcast %jit3A_1680 : f32 to vector<1250x128xf32>
    %select_n3A_1682 = arith.select %eq3A_1679, %add3A_158, %broadcast_in_dim3A_1681 : vector<1250x128xi1>, vector<1250x128xf32>
    %reduce_max3A_1683 = arith.constant dense<0xFF800000> : vector<128xf32>
    %reduce_max3A_1684 = vector.multi_reduction <maximumf>, %select_n3A_1682, %reduce_max3A_1683 [0] : vector<1250x128xf32> to vector<128xf32>
    %slice3A_1685 = vector.extract_strided_slice %reduce_max3A_1684 {offsets = [0], sizes = [16], strides = [1]} : vector<128xf32> to vector<16xf32>
    %slice3A_1686 = vector.extract_strided_slice %reduce_max3A_1684 {offsets = [16], sizes = [16], strides = [1]} : vector<128xf32> to vector<16xf32>
    %max3A_1687 = arith.maximumf %slice3A_1685, %slice3A_1686 : vector<16xf32>
    %slice3A_1688 = vector.extract_strided_slice %reduce_max3A_1684 {offsets = [32], sizes = [16], strides = [1]} : vector<128xf32> to vector<16xf32>
    %max3A_1689 = arith.maximumf %max3A_1687, %slice3A_1688 : vector<16xf32>
    %slice3A_1690 = vector.extract_strided_slice %reduce_max3A_1684 {offsets = [48], sizes = [16], strides = [1]} : vector<128xf32> to vector<16xf32>
    %max3A_1691 = arith.maximumf %max3A_1689, %slice3A_1690 : vector<16xf32>
    %slice3A_1692 = vector.extract_strided_slice %reduce_max3A_1684 {offsets = [64], sizes = [16], strides = [1]} : vector<128xf32> to vector<16xf32>
    %max3A_1693 = arith.maximumf %max3A_1691, %slice3A_1692 : vector<16xf32>
    %slice3A_1694 = vector.extract_strided_slice %reduce_max3A_1684 {offsets = [80], sizes = [16], strides = [1]} : vector<128xf32> to vector<16xf32>
    %max3A_1695 = arith.maximumf %max3A_1693, %slice3A_1694 : vector<16xf32>
    %slice3A_1696 = vector.extract_strided_slice %reduce_max3A_1684 {offsets = [96], sizes = [16], strides = [1]} : vector<128xf32> to vector<16xf32>
    %max3A_1697 = arith.maximumf %max3A_1695, %slice3A_1696 : vector<16xf32>
    %slice3A_1698 = vector.extract_strided_slice %reduce_max3A_1684 {offsets = [112], sizes = [16], strides = [1]} : vector<128xf32> to vector<16xf32>
    %max3A_1699 = arith.maximumf %max3A_1697, %slice3A_1698 : vector<16xf32>
    %eq3A_1700 = arith.constant 62 : i32
    %eq3A_1701 = vector.broadcast %eq3A_1700 : i32 to vector<1250x128xi32>
    %eq3A_1702 = arith.cmpi eq, %get3A_161, %eq3A_1701 : vector<1250x128xi32>
    %jit3A_1703 = arith.constant 0xFF800000 : f32
    %broadcast_in_dim3A_1704 = vector.broadcast %jit3A_1703 : f32 to vector<1250x128xf32>
    %select_n3A_1705 = arith.select %eq3A_1702, %add3A_158, %broadcast_in_dim3A_1704 : vector<1250x128xi1>, vector<1250x128xf32>
    %reduce_max3A_1706 = arith.constant dense<0xFF800000> : vector<128xf32>
    %reduce_max3A_1707 = vector.multi_reduction <maximumf>, %select_n3A_1705, %reduce_max3A_1706 [0] : vector<1250x128xf32> to vector<128xf32>
    %slice3A_1708 = vector.extract_strided_slice %reduce_max3A_1707 {offsets = [0], sizes = [16], strides = [1]} : vector<128xf32> to vector<16xf32>
    %slice3A_1709 = vector.extract_strided_slice %reduce_max3A_1707 {offsets = [16], sizes = [16], strides = [1]} : vector<128xf32> to vector<16xf32>
    %max3A_1710 = arith.maximumf %slice3A_1708, %slice3A_1709 : vector<16xf32>
    %slice3A_1711 = vector.extract_strided_slice %reduce_max3A_1707 {offsets = [32], sizes = [16], strides = [1]} : vector<128xf32> to vector<16xf32>
    %max3A_1712 = arith.maximumf %max3A_1710, %slice3A_1711 : vector<16xf32>
    %slice3A_1713 = vector.extract_strided_slice %reduce_max3A_1707 {offsets = [48], sizes = [16], strides = [1]} : vector<128xf32> to vector<16xf32>
    %max3A_1714 = arith.maximumf %max3A_1712, %slice3A_1713 : vector<16xf32>
    %slice3A_1715 = vector.extract_strided_slice %reduce_max3A_1707 {offsets = [64], sizes = [16], strides = [1]} : vector<128xf32> to vector<16xf32>
    %max3A_1716 = arith.maximumf %max3A_1714, %slice3A_1715 : vector<16xf32>
    %slice3A_1717 = vector.extract_strided_slice %reduce_max3A_1707 {offsets = [80], sizes = [16], strides = [1]} : vector<128xf32> to vector<16xf32>
    %max3A_1718 = arith.maximumf %max3A_1716, %slice3A_1717 : vector<16xf32>
    %slice3A_1719 = vector.extract_strided_slice %reduce_max3A_1707 {offsets = [96], sizes = [16], strides = [1]} : vector<128xf32> to vector<16xf32>
    %max3A_1720 = arith.maximumf %max3A_1718, %slice3A_1719 : vector<16xf32>
    %slice3A_1721 = vector.extract_strided_slice %reduce_max3A_1707 {offsets = [112], sizes = [16], strides = [1]} : vector<128xf32> to vector<16xf32>
    %max3A_1722 = arith.maximumf %max3A_1720, %slice3A_1721 : vector<16xf32>
    %eq3A_1723 = arith.constant 63 : i32
    %eq3A_1724 = vector.broadcast %eq3A_1723 : i32 to vector<1250x128xi32>
    %eq3A_1725 = arith.cmpi eq, %get3A_161, %eq3A_1724 : vector<1250x128xi32>
    %jit3A_1726 = arith.constant 0xFF800000 : f32
    %broadcast_in_dim3A_1727 = vector.broadcast %jit3A_1726 : f32 to vector<1250x128xf32>
    %select_n3A_1728 = arith.select %eq3A_1725, %add3A_158, %broadcast_in_dim3A_1727 : vector<1250x128xi1>, vector<1250x128xf32>
    %reduce_max3A_1729 = arith.constant dense<0xFF800000> : vector<128xf32>
    %reduce_max3A_1730 = vector.multi_reduction <maximumf>, %select_n3A_1728, %reduce_max3A_1729 [0] : vector<1250x128xf32> to vector<128xf32>
    %slice3A_1731 = vector.extract_strided_slice %reduce_max3A_1730 {offsets = [0], sizes = [16], strides = [1]} : vector<128xf32> to vector<16xf32>
    %slice3A_1732 = vector.extract_strided_slice %reduce_max3A_1730 {offsets = [16], sizes = [16], strides = [1]} : vector<128xf32> to vector<16xf32>
    %max3A_1733 = arith.maximumf %slice3A_1731, %slice3A_1732 : vector<16xf32>
    %slice3A_1734 = vector.extract_strided_slice %reduce_max3A_1730 {offsets = [32], sizes = [16], strides = [1]} : vector<128xf32> to vector<16xf32>
    %max3A_1735 = arith.maximumf %max3A_1733, %slice3A_1734 : vector<16xf32>
    %slice3A_1736 = vector.extract_strided_slice %reduce_max3A_1730 {offsets = [48], sizes = [16], strides = [1]} : vector<128xf32> to vector<16xf32>
    %max3A_1737 = arith.maximumf %max3A_1735, %slice3A_1736 : vector<16xf32>
    %slice3A_1738 = vector.extract_strided_slice %reduce_max3A_1730 {offsets = [64], sizes = [16], strides = [1]} : vector<128xf32> to vector<16xf32>
    %max3A_1739 = arith.maximumf %max3A_1737, %slice3A_1738 : vector<16xf32>
    %slice3A_1740 = vector.extract_strided_slice %reduce_max3A_1730 {offsets = [80], sizes = [16], strides = [1]} : vector<128xf32> to vector<16xf32>
    %max3A_1741 = arith.maximumf %max3A_1739, %slice3A_1740 : vector<16xf32>
    %slice3A_1742 = vector.extract_strided_slice %reduce_max3A_1730 {offsets = [96], sizes = [16], strides = [1]} : vector<128xf32> to vector<16xf32>
    %max3A_1743 = arith.maximumf %max3A_1741, %slice3A_1742 : vector<16xf32>
    %slice3A_1744 = vector.extract_strided_slice %reduce_max3A_1730 {offsets = [112], sizes = [16], strides = [1]} : vector<128xf32> to vector<16xf32>
    %max3A_1745 = arith.maximumf %max3A_1743, %slice3A_1744 : vector<16xf32>
    %stack3A = vector.shape_cast %max3A_296 : vector<16xf32> to vector<1x16xf32>
    %stack3A_1746 = vector.shape_cast %max3A_319 : vector<16xf32> to vector<1x16xf32>
    %stack3A_1747 = vector.shape_cast %max3A_342 : vector<16xf32> to vector<1x16xf32>
    %stack3A_1748 = vector.shape_cast %max3A_365 : vector<16xf32> to vector<1x16xf32>
    %stack3A_1749 = vector.shape_cast %max3A_388 : vector<16xf32> to vector<1x16xf32>
    %stack3A_1750 = vector.shape_cast %max3A_411 : vector<16xf32> to vector<1x16xf32>
    %stack3A_1751 = vector.shape_cast %max3A_434 : vector<16xf32> to vector<1x16xf32>
    %stack3A_1752 = vector.shape_cast %max3A_457 : vector<16xf32> to vector<1x16xf32>
    %stack3A_1753 = vector.shape_cast %max3A_480 : vector<16xf32> to vector<1x16xf32>
    %stack3A_1754 = vector.shape_cast %max3A_503 : vector<16xf32> to vector<1x16xf32>
    %stack3A_1755 = vector.shape_cast %max3A_526 : vector<16xf32> to vector<1x16xf32>
    %stack3A_1756 = vector.shape_cast %max3A_549 : vector<16xf32> to vector<1x16xf32>
    %stack3A_1757 = vector.shape_cast %max3A_572 : vector<16xf32> to vector<1x16xf32>
    %stack3A_1758 = vector.shape_cast %max3A_595 : vector<16xf32> to vector<1x16xf32>
    %stack3A_1759 = vector.shape_cast %max3A_618 : vector<16xf32> to vector<1x16xf32>
    %stack3A_1760 = vector.shape_cast %max3A_641 : vector<16xf32> to vector<1x16xf32>
    %stack3A_1761 = vector.shape_cast %max3A_664 : vector<16xf32> to vector<1x16xf32>
    %stack3A_1762 = vector.shape_cast %max3A_687 : vector<16xf32> to vector<1x16xf32>
    %stack3A_1763 = vector.shape_cast %max3A_710 : vector<16xf32> to vector<1x16xf32>
    %stack3A_1764 = vector.shape_cast %max3A_733 : vector<16xf32> to vector<1x16xf32>
    %stack3A_1765 = vector.shape_cast %max3A_756 : vector<16xf32> to vector<1x16xf32>
    %stack3A_1766 = vector.shape_cast %max3A_779 : vector<16xf32> to vector<1x16xf32>
    %stack3A_1767 = vector.shape_cast %max3A_802 : vector<16xf32> to vector<1x16xf32>
    %stack3A_1768 = vector.shape_cast %max3A_825 : vector<16xf32> to vector<1x16xf32>
    %stack3A_1769 = vector.shape_cast %max3A_848 : vector<16xf32> to vector<1x16xf32>
    %stack3A_1770 = vector.shape_cast %max3A_871 : vector<16xf32> to vector<1x16xf32>
    %stack3A_1771 = vector.shape_cast %max3A_894 : vector<16xf32> to vector<1x16xf32>
    %stack3A_1772 = vector.shape_cast %max3A_917 : vector<16xf32> to vector<1x16xf32>
    %stack3A_1773 = vector.shape_cast %max3A_940 : vector<16xf32> to vector<1x16xf32>
    %stack3A_1774 = vector.shape_cast %max3A_963 : vector<16xf32> to vector<1x16xf32>
    %stack3A_1775 = vector.shape_cast %max3A_986 : vector<16xf32> to vector<1x16xf32>
    %stack3A_1776 = vector.shape_cast %max3A_1009 : vector<16xf32> to vector<1x16xf32>
    %stack3A_1777 = vector.shape_cast %max3A_1032 : vector<16xf32> to vector<1x16xf32>
    %stack3A_1778 = vector.shape_cast %max3A_1055 : vector<16xf32> to vector<1x16xf32>
    %stack3A_1779 = vector.shape_cast %max3A_1078 : vector<16xf32> to vector<1x16xf32>
    %stack3A_1780 = vector.shape_cast %max3A_1101 : vector<16xf32> to vector<1x16xf32>
    %stack3A_1781 = vector.shape_cast %max3A_1124 : vector<16xf32> to vector<1x16xf32>
    %stack3A_1782 = vector.shape_cast %max3A_1147 : vector<16xf32> to vector<1x16xf32>
    %stack3A_1783 = vector.shape_cast %max3A_1170 : vector<16xf32> to vector<1x16xf32>
    %stack3A_1784 = vector.shape_cast %max3A_1193 : vector<16xf32> to vector<1x16xf32>
    %stack3A_1785 = vector.shape_cast %max3A_1216 : vector<16xf32> to vector<1x16xf32>
    %stack3A_1786 = vector.shape_cast %max3A_1239 : vector<16xf32> to vector<1x16xf32>
    %stack3A_1787 = vector.shape_cast %max3A_1262 : vector<16xf32> to vector<1x16xf32>
    %stack3A_1788 = vector.shape_cast %max3A_1285 : vector<16xf32> to vector<1x16xf32>
    %stack3A_1789 = vector.shape_cast %max3A_1308 : vector<16xf32> to vector<1x16xf32>
    %stack3A_1790 = vector.shape_cast %max3A_1331 : vector<16xf32> to vector<1x16xf32>
    %stack3A_1791 = vector.shape_cast %max3A_1354 : vector<16xf32> to vector<1x16xf32>
    %stack3A_1792 = vector.shape_cast %max3A_1377 : vector<16xf32> to vector<1x16xf32>
    %stack3A_1793 = vector.shape_cast %max3A_1400 : vector<16xf32> to vector<1x16xf32>
    %stack3A_1794 = vector.shape_cast %max3A_1423 : vector<16xf32> to vector<1x16xf32>
    %stack3A_1795 = vector.shape_cast %max3A_1446 : vector<16xf32> to vector<1x16xf32>
    %stack3A_1796 = vector.shape_cast %max3A_1469 : vector<16xf32> to vector<1x16xf32>
    %stack3A_1797 = vector.shape_cast %max3A_1492 : vector<16xf32> to vector<1x16xf32>
    %stack3A_1798 = vector.shape_cast %max3A_1515 : vector<16xf32> to vector<1x16xf32>
    %stack3A_1799 = vector.shape_cast %max3A_1538 : vector<16xf32> to vector<1x16xf32>
    %stack3A_1800 = vector.shape_cast %max3A_1561 : vector<16xf32> to vector<1x16xf32>
    %stack3A_1801 = vector.shape_cast %max3A_1584 : vector<16xf32> to vector<1x16xf32>
    %stack3A_1802 = vector.shape_cast %max3A_1607 : vector<16xf32> to vector<1x16xf32>
    %stack3A_1803 = vector.shape_cast %max3A_1630 : vector<16xf32> to vector<1x16xf32>
    %stack3A_1804 = vector.shape_cast %max3A_1653 : vector<16xf32> to vector<1x16xf32>
    %stack3A_1805 = vector.shape_cast %max3A_1676 : vector<16xf32> to vector<1x16xf32>
    %stack3A_1806 = vector.shape_cast %max3A_1699 : vector<16xf32> to vector<1x16xf32>
    %stack3A_1807 = vector.shape_cast %max3A_1722 : vector<16xf32> to vector<1x16xf32>
    %stack3A_1808 = vector.shape_cast %max3A_1745 : vector<16xf32> to vector<1x16xf32>
    %stack3A_1809 = tpu.concatenate %stack3A, %stack3A_1746, %stack3A_1747, %stack3A_1748, %stack3A_1749, %stack3A_1750, %stack3A_1751, %stack3A_1752, %stack3A_1753, %stack3A_1754, %stack3A_1755, %stack3A_1756, %stack3A_1757, %stack3A_1758, %stack3A_1759, %stack3A_1760, %stack3A_1761, %stack3A_1762, %stack3A_1763, %stack3A_1764, %stack3A_1765, %stack3A_1766, %stack3A_1767, %stack3A_1768, %stack3A_1769, %stack3A_1770, %stack3A_1771, %stack3A_1772, %stack3A_1773, %stack3A_1774, %stack3A_1775, %stack3A_1776, %stack3A_1777, %stack3A_1778, %stack3A_1779, %stack3A_1780, %stack3A_1781, %stack3A_1782, %stack3A_1783, %stack3A_1784, %stack3A_1785, %stack3A_1786, %stack3A_1787, %stack3A_1788, %stack3A_1789, %stack3A_1790, %stack3A_1791, %stack3A_1792, %stack3A_1793, %stack3A_1794, %stack3A_1795, %stack3A_1796, %stack3A_1797, %stack3A_1798, %stack3A_1799, %stack3A_1800, %stack3A_1801, %stack3A_1802, %stack3A_1803, %stack3A_1804, %stack3A_1805, %stack3A_1806, %stack3A_1807, %stack3A_1808 in 0 : vector<1x16xf32>, vector<1x16xf32>, vector<1x16xf32>, vector<1x16xf32>, vector<1x16xf32>, vector<1x16xf32>, vector<1x16xf32>, vector<1x16xf32>, vector<1x16xf32>, vector<1x16xf32>, vector<1x16xf32>, vector<1x16xf32>, vector<1x16xf32>, vector<1x16xf32>, vector<1x16xf32>, vector<1x16xf32>, vector<1x16xf32>, vector<1x16xf32>, vector<1x16xf32>, vector<1x16xf32>, vector<1x16xf32>, vector<1x16xf32>, vector<1x16xf32>, vector<1x16xf32>, vector<1x16xf32>, vector<1x16xf32>, vector<1x16xf32>, vector<1x16xf32>, vector<1x16xf32>, vector<1x16xf32>, vector<1x16xf32>, vector<1x16xf32>, vector<1x16xf32>, vector<1x16xf32>, vector<1x16xf32>, vector<1x16xf32>, vector<1x16xf32>, vector<1x16xf32>, vector<1x16xf32>, vector<1x16xf32>, vector<1x16xf32>, vector<1x16xf32>, vector<1x16xf32>, vector<1x16xf32>, vector<1x16xf32>, vector<1x16xf32>, vector<1x16xf32>, vector<1x16xf32>, vector<1x16xf32>, vector<1x16xf32>, vector<1x16xf32>, vector<1x16xf32>, vector<1x16xf32>, vector<1x16xf32>, vector<1x16xf32>, vector<1x16xf32>, vector<1x16xf32>, vector<1x16xf32>, vector<1x16xf32>, vector<1x16xf32>, vector<1x16xf32>, vector<1x16xf32>, vector<1x16xf32>, vector<1x16xf32> -> vector<64x16xf32>
    %concatenate3A_1810 = tpu.concatenate %div3A_274, %stack3A_1809 in 1 : vector<64x16xf32>, vector<64x16xf32> -> vector<64x32xf32>
    %get3A_1811 = arith.constant 0 : index
    %get3A_1812 = arith.constant 0 : index
    %get3A_1813 = vector.load %arg8[%get3A_1811, %get3A_1812] : memref<32x3xf32, #tpu.memory_space<vmem>>, vector<32x3xf32>
    %dot_general3A_1814 = arith.constant dense<0.000000e+00> : vector<64x3xf32>
    %dot_general3A_1815 = tpu.matmul %concatenate3A_1810, %get3A_1813, %dot_general3A_1814 {dimension_numbers = #tpu.dot_dimension_numbers<[1], [0], [0], [1], [0, 0, 1, 1], [], []>, transpose_lhs_hint = false} : vector<64x32xf32>, vector<32x3xf32>, vector<64x3xf32> -> vector<64x3xf32>
    %get3A_1816 = arith.constant 0 : index
    %get3A_1817 = vector.load %arg9[%get3A_1816] : memref<3xf32, #tpu.memory_space<vmem>>, vector<3xf32>
    %broadcast_in_dim3A_1818 = vector.shape_cast %get3A_1817 : vector<3xf32> to vector<1x3xf32>
    %add3A_1819 = vector.broadcast %broadcast_in_dim3A_1818 : vector<1x3xf32> to vector<64x3xf32>
    %add3A_1820 = arith.addf %dot_general3A_1815, %add3A_1819 : vector<64x3xf32>
    %max3A_1821 = arith.constant 0.000000e+00 : f32
    %max3A_1822 = vector.broadcast %max3A_1821 : f32 to vector<64x3xf32>
    %max3A_1823 = arith.maximumf %add3A_1820, %max3A_1822 : vector<64x3xf32>
    %get3A_1824 = arith.constant 0 : index
    %get3A_1825 = arith.constant 0 : index
    %get3A_1826 = vector.load %arg10[%get3A_1824, %get3A_1825] : memref<3x1xf32, #tpu.memory_space<vmem>>, vector<3x1xf32>
    %dot_general3A_1827 = arith.constant dense<0.000000e+00> : vector<64x1xf32>
    %dot_general3A_1828 = tpu.matmul %max3A_1823, %get3A_1826, %dot_general3A_1827 {dimension_numbers = #tpu.dot_dimension_numbers<[1], [0], [0], [1], [0, 0, 1, 1], [], []>, transpose_lhs_hint = false} : vector<64x3xf32>, vector<3x1xf32>, vector<64x1xf32> -> vector<64x1xf32>
    %get3A_1829 = arith.constant 0 : index
    %get3A_1830 = vector.load %arg11[%get3A_1829] : memref<1xf32, #tpu.memory_space<vmem>>, vector<1xf32>
    %broadcast_in_dim3A_1831 = vector.shape_cast %get3A_1830 : vector<1xf32> to vector<1x1xf32>
    %add3A_1832 = vector.broadcast %broadcast_in_dim3A_1831 : vector<1x1xf32> to vector<64x1xf32>
    %add3A_1833 = arith.addf %dot_general3A_1828, %add3A_1832 : vector<64x1xf32>
    %max3A_1834 = arith.constant 0.000000e+00 : f32
    %max3A_1835 = vector.broadcast %max3A_1834 : f32 to vector<64x1xf32>
    %max3A_1836 = arith.maximumf %add3A_1833, %max3A_1835 : vector<64x1xf32>
    %swap3A = arith.constant 0 : index
    %swap3A_1837 = arith.constant 0 : index
    %swap3A_1838 = vector.load %arg12[%swap3A, %swap3A_1837] : memref<64x1xf32, #tpu.memory_space<vmem>>, vector<64x1xf32>
    tpu.vector_store %arg12[%swap3A, %swap3A_1837], %max3A_1836 {strides = array<i32>} : memref<64x1xf32, #tpu.memory_space<vmem>>, vector<64x1xf32>,
    return
  }
}

</mosaic_0001>

<sc_bundles>
// kernel: kernel.12.cloned.1.call-start
scs
__scs_entry_jumppad:
0x0: {  	(pc) =	sbr.rel $0x88, $3  }
0x1: {  	(tag) =	ssettag $0x0;
	lr =	simm.s32 $0x1  }
0x2: {  	[smem:$0x3F85] =	sst lr;
	_ =	strace $0xD0000000  }
0x3: {  	_ = 	snop  }
0x4: {  	_ = 	snop  }
0x5: {  	_ = 	snop  }
0x6: {  	_ = 	snop  }
0x7: {  	_ = 	snop  }
__scs_overlays_trampoline_lowered:
0x8: {  	[smem:$0x3F94] =	sst s0  }
0x9: {  	[smem:$0x3F95] =	sst s1  }
0xa: {  	[smem:$0x3F96] =	sst s2  }
0xb: {  	[smem:$0x3F97] =	sst s3  }
0xc: {  	[smem:$0x3F98] =	sst s4  }
0xd: {  	[smem:$0x3F99] =	sst s5  }
0xe: {  	[smem:$0x3F9A] =	sst s6  }
0xf: {  	[smem:$0x3F9B] =	sst s7  }
0x10: {  	[smem:$0x3F9C] =	sst s8  }
0x11: {  	[smem:$0x3F9D] =	sst s9;
	s0 =	simm.s32 @!p0 $0x0  }
0x12: {  	s1 =	sld [smem:$0x3F83];
	s0 =	simm.s32 @p0 $0x1  }
0x13: {  	[smem:$0x3F9E] =	sst s0;
	s0 =	simm.s32 @!p1 $0x0  }
0x14: {  	s2 =	sld [smem:$0x3F82];
	s0 =	simm.s32 @p1 $0x1  }
0x15: {  	[smem:$0x3F9F] =	sst s0;
	s0 =	simm.s32 @!p2 $0x0  }
0x16: {  	s3 =	sld [smem:$0x3FDB];
	s0 =	simm.s32 @p2 $0x1  }
0x17: {  	s4 =	simm.s32 $0x1BF5;
	[smem:$0x3FA1] =	sst s0  }
0x18: {  	s0 =	sld [smem:$0x3F84];
	_ =	swait.ge [sflag:s4], $0x0  }
0x19: {  	s7 =	sld [smem:$0x3F85]  }
0x1a: {  	s8 =	sadd.s32 $0xFFFFE003, lr  }
0x1b: {  	s9 =	sadd.s32 $0xFFFFFEF7, lr;
	s5 =	simm.s32 $0xFFFFFFFF;
	p2 =	slt.u32 s8, $0xFFFFF086  }
0x1c: {  	p1 =	slt.u32 s9, $0xF7A;
	s5 =	simm.s32 @!p2 $0x0  }
0x1d: {  	s5 =	simm.s32 @p1 $0x1;
	p0 =	seq.s32 s7, s2  }
0x1e: {  	s7 =	smul.u32 @!p0 $0xF7A, s2;
	p2 =	seq.s32 @!p0 s5, $0x0  }
0x1f: {  	s9 =	smul.u32 $0xF7A, s1;
	s8 =	simm.s32 @!p0 $0x1BF5;
	p2 =	por !p2, p0  }
0x20: {  	[sflag:s8] =	ssyncset.s32 @!p0 $0xFFFFF086;
	s6 =	sadd.s32 @!p0 s3, s7;
	s7 =	simm.s32 @!p0 $0x108  }
0x21: {  	s3 =	sadd.s32 s3, s9;
	s6 =	sadd.s32 @!p0 $0x88, s6;
	s7 =	simm.s32 @p2 $0x1082  }
0x22: {  	[simem:s7], [sflag:s8] =	dma.local @!p0 [hbm:s6], $0xF7A  }
0x23: {  	s9 =	sor.u32 $0xD0000000, s2;
	s6 =	simm.s32 $0x108;
	_ =	swait.ge @!p0 [sflag:s8], $0x0  }
0x24: {  	s3 =	sadd.s32 $0x88, s3;
	s6 =	simm.s32 @!p1 $0x1082;
	[sflag:s4] =	ssyncset.s32 $0xFFFFF086  }
0x25: {  	[simem:s6], [sflag:s4] =	dma.local [hbm:s3], $0xF7A  }
0x26: {  	[smem:$0x3F85] =	sst s1;
	(tag) =	ssettag s2;
	_ =	strace s9  }
0x27: {  	s1 =	sld [smem:$0x3F95]  }
0x28: {  	s2 =	sld [smem:$0x3F96]  }
0x29: {  	s4 =	sld [smem:$0x3F98]  }
0x2a: {  	p0 =	seq.s32 s5, $0x0;
	s5 =	sld [smem:$0x3F99]  }
0x2b: {  	s6 =	sld [smem:$0x3F9A]  }
0x2c: {  	s7 =	sld [smem:$0x3F9B]  }
0x2d: {  	s3 =	simm.s32 $0x108;
	s8 =	sld [smem:$0x3F9C]  }
0x2e: {  	s3 =	simm.s32 @!p0 $0x1082;
	s9 =	sld [smem:$0x3F9D]  }
0x2f: {  	lr =	sadd.s32 s0, s3;
	s0 =	sld [smem:$0x3F94]  }
0x30: {  	s3 =	sld [smem:$0x3F97]  }
0x31: {  	[smem:$0x3FA0] =	sst s10  }
0x32: {  	s10 =	sld [smem:$0x3F9E];
	_ =	sdelay $0x3  }
0x33: {  	p0 =	seq.s32 s10, $0x1;
	s10 =	sld [smem:$0x3FA0];
	_ =	sdelay $0x3  }
0x34: {  	[smem:$0x3FA0] =	sst s10  }
0x35: {  	s10 =	sld [smem:$0x3F9F];
	_ =	sdelay $0x3  }
0x36: {  	p1 =	seq.s32 s10, $0x1;
	s10 =	sld [smem:$0x3FA0];
	_ =	sdelay $0x3  }
0x37: {  	[smem:$0x3FA0] =	sst s10  }
0x38: {  	s10 =	sld [smem:$0x3FA1]  }
0x39: {  	_ = 	snop;
	(pc) =	sbr.ind lr, $3  }
0x3a: {  	_ = 	snop  }
0x3b: {  	_ = 	snop  }
0x3c: {  	p2 =	seq.s32 s10, $0x1;
	s10 =	sld [smem:$0x3FA0]  }
0x3d: {  	_ =	shalt  }
0x3e: {  	_ =	shalt  }
0x3f: {  	_ =	shalt  }
0x40: {  	_ =	shalt  }
0x41: {  	_ =	shalt  }
0x42: {  	_ =	shalt  }
0x43: {  	_ =	shalt  }
0x44: {  	_ =	shalt  }
0x45: {  	_ =	shalt  }
0x46: {  	_ =	shalt  }
0x47: {  	_ =	shalt  }
0x48: {  	_ =	shalt  }
0x49: {  	_ =	shalt  }
0x4a: {  	_ =	shalt  }
0x4b: {  	_ =	shalt  }
0x4c: {  	_ =	shalt  }
0x4d: {  	_ =	shalt  }
0x4e: {  	_ =	shalt  }
0x4f: {  	_ =	shalt  }
0x50: {  	_ =	shalt  }
0x51: {  	_ =	shalt  }
0x52: {  	_ =	shalt  }
0x53: {  	_ =	shalt  }
0x54: {  	_ =	shalt  }
0x55: {  	_ =	shalt  }
0x56: {  	_ =	shalt  }
0x57: {  	_ =	shalt  }
0x58: {  	_ =	shalt  }
0x59: {  	_ =	shalt  }
0x5a: {  	_ =	shalt  }
0x5b: {  	_ =	shalt  }
0x5c: {  	_ =	shalt  }
0x5d: {  	_ =	shalt  }
0x5e: {  	_ =	shalt  }
0x5f: {  	_ =	shalt  }
0x60: {  	_ =	shalt  }
0x61: {  	_ =	shalt  }
0x62: {  	_ =	shalt  }
0x63: {  	_ =	shalt  }
0x64: {  	_ =	shalt  }
0x65: {  	_ =	shalt  }
0x66: {  	_ =	shalt  }
0x67: {  	_ =	shalt  }
0x68: {  	_ =	shalt  }
0x69: {  	_ =	shalt  }
0x6a: {  	_ =	shalt  }
0x6b: {  	_ =	shalt  }
0x6c: {  	_ =	shalt  }
0x6d: {  	_ =	shalt  }
0x6e: {  	_ =	shalt  }
0x6f: {  	_ =	shalt  }
0x70: {  	_ =	shalt  }
0x71: {  	_ =	shalt  }
0x72: {  	_ =	shalt  }
0x73: {  	_ =	shalt  }
0x74: {  	_ =	shalt  }
0x75: {  	_ =	shalt  }
0x76: {  	_ =	shalt  }
0x77: {  	_ =	shalt  }
0x78: {  	_ =	shalt  }
0x79: {  	_ =	shalt  }
0x7a: {  	_ =	shalt  }
0x7b: {  	_ =	shalt  }
0x7c: {  	_ =	shalt  }
0x7d: {  	_ =	shalt  }
0x7e: {  	_ =	shalt  }
0x7f: {  	_ =	shalt  }
0x80: {  	_ =	shalt  }
0x81: {  	_ =	shalt  }
0x82: {  	_ =	shalt  }
0x83: {  	_ =	shalt  }
0x84: {  	_ =	shalt  }
0x85: {  	_ =	shalt  }
0x86: {  	_ =	shalt  }
0x87: {  	_ =	shalt  }
.Lfunc_end0:
.L_simem_size_0:
called_computation_lowered:
.L_overlay_start_0:
0x88: {  	s2 =	sld [smem:$0x3FD9]  }
0x89: {  	s3 =	sld [smem:$0x3FFE];
	_ =	sdelay $0x1  }
0x8a: {  	s1 =	srdreg.scid  }
0x8b: {  	s0 =	sand.u32 $0x1, s1  }
0x8c: {  	s16 =	sshll.u32 s0, $0xA;
	s2 =	sadd.s32 s3, s2  }
0x8d: {  	s2 =	sadd.s32 s2, s16  }
0x8e: {  	[smem:$0x3FAC] =	sst s2  }
0x8f: {  	_ = 	snop  }
0x90: {  	(tm) =	ssettm $0x1  }
0x91: {  	s17 =	sld [smem:$0x3FFB];
	_ =	sdelay $0x3  }
0x92: {  	_ =	strace s17  }
0x93: {  	s2 =	sld [smem:$0x3FFC];
	_ =	sdelay $0x3  }
0x94: {  	_ =	strace s2  }
0x95: {  	s2 =	sld [smem:$0x3FFD];
	_ =	sdelay $0x3  }
0x96: {  	_ =	strace s2  }
0x97: {  	_ =	strace $0x8FFFFFFF  }
0x98: {  	s18 =	sld [smem:$0x3FDB];
	_ =	sdelay $0x1  }
0x99: {  	s19 =	simm.s32 $_scs_section_size  }
0x9a: {  	s4 =	simm.s32 $_size__tile_overlayer_lowered;
	s5 =	simm.s32 $_tile_overlayer_lowered  }
0x9b: {  	s22 =	simm.s32 $0x1BFF;
	s21 =	sshll.u32 s5, $0x1;
	s2 =	sadd.s32 s19, s18  }
0x9c: {  	s6 =	simm.s32 $0x0;
	s20 =	sshll.u32 s4, $0x1;
	s4 =	sadd.s32 s21, s2  }
0x9d: {  	[timem:s6], [sflag:s22] =	dma.local [hbm:s4], s20  }
0x9e: {  	_ =	swait.ge [sflag:s22], s20  }
0x9f: {  	s3 =	ssub.s32 $0x0, s20;
	[sflag:s22] =	ssyncset.done $0x0  }
0xa0: {  	[sflag:s22] =	ssyncadd.s32 s3;
	_ =	sdelay $0x1  }
0xa1: {  	s23 =	simm.s32 $0x1B8B  }
0xa2: {  	_ =	swait.ge [sflag:s23], $0x1  }
0xa3: {  	[sflag:s23] =	ssyncset.done $0x0  }
0xa4: {  	s25 =	simm.s32 $0x1B8E;
	s24 =	sld [smem:$0x3FFE];
	[sflag:s23] =	ssyncadd.s32 $0xFFFFFFFF  }
0xa5: {  	s26 =	simm.s32 $execute0_lowered;
	[smem:$0x3FD2] =	sst s25  }
0xa6: {  	s4 =	sshll.u32 s26, $0x1;
	_ =	strace $0x80000046;
	[dreg:$0x1] =	wrdreg $0xFFFFFFFF  }
0xa7: {  	s28 =	simm.s32 $_size_execute0_lowered;
	s2 =	sadd.s32 s2, s4;
	[dreg:$0x0] =	wrdreg $0x0  }
0xa8: {  	s4 =	sshll.u32 s28, $0x1;
	[dreg:$0x2] =	wrdreg s2  }
0xa9: {  	[dreg:$0x3] =	wrdreg s4  }
0xaa: {  	[dreg:$0x4] =	wrdreg $0xC0  }
0xab: {  	_ =	task [dreg:s6], $0x5FFFF  }
0xac: {  	[dreg:$0x1] =	wrdreg $0xFFFFFFFF  }
0xad: {  	[dreg:$0x0] =	wrdreg $0x60  }
0xae: {  	[dreg:$0x2] =	wrdreg s24  }
0xaf: {  	[dreg:$0x3] =	wrdreg $0x9  }
0xb0: {  	_ =	task.clear_ibuf [dreg:s6], $0x4FFFF;
	_ =	strace $0x90000046  }
0xb1: {  	s29 =	simm.s32 $0x9;
	_ =	strace $0x80000048  }
0xb2: {  	_ =	swait.ge [sflag:s29], $0x1  }
0xb3: {  	[sflag:s29] =	ssyncadd.s32 $0xFFFFFFFF  }
0xb4: {  	_ =	strace $0x90000048  }
0xb5: {  	_ =	sfence  }
0xb6: {  	s30 =	sld [smem:$0x0];
	_ =	sdelay $0x2  }
0xb7: {  	s31 =	sshll.u32 s1, $0xD;
	s1 =	sshrl.u32 s1, $0x2  }
0xb8: {  	s3 =	sand.u32 $0x4000, s31;
	s1 =	sadd.s32 s1, s30  }
0xb9: {  	s0 =	sor.u32 s3, s0;
	s1 =	sshll.u32 s1, $0x11  }
0xba: {  	s0 =	sor.u32 s1, s0  }
0xbb: {  	s0 =	sadd.s32 $0x8F2B, s0  }
0xbc: {  	[sflag:s0] =	ssyncadd.remote.s32 $0x1  }
0xbd: {  	_ =	sfence.sel $0xFFFF  }
0xbe: {  	[dreg:$0x0] =	wrdreg $0xFFFFFFFF;
	(pc) =	sbr.abs _section_cstart, $3  }
0xbf: {  	[dreg:$0x1] =	wrdreg $0xFFFFFFFF  }
0xc0: {  	_ =	task.clear_ibuf [dreg:s6], $0x2FFFF;
	_ =	strace $0x9FFFFFFF  }
0xc1: {  	(tm) =	ssettm $0x7FFFFFFF  }
tec
execute0_lowered:
.L_overlay_start_1:
0x0: {  	(tag) =	ssettag $0x1  }
0x1: {  	s1 =	srdreg.scid;
	s0 =	stileid.u32  }
0x2: {  	s5 =	rddreg [dreg:$0x0];
	s2 =	simm.s32 $0x0;
	s8 =	simm.s32 $0x7D  }
0x3: {  	s9 =	simm.s32 $0x1;
	s4 =	sand.u32 $0x1, s1;
	s30 =	sshll.u32 s0, $0x1  }
0x4: {  	s10 =	simm.s32 $0x1400;
	s1 =	rddreg [dreg:$0x1];
	s3 =	sor.u32 s4, s30  }
0x5: {  	s11 =	simm.s32 $0x0;
	[smem:$0x7FF] =	sst s2;
	s6 =	smul.u32 $0x280, s3  }
0x6: {  	_ =	strace $0x80000047;
	s4 =	ssub.s32 $0x2, s4;
	s7 =	smul.u32 $0x2710, s3  }
0x7: {  	s3 =	sadd.s32 $0x6200, s5;
	s31 =	sshrl.u32 s4, $0x1;
	s6 =	sadd.s32 s6, s5  }
0x8: {  	s5 =	sadd.s32 s7, s5;
	s7 =	ssub.s32 s4, s31;
	s4 =	sadd.s32 $0xB200, s6  }
0x9: {  	s5 =	sadd.s32 $0x10200, s5;
	s6 =	smax.u32 s7, $0x1;
	s7 =	simm.s32 $0x2  }
.LBB2_1:
0xa: {  	[tilespmem:s2], [sflag:$0x2] =	stream.linear.gather [hbm4b:s4+s2], $0x1400, $0x38;
	[tilespmem:$0x14C80] =	vst v63  }
0xb: {  	_ =	swait.ge [sflag:s7], $0x1400  }
0xc: {  	s12 =	simm.s32 $0x200;
	s15 =	simm.s32 $0x0;
	[sflag:s7] =	ssyncset.done $0x0  }
0xd: {  	s13 =	simm.s32 $0x1BD0;
	s14 =	simm.s32 $0x1400;
	[sflag:s7] =	ssyncadd.s32 $0xFFFFEC00  }
.LBB2_2:
0xe: {  	[tilespmem:s14], [sflag:$0x1] =	stream.indirect.gather [hbm4b:s3+s8], $0x10, s15, s8, $0xb8;
	[tilespmem:$0x14C80] =	vst v63  }
0xf: {  	s15 =	smov.u32 s12;
	s14 =	smov.u32 s13;
	p0 =	sne.s32 s12, $0x4E00  }
.Ltmp0:
0x10: {  	s12 =	sadd.s32 $0x200, s12;
	(pc) =	sbr.rel @p0 .LBB2_2-.Ltmp0, $2  }
0x11: {  	_ =	sdelay $0x2  }
0x12: {  	s13 =	sadd.s32 $0x7D0, s13;
	s15 =	sshra.s32 s15, $0x2  }
0x13: {  	[tilespmem:s14], [sflag:$0x1] =	stream.indirect.gather [hbm4b:s3+s8], $0x10, s15, s8, $0xb8;
	[tilespmem:$0x14C80] =	vst v63  }
0x14: {  	s11 =	sadd.s32 $0x1, s11;
	_ =	swait.ge [sflag:s9], $0x13880  }
0x15: {  	p0 =	sne.s32 s11, s6;
	[sflag:s9] =	ssyncset.done $0x0  }
.Ltmp1:
0x16: {  	[sflag:s9] =	ssyncadd.s32 $0xFFFEC780;
	(pc) =	sbr.rel @p0 .LBB2_1-.Ltmp1, $4  }
0x17: {  	[hbm4b:s5+s2] =	stream.linear.scatter [tilespmem:s10], [sflag:$0x2], $0x13880, $0x38;
	[tilespmem:$0x14C80] =	vst v63  }
0x18: {  	_ =	swait.ge [sflag:s7], $0x13880  }
0x19: {  	[sflag:s7] =	ssyncset.done $0x0  }
0x1a: {  	[sflag:s7] =	ssyncadd.s32 $0xFFFEC780  }
0x1b: {  	_ =	sfence.sel $0x180000  }
0x1c: {  	[bflag:$0x0] =	sbarrier.arrive $0xFFFF  }
0x1d: {  	p0 =	sne.s32 s0, $0x0;
	_ =	strace $0x90000047  }
0x1e: {  	s0 =	sadd.s32 @!p0 $0x100000, s1;
	[bflag:$0x2] =	sbarrier.arrive $0xFFFF  }
0x1f: {  	[sflag:s0] =	ssyncadd.tile.s32 @!p0 $0x1;
	_ =	shalt  }
.Lfunc_end2:
_tile_overlayer_lowered:
.L_overlay_start_2:
0x20: {  	(tag) =	ssettag $0x2  }
0x21: {  	s0 =	rddreg [dreg:$0x0];
	s2 =	stileid.u32  }
0x22: {  	s1 =	rddreg [dreg:$0x1];
	p0 =	sne.s32 s2, $0x0  }
0x23: {  	s3 =	rddreg [dreg:$0x2];
	[bflag:$0x3] =	sbarrier.arrive $0xFFFF;
	s2 =	simm.s32 @!p0 $0x1C02  }
0x24: {  	[timem:s3], [sflag:s2] =	dma.local @!p0 [hbm:s0], s1  }
0x25: {  	s0 =	simm.s32 @!p0 $0x2  }
0x26: {  	_ =	swait.ge @!p0 [sflag:s0], s1  }
0x27: {  	s1 =	ssub.s32 @!p0 $0x0, s1;
	[sflag:s0] =	ssyncset.done @!p0 $0x0  }
0x28: {  	[sflag:s0] =	ssyncadd.s32 @!p0 s1  }
0x29: {  	[bflag:$0x3] =	sbarrier.arrive $0xFFFF  }
0x2a: {  	_ =	shalt  }

// kernel: kernel.15.cloned.1.call-start
scs
__scs_entry_jumppad:
0x0: {  	(pc) =	sbr.rel $0x88, $3  }
0x1: {  	(tag) =	ssettag $0x0;
	lr =	simm.s32 $0x1  }
0x2: {  	[smem:$0x3F85] =	sst lr;
	_ =	strace $0xD0000000  }
0x3: {  	_ = 	snop  }
0x4: {  	_ = 	snop  }
0x5: {  	_ = 	snop  }
0x6: {  	_ = 	snop  }
0x7: {  	_ = 	snop  }
__scs_overlays_trampoline_lowered:
0x8: {  	[smem:$0x3F94] =	sst s0  }
0x9: {  	[smem:$0x3F95] =	sst s1  }
0xa: {  	[smem:$0x3F96] =	sst s2  }
0xb: {  	[smem:$0x3F97] =	sst s3  }
0xc: {  	[smem:$0x3F98] =	sst s4  }
0xd: {  	[smem:$0x3F99] =	sst s5  }
0xe: {  	[smem:$0x3F9A] =	sst s6  }
0xf: {  	[smem:$0x3F9B] =	sst s7  }
0x10: {  	[smem:$0x3F9C] =	sst s8  }
0x11: {  	[smem:$0x3F9D] =	sst s9;
	s0 =	simm.s32 @!p0 $0x0  }
0x12: {  	s1 =	sld [smem:$0x3F83];
	s0 =	simm.s32 @p0 $0x1  }
0x13: {  	[smem:$0x3F9E] =	sst s0;
	s0 =	simm.s32 @!p1 $0x0  }
0x14: {  	s2 =	sld [smem:$0x3F82];
	s0 =	simm.s32 @p1 $0x1  }
0x15: {  	[smem:$0x3F9F] =	sst s0;
	s0 =	simm.s32 @!p2 $0x0  }
0x16: {  	s3 =	sld [smem:$0x3FDB];
	s0 =	simm.s32 @p2 $0x1  }
0x17: {  	s4 =	simm.s32 $0x1BF5;
	[smem:$0x3FA1] =	sst s0  }
0x18: {  	s0 =	sld [smem:$0x3F84];
	_ =	swait.ge [sflag:s4], $0x0  }
0x19: {  	s7 =	sld [smem:$0x3F85]  }
0x1a: {  	s8 =	sadd.s32 $0xFFFFE003, lr  }
0x1b: {  	s9 =	sadd.s32 $0xFFFFFEF7, lr;
	s5 =	simm.s32 $0xFFFFFFFF;
	p2 =	slt.u32 s8, $0xFFFFF086  }
0x1c: {  	p1 =	slt.u32 s9, $0xF7A;
	s5 =	simm.s32 @!p2 $0x0  }
0x1d: {  	s5 =	simm.s32 @p1 $0x1;
	p0 =	seq.s32 s7, s2  }
0x1e: {  	s7 =	smul.u32 @!p0 $0xF7A, s2;
	p2 =	seq.s32 @!p0 s5, $0x0  }
0x1f: {  	s9 =	smul.u32 $0xF7A, s1;
	s8 =	simm.s32 @!p0 $0x1BF5;
	p2 =	por !p2, p0  }
0x20: {  	[sflag:s8] =	ssyncset.s32 @!p0 $0xFFFFF086;
	s6 =	sadd.s32 @!p0 s3, s7;
	s7 =	simm.s32 @!p0 $0x108  }
0x21: {  	s3 =	sadd.s32 s3, s9;
	s6 =	sadd.s32 @!p0 $0x88, s6;
	s7 =	simm.s32 @p2 $0x1082  }
0x22: {  	[simem:s7], [sflag:s8] =	dma.local @!p0 [hbm:s6], $0xF7A  }
0x23: {  	s9 =	sor.u32 $0xD0000000, s2;
	s6 =	simm.s32 $0x108;
	_ =	swait.ge @!p0 [sflag:s8], $0x0  }
0x24: {  	s3 =	sadd.s32 $0x88, s3;
	s6 =	simm.s32 @!p1 $0x1082;
	[sflag:s4] =	ssyncset.s32 $0xFFFFF086  }
0x25: {  	[simem:s6], [sflag:s4] =	dma.local [hbm:s3], $0xF7A  }
0x26: {  	[smem:$0x3F85] =	sst s1;
	(tag) =	ssettag s2;
	_ =	strace s9  }
0x27: {  	s1 =	sld [smem:$0x3F95]  }
0x28: {  	s2 =	sld [smem:$0x3F96]  }
0x29: {  	s4 =	sld [smem:$0x3F98]  }
0x2a: {  	p0 =	seq.s32 s5, $0x0;
	s5 =	sld [smem:$0x3F99]  }
0x2b: {  	s6 =	sld [smem:$0x3F9A]  }
0x2c: {  	s7 =	sld [smem:$0x3F9B]  }
0x2d: {  	s3 =	simm.s32 $0x108;
	s8 =	sld [smem:$0x3F9C]  }
0x2e: {  	s3 =	simm.s32 @!p0 $0x1082;
	s9 =	sld [smem:$0x3F9D]  }
0x2f: {  	lr =	sadd.s32 s0, s3;
	s0 =	sld [smem:$0x3F94]  }
0x30: {  	s3 =	sld [smem:$0x3F97]  }
0x31: {  	[smem:$0x3FA0] =	sst s10  }
0x32: {  	s10 =	sld [smem:$0x3F9E];
	_ =	sdelay $0x3  }
0x33: {  	p0 =	seq.s32 s10, $0x1;
	s10 =	sld [smem:$0x3FA0];
	_ =	sdelay $0x3  }
0x34: {  	[smem:$0x3FA0] =	sst s10  }
0x35: {  	s10 =	sld [smem:$0x3F9F];
	_ =	sdelay $0x3  }
0x36: {  	p1 =	seq.s32 s10, $0x1;
	s10 =	sld [smem:$0x3FA0];
	_ =	sdelay $0x3  }
0x37: {  	[smem:$0x3FA0] =	sst s10  }
0x38: {  	s10 =	sld [smem:$0x3FA1]  }
0x39: {  	_ = 	snop;
	(pc) =	sbr.ind lr, $3  }
0x3a: {  	_ = 	snop  }
0x3b: {  	_ = 	snop  }
0x3c: {  	p2 =	seq.s32 s10, $0x1;
	s10 =	sld [smem:$0x3FA0]  }
0x3d: {  	_ =	shalt  }
0x3e: {  	_ =	shalt  }
0x3f: {  	_ =	shalt  }
0x40: {  	_ =	shalt  }
0x41: {  	_ =	shalt  }
0x42: {  	_ =	shalt  }
0x43: {  	_ =	shalt  }
0x44: {  	_ =	shalt  }
0x45: {  	_ =	shalt  }
0x46: {  	_ =	shalt  }
0x47: {  	_ =	shalt  }
0x48: {  	_ =	shalt  }
0x49: {  	_ =	shalt  }
0x4a: {  	_ =	shalt  }
0x4b: {  	_ =	shalt  }
0x4c: {  	_ =	shalt  }
0x4d: {  	_ =	shalt  }
0x4e: {  	_ =	shalt  }
0x4f: {  	_ =	shalt  }
0x50: {  	_ =	shalt  }
0x51: {  	_ =	shalt  }
0x52: {  	_ =	shalt  }
0x53: {  	_ =	shalt  }
0x54: {  	_ =	shalt  }
0x55: {  	_ =	shalt  }
0x56: {  	_ =	shalt  }
0x57: {  	_ =	shalt  }
0x58: {  	_ =	shalt  }
0x59: {  	_ =	shalt  }
0x5a: {  	_ =	shalt  }
0x5b: {  	_ =	shalt  }
0x5c: {  	_ =	shalt  }
0x5d: {  	_ =	shalt  }
0x5e: {  	_ =	shalt  }
0x5f: {  	_ =	shalt  }
0x60: {  	_ =	shalt  }
0x61: {  	_ =	shalt  }
0x62: {  	_ =	shalt  }
0x63: {  	_ =	shalt  }
0x64: {  	_ =	shalt  }
0x65: {  	_ =	shalt  }
0x66: {  	_ =	shalt  }
0x67: {  	_ =	shalt  }
0x68: {  	_ =	shalt  }
0x69: {  	_ =	shalt  }
0x6a: {  	_ =	shalt  }
0x6b: {  	_ =	shalt  }
0x6c: {  	_ =	shalt  }
0x6d: {  	_ =	shalt  }
0x6e: {  	_ =	shalt  }
0x6f: {  	_ =	shalt  }
0x70: {  	_ =	shalt  }
0x71: {  	_ =	shalt  }
0x72: {  	_ =	shalt  }
0x73: {  	_ =	shalt  }
0x74: {  	_ =	shalt  }
0x75: {  	_ =	shalt  }
0x76: {  	_ =	shalt  }
0x77: {  	_ =	shalt  }
0x78: {  	_ =	shalt  }
0x79: {  	_ =	shalt  }
0x7a: {  	_ =	shalt  }
0x7b: {  	_ =	shalt  }
0x7c: {  	_ =	shalt  }
0x7d: {  	_ =	shalt  }
0x7e: {  	_ =	shalt  }
0x7f: {  	_ =	shalt  }
0x80: {  	_ =	shalt  }
0x81: {  	_ =	shalt  }
0x82: {  	_ =	shalt  }
0x83: {  	_ =	shalt  }
0x84: {  	_ =	shalt  }
0x85: {  	_ =	shalt  }
0x86: {  	_ =	shalt  }
0x87: {  	_ =	shalt  }
.Lfunc_end0:
.L_simem_size_0:
called_computation.1_lowered:
.L_overlay_start_0:
0x88: {  	s2 =	sld [smem:$0x3FD9]  }
0x89: {  	s3 =	sld [smem:$0x3FFE];
	_ =	sdelay $0x1  }
0x8a: {  	s1 =	srdreg.scid  }
0x8b: {  	s0 =	sand.u32 $0x1, s1  }
0x8c: {  	s16 =	sshll.u32 s0, $0xA;
	s2 =	sadd.s32 s3, s2  }
0x8d: {  	s2 =	sadd.s32 s2, s16  }
0x8e: {  	[smem:$0x3FAC] =	sst s2  }
0x8f: {  	_ = 	snop  }
0x90: {  	(tm) =	ssettm $0x1  }
0x91: {  	s17 =	sld [smem:$0x3FFB];
	_ =	sdelay $0x3  }
0x92: {  	_ =	strace s17  }
0x93: {  	s2 =	sld [smem:$0x3FFC];
	_ =	sdelay $0x3  }
0x94: {  	_ =	strace s2  }
0x95: {  	s2 =	sld [smem:$0x3FFD];
	_ =	sdelay $0x3  }
0x96: {  	_ =	strace s2  }
0x97: {  	_ =	strace $0x8FFFFFFF  }
0x98: {  	s18 =	sld [smem:$0x3FDB];
	_ =	sdelay $0x1  }
0x99: {  	s19 =	simm.s32 $_scs_section_size  }
0x9a: {  	s4 =	simm.s32 $_size__tile_overlayer_lowered;
	s5 =	simm.s32 $_tile_overlayer_lowered  }
0x9b: {  	s22 =	simm.s32 $0x1BFF;
	s21 =	sshll.u32 s5, $0x1;
	s2 =	sadd.s32 s19, s18  }
0x9c: {  	s6 =	simm.s32 $0x0;
	s20 =	sshll.u32 s4, $0x1;
	s4 =	sadd.s32 s21, s2  }
0x9d: {  	[timem:s6], [sflag:s22] =	dma.local [hbm:s4], s20  }
0x9e: {  	_ =	swait.ge [sflag:s22], s20  }
0x9f: {  	s3 =	ssub.s32 $0x0, s20;
	[sflag:s22] =	ssyncset.done $0x0  }
0xa0: {  	[sflag:s22] =	ssyncadd.s32 s3;
	_ =	sdelay $0x1  }
0xa1: {  	s23 =	simm.s32 $0x1B8B  }
0xa2: {  	_ =	swait.ge [sflag:s23], $0x1  }
0xa3: {  	[sflag:s23] =	ssyncset.done $0x0  }
0xa4: {  	s25 =	simm.s32 $0x1B8E;
	s24 =	sld [smem:$0x3FFE];
	[sflag:s23] =	ssyncadd.s32 $0xFFFFFFFF  }
0xa5: {  	s26 =	simm.s32 $execute0_lowered;
	[smem:$0x3FD2] =	sst s25  }
0xa6: {  	s4 =	sshll.u32 s26, $0x1;
	_ =	strace $0x80000049;
	[dreg:$0x1] =	wrdreg $0xFFFFFFFF  }
0xa7: {  	s28 =	simm.s32 $_size_execute0_lowered;
	s2 =	sadd.s32 s2, s4;
	[dreg:$0x0] =	wrdreg $0x0  }
0xa8: {  	s4 =	sshll.u32 s28, $0x1;
	[dreg:$0x2] =	wrdreg s2  }
0xa9: {  	[dreg:$0x3] =	wrdreg s4  }
0xaa: {  	[dreg:$0x4] =	wrdreg $0xC0  }
0xab: {  	_ =	task [dreg:s6], $0x5FFFF  }
0xac: {  	[dreg:$0x1] =	wrdreg $0xFFFFFFFF  }
0xad: {  	[dreg:$0x0] =	wrdreg $0x60  }
0xae: {  	[dreg:$0x2] =	wrdreg s24  }
0xaf: {  	[dreg:$0x3] =	wrdreg $0x154500  }
0xb0: {  	[dreg:$0x4] =	wrdreg $0x17B600  }
0xb1: {  	[dreg:$0x5] =	wrdreg $0x9  }
0xb2: {  	_ =	task.clear_ibuf [dreg:s6], $0x6FFFF;
	_ =	strace $0x90000049  }
0xb3: {  	s29 =	simm.s32 $0x9;
	_ =	strace $0x8000004B  }
0xb4: {  	_ =	swait.ge [sflag:s29], $0x1  }
0xb5: {  	[sflag:s29] =	ssyncadd.s32 $0xFFFFFFFF  }
0xb6: {  	_ =	strace $0x9000004B  }
0xb7: {  	_ =	sfence  }
0xb8: {  	s30 =	sld [smem:$0x0];
	_ =	sdelay $0x2  }
0xb9: {  	s31 =	sshll.u32 s1, $0xD;
	s1 =	sshrl.u32 s1, $0x2  }
0xba: {  	s3 =	sand.u32 $0x4000, s31;
	s1 =	sadd.s32 s1, s30  }
0xbb: {  	s0 =	sor.u32 s3, s0;
	s1 =	sshll.u32 s1, $0x11  }
0xbc: {  	s0 =	sor.u32 s1, s0  }
0xbd: {  	s0 =	sadd.s32 $0x8F2B, s0  }
0xbe: {  	[sflag:s0] =	ssyncadd.remote.s32 $0x1  }
0xbf: {  	_ =	sfence.sel $0xFFFF  }
0xc0: {  	[dreg:$0x0] =	wrdreg $0xFFFFFFFF;
	(pc) =	sbr.abs _section_cstart, $3  }
0xc1: {  	[dreg:$0x1] =	wrdreg $0xFFFFFFFF  }
0xc2: {  	_ =	task.clear_ibuf [dreg:s6], $0x2FFFF;
	_ =	strace $0x9FFFFFFF  }
0xc3: {  	(tm) =	ssettm $0x7FFFFFFF  }
tec
execute0_lowered:
.L_overlay_start_1:
0x0: {  	(tag) =	ssettag $0x1  }
0x1: {  	s7 =	rddreg [dreg:$0x0]  }
0x2: {  	s1 =	srdreg.scid;
	s2 =	rddreg [dreg:$0x1]  }
0x3: {  	s0 =	stileid.u32;
	s3 =	rddreg [dreg:$0x2]  }
0x4: {  	s4 =	simm.s32 $0x0;
	s15 =	simm.s32 $0x7D;
	s16 =	simm.s32 $0x1  }
0x5: {  	s17 =	simm.s32 $0x2;
	s6 =	sand.u32 $0x1, s1;
	s1 =	rddreg [dreg:$0x3]  }
0x6: {  	s28 =	sshll.u32 s0, $0x1;
	[smem:$0x7FF] =	sst s4;
	s12 =	smul.u32 $0x2710, s0  }
0x7: {  	s31 =	sshll.u32 s0, $0x6;
	s5 =	sor.u32 s6, s28;
	s10 =	smul.u32 $0x4E20, s6  }
0x8: {  	_ =	strace $0x8000004A;
	s11 =	ssub.s32 $0x2, s6;
	s8 =	smul.u32 $0x2710, s5  }
0x9: {  	s6 =	sadd.s32 $0x6800, s7;
	s5 =	smul.u32 $0x280, s5;
	s30 =	sshrl.u32 s11, $0x1  }
0xa: {  	s13 =	sadd.s32 s12, s2;
	s14 =	sadd.s32 s12, s3;
	s19 =	sshrl.u32 s12, $0x3  }
0xb: {  	s12 =	simm.s32 $0x3;
	s10 =	sadd.s32 s10, s7;
	s11 =	ssub.s32 s11, s30  }
0xc: {  	s9 =	sadd.s32 s8, s7;
	s29 =	sadd.s32 s5, s7;
	s5 =	sadd.s32 $0x6200, s7  }
0xd: {  	s7 =	sor.u32 $0x1C03, s31;
	s18 =	sadd.s32 $0xB1600, s10;
	s20 =	sadd.s32 $0xBB400, s10  }
0xe: {  	s10 =	smax.u32 s11, $0x1;
	s11 =	sshrl.u32 s13, $0x3;
	s13 =	sshrl.u32 s14, $0x3  }
0xf: {  	s14 =	simm.s32 $0x14C80;
	s8 =	sadd.s32 $0x5E400, s29;
	s9 =	sadd.s32 $0x10200, s9  }
0x10: {  	s18 =	sadd.s32 s19, s18;
	s19 =	sadd.s32 s19, s20;
	s20 =	simm.s32 $0x0  }
.LBB2_1:
0x11: {  	[spmem:s11], [sflag:s7] =	dma.local [hbm:s5], $0x4E2  }
0x12: {  	_ =	swait.ge [sflag:s12], $0x4E2  }
0x13: {  	[sflag:s12] =	ssyncset.done $0x0  }
0x14: {  	[sflag:s12] =	ssyncadd.s32 $0xFFFFFB1E  }
0x15: {  	[spmem:s13], [sflag:s7] =	dma.local [hbm:s5], $0x4E2  }
0x16: {  	_ =	swait.ge [sflag:s12], $0x4E2  }
0x17: {  	[sflag:s12] =	ssyncset.done $0x0  }
0x18: {  	[sflag:s12] =	ssyncadd.s32 $0xFFFFFB1E  }
0x19: {  	[tilespmem:s4], [sflag:$0x3] =	stream.linear.gather [hbm4b:s8+s4], $0x1400, $0x38;
	[tilespmem:$0x1A270] =	vst v63  }
0x1a: {  	_ =	swait.ge [sflag:s12], $0x1400  }
0x1b: {  	[sflag:s12] =	ssyncset.done $0x0  }
0x1c: {  	s21 =	simm.s32 $0x1400;
	[sflag:s12] =	ssyncadd.s32 $0xFFFFEC00  }
0x1d: {  	[tilespmem:s21], [sflag:$0x3] =	stream.linear.gather [hbm4b:s9+s4], $0x13880, $0x38;
	[tilespmem:$0x1A270] =	vst v63  }
0x1e: {  	_ =	swait.ge [sflag:s12], $0x13880  }
0x1f: {  	[sflag:s12] =	ssyncset.done $0x0  }
0x20: {  	[sflag:s12] =	ssyncadd.s32 $0xFFFEC780  }
0x21: {  	[tilespmem:s14], [sflag:$0x3] =	stream.linear.gather [hbm4b:s6+s4], $0x7D0, $0x38;
	[tilespmem:$0x1A270] =	vst v63  }
0x22: {  	_ =	swait.ge [sflag:s12], $0x7D0  }
0x23: {  	[sflag:s12] =	ssyncset.done $0x0  }
0x24: {  	[sflag:s12] =	ssyncadd.s32 $0xFFFFF830  }
0x25: {  	s23 =	simm.s32 $0x0;
	[bflag:$0x0] =	sbarrier.arrive $0xFFFF  }
0x26: {  	[spmem:s2] =	stream.indirect.scatter.add.f32 [tilespmem:s21], [sflag:$0x1], $0x10, s23, s15, $0xb8;
	[tilespmem:$0x1A270] =	vst v63  }
0x27: {  	s22 =	simm.s32 $0x1BD0;
	s21 =	simm.s32 $0x200  }
.LBB2_2:
0x28: {  	[spmem:s3] =	stream.indirect.scatter.add.f32 [tilespmem:s14], [sflag:$0x2], $0x10, s23, s15, $0xb8;
	[tilespmem:$0x1A270] =	vst v63  }
0x29: {  	s23 =	smov.u32 s21;
	p0 =	sne.s32 s21, $0x4E00  }
.Ltmp0:
0x2a: {  	s21 =	sadd.s32 $0x200, s21;
	(pc) =	sbr.rel @p0 .LBB2_2-.Ltmp0, $4  }
0x2b: {  	_ = 	snop  }
0x2c: {  	s23 =	sshra.s32 s23, $0x2  }
0x2d: {  	[spmem:s2] =	stream.indirect.scatter.add.f32 [tilespmem:s22], [sflag:$0x1], $0x10, s23, s15, $0xb8;
	[tilespmem:$0x1A270] =	vst v63  }
0x2e: {  	s22 =	sadd.s32 $0x7D0, s22  }
0x2f: {  	[spmem:s3] =	stream.indirect.scatter.add.f32 [tilespmem:s14], [sflag:$0x2], $0x10, s23, s15, $0xb8;
	[tilespmem:$0x1A270] =	vst v63  }
0x30: {  	_ =	swait.ge [sflag:s16], $0x13880  }
0x31: {  	[sflag:s16] =	ssyncset.done $0x0  }
0x32: {  	[sflag:s16] =	ssyncadd.s32 $0xFFFEC780  }
0x33: {  	_ =	swait.ge [sflag:s17], $0x13880  }
0x34: {  	[sflag:s17] =	ssyncset.done $0x0  }
0x35: {  	[sflag:s17] =	ssyncadd.s32 $0xFFFEC780  }
0x36: {  	[bflag:$0x0] =	sbarrier.arrive $0xFFFF  }
0x37: {  	[hbm:s18], [sflag:s7] =	dma.local [spmem:s11], $0x4E2  }
0x38: {  	s20 =	sadd.s32 $0x1, s20;
	_ =	swait.ge [sflag:s12], $0x4E2  }
0x39: {  	p0 =	sne.s32 s20, s10;
	[sflag:s12] =	ssyncset.done $0x0  }
.Ltmp1:
0x3a: {  	[sflag:s12] =	ssyncadd.s32 $0xFFFFFB1E;
	(pc) =	sbr.rel @p0 .LBB2_1-.Ltmp1, $4  }
0x3b: {  	[hbm:s19], [sflag:s7] =	dma.local [spmem:s13], $0x4E2  }
0x3c: {  	_ =	swait.ge [sflag:s12], $0x4E2  }
0x3d: {  	[sflag:s12] =	ssyncset.done $0x0  }
0x3e: {  	[sflag:s12] =	ssyncadd.s32 $0xFFFFFB1E  }
0x3f: {  	_ =	sfence.sel $0x180000  }
0x40: {  	[bflag:$0x0] =	sbarrier.arrive $0xFFFF  }
0x41: {  	p0 =	sne.s32 s0, $0x0;
	_ =	strace $0x9000004A  }
0x42: {  	s0 =	sadd.s32 @!p0 $0x100000, s1;
	[bflag:$0x2] =	sbarrier.arrive $0xFFFF  }
0x43: {  	[sflag:s0] =	ssyncadd.tile.s32 @!p0 $0x1;
	_ =	shalt  }
.Lfunc_end2:
_tile_overlayer_lowered:
.L_overlay_start_2:
0x44: {  	(tag) =	ssettag $0x2  }
0x45: {  	s0 =	rddreg [dreg:$0x0];
	s2 =	stileid.u32  }
0x46: {  	s1 =	rddreg [dreg:$0x1];
	p0 =	sne.s32 s2, $0x0  }
0x47: {  	s3 =	rddreg [dreg:$0x2];
	[bflag:$0x3] =	sbarrier.arrive $0xFFFF;
	s2 =	simm.s32 @!p0 $0x1C03  }
0x48: {  	[timem:s3], [sflag:s2] =	dma.local @!p0 [hbm:s0], s1  }
0x49: {  	s0 =	simm.s32 @!p0 $0x3  }
0x4a: {  	_ =	swait.ge @!p0 [sflag:s0], s1  }
0x4b: {  	s1 =	ssub.s32 @!p0 $0x0, s1;
	[sflag:s0] =	ssyncset.done @!p0 $0x0  }
0x4c: {  	[sflag:s0] =	ssyncadd.s32 @!p0 s1  }
0x4d: {  	[bflag:$0x3] =	sbarrier.arrive $0xFFFF  }
0x4e: {  	_ =	shalt  }

// kernel: kernel.18.cloned.1.call-start
scs
__scs_entry_jumppad:
0x0: {  	(pc) =	sbr.rel $0x88, $3  }
0x1: {  	(tag) =	ssettag $0x0;
	lr =	simm.s32 $0x1  }
0x2: {  	[smem:$0x3F85] =	sst lr;
	_ =	strace $0xD0000000  }
0x3: {  	_ = 	snop  }
0x4: {  	_ = 	snop  }
0x5: {  	_ = 	snop  }
0x6: {  	_ = 	snop  }
0x7: {  	_ = 	snop  }
__scs_overlays_trampoline_lowered:
0x8: {  	[smem:$0x3F94] =	sst s0  }
0x9: {  	[smem:$0x3F95] =	sst s1  }
0xa: {  	[smem:$0x3F96] =	sst s2  }
0xb: {  	[smem:$0x3F97] =	sst s3  }
0xc: {  	[smem:$0x3F98] =	sst s4  }
0xd: {  	[smem:$0x3F99] =	sst s5  }
0xe: {  	[smem:$0x3F9A] =	sst s6  }
0xf: {  	[smem:$0x3F9B] =	sst s7  }
0x10: {  	[smem:$0x3F9C] =	sst s8  }
0x11: {  	[smem:$0x3F9D] =	sst s9;
	s0 =	simm.s32 @!p0 $0x0  }
0x12: {  	s1 =	sld [smem:$0x3F83];
	s0 =	simm.s32 @p0 $0x1  }
0x13: {  	[smem:$0x3F9E] =	sst s0;
	s0 =	simm.s32 @!p1 $0x0  }
0x14: {  	s2 =	sld [smem:$0x3F82];
	s0 =	simm.s32 @p1 $0x1  }
0x15: {  	[smem:$0x3F9F] =	sst s0;
	s0 =	simm.s32 @!p2 $0x0  }
0x16: {  	s3 =	sld [smem:$0x3FDB];
	s0 =	simm.s32 @p2 $0x1  }
0x17: {  	s4 =	simm.s32 $0x1BF5;
	[smem:$0x3FA1] =	sst s0  }
0x18: {  	s0 =	sld [smem:$0x3F84];
	_ =	swait.ge [sflag:s4], $0x0  }
0x19: {  	s7 =	sld [smem:$0x3F85]  }
0x1a: {  	s8 =	sadd.s32 $0xFFFFE003, lr  }
0x1b: {  	s9 =	sadd.s32 $0xFFFFFEF7, lr;
	s5 =	simm.s32 $0xFFFFFFFF;
	p2 =	slt.u32 s8, $0xFFFFF086  }
0x1c: {  	p1 =	slt.u32 s9, $0xF7A;
	s5 =	simm.s32 @!p2 $0x0  }
0x1d: {  	s5 =	simm.s32 @p1 $0x1;
	p0 =	seq.s32 s7, s2  }
0x1e: {  	s7 =	smul.u32 @!p0 $0xF7A, s2;
	p2 =	seq.s32 @!p0 s5, $0x0  }
0x1f: {  	s9 =	smul.u32 $0xF7A, s1;
	s8 =	simm.s32 @!p0 $0x1BF5;
	p2 =	por !p2, p0  }
0x20: {  	[sflag:s8] =	ssyncset.s32 @!p0 $0xFFFFF086;
	s6 =	sadd.s32 @!p0 s3, s7;
	s7 =	simm.s32 @!p0 $0x108  }
0x21: {  	s3 =	sadd.s32 s3, s9;
	s6 =	sadd.s32 @!p0 $0x88, s6;
	s7 =	simm.s32 @p2 $0x1082  }
0x22: {  	[simem:s7], [sflag:s8] =	dma.local @!p0 [hbm:s6], $0xF7A  }
0x23: {  	s9 =	sor.u32 $0xD0000000, s2;
	s6 =	simm.s32 $0x108;
	_ =	swait.ge @!p0 [sflag:s8], $0x0  }
0x24: {  	s3 =	sadd.s32 $0x88, s3;
	s6 =	simm.s32 @!p1 $0x1082;
	[sflag:s4] =	ssyncset.s32 $0xFFFFF086  }
0x25: {  	[simem:s6], [sflag:s4] =	dma.local [hbm:s3], $0xF7A  }
0x26: {  	[smem:$0x3F85] =	sst s1;
	(tag) =	ssettag s2;
	_ =	strace s9  }
0x27: {  	s1 =	sld [smem:$0x3F95]  }
0x28: {  	s2 =	sld [smem:$0x3F96]  }
0x29: {  	s4 =	sld [smem:$0x3F98]  }
0x2a: {  	p0 =	seq.s32 s5, $0x0;
	s5 =	sld [smem:$0x3F99]  }
0x2b: {  	s6 =	sld [smem:$0x3F9A]  }
0x2c: {  	s7 =	sld [smem:$0x3F9B]  }
0x2d: {  	s3 =	simm.s32 $0x108;
	s8 =	sld [smem:$0x3F9C]  }
0x2e: {  	s3 =	simm.s32 @!p0 $0x1082;
	s9 =	sld [smem:$0x3F9D]  }
0x2f: {  	lr =	sadd.s32 s0, s3;
	s0 =	sld [smem:$0x3F94]  }
0x30: {  	s3 =	sld [smem:$0x3F97]  }
0x31: {  	[smem:$0x3FA0] =	sst s10  }
0x32: {  	s10 =	sld [smem:$0x3F9E];
	_ =	sdelay $0x3  }
0x33: {  	p0 =	seq.s32 s10, $0x1;
	s10 =	sld [smem:$0x3FA0];
	_ =	sdelay $0x3  }
0x34: {  	[smem:$0x3FA0] =	sst s10  }
0x35: {  	s10 =	sld [smem:$0x3F9F];
	_ =	sdelay $0x3  }
0x36: {  	p1 =	seq.s32 s10, $0x1;
	s10 =	sld [smem:$0x3FA0];
	_ =	sdelay $0x3  }
0x37: {  	[smem:$0x3FA0] =	sst s10  }
0x38: {  	s10 =	sld [smem:$0x3FA1]  }
0x39: {  	_ = 	snop;
	(pc) =	sbr.ind lr, $3  }
0x3a: {  	_ = 	snop  }
0x3b: {  	_ = 	snop  }
0x3c: {  	p2 =	seq.s32 s10, $0x1;
	s10 =	sld [smem:$0x3FA0]  }
0x3d: {  	_ =	shalt  }
0x3e: {  	_ =	shalt  }
0x3f: {  	_ =	shalt  }
0x40: {  	_ =	shalt  }
0x41: {  	_ =	shalt  }
0x42: {  	_ =	shalt  }
0x43: {  	_ =	shalt  }
0x44: {  	_ =	shalt  }
0x45: {  	_ =	shalt  }
0x46: {  	_ =	shalt  }
0x47: {  	_ =	shalt  }
0x48: {  	_ =	shalt  }
0x49: {  	_ =	shalt  }
0x4a: {  	_ =	shalt  }
0x4b: {  	_ =	shalt  }
0x4c: {  	_ =	shalt  }
0x4d: {  	_ =	shalt  }
0x4e: {  	_ =	shalt  }
0x4f: {  	_ =	shalt  }
0x50: {  	_ =	shalt  }
0x51: {  	_ =	shalt  }
0x52: {  	_ =	shalt  }
0x53: {  	_ =	shalt  }
0x54: {  	_ =	shalt  }
0x55: {  	_ =	shalt  }
0x56: {  	_ =	shalt  }
0x57: {  	_ =	shalt  }
0x58: {  	_ =	shalt  }
0x59: {  	_ =	shalt  }
0x5a: {  	_ =	shalt  }
0x5b: {  	_ =	shalt  }
0x5c: {  	_ =	shalt  }
0x5d: {  	_ =	shalt  }
0x5e: {  	_ =	shalt  }
0x5f: {  	_ =	shalt  }
0x60: {  	_ =	shalt  }
0x61: {  	_ =	shalt  }
0x62: {  	_ =	shalt  }
0x63: {  	_ =	shalt  }
0x64: {  	_ =	shalt  }
0x65: {  	_ =	shalt  }
0x66: {  	_ =	shalt  }
0x67: {  	_ =	shalt  }
0x68: {  	_ =	shalt  }
0x69: {  	_ =	shalt  }
0x6a: {  	_ =	shalt  }
0x6b: {  	_ =	shalt  }
0x6c: {  	_ =	shalt  }
0x6d: {  	_ =	shalt  }
0x6e: {  	_ =	shalt  }
0x6f: {  	_ =	shalt  }
0x70: {  	_ =	shalt  }
0x71: {  	_ =	shalt  }
0x72: {  	_ =	shalt  }
0x73: {  	_ =	shalt  }
0x74: {  	_ =	shalt  }
0x75: {  	_ =	shalt  }
0x76: {  	_ =	shalt  }
0x77: {  	_ =	shalt  }
0x78: {  	_ =	shalt  }
0x79: {  	_ =	shalt  }
0x7a: {  	_ =	shalt  }
0x7b: {  	_ =	shalt  }
0x7c: {  	_ =	shalt  }
0x7d: {  	_ =	shalt  }
0x7e: {  	_ =	shalt  }
0x7f: {  	_ =	shalt  }
0x80: {  	_ =	shalt  }
0x81: {  	_ =	shalt  }
0x82: {  	_ =	shalt  }
0x83: {  	_ =	shalt  }
0x84: {  	_ =	shalt  }
0x85: {  	_ =	shalt  }
0x86: {  	_ =	shalt  }
0x87: {  	_ =	shalt  }
.Lfunc_end0:
.L_simem_size_0:
called_computation.2_lowered:
.L_overlay_start_0:
0x88: {  	s2 =	sld [smem:$0x3FD9]  }
0x89: {  	s3 =	sld [smem:$0x3FFE];
	_ =	sdelay $0x1  }
0x8a: {  	s1 =	srdreg.scid  }
0x8b: {  	s0 =	sand.u32 $0x1, s1  }
0x8c: {  	s16 =	sshll.u32 s0, $0xA;
	s2 =	sadd.s32 s3, s2  }
0x8d: {  	s2 =	sadd.s32 s2, s16  }
0x8e: {  	[smem:$0x3FAC] =	sst s2  }
0x8f: {  	_ = 	snop  }
0x90: {  	(tm) =	ssettm $0x1  }
0x91: {  	s17 =	sld [smem:$0x3FFB];
	_ =	sdelay $0x3  }
0x92: {  	_ =	strace s17  }
0x93: {  	s2 =	sld [smem:$0x3FFC];
	_ =	sdelay $0x3  }
0x94: {  	_ =	strace s2  }
0x95: {  	s2 =	sld [smem:$0x3FFD];
	_ =	sdelay $0x3  }
0x96: {  	_ =	strace s2  }
0x97: {  	_ =	strace $0x8FFFFFFF  }
0x98: {  	s18 =	sld [smem:$0x3FDB];
	_ =	sdelay $0x1  }
0x99: {  	s19 =	simm.s32 $_scs_section_size  }
0x9a: {  	s4 =	simm.s32 $_size__tile_overlayer_lowered;
	s5 =	simm.s32 $_tile_overlayer_lowered  }
0x9b: {  	s22 =	simm.s32 $0x1BFF;
	s21 =	sshll.u32 s5, $0x1;
	s2 =	sadd.s32 s19, s18  }
0x9c: {  	s6 =	simm.s32 $0x0;
	s20 =	sshll.u32 s4, $0x1;
	s4 =	sadd.s32 s21, s2  }
0x9d: {  	[timem:s6], [sflag:s22] =	dma.local [hbm:s4], s20  }
0x9e: {  	_ =	swait.ge [sflag:s22], s20  }
0x9f: {  	s3 =	ssub.s32 $0x0, s20;
	[sflag:s22] =	ssyncset.done $0x0  }
0xa0: {  	[sflag:s22] =	ssyncadd.s32 s3;
	_ =	sdelay $0x1  }
0xa1: {  	s23 =	simm.s32 $0x1B8B  }
0xa2: {  	_ =	swait.ge [sflag:s23], $0x1  }
0xa3: {  	[sflag:s23] =	ssyncset.done $0x0  }
0xa4: {  	s25 =	simm.s32 $0x1B8E;
	s24 =	sld [smem:$0x3FFE];
	[sflag:s23] =	ssyncadd.s32 $0xFFFFFFFF  }
0xa5: {  	s26 =	simm.s32 $execute0_lowered;
	[smem:$0x3FD2] =	sst s25  }
0xa6: {  	s4 =	sshll.u32 s26, $0x1;
	_ =	strace $0x8000004C;
	[dreg:$0x1] =	wrdreg $0xFFFFFFFF  }
0xa7: {  	s28 =	simm.s32 $_size_execute0_lowered;
	s2 =	sadd.s32 s2, s4;
	[dreg:$0x0] =	wrdreg $0x0  }
0xa8: {  	s4 =	sshll.u32 s28, $0x1;
	[dreg:$0x2] =	wrdreg s2  }
0xa9: {  	[dreg:$0x3] =	wrdreg s4  }
0xaa: {  	[dreg:$0x4] =	wrdreg $0xC0  }
0xab: {  	_ =	task [dreg:s6], $0x5FFFF  }
0xac: {  	[dreg:$0x1] =	wrdreg $0xFFFFFFFF  }
0xad: {  	[dreg:$0x0] =	wrdreg $0x60  }
0xae: {  	[dreg:$0x2] =	wrdreg s24  }
0xaf: {  	[dreg:$0x3] =	wrdreg $0x9  }
0xb0: {  	_ =	task.clear_ibuf [dreg:s6], $0x4FFFF;
	_ =	strace $0x9000004C  }
0xb1: {  	s29 =	simm.s32 $0x9;
	_ =	strace $0x8000004E  }
0xb2: {  	_ =	swait.ge [sflag:s29], $0x1  }
0xb3: {  	[sflag:s29] =	ssyncadd.s32 $0xFFFFFFFF  }
0xb4: {  	_ =	strace $0x9000004E  }
0xb5: {  	_ =	sfence  }
0xb6: {  	s30 =	sld [smem:$0x0];
	_ =	sdelay $0x2  }
0xb7: {  	s31 =	sshll.u32 s1, $0xD;
	s1 =	sshrl.u32 s1, $0x2  }
0xb8: {  	s3 =	sand.u32 $0x4000, s31;
	s1 =	sadd.s32 s1, s30  }
0xb9: {  	s0 =	sor.u32 s3, s0;
	s1 =	sshll.u32 s1, $0x11  }
0xba: {  	s0 =	sor.u32 s1, s0  }
0xbb: {  	s0 =	sadd.s32 $0x8F2B, s0  }
0xbc: {  	[sflag:s0] =	ssyncadd.remote.s32 $0x1  }
0xbd: {  	_ =	sfence.sel $0xFFFF  }
0xbe: {  	[dreg:$0x0] =	wrdreg $0xFFFFFFFF;
	(pc) =	sbr.abs _section_cstart, $3  }
0xbf: {  	[dreg:$0x1] =	wrdreg $0xFFFFFFFF  }
0xc0: {  	_ =	task.clear_ibuf [dreg:s6], $0x2FFFF;
	_ =	strace $0x9FFFFFFF  }
0xc1: {  	(tm) =	ssettm $0x7FFFFFFF  }
tec
execute0_lowered:
.L_overlay_start_1:
0x0: {  	(tag) =	ssettag $0x1  }
0x1: {  	s1 =	srdreg.scid;
	s0 =	stileid.u32  }
0x2: {  	s5 =	rddreg [dreg:$0x0];
	s2 =	simm.s32 $0x0;
	s8 =	simm.s32 $0x7D  }
0x3: {  	s9 =	simm.s32 $0x1;
	s4 =	sand.u32 $0x1, s1;
	s30 =	sshll.u32 s0, $0x1  }
0x4: {  	s10 =	simm.s32 $0x1400;
	s1 =	rddreg [dreg:$0x1];
	s3 =	sor.u32 s4, s30  }
0x5: {  	s11 =	simm.s32 $0x0;
	[smem:$0x7FF] =	sst s2;
	s6 =	smul.u32 $0x280, s3  }
0x6: {  	_ =	strace $0x8000004D;
	s4 =	ssub.s32 $0x2, s4;
	s7 =	smul.u32 $0x2710, s3  }
0x7: {  	s3 =	sadd.s32 $0x10200, s5;
	s31 =	sshrl.u32 s4, $0x1;
	s6 =	sadd.s32 s6, s5  }
0x8: {  	s5 =	sadd.s32 s7, s5;
	s7 =	ssub.s32 s4, s31;
	s4 =	sadd.s32 $0xB200, s6  }
0x9: {  	s5 =	sadd.s32 $0xB1600, s5;
	s6 =	smax.u32 s7, $0x1;
	s7 =	simm.s32 $0x2  }
.LBB2_1:
0xa: {  	[tilespmem:s2], [sflag:$0x2] =	stream.linear.gather [hbm4b:s4+s2], $0x1400, $0x38;
	[tilespmem:$0x14C80] =	vst v63  }
0xb: {  	_ =	swait.ge [sflag:s7], $0x1400  }
0xc: {  	s12 =	simm.s32 $0x200;
	s15 =	simm.s32 $0x0;
	[sflag:s7] =	ssyncset.done $0x0  }
0xd: {  	s13 =	simm.s32 $0x1BD0;
	s14 =	simm.s32 $0x1400;
	[sflag:s7] =	ssyncadd.s32 $0xFFFFEC00  }
.LBB2_2:
0xe: {  	[tilespmem:s14], [sflag:$0x1] =	stream.indirect.gather [hbm4b:s3+s8], $0x10, s15, s8, $0xb8;
	[tilespmem:$0x14C80] =	vst v63  }
0xf: {  	s15 =	smov.u32 s12;
	s14 =	smov.u32 s13;
	p0 =	sne.s32 s12, $0x4E00  }
.Ltmp0:
0x10: {  	s12 =	sadd.s32 $0x200, s12;
	(pc) =	sbr.rel @p0 .LBB2_2-.Ltmp0, $2  }
0x11: {  	_ =	sdelay $0x2  }
0x12: {  	s13 =	sadd.s32 $0x7D0, s13;
	s15 =	sshra.s32 s15, $0x2  }
0x13: {  	[tilespmem:s14], [sflag:$0x1] =	stream.indirect.gather [hbm4b:s3+s8], $0x10, s15, s8, $0xb8;
	[tilespmem:$0x14C80] =	vst v63  }
0x14: {  	s11 =	sadd.s32 $0x1, s11;
	_ =	swait.ge [sflag:s9], $0x13880  }
0x15: {  	p0 =	sne.s32 s11, s6;
	[sflag:s9] =	ssyncset.done $0x0  }
.Ltmp1:
0x16: {  	[sflag:s9] =	ssyncadd.s32 $0xFFFEC780;
	(pc) =	sbr.rel @p0 .LBB2_1-.Ltmp1, $4  }
0x17: {  	[hbm4b:s5+s2] =	stream.linear.scatter [tilespmem:s10], [sflag:$0x2], $0x13880, $0x38;
	[tilespmem:$0x14C80] =	vst v63  }
0x18: {  	_ =	swait.ge [sflag:s7], $0x13880  }
0x19: {  	[sflag:s7] =	ssyncset.done $0x0  }
0x1a: {  	[sflag:s7] =	ssyncadd.s32 $0xFFFEC780  }
0x1b: {  	_ =	sfence.sel $0x180000  }
0x1c: {  	[bflag:$0x0] =	sbarrier.arrive $0xFFFF  }
0x1d: {  	p0 =	sne.s32 s0, $0x0;
	_ =	strace $0x9000004D  }
0x1e: {  	s0 =	sadd.s32 @!p0 $0x100000, s1;
	[bflag:$0x2] =	sbarrier.arrive $0xFFFF  }
0x1f: {  	[sflag:s0] =	ssyncadd.tile.s32 @!p0 $0x1;
	_ =	shalt  }
.Lfunc_end2:
_tile_overlayer_lowered:
.L_overlay_start_2:
0x20: {  	(tag) =	ssettag $0x2  }
0x21: {  	s0 =	rddreg [dreg:$0x0];
	s2 =	stileid.u32  }
0x22: {  	s1 =	rddreg [dreg:$0x1];
	p0 =	sne.s32 s2, $0x0  }
0x23: {  	s3 =	rddreg [dreg:$0x2];
	[bflag:$0x3] =	sbarrier.arrive $0xFFFF;
	s2 =	simm.s32 @!p0 $0x1C02  }
0x24: {  	[timem:s3], [sflag:s2] =	dma.local @!p0 [hbm:s0], s1  }
0x25: {  	s0 =	simm.s32 @!p0 $0x2  }
0x26: {  	_ =	swait.ge @!p0 [sflag:s0], s1  }
0x27: {  	s1 =	ssub.s32 @!p0 $0x0, s1;
	[sflag:s0] =	ssyncset.done @!p0 $0x0  }
0x28: {  	[sflag:s0] =	ssyncadd.s32 @!p0 s1  }
0x29: {  	[bflag:$0x3] =	sbarrier.arrive $0xFFFF  }
0x2a: {  	_ =	shalt  }

// kernel: kernel.21.cloned.1.call-start
scs
__scs_entry_jumppad:
0x0: {  	(pc) =	sbr.rel $0x88, $3  }
0x1: {  	(tag) =	ssettag $0x0;
	lr =	simm.s32 $0x1  }
0x2: {  	[smem:$0x3F85] =	sst lr;
	_ =	strace $0xD0000000  }
0x3: {  	_ = 	snop  }
0x4: {  	_ = 	snop  }
0x5: {  	_ = 	snop  }
0x6: {  	_ = 	snop  }
0x7: {  	_ = 	snop  }
__scs_overlays_trampoline_lowered:
0x8: {  	[smem:$0x3F94] =	sst s0  }
0x9: {  	[smem:$0x3F95] =	sst s1  }
0xa: {  	[smem:$0x3F96] =	sst s2  }
0xb: {  	[smem:$0x3F97] =	sst s3  }
0xc: {  	[smem:$0x3F98] =	sst s4  }
0xd: {  	[smem:$0x3F99] =	sst s5  }
0xe: {  	[smem:$0x3F9A] =	sst s6  }
0xf: {  	[smem:$0x3F9B] =	sst s7  }
0x10: {  	[smem:$0x3F9C] =	sst s8  }
0x11: {  	[smem:$0x3F9D] =	sst s9;
	s0 =	simm.s32 @!p0 $0x0  }
0x12: {  	s1 =	sld [smem:$0x3F83];
	s0 =	simm.s32 @p0 $0x1  }
0x13: {  	[smem:$0x3F9E] =	sst s0;
	s0 =	simm.s32 @!p1 $0x0  }
0x14: {  	s2 =	sld [smem:$0x3F82];
	s0 =	simm.s32 @p1 $0x1  }
0x15: {  	[smem:$0x3F9F] =	sst s0;
	s0 =	simm.s32 @!p2 $0x0  }
0x16: {  	s3 =	sld [smem:$0x3FDB];
	s0 =	simm.s32 @p2 $0x1  }
0x17: {  	s4 =	simm.s32 $0x1BF5;
	[smem:$0x3FA1] =	sst s0  }
0x18: {  	s0 =	sld [smem:$0x3F84];
	_ =	swait.ge [sflag:s4], $0x0  }
0x19: {  	s7 =	sld [smem:$0x3F85]  }
0x1a: {  	s8 =	sadd.s32 $0xFFFFE003, lr  }
0x1b: {  	s9 =	sadd.s32 $0xFFFFFEF7, lr;
	s5 =	simm.s32 $0xFFFFFFFF;
	p2 =	slt.u32 s8, $0xFFFFF086  }
0x1c: {  	p1 =	slt.u32 s9, $0xF7A;
	s5 =	simm.s32 @!p2 $0x0  }
0x1d: {  	s5 =	simm.s32 @p1 $0x1;
	p0 =	seq.s32 s7, s2  }
0x1e: {  	s7 =	smul.u32 @!p0 $0xF7A, s2;
	p2 =	seq.s32 @!p0 s5, $0x0  }
0x1f: {  	s9 =	smul.u32 $0xF7A, s1;
	s8 =	simm.s32 @!p0 $0x1BF5;
	p2 =	por !p2, p0  }
0x20: {  	[sflag:s8] =	ssyncset.s32 @!p0 $0xFFFFF086;
	s6 =	sadd.s32 @!p0 s3, s7;
	s7 =	simm.s32 @!p0 $0x108  }
0x21: {  	s3 =	sadd.s32 s3, s9;
	s6 =	sadd.s32 @!p0 $0x88, s6;
	s7 =	simm.s32 @p2 $0x1082  }
0x22: {  	[simem:s7], [sflag:s8] =	dma.local @!p0 [hbm:s6], $0xF7A  }
0x23: {  	s9 =	sor.u32 $0xD0000000, s2;
	s6 =	simm.s32 $0x108;
	_ =	swait.ge @!p0 [sflag:s8], $0x0  }
0x24: {  	s3 =	sadd.s32 $0x88, s3;
	s6 =	simm.s32 @!p1 $0x1082;
	[sflag:s4] =	ssyncset.s32 $0xFFFFF086  }
0x25: {  	[simem:s6], [sflag:s4] =	dma.local [hbm:s3], $0xF7A  }
0x26: {  	[smem:$0x3F85] =	sst s1;
	(tag) =	ssettag s2;
	_ =	strace s9  }
0x27: {  	s1 =	sld [smem:$0x3F95]  }
0x28: {  	s2 =	sld [smem:$0x3F96]  }
0x29: {  	s4 =	sld [smem:$0x3F98]  }
0x2a: {  	p0 =	seq.s32 s5, $0x0;
	s5 =	sld [smem:$0x3F99]  }
0x2b: {  	s6 =	sld [smem:$0x3F9A]  }
0x2c: {  	s7 =	sld [smem:$0x3F9B]  }
0x2d: {  	s3 =	simm.s32 $0x108;
	s8 =	sld [smem:$0x3F9C]  }
0x2e: {  	s3 =	simm.s32 @!p0 $0x1082;
	s9 =	sld [smem:$0x3F9D]  }
0x2f: {  	lr =	sadd.s32 s0, s3;
	s0 =	sld [smem:$0x3F94]  }
0x30: {  	s3 =	sld [smem:$0x3F97]  }
0x31: {  	[smem:$0x3FA0] =	sst s10  }
0x32: {  	s10 =	sld [smem:$0x3F9E];
	_ =	sdelay $0x3  }
0x33: {  	p0 =	seq.s32 s10, $0x1;
	s10 =	sld [smem:$0x3FA0];
	_ =	sdelay $0x3  }
0x34: {  	[smem:$0x3FA0] =	sst s10  }
0x35: {  	s10 =	sld [smem:$0x3F9F];
	_ =	sdelay $0x3  }
0x36: {  	p1 =	seq.s32 s10, $0x1;
	s10 =	sld [smem:$0x3FA0];
	_ =	sdelay $0x3  }
0x37: {  	[smem:$0x3FA0] =	sst s10  }
0x38: {  	s10 =	sld [smem:$0x3FA1]  }
0x39: {  	_ = 	snop;
	(pc) =	sbr.ind lr, $3  }
0x3a: {  	_ = 	snop  }
0x3b: {  	_ = 	snop  }
0x3c: {  	p2 =	seq.s32 s10, $0x1;
	s10 =	sld [smem:$0x3FA0]  }
0x3d: {  	_ =	shalt  }
0x3e: {  	_ =	shalt  }
0x3f: {  	_ =	shalt  }
0x40: {  	_ =	shalt  }
0x41: {  	_ =	shalt  }
0x42: {  	_ =	shalt  }
0x43: {  	_ =	shalt  }
0x44: {  	_ =	shalt  }
0x45: {  	_ =	shalt  }
0x46: {  	_ =	shalt  }
0x47: {  	_ =	shalt  }
0x48: {  	_ =	shalt  }
0x49: {  	_ =	shalt  }
0x4a: {  	_ =	shalt  }
0x4b: {  	_ =	shalt  }
0x4c: {  	_ =	shalt  }
0x4d: {  	_ =	shalt  }
0x4e: {  	_ =	shalt  }
0x4f: {  	_ =	shalt  }
0x50: {  	_ =	shalt  }
0x51: {  	_ =	shalt  }
0x52: {  	_ =	shalt  }
0x53: {  	_ =	shalt  }
0x54: {  	_ =	shalt  }
0x55: {  	_ =	shalt  }
0x56: {  	_ =	shalt  }
0x57: {  	_ =	shalt  }
0x58: {  	_ =	shalt  }
0x59: {  	_ =	shalt  }
0x5a: {  	_ =	shalt  }
0x5b: {  	_ =	shalt  }
0x5c: {  	_ =	shalt  }
0x5d: {  	_ =	shalt  }
0x5e: {  	_ =	shalt  }
0x5f: {  	_ =	shalt  }
0x60: {  	_ =	shalt  }
0x61: {  	_ =	shalt  }
0x62: {  	_ =	shalt  }
0x63: {  	_ =	shalt  }
0x64: {  	_ =	shalt  }
0x65: {  	_ =	shalt  }
0x66: {  	_ =	shalt  }
0x67: {  	_ =	shalt  }
0x68: {  	_ =	shalt  }
0x69: {  	_ =	shalt  }
0x6a: {  	_ =	shalt  }
0x6b: {  	_ =	shalt  }
0x6c: {  	_ =	shalt  }
0x6d: {  	_ =	shalt  }
0x6e: {  	_ =	shalt  }
0x6f: {  	_ =	shalt  }
0x70: {  	_ =	shalt  }
0x71: {  	_ =	shalt  }
0x72: {  	_ =	shalt  }
0x73: {  	_ =	shalt  }
0x74: {  	_ =	shalt  }
0x75: {  	_ =	shalt  }
0x76: {  	_ =	shalt  }
0x77: {  	_ =	shalt  }
0x78: {  	_ =	shalt  }
0x79: {  	_ =	shalt  }
0x7a: {  	_ =	shalt  }
0x7b: {  	_ =	shalt  }
0x7c: {  	_ =	shalt  }
0x7d: {  	_ =	shalt  }
0x7e: {  	_ =	shalt  }
0x7f: {  	_ =	shalt  }
0x80: {  	_ =	shalt  }
0x81: {  	_ =	shalt  }
0x82: {  	_ =	shalt  }
0x83: {  	_ =	shalt  }
0x84: {  	_ =	shalt  }
0x85: {  	_ =	shalt  }
0x86: {  	_ =	shalt  }
0x87: {  	_ =	shalt  }
.Lfunc_end0:
.L_simem_size_0:
called_computation.3_lowered:
.L_overlay_start_0:
0x88: {  	s2 =	sld [smem:$0x3FD9]  }
0x89: {  	s3 =	sld [smem:$0x3FFE];
	_ =	sdelay $0x1  }
0x8a: {  	s1 =	srdreg.scid  }
0x8b: {  	s0 =	sand.u32 $0x1, s1  }
0x8c: {  	s16 =	sshll.u32 s0, $0xA;
	s2 =	sadd.s32 s3, s2  }
0x8d: {  	s2 =	sadd.s32 s2, s16  }
0x8e: {  	[smem:$0x3FAC] =	sst s2  }
0x8f: {  	_ = 	snop  }
0x90: {  	(tm) =	ssettm $0x1  }
0x91: {  	s17 =	sld [smem:$0x3FFB];
	_ =	sdelay $0x3  }
0x92: {  	_ =	strace s17  }
0x93: {  	s2 =	sld [smem:$0x3FFC];
	_ =	sdelay $0x3  }
0x94: {  	_ =	strace s2  }
0x95: {  	s2 =	sld [smem:$0x3FFD];
	_ =	sdelay $0x3  }
0x96: {  	_ =	strace s2  }
0x97: {  	_ =	strace $0x8FFFFFFF  }
0x98: {  	s18 =	sld [smem:$0x3FDB];
	_ =	sdelay $0x1  }
0x99: {  	s19 =	simm.s32 $_scs_section_size  }
0x9a: {  	s4 =	simm.s32 $_size__tile_overlayer_lowered;
	s5 =	simm.s32 $_tile_overlayer_lowered  }
0x9b: {  	s22 =	simm.s32 $0x1BFF;
	s21 =	sshll.u32 s5, $0x1;
	s2 =	sadd.s32 s19, s18  }
0x9c: {  	s6 =	simm.s32 $0x0;
	s20 =	sshll.u32 s4, $0x1;
	s4 =	sadd.s32 s21, s2  }
0x9d: {  	[timem:s6], [sflag:s22] =	dma.local [hbm:s4], s20  }
0x9e: {  	_ =	swait.ge [sflag:s22], s20  }
0x9f: {  	s3 =	ssub.s32 $0x0, s20;
	[sflag:s22] =	ssyncset.done $0x0  }
0xa0: {  	[sflag:s22] =	ssyncadd.s32 s3;
	_ =	sdelay $0x1  }
0xa1: {  	s23 =	simm.s32 $0x1B8B  }
0xa2: {  	_ =	swait.ge [sflag:s23], $0x1  }
0xa3: {  	[sflag:s23] =	ssyncset.done $0x0  }
0xa4: {  	s25 =	simm.s32 $0x1B8E;
	s24 =	sld [smem:$0x3FFE];
	[sflag:s23] =	ssyncadd.s32 $0xFFFFFFFF  }
0xa5: {  	s26 =	simm.s32 $execute0_lowered;
	[smem:$0x3FD2] =	sst s25  }
0xa6: {  	s4 =	sshll.u32 s26, $0x1;
	_ =	strace $0x8000004F;
	[dreg:$0x1] =	wrdreg $0xFFFFFFFF  }
0xa7: {  	s28 =	simm.s32 $_size_execute0_lowered;
	s2 =	sadd.s32 s2, s4;
	[dreg:$0x0] =	wrdreg $0x0  }
0xa8: {  	s4 =	sshll.u32 s28, $0x1;
	[dreg:$0x2] =	wrdreg s2  }
0xa9: {  	[dreg:$0x3] =	wrdreg s4  }
0xaa: {  	[dreg:$0x4] =	wrdreg $0xC0  }
0xab: {  	_ =	task [dreg:s6], $0x5FFFF  }
0xac: {  	[dreg:$0x1] =	wrdreg $0xFFFFFFFF  }
0xad: {  	[dreg:$0x0] =	wrdreg $0x60  }
0xae: {  	[dreg:$0x2] =	wrdreg s24  }
0xaf: {  	[dreg:$0x3] =	wrdreg $0x14C800  }
0xb0: {  	[dreg:$0x4] =	wrdreg $0x9  }
0xb1: {  	_ =	task.clear_ibuf [dreg:s6], $0x5FFFF;
	_ =	strace $0x9000004F  }
0xb2: {  	s29 =	simm.s32 $0x9;
	_ =	strace $0x80000051  }
0xb3: {  	_ =	swait.ge [sflag:s29], $0x1  }
0xb4: {  	[sflag:s29] =	ssyncadd.s32 $0xFFFFFFFF  }
0xb5: {  	_ =	strace $0x90000051  }
0xb6: {  	_ =	sfence  }
0xb7: {  	s30 =	sld [smem:$0x0];
	_ =	sdelay $0x2  }
0xb8: {  	s31 =	sshll.u32 s1, $0xD;
	s1 =	sshrl.u32 s1, $0x2  }
0xb9: {  	s3 =	sand.u32 $0x4000, s31;
	s1 =	sadd.s32 s1, s30  }
0xba: {  	s0 =	sor.u32 s3, s0;
	s1 =	sshll.u32 s1, $0x11  }
0xbb: {  	s0 =	sor.u32 s1, s0  }
0xbc: {  	s0 =	sadd.s32 $0x8F2B, s0  }
0xbd: {  	[sflag:s0] =	ssyncadd.remote.s32 $0x1  }
0xbe: {  	_ =	sfence.sel $0xFFFF  }
0xbf: {  	[dreg:$0x0] =	wrdreg $0xFFFFFFFF;
	(pc) =	sbr.abs _section_cstart, $3  }
0xc0: {  	[dreg:$0x1] =	wrdreg $0xFFFFFFFF  }
0xc1: {  	_ =	task.clear_ibuf [dreg:s6], $0x2FFFF;
	_ =	strace $0x9FFFFFFF  }
0xc2: {  	(tm) =	ssettm $0x7FFFFFFF  }
0xc3: {  	_ =	shalt  }
tec
execute0_lowered:
.L_overlay_start_1:
0x0: {  	(tag) =	ssettag $0x1  }
0x1: {  	s1 =	srdreg.scid  }
0x2: {  	s0 =	stileid.u32;
	s5 =	rddreg [dreg:$0x0]  }
0x3: {  	s2 =	rddreg [dreg:$0x1];
	s3 =	simm.s32 $0x0;
	s12 =	simm.s32 $0x1  }
0x4: {  	s4 =	sand.u32 $0x1, s1;
	s29 =	sshll.u32 s0, $0x1;
	s1 =	rddreg [dreg:$0x2]  }
0x5: {  	[smem:$0x7FF] =	sst s3;
	s10 =	smul.u32 $0x2710, s0;
	s31 =	sshll.u32 s0, $0x6  }
0x6: {  	s6 =	sor.u32 s4, s29;
	_ =	strace $0x80000050;
	s8 =	smul.u32 $0x4E20, s4  }
0x7: {  	s9 =	ssub.s32 $0x2, s4;
	s4 =	sadd.s32 $0x6200, s5;
	s7 =	smul.u32 $0x2710, s6  }
0x8: {  	s6 =	smul.u32 $0x280, s6;
	s30 =	sshrl.u32 s9, $0x1;
	s11 =	sadd.s32 s10, s2  }
0x9: {  	s14 =	sshrl.u32 s10, $0x3;
	s10 =	simm.s32 $0x2;
	s8 =	sadd.s32 s8, s5  }
0xa: {  	s9 =	ssub.s32 s9, s30;
	s7 =	sadd.s32 s7, s5;
	s6 =	sadd.s32 s6, s5  }
0xb: {  	s5 =	sor.u32 $0x1C02, s31;
	s13 =	sadd.s32 $0x63400, s8;
	s8 =	smax.u32 s9, $0x1  }
0xc: {  	s9 =	sshrl.u32 s11, $0x3;
	s11 =	simm.s32 $0x7D;
	s6 =	sadd.s32 $0x5E400, s6  }
0xd: {  	s7 =	sadd.s32 $0x6A00, s7;
	s13 =	sadd.s32 s14, s13;
	s14 =	simm.s32 $0x0  }
.LBB2_1:
0xe: {  	[spmem:s9], [sflag:s5] =	dma.local [hbm:s4], $0x4E2  }
0xf: {  	_ =	swait.ge [sflag:s10], $0x4E2  }
0x10: {  	[sflag:s10] =	ssyncset.done $0x0  }
0x11: {  	[sflag:s10] =	ssyncadd.s32 $0xFFFFFB1E  }
0x12: {  	[tilespmem:s3], [sflag:$0x2] =	stream.linear.gather [hbm4b:s6+s3], $0x1400, $0x38;
	[tilespmem:$0x17390] =	vst v63  }
0x13: {  	_ =	swait.ge [sflag:s10], $0x1400  }
0x14: {  	[sflag:s10] =	ssyncset.done $0x0  }
0x15: {  	s15 =	simm.s32 $0x1400;
	[sflag:s10] =	ssyncadd.s32 $0xFFFFEC00  }
0x16: {  	[tilespmem:s15], [sflag:$0x2] =	stream.linear.gather [hbm4b:s7+s3], $0x13880, $0x38;
	[tilespmem:$0x17390] =	vst v63  }
0x17: {  	_ =	swait.ge [sflag:s10], $0x13880  }
0x18: {  	[sflag:s10] =	ssyncset.done $0x0  }
0x19: {  	s16 =	simm.s32 $0x200;
	[sflag:s10] =	ssyncadd.s32 $0xFFFEC780  }
0x1a: {  	s18 =	simm.s32 $0x0;
	s17 =	simm.s32 $0x1BD0;
	[bflag:$0x0] =	sbarrier.arrive $0xFFFF  }
.LBB2_2:
0x1b: {  	[spmem:s2] =	stream.indirect.scatter.add.f32 [tilespmem:s15], [sflag:$0x1], $0x10, s18, s11, $0xb8;
	[tilespmem:$0x17390] =	vst v63  }
0x1c: {  	s18 =	smov.u32 s16;
	s15 =	smov.u32 s17;
	p0 =	sne.s32 s16, $0x4E00  }
.Ltmp0:
0x1d: {  	s16 =	sadd.s32 $0x200, s16;
	(pc) =	sbr.rel @p0 .LBB2_2-.Ltmp0, $2  }
0x1e: {  	_ =	sdelay $0x2  }
0x1f: {  	s17 =	sadd.s32 $0x7D0, s17;
	s18 =	sshra.s32 s18, $0x2  }
0x20: {  	[spmem:s2] =	stream.indirect.scatter.add.f32 [tilespmem:s15], [sflag:$0x1], $0x10, s18, s11, $0xb8;
	[tilespmem:$0x17390] =	vst v63  }
0x21: {  	_ =	swait.ge [sflag:s12], $0x13880  }
0x22: {  	s14 =	sadd.s32 $0x1, s14;
	[sflag:s12] =	ssyncset.done $0x0  }
0x23: {  	p0 =	sne.s32 s14, s8;
	[sflag:s12] =	ssyncadd.s32 $0xFFFEC780  }
.Ltmp1:
0x24: {  	[bflag:$0x0] =	sbarrier.arrive $0xFFFF;
	(pc) =	sbr.rel @p0 .LBB2_1-.Ltmp1, $4  }
0x25: {  	[hbm:s13], [sflag:s5] =	dma.local [spmem:s9], $0x4E2  }
0x26: {  	_ =	swait.ge [sflag:s10], $0x4E2  }
0x27: {  	[sflag:s10] =	ssyncset.done $0x0  }
0x28: {  	[sflag:s10] =	ssyncadd.s32 $0xFFFFFB1E  }
0x29: {  	_ =	sfence.sel $0x180000  }
0x2a: {  	[bflag:$0x0] =	sbarrier.arrive $0xFFFF  }
0x2b: {  	p0 =	sne.s32 s0, $0x0;
	_ =	strace $0x90000050  }
0x2c: {  	s0 =	sadd.s32 @!p0 $0x100000, s1;
	[bflag:$0x2] =	sbarrier.arrive $0xFFFF  }
0x2d: {  	[sflag:s0] =	ssyncadd.tile.s32 @!p0 $0x1;
	_ =	shalt  }
.Lfunc_end2:
_tile_overlayer_lowered:
.L_overlay_start_2:
0x2e: {  	(tag) =	ssettag $0x2  }
0x2f: {  	s0 =	rddreg [dreg:$0x0];
	s2 =	stileid.u32  }
0x30: {  	s1 =	rddreg [dreg:$0x1];
	p0 =	sne.s32 s2, $0x0  }
0x31: {  	s3 =	rddreg [dreg:$0x2];
	[bflag:$0x3] =	sbarrier.arrive $0xFFFF;
	s2 =	simm.s32 @!p0 $0x1C02  }
0x32: {  	[timem:s3], [sflag:s2] =	dma.local @!p0 [hbm:s0], s1  }
0x33: {  	s0 =	simm.s32 @!p0 $0x2  }
0x34: {  	_ =	swait.ge @!p0 [sflag:s0], s1  }
0x35: {  	s1 =	ssub.s32 @!p0 $0x0, s1;
	[sflag:s0] =	ssyncset.done @!p0 $0x0  }
0x36: {  	[sflag:s0] =	ssyncadd.s32 @!p0 s1  }
0x37: {  	[bflag:$0x3] =	sbarrier.arrive $0xFFFF  }
0x38: {  	_ =	shalt  }

</sc_bundles>
